<compile_context>
chip_gen: v7x
topology: tpu7x:2x2x1
jax: 0.10.2.dev20260603
libtpu: 0.0.44.dev20260713+nightly
codegen_flags: <defaults>
</compile_context>

<pallas_src>
import jax
import jax.numpy as jnp
from jax import lax
from jax.experimental import pallas as pl
from jax.experimental.pallas import tpu as pltpu
from jax.experimental.pallas import tpu_sc as plsc

N0, N1, N2 = 100000, 20000, 4096
D = 128
E0, E1 = 320000, 65536
BN_EPS = 1e-5

NC, NS, L = 2, 16, 16
CH = 128

HALF0 = N1 // NC
DUMMY0 = HALF0
ACC0 = 10008
ROWS0 = E0 // CH
ITER0 = (ROWS0 + NS - 1) // NS

ACC1 = N2
ROWS1 = E1 // CH
ITER1 = ROWS1 // (NC * NS)


def _make_agg_body(rowfn, validfn, remapfn, flushfn, zerofn, iters):
    jmax = ((iters + 5) // 6) * 6

    def body(x_hbm, src_hbm, dst_hbm, zeros_hbm, out_hbm, *s):
        cid = lax.axis_index("c")
        sid = lax.axis_index("s")
        sidx = s[0:3]
        draw = s[3:6]
        didx = s[6:8]
        rows = s[8:11]
        acc = s[11]
        semi = s[12:15]
        semg = s[15:18]
        sems = s[18:20]

        def v(j):
            return (j >= 0) & validfn(cid, sid, j)

        def start_idx(j, p):
            @pl.when(v(j))
            def _():
                r = rowfn(cid, sid, j)
                pltpu.async_copy(src_hbm.at[r], sidx[p], semi[p])
                pltpu.async_copy(dst_hbm.at[r], draw[p], semi[p])

        def wait_idx(j, p):
            @pl.when(v(j))
            def _():
                r = rowfn(cid, sid, j)
                pltpu.make_async_copy(src_hbm.at[r], sidx[p], semi[p]).wait()
                pltpu.make_async_copy(dst_hbm.at[r], draw[p], semi[p]).wait()

        def start_gather(j, p):
            @pl.when(v(j))
            def _():
                pltpu.async_copy(x_hbm.at[sidx[p]], rows[p], semg[p])

        def wait_scatter(j, p, q):
            @pl.when(v(j))
            def _():
                pltpu.make_async_copy(
                    rows[p], acc.at[didx[q].at[0]], sems[q]).wait()

        def step(j, p, q, p2):

            @pl.when(v(j))
            def _():
                pltpu.make_async_copy(x_hbm.at[sidx[p]], rows[p], semg[p]).wait()
                for k in range(CH // L):
                    d = draw[p][pl.ds(k * L, L)]
                    didx[q][0, pl.ds(k * L, L)] = remapfn(cid, d)
                pltpu.async_copy(rows[p], acc.at[didx[q].at[0]], sems[q],
                                 add=True)

            start_idx(j + 3, p)
            wait_scatter(j - 1, p2, 1 - q)
            wait_idx(j + 2, p2)
            start_gather(j + 2, p2)

        for u in range(3):
            start_idx(u, u)
        zerofn(sid, acc, zeros_hbm)
        for u in range(2):
            wait_idx(u, u)
            start_gather(u, u)
        plsc.subcore_barrier()

        def loop(ii, carry):
            for u in range(6):
                step(6 * ii + u, u % 3, u % 2, (u + 2) % 3)
            return carry

        lax.fori_loop(0, jmax // 6, loop, 0)
        wait_scatter(jmax - 1, (jmax - 1) % 3, (jmax - 1) % 2)
        plsc.subcore_barrier()
        flushfn(cid, sid, acc, out_hbm)

    return body


def _agg_kernel(body, out_rows, acc_rows):
    mesh = plsc.VectorSubcoreMesh(core_axis_name="c", subcore_axis_name="s")
    return pl.kernel(
        body,
        out_type=jax.ShapeDtypeStruct((out_rows, D), jnp.float32),
        mesh=mesh,
        scratch_types=(
            [pltpu.VMEM((CH,), jnp.int32)] * 3
            + [pltpu.VMEM((CH,), jnp.int32)] * 3
            + [pltpu.VMEM((1, CH), jnp.int32)] * 2
            + [pltpu.VMEM((CH, D), jnp.float32)] * 3
            + [pltpu.VMEM_SHARED((acc_rows, D), jnp.float32)]
            + [pltpu.SemaphoreType.DMA] * 8
        ),
    )


def _remap0(cid, d):
    local = d - cid * HALF0
    oob = (local < 0) | (local >= HALF0)
    return jnp.where(oob, DUMMY0, local)


def _zero0(sid, acc, zeros_hbm):
    pltpu.sync_copy(zeros_hbm, acc.at[pl.ds(sid * 624, 624)])

    @pl.when(sid == 0)
    def _():
        pltpu.sync_copy(zeros_hbm.at[pl.ds(0, 24)], acc.at[pl.ds(9984, 24)])


def _zero1(sid, acc, zeros_hbm):
    pltpu.sync_copy(zeros_hbm, acc.at[pl.ds(sid * (ACC1 // NS), ACC1 // NS)])


def _flush0(cid, sid, acc, out_hbm):
    @pl.when(sid < NS - 1)
    def _():
        pltpu.sync_copy(acc.at[pl.ds(sid * 632, 632)],
                        out_hbm.at[pl.ds(cid * HALF0 + sid * 632, 632)])

    @pl.when(sid == NS - 1)
    def _():
        pltpu.sync_copy(acc.at[pl.ds((NS - 1) * 632, 520)],
                        out_hbm.at[pl.ds(cid * HALF0 + (NS - 1) * 632, 520)])


def _flush1(cid, sid, acc, out_hbm):
    frows = ACC1 // NS
    pltpu.sync_copy(acc.at[pl.ds(sid * frows, frows)],
                    out_hbm.at[pl.ds(cid * ACC1 + sid * frows, frows)])


_agg0_body = _make_agg_body(
    rowfn=lambda cid, sid, j: sid + NS * j,
    validfn=lambda cid, sid, j: sid + NS * j < ROWS0,
    remapfn=_remap0,
    flushfn=_flush0,
    zerofn=_zero0,
    iters=ITER0,
)

_agg1_body = _make_agg_body(
    rowfn=lambda cid, sid, j: cid * (ROWS1 // NC) + sid + NS * j,
    validfn=lambda cid, sid, j: j < ITER1,
    remapfn=lambda cid, d: d,
    flushfn=_flush1,
    zerofn=_zero1,
    iters=ITER1,
)


def _fdot(a, w_ref):
    return jnp.dot(a, w_ref[...], preferred_element_type=jnp.float32)


def _mlp_body(a_ref, x_ref, w1_ref, b1_ref, w2_ref, b2_ref, o_ref):
    h = a_ref[...] + x_ref[...]
    h = jnp.maximum(_fdot(h, w1_ref) + b1_ref[...], 0.0)
    o_ref[...] = jnp.maximum(_fdot(h, w2_ref) + b2_ref[...], 0.0)


def _head_body(p0_ref, p1_ref, x_ref, w1_ref, b1_ref, w2_ref, b2_ref,
               l1_ref, c1_ref, l2_ref, c2_ref, o_ref):
    h = p0_ref[...] + p1_ref[...] + x_ref[...]
    h = jnp.maximum(_fdot(h, w1_ref) + b1_ref[...], 0.0)
    h = jnp.maximum(_fdot(h, w2_ref) + b2_ref[...], 0.0)
    h = jnp.maximum(_fdot(h, l1_ref) + c1_ref[...], 0.0)
    z = _fdot(h, l2_ref) + c2_ref[...]
    m = jnp.max(z, axis=-1, keepdims=True)
    e = jnp.exp(z - m)
    s = jnp.sum(e, axis=-1, keepdims=True)
    o_ref[...] = z - m - jnp.log(s)


def _full(shape):
    return pl.BlockSpec(shape, lambda i: (0, 0))


def _row(block, width=D, off=0):
    return pl.BlockSpec((block, width), lambda i, o=off: (i + o, 0))


def _mlp(aggr, x_full, w1, b1, w2, b2, rows, block):
    return pl.pallas_call(
        _mlp_body,
        grid=(rows // block,),
        in_specs=[_row(block), _row(block), _full((D, D)), _full((1, D)),
                  _full((D, D)), _full((1, D))],
        out_specs=_row(block),
        out_shape=jax.ShapeDtypeStruct((rows, D), jnp.float32),
    )(aggr, x_full, w1, b1, w2, b2)


def _head(parts, h_full, w1, b1, w2, b2, l1, c1, l2, c2, rows, block, dout):
    return pl.pallas_call(
        _head_body,
        grid=(rows // block,),
        in_specs=[_row(block), _row(block, off=N2 // block), _row(block),
                  _full((D, D)), _full((1, D)), _full((D, D)), _full((1, D)),
                  _full((D, D)), _full((1, D)), _full((D, dout)), _full((1, dout))],
        out_specs=pl.BlockSpec((block, dout), lambda i: (i, 0)),
        out_shape=jax.ShapeDtypeStruct((rows, dout), jnp.float32),
    )(parts, parts, h_full, w1, b1, w2, b2, l1, c1, l2, c2)


@jax.jit
def kernel(x, src0, dst0, src1, dst1, W0a, b0a, bn0_w, bn0_b, W0b, b0b,
           W1a, b1a, bn1_w, bn1_b, W1b, b1b, lin1_w, lin1_b, lin2_w, lin2_b):
    x = x.astype(jnp.float32)
    src0_2d = src0.astype(jnp.int32).reshape(ROWS0, CH)
    dst0_2d = dst0.astype(jnp.int32).reshape(ROWS0, CH)
    src1_2d = src1.astype(jnp.int32).reshape(ROWS1, CH)
    dst1_2d = dst1.astype(jnp.int32).reshape(ROWS1, CH)

    zeros0 = jnp.zeros((624, D), jnp.float32)
    zeros1 = jnp.zeros((ACC1 // NS, D), jnp.float32)

    s0 = bn0_w / jnp.sqrt(1.0 + BN_EPS)
    w0a = W0a.T * s0[None, :]
    c0a = (b0a * s0 + bn0_b).reshape(1, D)
    s1 = bn1_w / jnp.sqrt(1.0 + BN_EPS)
    w1a = W1a.T * s1[None, :]
    c1a = (b1a * s1 + bn1_b).reshape(1, D)
    dout = lin2_w.shape[0]

    agg0 = _agg_kernel(_agg0_body, N1, ACC0)
    aggr0 = agg0(x, src0_2d, dst0_2d, zeros0)
    h = _mlp(aggr0, x, w0a, c0a, W0b.T, b0b.reshape(1, D), N1, 2000)

    agg1 = _agg_kernel(_agg1_body, NC * N2, ACC1)
    parts = agg1(h, src1_2d, dst1_2d, zeros1)
    out = _head(parts, h, w1a, c1a, W1b.T, b1b.reshape(1, D),
                lin1_w.T, lin1_b.reshape(1, D), lin2_w.T,
                lin2_b.reshape(1, dout), N2, 1024, dout)
    return out

# --- scband reference (transcript-rebuilt; emitter-appended) ---
"""Pipeline reference for scband-gin-11390253269766 (READ-ONLY COPY).

The authoritative reference and input builder live on the scoring server;
editing this copy changes nothing except your own understanding.
"""

import jax, jax.numpy as jnp
import numpy as np

N0, N1, N2 = 100000, 20000, 4096
D_IN, D_H, D_OUT = 128, 128, 64
E0, E1 = 320000, 65536
BN_EPS = 1e-5


def _glorot(key, shape, gain=1.4142135623730951):
    fan_out, fan_in = shape
    limit = gain * jnp.sqrt(6.0 / (fan_in + fan_out))
    return jax.random.uniform(key, shape, minval=-limit, maxval=limit, dtype=jnp.float32)


def setup_inputs(seed: int = 0) -> dict:
    key = jax.random.key(seed)
    ks = jax.random.split(key, 16)
    inp = {}
    inp['x'] = jax.random.normal(ks[0], (N0, D_IN), dtype=jnp.float32)
    inp['src0'] = jax.random.randint(ks[1], (E0,), 0, N0, dtype=jnp.int64) if jax.config.jax_enable_x64 else jax.random.randint(ks[1], (E0,), 0, N0, dtype=jnp.int32)
    inp['dst0'] = jax.random.randint(ks[2], (E0,), 0, N1, dtype=jnp.int32)
    inp['src1'] = jax.random.randint(ks[3], (E1,), 0, N1, dtype=jnp.int32)
    inp['dst1'] = jax.random.randint(ks[4], (E1,), 0, N2, dtype=jnp.int32)
    # conv0 MLP: Linear(128,128), BN(128), ReLU, Linear(128,128), ReLU
    inp['W0a'] = _glorot(ks[5], (D_H, D_IN)); inp['b0a'] = jnp.zeros((D_H,), jnp.float32)
    inp['bn0_w'] = jnp.ones((D_H,), jnp.float32); inp['bn0_b'] = jnp.zeros((D_H,), jnp.float32)
    inp['W0b'] = _glorot(ks[6], (D_H, D_H)); inp['b0b'] = jnp.zeros((D_H,), jnp.float32)
    # conv1 MLP
    inp['W1a'] = _glorot(ks[7], (D_H, D_H)); inp['b1a'] = jnp.zeros((D_H,), jnp.float32)
    inp['bn1_w'] = jnp.ones((D_H,), jnp.float32); inp['bn1_b'] = jnp.zeros((D_H,), jnp.float32)
    inp['W1b'] = _glorot(ks[8], (D_H, D_H)); inp['b1b'] = jnp.zeros((D_H,), jnp.float32)
    # output heads
    inp['lin1_w'] = _glorot(ks[9], (D_H, D_H), gain=1.0); inp['lin1_b'] = jnp.zeros((D_H,), jnp.float32)
    inp['lin2_w'] = _glorot(ks[10], (D_OUT, D_H), gain=1.0); inp['lin2_b'] = jnp.zeros((D_OUT,), jnp.float32)
    return inp


def _bn_eval(h, w, b):
    # BatchNorm1d in eval mode with running_mean=0, running_var=1
    return h * (w / jnp.sqrt(1.0 + BN_EPS)) + b


def _gin_layer(x, src, dst, n_targets, Wa, ba, bn_w, bn_b, Wb, bb):
    x_target = x[:n_targets]
    msgs = jnp.take(x, src, axis=0)
    aggr = jax.ops.segment_sum(msgs, dst, num_segments=n_targets)
    h = aggr + x_target  # (1 + eps) * x_r + sum_j x_j, eps = 0
    h = h @ Wa.T + ba
    h = _bn_eval(h, bn_w, bn_b)
    h = jax.nn.relu(h)
    h = h @ Wb.T + bb
    h = jax.nn.relu(h)
    return h


def reference(x, src0, dst0, src1, dst1, W0a, b0a, bn0_w, bn0_b, W0b, b0b, W1a, b1a, bn1_w, bn1_b, W1b, b1b, lin1_w, lin1_b, lin2_w, lin2_b):
    x = x.astype(jnp.float32)
    h = _gin_layer(x, src0, dst0, N1, W0a, b0a, bn0_w, bn0_b, W0b, b0b)
    h = _gin_layer(h, src1, dst1, N2, W1a, b1a, bn1_w, bn1_b, W1b, b1b)
    h = jax.nn.relu(h @ lin1_w.T + lin1_b)
    # dropout p=0.5 is identity in eval mode
    h = h @ lin2_w.T + lin2_b
    return jax.nn.log_softmax(h, axis=-1)

if __name__ == "__main__":
    import jax
    _d = setup_inputs()
    print(jax.jit(kernel)(*tuple(_d.values())))

</pallas_src>

<mosaic_0001>
#map = affine_map<(d0, d1) -> (0, 0)>
module attributes {stable_mosaic.version = 14 : i64} {
  func.func @body(%arg0: i32, %arg1: i32, %arg2: memref<20000x128xf32, #tpu.memory_space<hbm>>, %arg3: memref<512x128xi32, #tpu.memory_space<hbm>>, %arg4: memref<512x128xi32, #tpu.memory_space<hbm>>, %arg5: memref<256x128xf32, #tpu.memory_space<hbm>>, %arg6: memref<8192x128xf32, #tpu.memory_space<hbm>>, %arg7: memref<128xi32, #tpu.memory_space<vmem>>, %arg8: memref<128xi32, #tpu.memory_space<vmem>>, %arg9: memref<128xi32, #tpu.memory_space<vmem>>, %arg10: memref<128xi32, #tpu.memory_space<vmem>>, %arg11: memref<128xi32, #tpu.memory_space<vmem>>, %arg12: memref<128xi32, #tpu.memory_space<vmem>>, %arg13: memref<1x128xi32, #tpu.memory_space<vmem>>, %arg14: memref<1x128xi32, #tpu.memory_space<vmem>>, %arg15: memref<128x128xf32, #tpu.memory_space<vmem>>, %arg16: memref<128x128xf32, #tpu.memory_space<vmem>>, %arg17: memref<128x128xf32, #tpu.memory_space<vmem>>, %arg18: memref<4096x128xf32, #tpu.memory_space<vmem_shared>>, %arg19: memref<!tpu.dma_semaphore, #tpu.memory_space<semaphore_mem>>, %arg20: memref<!tpu.dma_semaphore, #tpu.memory_space<semaphore_mem>>, %arg21: memref<!tpu.dma_semaphore, #tpu.memory_space<semaphore_mem>>, %arg22: memref<!tpu.dma_semaphore, #tpu.memory_space<semaphore_mem>>, %arg23: memref<!tpu.dma_semaphore, #tpu.memory_space<semaphore_mem>>, %arg24: memref<!tpu.dma_semaphore, #tpu.memory_space<semaphore_mem>>, %arg25: memref<!tpu.dma_semaphore, #tpu.memory_space<semaphore_mem>>, %arg26: memref<!tpu.dma_semaphore, #tpu.memory_space<semaphore_mem>>) attributes {dimension_semantics = [#tpu.dimension_semantics<core_parallel>, #tpu.dimension_semantics<subcore_parallel>], iteration_bounds = array<i64: 2, 16>, scalar_prefetch = 0 : i64, scratch_operands = 20 : i64, tpu.core_type = #tpu.core_type<sc_vector_subcore>, window_params = [{transform_indices = #map}, {transform_indices = #map}, {transform_indices = #map}, {transform_indices = #map}, {transform_indices = #map}]} {
    %mul3A = arith.constant 256 : i32
    %mul3A_0 = arith.muli %arg0, %mul3A : i32
    %add3A = arith.addi %mul3A_0, %arg1 : i32
    %add3A_1 = arith.constant 0 : i32
    %add3A_2 = arith.addi %add3A, %add3A_1 : i32
    %dma_start3A = arith.constant 0 : i32
    %dma_start3A_3 = tpu.memref_slice %arg3[%add3A_2, %dma_start3A] : memref<512x128xi32, #tpu.memory_space<hbm>> -> memref<1x128xi32, #tpu.memory_space<hbm>>
    %dma_start3A_4 = tpu.memref_squeeze %dma_start3A_3 : memref<1x128xi32, #tpu.memory_space<hbm>> -> memref<128xi32, #tpu.memory_space<hbm>>
    %dma_start3A_5 = arith.constant 0 : i32
    %dma_start3A_6 = tpu.memref_slice %arg3[%add3A_2, %dma_start3A_5] : memref<512x128xi32, #tpu.memory_space<hbm>> -> memref<1x128xi32, #tpu.memory_space<hbm>>
    %dma_start3A_7 = tpu.memref_squeeze %dma_start3A_6 : memref<1x128xi32, #tpu.memory_space<hbm>> -> memref<128xi32, #tpu.memory_space<hbm>>
    tpu.enqueue_dma source(%dma_start3A_7 : memref<128xi32, #tpu.memory_space<hbm>>) target(%arg7 : memref<128xi32, #tpu.memory_space<vmem>>) target_semaphore(%arg19 : memref<!tpu.dma_semaphore, #tpu.memory_space<semaphore_mem>>)
    %dma_start3A_8 = arith.constant 0 : i32
    %dma_start3A_9 = tpu.memref_slice %arg4[%add3A_2, %dma_start3A_8] : memref<512x128xi32, #tpu.memory_space<hbm>> -> memref<1x128xi32, #tpu.memory_space<hbm>>
    %dma_start3A_10 = tpu.memref_squeeze %dma_start3A_9 : memref<1x128xi32, #tpu.memory_space<hbm>> -> memref<128xi32, #tpu.memory_space<hbm>>
    %dma_start3A_11 = arith.constant 0 : i32
    %dma_start3A_12 = tpu.memref_slice %arg4[%add3A_2, %dma_start3A_11] : memref<512x128xi32, #tpu.memory_space<hbm>> -> memref<1x128xi32, #tpu.memory_space<hbm>>
    %dma_start3A_13 = tpu.memref_squeeze %dma_start3A_12 : memref<1x128xi32, #tpu.memory_space<hbm>> -> memref<128xi32, #tpu.memory_space<hbm>>
    tpu.enqueue_dma source(%dma_start3A_13 : memref<128xi32, #tpu.memory_space<hbm>>) target(%arg10 : memref<128xi32, #tpu.memory_space<vmem>>) target_semaphore(%arg19 : memref<!tpu.dma_semaphore, #tpu.memory_space<semaphore_mem>>)
    %mul3A_14 = arith.constant 256 : i32
    %mul3A_15 = arith.muli %arg0, %mul3A_14 : i32
    %add3A_16 = arith.addi %mul3A_15, %arg1 : i32
    %add3A_17 = arith.constant 16 : i32
    %add3A_18 = arith.addi %add3A_16, %add3A_17 : i32
    %dma_start3A_19 = arith.constant 0 : i32
    %dma_start3A_20 = tpu.memref_slice %arg3[%add3A_18, %dma_start3A_19] : memref<512x128xi32, #tpu.memory_space<hbm>> -> memref<1x128xi32, #tpu.memory_space<hbm>>
    %dma_start3A_21 = tpu.memref_squeeze %dma_start3A_20 : memref<1x128xi32, #tpu.memory_space<hbm>> -> memref<128xi32, #tpu.memory_space<hbm>>
    %dma_start3A_22 = arith.constant 0 : i32
    %dma_start3A_23 = tpu.memref_slice %arg3[%add3A_18, %dma_start3A_22] : memref<512x128xi32, #tpu.memory_space<hbm>> -> memref<1x128xi32, #tpu.memory_space<hbm>>
    %dma_start3A_24 = tpu.memref_squeeze %dma_start3A_23 : memref<1x128xi32, #tpu.memory_space<hbm>> -> memref<128xi32, #tpu.memory_space<hbm>>
    tpu.enqueue_dma source(%dma_start3A_24 : memref<128xi32, #tpu.memory_space<hbm>>) target(%arg8 : memref<128xi32, #tpu.memory_space<vmem>>) target_semaphore(%arg20 : memref<!tpu.dma_semaphore, #tpu.memory_space<semaphore_mem>>)
    %dma_start3A_25 = arith.constant 0 : i32
    %dma_start3A_26 = tpu.memref_slice %arg4[%add3A_18, %dma_start3A_25] : memref<512x128xi32, #tpu.memory_space<hbm>> -> memref<1x128xi32, #tpu.memory_space<hbm>>
    %dma_start3A_27 = tpu.memref_squeeze %dma_start3A_26 : memref<1x128xi32, #tpu.memory_space<hbm>> -> memref<128xi32, #tpu.memory_space<hbm>>
    %dma_start3A_28 = arith.constant 0 : i32
    %dma_start3A_29 = tpu.memref_slice %arg4[%add3A_18, %dma_start3A_28] : memref<512x128xi32, #tpu.memory_space<hbm>> -> memref<1x128xi32, #tpu.memory_space<hbm>>
    %dma_start3A_30 = tpu.memref_squeeze %dma_start3A_29 : memref<1x128xi32, #tpu.memory_space<hbm>> -> memref<128xi32, #tpu.memory_space<hbm>>
    tpu.enqueue_dma source(%dma_start3A_30 : memref<128xi32, #tpu.memory_space<hbm>>) target(%arg11 : memref<128xi32, #tpu.memory_space<vmem>>) target_semaphore(%arg20 : memref<!tpu.dma_semaphore, #tpu.memory_space<semaphore_mem>>)
    %mul3A_31 = arith.constant 256 : i32
    %mul3A_32 = arith.muli %arg0, %mul3A_31 : i32
    %add3A_33 = arith.addi %mul3A_32, %arg1 : i32
    %add3A_34 = arith.constant 32 : i32
    %add3A_35 = arith.addi %add3A_33, %add3A_34 : i32
    %dma_start3A_36 = arith.constant 0 : i32
    %dma_start3A_37 = tpu.memref_slice %arg3[%add3A_35, %dma_start3A_36] : memref<512x128xi32, #tpu.memory_space<hbm>> -> memref<1x128xi32, #tpu.memory_space<hbm>>
    %dma_start3A_38 = tpu.memref_squeeze %dma_start3A_37 : memref<1x128xi32, #tpu.memory_space<hbm>> -> memref<128xi32, #tpu.memory_space<hbm>>
    %dma_start3A_39 = arith.constant 0 : i32
    %dma_start3A_40 = tpu.memref_slice %arg3[%add3A_35, %dma_start3A_39] : memref<512x128xi32, #tpu.memory_space<hbm>> -> memref<1x128xi32, #tpu.memory_space<hbm>>
    %dma_start3A_41 = tpu.memref_squeeze %dma_start3A_40 : memref<1x128xi32, #tpu.memory_space<hbm>> -> memref<128xi32, #tpu.memory_space<hbm>>
    tpu.enqueue_dma source(%dma_start3A_41 : memref<128xi32, #tpu.memory_space<hbm>>) target(%arg9 : memref<128xi32, #tpu.memory_space<vmem>>) target_semaphore(%arg21 : memref<!tpu.dma_semaphore, #tpu.memory_space<semaphore_mem>>)
    %dma_start3A_42 = arith.constant 0 : i32
    %dma_start3A_43 = tpu.memref_slice %arg4[%add3A_35, %dma_start3A_42] : memref<512x128xi32, #tpu.memory_space<hbm>> -> memref<1x128xi32, #tpu.memory_space<hbm>>
    %dma_start3A_44 = tpu.memref_squeeze %dma_start3A_43 : memref<1x128xi32, #tpu.memory_space<hbm>> -> memref<128xi32, #tpu.memory_space<hbm>>
    %dma_start3A_45 = arith.constant 0 : i32
    %dma_start3A_46 = tpu.memref_slice %arg4[%add3A_35, %dma_start3A_45] : memref<512x128xi32, #tpu.memory_space<hbm>> -> memref<1x128xi32, #tpu.memory_space<hbm>>
    %dma_start3A_47 = tpu.memref_squeeze %dma_start3A_46 : memref<1x128xi32, #tpu.memory_space<hbm>> -> memref<128xi32, #tpu.memory_space<hbm>>
    tpu.enqueue_dma source(%dma_start3A_47 : memref<128xi32, #tpu.memory_space<hbm>>) target(%arg12 : memref<128xi32, #tpu.memory_space<vmem>>) target_semaphore(%arg21 : memref<!tpu.dma_semaphore, #tpu.memory_space<semaphore_mem>>)
    %mul3A_48 = arith.constant 256 : i32
    %mul3A_49 = arith.muli %arg1, %mul3A_48 : i32
    "tpu.region"() ({
      %run_scoped3A = tpu.sem_alloc : memref<!tpu.dma_semaphore, #tpu.memory_space<semaphore_mem>>
      %dma_start3A_102 = arith.constant 0 : i32
      %dma_start3A_103 = tpu.memref_slice %arg18[%mul3A_49, %dma_start3A_102] : memref<4096x128xf32, #tpu.memory_space<vmem_shared>> -> memref<256x128xf32, #tpu.memory_space<vmem_shared>>
      tpu.enqueue_dma source(%arg5 : memref<256x128xf32, #tpu.memory_space<hbm>>) target(%dma_start3A_103 : memref<256x128xf32, #tpu.memory_space<vmem_shared>>) target_semaphore(%run_scoped3A : memref<!tpu.dma_semaphore, #tpu.memory_space<semaphore_mem>>)
      %dma_wait3A_104 = arith.constant 0 : i32
      %dma_wait3A_105 = tpu.memref_slice %arg18[%mul3A_49, %dma_wait3A_104] : memref<4096x128xf32, #tpu.memory_space<vmem_shared>> -> memref<256x128xf32, #tpu.memory_space<vmem_shared>>
      tpu.wait_dma2 semaphore(%run_scoped3A : memref<!tpu.dma_semaphore, #tpu.memory_space<semaphore_mem>>) src(%arg5 : memref<256x128xf32, #tpu.memory_space<hbm>>) dst(%dma_wait3A_105 : memref<256x128xf32, #tpu.memory_space<vmem_shared>>)
      tpu.yield
    }) : () -> ()
    %mul3A_50 = arith.constant 256 : i32
    %mul3A_51 = arith.muli %arg0, %mul3A_50 : i32
    %add3A_52 = arith.addi %mul3A_51, %arg1 : i32
    %add3A_53 = arith.constant 0 : i32
    %add3A_54 = arith.addi %add3A_52, %add3A_53 : i32
    %dma_wait3A = arith.constant 0 : i32
    %dma_wait3A_55 = tpu.memref_slice %arg3[%add3A_54, %dma_wait3A] : memref<512x128xi32, #tpu.memory_space<hbm>> -> memref<1x128xi32, #tpu.memory_space<hbm>>
    %dma_wait3A_56 = tpu.memref_squeeze %dma_wait3A_55 : memref<1x128xi32, #tpu.memory_space<hbm>> -> memref<128xi32, #tpu.memory_space<hbm>>
    %dma_wait3A_57 = arith.constant 0 : i32
    %dma_wait3A_58 = tpu.memref_slice %arg3[%add3A_54, %dma_wait3A_57] : memref<512x128xi32, #tpu.memory_space<hbm>> -> memref<1x128xi32, #tpu.memory_space<hbm>>
    %dma_wait3A_59 = tpu.memref_squeeze %dma_wait3A_58 : memref<1x128xi32, #tpu.memory_space<hbm>> -> memref<128xi32, #tpu.memory_space<hbm>>
    tpu.wait_dma2 semaphore(%arg19 : memref<!tpu.dma_semaphore, #tpu.memory_space<semaphore_mem>>) src(%dma_wait3A_59 : memref<128xi32, #tpu.memory_space<hbm>>) dst(%arg7 : memref<128xi32, #tpu.memory_space<vmem>>)
    %dma_wait3A_60 = arith.constant 0 : i32
    %dma_wait3A_61 = tpu.memref_slice %arg4[%add3A_54, %dma_wait3A_60] : memref<512x128xi32, #tpu.memory_space<hbm>> -> memref<1x128xi32, #tpu.memory_space<hbm>>
    %dma_wait3A_62 = tpu.memref_squeeze %dma_wait3A_61 : memref<1x128xi32, #tpu.memory_space<hbm>> -> memref<128xi32, #tpu.memory_space<hbm>>
    %dma_wait3A_63 = arith.constant 0 : i32
    %dma_wait3A_64 = tpu.memref_slice %arg4[%add3A_54, %dma_wait3A_63] : memref<512x128xi32, #tpu.memory_space<hbm>> -> memref<1x128xi32, #tpu.memory_space<hbm>>
    %dma_wait3A_65 = tpu.memref_squeeze %dma_wait3A_64 : memref<1x128xi32, #tpu.memory_space<hbm>> -> memref<128xi32, #tpu.memory_space<hbm>>
    tpu.wait_dma2 semaphore(%arg19 : memref<!tpu.dma_semaphore, #tpu.memory_space<semaphore_mem>>) src(%dma_wait3A_65 : memref<128xi32, #tpu.memory_space<hbm>>) dst(%arg10 : memref<128xi32, #tpu.memory_space<vmem>>)
    %dma_start3A_66 = arith.constant 0 : i32
    %dma_start3A_67 = arith.constant 0 : i32
    %dma_start3A_68 = tpu.memref_slice %arg2[%dma_start3A_66, %dma_start3A_67] : memref<20000x128xf32, #tpu.memory_space<hbm>> -> memref<20000x128xf32, #tpu.memory_space<hbm>>
    tpu.enqueue_indirect_dma source(%dma_start3A_68 : memref<20000x128xf32, #tpu.memory_space<hbm>>) target(%arg15 : memref<128x128xf32, #tpu.memory_space<vmem>>) offsets(%arg7 : memref<128xi32, #tpu.memory_space<vmem>>) semaphore(%arg22 : memref<!tpu.dma_semaphore, #tpu.memory_space<semaphore_mem>>)
    %mul3A_69 = arith.constant 256 : i32
    %mul3A_70 = arith.muli %arg0, %mul3A_69 : i32
    %add3A_71 = arith.addi %mul3A_70, %arg1 : i32
    %add3A_72 = arith.constant 16 : i32
    %add3A_73 = arith.addi %add3A_71, %add3A_72 : i32
    %dma_wait3A_74 = arith.constant 0 : i32
    %dma_wait3A_75 = tpu.memref_slice %arg3[%add3A_73, %dma_wait3A_74] : memref<512x128xi32, #tpu.memory_space<hbm>> -> memref<1x128xi32, #tpu.memory_space<hbm>>
    %dma_wait3A_76 = tpu.memref_squeeze %dma_wait3A_75 : memref<1x128xi32, #tpu.memory_space<hbm>> -> memref<128xi32, #tpu.memory_space<hbm>>
    %dma_wait3A_77 = arith.constant 0 : i32
    %dma_wait3A_78 = tpu.memref_slice %arg3[%add3A_73, %dma_wait3A_77] : memref<512x128xi32, #tpu.memory_space<hbm>> -> memref<1x128xi32, #tpu.memory_space<hbm>>
    %dma_wait3A_79 = tpu.memref_squeeze %dma_wait3A_78 : memref<1x128xi32, #tpu.memory_space<hbm>> -> memref<128xi32, #tpu.memory_space<hbm>>
    tpu.wait_dma2 semaphore(%arg20 : memref<!tpu.dma_semaphore, #tpu.memory_space<semaphore_mem>>) src(%dma_wait3A_79 : memref<128xi32, #tpu.memory_space<hbm>>) dst(%arg8 : memref<128xi32, #tpu.memory_space<vmem>>)
    %dma_wait3A_80 = arith.constant 0 : i32
    %dma_wait3A_81 = tpu.memref_slice %arg4[%add3A_73, %dma_wait3A_80] : memref<512x128xi32, #tpu.memory_space<hbm>> -> memref<1x128xi32, #tpu.memory_space<hbm>>
    %dma_wait3A_82 = tpu.memref_squeeze %dma_wait3A_81 : memref<1x128xi32, #tpu.memory_space<hbm>> -> memref<128xi32, #tpu.memory_space<hbm>>
    %dma_wait3A_83 = arith.constant 0 : i32
    %dma_wait3A_84 = tpu.memref_slice %arg4[%add3A_73, %dma_wait3A_83] : memref<512x128xi32, #tpu.memory_space<hbm>> -> memref<1x128xi32, #tpu.memory_space<hbm>>
    %dma_wait3A_85 = tpu.memref_squeeze %dma_wait3A_84 : memref<1x128xi32, #tpu.memory_space<hbm>> -> memref<128xi32, #tpu.memory_space<hbm>>
    tpu.wait_dma2 semaphore(%arg20 : memref<!tpu.dma_semaphore, #tpu.memory_space<semaphore_mem>>) src(%dma_wait3A_85 : memref<128xi32, #tpu.memory_space<hbm>>) dst(%arg11 : memref<128xi32, #tpu.memory_space<vmem>>)
    %dma_start3A_86 = arith.constant 0 : i32
    %dma_start3A_87 = arith.constant 0 : i32
    %dma_start3A_88 = tpu.memref_slice %arg2[%dma_start3A_86, %dma_start3A_87] : memref<20000x128xf32, #tpu.memory_space<hbm>> -> memref<20000x128xf32, #tpu.memory_space<hbm>>
    tpu.enqueue_indirect_dma source(%dma_start3A_88 : memref<20000x128xf32, #tpu.memory_space<hbm>>) target(%arg16 : memref<128x128xf32, #tpu.memory_space<vmem>>) offsets(%arg8 : memref<128xi32, #tpu.memory_space<vmem>>) semaphore(%arg23 : memref<!tpu.dma_semaphore, #tpu.memory_space<semaphore_mem>>)
    %barrier3A = arith.constant 0 : index
    tpu.barrier barrier_id(%barrier3A)
    %scan3A = arith.constant 0 : i32
    %scan3A_89 = arith.constant 0 : i32
    %scan3A_90 = arith.constant 3 : i32
    %scan3A_91 = arith.addi %scan3A_89, %scan3A_90 : i32
    %scan3A_92 = arith.constant 1 : i32
    scf.for %scan3A_102 = %scan3A_89 to %scan3A_91 step %scan3A_92  : i32 {
      %mul3A_103 = arith.constant 6 : i32
      %mul3A_104 = arith.muli %mul3A_103, %scan3A_102 : i32
      %add3A_105 = arith.constant 0 : i32
      %add3A_106 = arith.addi %mul3A_104, %add3A_105 : i32
      %ge3A = arith.constant 0 : i32
      %ge3A_107 = arith.cmpi sge, %add3A_106, %ge3A : i32
      %lt3A = arith.constant 16 : i32
      %lt3A_108 = arith.cmpi slt, %add3A_106, %lt3A : i32
      %and3A = arith.andi %ge3A_107, %lt3A_108 : i1
      %convert_element_type3A = arith.extui %and3A : i1 to i32
      %cond3A = arith.constant 0 : i32
      %cond3A_109 = arith.cmpi ne, %convert_element_type3A, %cond3A : i32
      scf.if %cond3A_109 {
        %dma_wait3A_409 = arith.constant 0 : i32
        %dma_wait3A_410 = arith.constant 0 : i32
        %dma_wait3A_411 = tpu.memref_slice %arg2[%dma_wait3A_409, %dma_wait3A_410] : memref<20000x128xf32, #tpu.memory_space<hbm>> -> memref<20000x128xf32, #tpu.memory_space<hbm>>
        tpu.wait_indirect_dma semaphore(%arg22 : memref<!tpu.dma_semaphore, #tpu.memory_space<semaphore_mem>>) src(%dma_wait3A_411 : memref<20000x128xf32, #tpu.memory_space<hbm>>) dst(%arg15 : memref<128x128xf32, #tpu.memory_space<vmem>>)
        %get3A = arith.constant 0 : index
        %get3A_412 = tpu.vector_load %arg10[%get3A] {strides = array<i32>} : memref<128xi32, #tpu.memory_space<vmem>>, vector<16xi32>,
        %get3A_413 = vector.shape_cast %get3A_412 : vector<16xi32> to vector<16xi32>
        %swap3A = arith.constant 0 : i32
        %swap3A_414 = arith.index_cast %swap3A : i32 to index
        %swap3A_415 = arith.constant 0 : index
        %swap3A_416 = tpu.vector_load %arg13[%swap3A_414, %swap3A_415] {strides = array<i32>} : memref<1x128xi32, #tpu.memory_space<vmem>>, vector<1x16xi32>,
        %swap3A_417 = vector.shape_cast %swap3A_416 : vector<1x16xi32> to vector<16xi32>
        %swap3A_418 = vector.shape_cast %get3A_413 : vector<16xi32> to vector<1x16xi32>
        tpu.vector_store %arg13[%swap3A_414, %swap3A_415], %swap3A_418 {strides = array<i32>} : memref<1x128xi32, #tpu.memory_space<vmem>>, vector<1x16xi32>,
        %get3A_419 = arith.constant 16 : index
        %get3A_420 = tpu.vector_load %arg10[%get3A_419] {strides = array<i32>} : memref<128xi32, #tpu.memory_space<vmem>>, vector<16xi32>,
        %get3A_421 = vector.shape_cast %get3A_420 : vector<16xi32> to vector<16xi32>
        %swap3A_422 = arith.constant 0 : i32
        %swap3A_423 = arith.index_cast %swap3A_422 : i32 to index
        %swap3A_424 = arith.constant 16 : index
        %swap3A_425 = tpu.vector_load %arg13[%swap3A_423, %swap3A_424] {strides = array<i32>} : memref<1x128xi32, #tpu.memory_space<vmem>>, vector<1x16xi32>,
        %swap3A_426 = vector.shape_cast %swap3A_425 : vector<1x16xi32> to vector<16xi32>
        %swap3A_427 = vector.shape_cast %get3A_421 : vector<16xi32> to vector<1x16xi32>
        tpu.vector_store %arg13[%swap3A_423, %swap3A_424], %swap3A_427 {strides = array<i32>} : memref<1x128xi32, #tpu.memory_space<vmem>>, vector<1x16xi32>,
        %get3A_428 = arith.constant 32 : index
        %get3A_429 = tpu.vector_load %arg10[%get3A_428] {strides = array<i32>} : memref<128xi32, #tpu.memory_space<vmem>>, vector<16xi32>,
        %get3A_430 = vector.shape_cast %get3A_429 : vector<16xi32> to vector<16xi32>
        %swap3A_431 = arith.constant 0 : i32
        %swap3A_432 = arith.index_cast %swap3A_431 : i32 to index
        %swap3A_433 = arith.constant 32 : index
        %swap3A_434 = tpu.vector_load %arg13[%swap3A_432, %swap3A_433] {strides = array<i32>} : memref<1x128xi32, #tpu.memory_space<vmem>>, vector<1x16xi32>,
        %swap3A_435 = vector.shape_cast %swap3A_434 : vector<1x16xi32> to vector<16xi32>
        %swap3A_436 = vector.shape_cast %get3A_430 : vector<16xi32> to vector<1x16xi32>
        tpu.vector_store %arg13[%swap3A_432, %swap3A_433], %swap3A_436 {strides = array<i32>} : memref<1x128xi32, #tpu.memory_space<vmem>>, vector<1x16xi32>,
        %get3A_437 = arith.constant 48 : index
        %get3A_438 = tpu.vector_load %arg10[%get3A_437] {strides = array<i32>} : memref<128xi32, #tpu.memory_space<vmem>>, vector<16xi32>,
        %get3A_439 = vector.shape_cast %get3A_438 : vector<16xi32> to vector<16xi32>
        %swap3A_440 = arith.constant 0 : i32
        %swap3A_441 = arith.index_cast %swap3A_440 : i32 to index
        %swap3A_442 = arith.constant 48 : index
        %swap3A_443 = tpu.vector_load %arg13[%swap3A_441, %swap3A_442] {strides = array<i32>} : memref<1x128xi32, #tpu.memory_space<vmem>>, vector<1x16xi32>,
        %swap3A_444 = vector.shape_cast %swap3A_443 : vector<1x16xi32> to vector<16xi32>
        %swap3A_445 = vector.shape_cast %get3A_439 : vector<16xi32> to vector<1x16xi32>
        tpu.vector_store %arg13[%swap3A_441, %swap3A_442], %swap3A_445 {strides = array<i32>} : memref<1x128xi32, #tpu.memory_space<vmem>>, vector<1x16xi32>,
        %get3A_446 = arith.constant 64 : index
        %get3A_447 = tpu.vector_load %arg10[%get3A_446] {strides = array<i32>} : memref<128xi32, #tpu.memory_space<vmem>>, vector<16xi32>,
        %get3A_448 = vector.shape_cast %get3A_447 : vector<16xi32> to vector<16xi32>
        %swap3A_449 = arith.constant 0 : i32
        %swap3A_450 = arith.index_cast %swap3A_449 : i32 to index
        %swap3A_451 = arith.constant 64 : index
        %swap3A_452 = tpu.vector_load %arg13[%swap3A_450, %swap3A_451] {strides = array<i32>} : memref<1x128xi32, #tpu.memory_space<vmem>>, vector<1x16xi32>,
        %swap3A_453 = vector.shape_cast %swap3A_452 : vector<1x16xi32> to vector<16xi32>
        %swap3A_454 = vector.shape_cast %get3A_448 : vector<16xi32> to vector<1x16xi32>
        tpu.vector_store %arg13[%swap3A_450, %swap3A_451], %swap3A_454 {strides = array<i32>} : memref<1x128xi32, #tpu.memory_space<vmem>>, vector<1x16xi32>,
        %get3A_455 = arith.constant 80 : index
        %get3A_456 = tpu.vector_load %arg10[%get3A_455] {strides = array<i32>} : memref<128xi32, #tpu.memory_space<vmem>>, vector<16xi32>,
        %get3A_457 = vector.shape_cast %get3A_456 : vector<16xi32> to vector<16xi32>
        %swap3A_458 = arith.constant 0 : i32
        %swap3A_459 = arith.index_cast %swap3A_458 : i32 to index
        %swap3A_460 = arith.constant 80 : index
        %swap3A_461 = tpu.vector_load %arg13[%swap3A_459, %swap3A_460] {strides = array<i32>} : memref<1x128xi32, #tpu.memory_space<vmem>>, vector<1x16xi32>,
        %swap3A_462 = vector.shape_cast %swap3A_461 : vector<1x16xi32> to vector<16xi32>
        %swap3A_463 = vector.shape_cast %get3A_457 : vector<16xi32> to vector<1x16xi32>
        tpu.vector_store %arg13[%swap3A_459, %swap3A_460], %swap3A_463 {strides = array<i32>} : memref<1x128xi32, #tpu.memory_space<vmem>>, vector<1x16xi32>,
        %get3A_464 = arith.constant 96 : index
        %get3A_465 = tpu.vector_load %arg10[%get3A_464] {strides = array<i32>} : memref<128xi32, #tpu.memory_space<vmem>>, vector<16xi32>,
        %get3A_466 = vector.shape_cast %get3A_465 : vector<16xi32> to vector<16xi32>
        %swap3A_467 = arith.constant 0 : i32
        %swap3A_468 = arith.index_cast %swap3A_467 : i32 to index
        %swap3A_469 = arith.constant 96 : index
        %swap3A_470 = tpu.vector_load %arg13[%swap3A_468, %swap3A_469] {strides = array<i32>} : memref<1x128xi32, #tpu.memory_space<vmem>>, vector<1x16xi32>,
        %swap3A_471 = vector.shape_cast %swap3A_470 : vector<1x16xi32> to vector<16xi32>
        %swap3A_472 = vector.shape_cast %get3A_466 : vector<16xi32> to vector<1x16xi32>
        tpu.vector_store %arg13[%swap3A_468, %swap3A_469], %swap3A_472 {strides = array<i32>} : memref<1x128xi32, #tpu.memory_space<vmem>>, vector<1x16xi32>,
        %get3A_473 = arith.constant 112 : index
        %get3A_474 = tpu.vector_load %arg10[%get3A_473] {strides = array<i32>} : memref<128xi32, #tpu.memory_space<vmem>>, vector<16xi32>,
        %get3A_475 = vector.shape_cast %get3A_474 : vector<16xi32> to vector<16xi32>
        %swap3A_476 = arith.constant 0 : i32
        %swap3A_477 = arith.index_cast %swap3A_476 : i32 to index
        %swap3A_478 = arith.constant 112 : index
        %swap3A_479 = tpu.vector_load %arg13[%swap3A_477, %swap3A_478] {strides = array<i32>} : memref<1x128xi32, #tpu.memory_space<vmem>>, vector<1x16xi32>,
        %swap3A_480 = vector.shape_cast %swap3A_479 : vector<1x16xi32> to vector<16xi32>
        %swap3A_481 = vector.shape_cast %get3A_475 : vector<16xi32> to vector<1x16xi32>
        tpu.vector_store %arg13[%swap3A_477, %swap3A_478], %swap3A_481 {strides = array<i32>} : memref<1x128xi32, #tpu.memory_space<vmem>>, vector<1x16xi32>,
        %dma_start3A_482 = arith.constant 0 : i32
        %dma_start3A_483 = arith.constant 0 : i32
        %dma_start3A_484 = tpu.memref_slice %arg13[%dma_start3A_482, %dma_start3A_483] : memref<1x128xi32, #tpu.memory_space<vmem>> -> memref<1x128xi32, #tpu.memory_space<vmem>>
        %dma_start3A_485 = tpu.memref_squeeze %dma_start3A_484 : memref<1x128xi32, #tpu.memory_space<vmem>> -> memref<128xi32, #tpu.memory_space<vmem>>
        %dma_start3A_486 = arith.constant 0 : i32
        %dma_start3A_487 = arith.constant 0 : i32
        %dma_start3A_488 = tpu.memref_slice %arg18[%dma_start3A_486, %dma_start3A_487] : memref<4096x128xf32, #tpu.memory_space<vmem_shared>> -> memref<4096x128xf32, #tpu.memory_space<vmem_shared>>
        tpu.enqueue_indirect_dma source(%arg15 : memref<128x128xf32, #tpu.memory_space<vmem>>) target(%dma_start3A_488 : memref<4096x128xf32, #tpu.memory_space<vmem_shared>>) offsets(%dma_start3A_485 : memref<128xi32, #tpu.memory_space<vmem>>) semaphore(%arg25 : memref<!tpu.dma_semaphore, #tpu.memory_space<semaphore_mem>>) {add = true}
      } else {
      }
      %add3A_110 = arith.constant 3 : i32
      %add3A_111 = arith.addi %add3A_106, %add3A_110 : i32
      %ge3A_112 = arith.constant 0 : i32
      %ge3A_113 = arith.cmpi sge, %add3A_111, %ge3A_112 : i32
      %lt3A_114 = arith.constant 16 : i32
      %lt3A_115 = arith.cmpi slt, %add3A_111, %lt3A_114 : i32
      %and3A_116 = arith.andi %ge3A_113, %lt3A_115 : i1
      %convert_element_type3A_117 = arith.extui %and3A_116 : i1 to i32
      %cond3A_118 = arith.constant 0 : i32
      %cond3A_119 = arith.cmpi ne, %convert_element_type3A_117, %cond3A_118 : i32
      scf.if %cond3A_119 {
        %mul3A_409 = arith.constant 256 : i32
        %mul3A_410 = arith.muli %arg0, %mul3A_409 : i32
        %add3A_411 = arith.addi %mul3A_410, %arg1 : i32
        %mul3A_412 = arith.constant 16 : i32
        %mul3A_413 = arith.muli %mul3A_412, %add3A_111 : i32
        %add3A_414 = arith.addi %add3A_411, %mul3A_413 : i32
        %dma_start3A_415 = arith.constant 0 : i32
        %dma_start3A_416 = tpu.memref_slice %arg3[%add3A_414, %dma_start3A_415] : memref<512x128xi32, #tpu.memory_space<hbm>> -> memref<1x128xi32, #tpu.memory_space<hbm>>
        %dma_start3A_417 = tpu.memref_squeeze %dma_start3A_416 : memref<1x128xi32, #tpu.memory_space<hbm>> -> memref<128xi32, #tpu.memory_space<hbm>>
        %dma_start3A_418 = arith.constant 0 : i32
        %dma_start3A_419 = tpu.memref_slice %arg3[%add3A_414, %dma_start3A_418] : memref<512x128xi32, #tpu.memory_space<hbm>> -> memref<1x128xi32, #tpu.memory_space<hbm>>
        %dma_start3A_420 = tpu.memref_squeeze %dma_start3A_419 : memref<1x128xi32, #tpu.memory_space<hbm>> -> memref<128xi32, #tpu.memory_space<hbm>>
        tpu.enqueue_dma source(%dma_start3A_420 : memref<128xi32, #tpu.memory_space<hbm>>) target(%arg7 : memref<128xi32, #tpu.memory_space<vmem>>) target_semaphore(%arg19 : memref<!tpu.dma_semaphore, #tpu.memory_space<semaphore_mem>>)
        %dma_start3A_421 = arith.constant 0 : i32
        %dma_start3A_422 = tpu.memref_slice %arg4[%add3A_414, %dma_start3A_421] : memref<512x128xi32, #tpu.memory_space<hbm>> -> memref<1x128xi32, #tpu.memory_space<hbm>>
        %dma_start3A_423 = tpu.memref_squeeze %dma_start3A_422 : memref<1x128xi32, #tpu.memory_space<hbm>> -> memref<128xi32, #tpu.memory_space<hbm>>
        %dma_start3A_424 = arith.constant 0 : i32
        %dma_start3A_425 = tpu.memref_slice %arg4[%add3A_414, %dma_start3A_424] : memref<512x128xi32, #tpu.memory_space<hbm>> -> memref<1x128xi32, #tpu.memory_space<hbm>>
        %dma_start3A_426 = tpu.memref_squeeze %dma_start3A_425 : memref<1x128xi32, #tpu.memory_space<hbm>> -> memref<128xi32, #tpu.memory_space<hbm>>
        tpu.enqueue_dma source(%dma_start3A_426 : memref<128xi32, #tpu.memory_space<hbm>>) target(%arg10 : memref<128xi32, #tpu.memory_space<vmem>>) target_semaphore(%arg19 : memref<!tpu.dma_semaphore, #tpu.memory_space<semaphore_mem>>)
      } else {
      }
      %sub3A = arith.constant 1 : i32
      %sub3A_120 = arith.subi %add3A_106, %sub3A : i32
      %ge3A_121 = arith.constant 0 : i32
      %ge3A_122 = arith.cmpi sge, %sub3A_120, %ge3A_121 : i32
      %lt3A_123 = arith.constant 16 : i32
      %lt3A_124 = arith.cmpi slt, %sub3A_120, %lt3A_123 : i32
      %and3A_125 = arith.andi %ge3A_122, %lt3A_124 : i1
      %convert_element_type3A_126 = arith.extui %and3A_125 : i1 to i32
      %cond3A_127 = arith.constant 0 : i32
      %cond3A_128 = arith.cmpi ne, %convert_element_type3A_126, %cond3A_127 : i32
      scf.if %cond3A_128 {
        %dma_wait3A_409 = arith.constant 0 : i32
        %dma_wait3A_410 = arith.constant 0 : i32
        %dma_wait3A_411 = tpu.memref_slice %arg14[%dma_wait3A_409, %dma_wait3A_410] : memref<1x128xi32, #tpu.memory_space<vmem>> -> memref<1x128xi32, #tpu.memory_space<vmem>>
        %dma_wait3A_412 = tpu.memref_squeeze %dma_wait3A_411 : memref<1x128xi32, #tpu.memory_space<vmem>> -> memref<128xi32, #tpu.memory_space<vmem>>
        %dma_wait3A_413 = arith.constant 0 : i32
        %dma_wait3A_414 = arith.constant 0 : i32
        %dma_wait3A_415 = tpu.memref_slice %arg18[%dma_wait3A_413, %dma_wait3A_414] : memref<4096x128xf32, #tpu.memory_space<vmem_shared>> -> memref<4096x128xf32, #tpu.memory_space<vmem_shared>>
        tpu.wait_indirect_dma semaphore(%arg26 : memref<!tpu.dma_semaphore, #tpu.memory_space<semaphore_mem>>) src(%arg17 : memref<128x128xf32, #tpu.memory_space<vmem>>) dst(%dma_wait3A_415 : memref<4096x128xf32, #tpu.memory_space<vmem_shared>>)
      } else {
      }
      %add3A_129 = arith.constant 2 : i32
      %add3A_130 = arith.addi %add3A_106, %add3A_129 : i32
      %ge3A_131 = arith.constant 0 : i32
      %ge3A_132 = arith.cmpi sge, %add3A_130, %ge3A_131 : i32
      %lt3A_133 = arith.constant 16 : i32
      %lt3A_134 = arith.cmpi slt, %add3A_130, %lt3A_133 : i32
      %and3A_135 = arith.andi %ge3A_132, %lt3A_134 : i1
      %convert_element_type3A_136 = arith.extui %and3A_135 : i1 to i32
      %cond3A_137 = arith.constant 0 : i32
      %cond3A_138 = arith.cmpi ne, %convert_element_type3A_136, %cond3A_137 : i32
      scf.if %cond3A_138 {
        %mul3A_409 = arith.constant 256 : i32
        %mul3A_410 = arith.muli %arg0, %mul3A_409 : i32
        %add3A_411 = arith.addi %mul3A_410, %arg1 : i32
        %mul3A_412 = arith.constant 16 : i32
        %mul3A_413 = arith.muli %mul3A_412, %add3A_130 : i32
        %add3A_414 = arith.addi %add3A_411, %mul3A_413 : i32
        %dma_wait3A_415 = arith.constant 0 : i32
        %dma_wait3A_416 = tpu.memref_slice %arg3[%add3A_414, %dma_wait3A_415] : memref<512x128xi32, #tpu.memory_space<hbm>> -> memref<1x128xi32, #tpu.memory_space<hbm>>
        %dma_wait3A_417 = tpu.memref_squeeze %dma_wait3A_416 : memref<1x128xi32, #tpu.memory_space<hbm>> -> memref<128xi32, #tpu.memory_space<hbm>>
        %dma_wait3A_418 = arith.constant 0 : i32
        %dma_wait3A_419 = tpu.memref_slice %arg3[%add3A_414, %dma_wait3A_418] : memref<512x128xi32, #tpu.memory_space<hbm>> -> memref<1x128xi32, #tpu.memory_space<hbm>>
        %dma_wait3A_420 = tpu.memref_squeeze %dma_wait3A_419 : memref<1x128xi32, #tpu.memory_space<hbm>> -> memref<128xi32, #tpu.memory_space<hbm>>
        tpu.wait_dma2 semaphore(%arg21 : memref<!tpu.dma_semaphore, #tpu.memory_space<semaphore_mem>>) src(%dma_wait3A_420 : memref<128xi32, #tpu.memory_space<hbm>>) dst(%arg9 : memref<128xi32, #tpu.memory_space<vmem>>)
        %dma_wait3A_421 = arith.constant 0 : i32
        %dma_wait3A_422 = tpu.memref_slice %arg4[%add3A_414, %dma_wait3A_421] : memref<512x128xi32, #tpu.memory_space<hbm>> -> memref<1x128xi32, #tpu.memory_space<hbm>>
        %dma_wait3A_423 = tpu.memref_squeeze %dma_wait3A_422 : memref<1x128xi32, #tpu.memory_space<hbm>> -> memref<128xi32, #tpu.memory_space<hbm>>
        %dma_wait3A_424 = arith.constant 0 : i32
        %dma_wait3A_425 = tpu.memref_slice %arg4[%add3A_414, %dma_wait3A_424] : memref<512x128xi32, #tpu.memory_space<hbm>> -> memref<1x128xi32, #tpu.memory_space<hbm>>
        %dma_wait3A_426 = tpu.memref_squeeze %dma_wait3A_425 : memref<1x128xi32, #tpu.memory_space<hbm>> -> memref<128xi32, #tpu.memory_space<hbm>>
        tpu.wait_dma2 semaphore(%arg21 : memref<!tpu.dma_semaphore, #tpu.memory_space<semaphore_mem>>) src(%dma_wait3A_426 : memref<128xi32, #tpu.memory_space<hbm>>) dst(%arg12 : memref<128xi32, #tpu.memory_space<vmem>>)
      } else {
      }
      %add3A_139 = arith.constant 2 : i32
      %add3A_140 = arith.addi %add3A_106, %add3A_139 : i32
      %ge3A_141 = arith.constant 0 : i32
      %ge3A_142 = arith.cmpi sge, %add3A_140, %ge3A_141 : i32
      %lt3A_143 = arith.constant 16 : i32
      %lt3A_144 = arith.cmpi slt, %add3A_140, %lt3A_143 : i32
      %and3A_145 = arith.andi %ge3A_142, %lt3A_144 : i1
      %convert_element_type3A_146 = arith.extui %and3A_145 : i1 to i32
      %cond3A_147 = arith.constant 0 : i32
      %cond3A_148 = arith.cmpi ne, %convert_element_type3A_146, %cond3A_147 : i32
      scf.if %cond3A_148 {
        %dma_start3A_409 = arith.constant 0 : i32
        %dma_start3A_410 = arith.constant 0 : i32
        %dma_start3A_411 = tpu.memref_slice %arg2[%dma_start3A_409, %dma_start3A_410] : memref<20000x128xf32, #tpu.memory_space<hbm>> -> memref<20000x128xf32, #tpu.memory_space<hbm>>
        tpu.enqueue_indirect_dma source(%dma_start3A_411 : memref<20000x128xf32, #tpu.memory_space<hbm>>) target(%arg17 : memref<128x128xf32, #tpu.memory_space<vmem>>) offsets(%arg9 : memref<128xi32, #tpu.memory_space<vmem>>) semaphore(%arg24 : memref<!tpu.dma_semaphore, #tpu.memory_space<semaphore_mem>>)
      } else {
      }
      %mul3A_149 = arith.constant 6 : i32
      %mul3A_150 = arith.muli %mul3A_149, %scan3A_102 : i32
      %add3A_151 = arith.constant 1 : i32
      %add3A_152 = arith.addi %mul3A_150, %add3A_151 : i32
      %ge3A_153 = arith.constant 0 : i32
      %ge3A_154 = arith.cmpi sge, %add3A_152, %ge3A_153 : i32
      %lt3A_155 = arith.constant 16 : i32
      %lt3A_156 = arith.cmpi slt, %add3A_152, %lt3A_155 : i32
      %and3A_157 = arith.andi %ge3A_154, %lt3A_156 : i1
      %convert_element_type3A_158 = arith.extui %and3A_157 : i1 to i32
      %cond3A_159 = arith.constant 0 : i32
      %cond3A_160 = arith.cmpi ne, %convert_element_type3A_158, %cond3A_159 : i32
      scf.if %cond3A_160 {
        %dma_wait3A_409 = arith.constant 0 : i32
        %dma_wait3A_410 = arith.constant 0 : i32
        %dma_wait3A_411 = tpu.memref_slice %arg2[%dma_wait3A_409, %dma_wait3A_410] : memref<20000x128xf32, #tpu.memory_space<hbm>> -> memref<20000x128xf32, #tpu.memory_space<hbm>>
        tpu.wait_indirect_dma semaphore(%arg23 : memref<!tpu.dma_semaphore, #tpu.memory_space<semaphore_mem>>) src(%dma_wait3A_411 : memref<20000x128xf32, #tpu.memory_space<hbm>>) dst(%arg16 : memref<128x128xf32, #tpu.memory_space<vmem>>)
        %get3A = arith.constant 0 : index
        %get3A_412 = tpu.vector_load %arg11[%get3A] {strides = array<i32>} : memref<128xi32, #tpu.memory_space<vmem>>, vector<16xi32>,
        %get3A_413 = vector.shape_cast %get3A_412 : vector<16xi32> to vector<16xi32>
        %swap3A = arith.constant 0 : i32
        %swap3A_414 = arith.index_cast %swap3A : i32 to index
        %swap3A_415 = arith.constant 0 : index
        %swap3A_416 = tpu.vector_load %arg14[%swap3A_414, %swap3A_415] {strides = array<i32>} : memref<1x128xi32, #tpu.memory_space<vmem>>, vector<1x16xi32>,
        %swap3A_417 = vector.shape_cast %swap3A_416 : vector<1x16xi32> to vector<16xi32>
        %swap3A_418 = vector.shape_cast %get3A_413 : vector<16xi32> to vector<1x16xi32>
        tpu.vector_store %arg14[%swap3A_414, %swap3A_415], %swap3A_418 {strides = array<i32>} : memref<1x128xi32, #tpu.memory_space<vmem>>, vector<1x16xi32>,
        %get3A_419 = arith.constant 16 : index
        %get3A_420 = tpu.vector_load %arg11[%get3A_419] {strides = array<i32>} : memref<128xi32, #tpu.memory_space<vmem>>, vector<16xi32>,
        %get3A_421 = vector.shape_cast %get3A_420 : vector<16xi32> to vector<16xi32>
        %swap3A_422 = arith.constant 0 : i32
        %swap3A_423 = arith.index_cast %swap3A_422 : i32 to index
        %swap3A_424 = arith.constant 16 : index
        %swap3A_425 = tpu.vector_load %arg14[%swap3A_423, %swap3A_424] {strides = array<i32>} : memref<1x128xi32, #tpu.memory_space<vmem>>, vector<1x16xi32>,
        %swap3A_426 = vector.shape_cast %swap3A_425 : vector<1x16xi32> to vector<16xi32>
        %swap3A_427 = vector.shape_cast %get3A_421 : vector<16xi32> to vector<1x16xi32>
        tpu.vector_store %arg14[%swap3A_423, %swap3A_424], %swap3A_427 {strides = array<i32>} : memref<1x128xi32, #tpu.memory_space<vmem>>, vector<1x16xi32>,
        %get3A_428 = arith.constant 32 : index
        %get3A_429 = tpu.vector_load %arg11[%get3A_428] {strides = array<i32>} : memref<128xi32, #tpu.memory_space<vmem>>, vector<16xi32>,
        %get3A_430 = vector.shape_cast %get3A_429 : vector<16xi32> to vector<16xi32>
        %swap3A_431 = arith.constant 0 : i32
        %swap3A_432 = arith.index_cast %swap3A_431 : i32 to index
        %swap3A_433 = arith.constant 32 : index
        %swap3A_434 = tpu.vector_load %arg14[%swap3A_432, %swap3A_433] {strides = array<i32>} : memref<1x128xi32, #tpu.memory_space<vmem>>, vector<1x16xi32>,
        %swap3A_435 = vector.shape_cast %swap3A_434 : vector<1x16xi32> to vector<16xi32>
        %swap3A_436 = vector.shape_cast %get3A_430 : vector<16xi32> to vector<1x16xi32>
        tpu.vector_store %arg14[%swap3A_432, %swap3A_433], %swap3A_436 {strides = array<i32>} : memref<1x128xi32, #tpu.memory_space<vmem>>, vector<1x16xi32>,
        %get3A_437 = arith.constant 48 : index
        %get3A_438 = tpu.vector_load %arg11[%get3A_437] {strides = array<i32>} : memref<128xi32, #tpu.memory_space<vmem>>, vector<16xi32>,
        %get3A_439 = vector.shape_cast %get3A_438 : vector<16xi32> to vector<16xi32>
        %swap3A_440 = arith.constant 0 : i32
        %swap3A_441 = arith.index_cast %swap3A_440 : i32 to index
        %swap3A_442 = arith.constant 48 : index
        %swap3A_443 = tpu.vector_load %arg14[%swap3A_441, %swap3A_442] {strides = array<i32>} : memref<1x128xi32, #tpu.memory_space<vmem>>, vector<1x16xi32>,
        %swap3A_444 = vector.shape_cast %swap3A_443 : vector<1x16xi32> to vector<16xi32>
        %swap3A_445 = vector.shape_cast %get3A_439 : vector<16xi32> to vector<1x16xi32>
        tpu.vector_store %arg14[%swap3A_441, %swap3A_442], %swap3A_445 {strides = array<i32>} : memref<1x128xi32, #tpu.memory_space<vmem>>, vector<1x16xi32>,
        %get3A_446 = arith.constant 64 : index
        %get3A_447 = tpu.vector_load %arg11[%get3A_446] {strides = array<i32>} : memref<128xi32, #tpu.memory_space<vmem>>, vector<16xi32>,
        %get3A_448 = vector.shape_cast %get3A_447 : vector<16xi32> to vector<16xi32>
        %swap3A_449 = arith.constant 0 : i32
        %swap3A_450 = arith.index_cast %swap3A_449 : i32 to index
        %swap3A_451 = arith.constant 64 : index
        %swap3A_452 = tpu.vector_load %arg14[%swap3A_450, %swap3A_451] {strides = array<i32>} : memref<1x128xi32, #tpu.memory_space<vmem>>, vector<1x16xi32>,
        %swap3A_453 = vector.shape_cast %swap3A_452 : vector<1x16xi32> to vector<16xi32>
        %swap3A_454 = vector.shape_cast %get3A_448 : vector<16xi32> to vector<1x16xi32>
        tpu.vector_store %arg14[%swap3A_450, %swap3A_451], %swap3A_454 {strides = array<i32>} : memref<1x128xi32, #tpu.memory_space<vmem>>, vector<1x16xi32>,
        %get3A_455 = arith.constant 80 : index
        %get3A_456 = tpu.vector_load %arg11[%get3A_455] {strides = array<i32>} : memref<128xi32, #tpu.memory_space<vmem>>, vector<16xi32>,
        %get3A_457 = vector.shape_cast %get3A_456 : vector<16xi32> to vector<16xi32>
        %swap3A_458 = arith.constant 0 : i32
        %swap3A_459 = arith.index_cast %swap3A_458 : i32 to index
        %swap3A_460 = arith.constant 80 : index
        %swap3A_461 = tpu.vector_load %arg14[%swap3A_459, %swap3A_460] {strides = array<i32>} : memref<1x128xi32, #tpu.memory_space<vmem>>, vector<1x16xi32>,
        %swap3A_462 = vector.shape_cast %swap3A_461 : vector<1x16xi32> to vector<16xi32>
        %swap3A_463 = vector.shape_cast %get3A_457 : vector<16xi32> to vector<1x16xi32>
        tpu.vector_store %arg14[%swap3A_459, %swap3A_460], %swap3A_463 {strides = array<i32>} : memref<1x128xi32, #tpu.memory_space<vmem>>, vector<1x16xi32>,
        %get3A_464 = arith.constant 96 : index
        %get3A_465 = tpu.vector_load %arg11[%get3A_464] {strides = array<i32>} : memref<128xi32, #tpu.memory_space<vmem>>, vector<16xi32>,
        %get3A_466 = vector.shape_cast %get3A_465 : vector<16xi32> to vector<16xi32>
        %swap3A_467 = arith.constant 0 : i32
        %swap3A_468 = arith.index_cast %swap3A_467 : i32 to index
        %swap3A_469 = arith.constant 96 : index
        %swap3A_470 = tpu.vector_load %arg14[%swap3A_468, %swap3A_469] {strides = array<i32>} : memref<1x128xi32, #tpu.memory_space<vmem>>, vector<1x16xi32>,
        %swap3A_471 = vector.shape_cast %swap3A_470 : vector<1x16xi32> to vector<16xi32>
        %swap3A_472 = vector.shape_cast %get3A_466 : vector<16xi32> to vector<1x16xi32>
        tpu.vector_store %arg14[%swap3A_468, %swap3A_469], %swap3A_472 {strides = array<i32>} : memref<1x128xi32, #tpu.memory_space<vmem>>, vector<1x16xi32>,
        %get3A_473 = arith.constant 112 : index
        %get3A_474 = tpu.vector_load %arg11[%get3A_473] {strides = array<i32>} : memref<128xi32, #tpu.memory_space<vmem>>, vector<16xi32>,
        %get3A_475 = vector.shape_cast %get3A_474 : vector<16xi32> to vector<16xi32>
        %swap3A_476 = arith.constant 0 : i32
        %swap3A_477 = arith.index_cast %swap3A_476 : i32 to index
        %swap3A_478 = arith.constant 112 : index
        %swap3A_479 = tpu.vector_load %arg14[%swap3A_477, %swap3A_478] {strides = array<i32>} : memref<1x128xi32, #tpu.memory_space<vmem>>, vector<1x16xi32>,
        %swap3A_480 = vector.shape_cast %swap3A_479 : vector<1x16xi32> to vector<16xi32>
        %swap3A_481 = vector.shape_cast %get3A_475 : vector<16xi32> to vector<1x16xi32>
        tpu.vector_store %arg14[%swap3A_477, %swap3A_478], %swap3A_481 {strides = array<i32>} : memref<1x128xi32, #tpu.memory_space<vmem>>, vector<1x16xi32>,
        %dma_start3A_482 = arith.constant 0 : i32
        %dma_start3A_483 = arith.constant 0 : i32
        %dma_start3A_484 = tpu.memref_slice %arg14[%dma_start3A_482, %dma_start3A_483] : memref<1x128xi32, #tpu.memory_space<vmem>> -> memref<1x128xi32, #tpu.memory_space<vmem>>
        %dma_start3A_485 = tpu.memref_squeeze %dma_start3A_484 : memref<1x128xi32, #tpu.memory_space<vmem>> -> memref<128xi32, #tpu.memory_space<vmem>>
        %dma_start3A_486 = arith.constant 0 : i32
        %dma_start3A_487 = arith.constant 0 : i32
        %dma_start3A_488 = tpu.memref_slice %arg18[%dma_start3A_486, %dma_start3A_487] : memref<4096x128xf32, #tpu.memory_space<vmem_shared>> -> memref<4096x128xf32, #tpu.memory_space<vmem_shared>>
        tpu.enqueue_indirect_dma source(%arg16 : memref<128x128xf32, #tpu.memory_space<vmem>>) target(%dma_start3A_488 : memref<4096x128xf32, #tpu.memory_space<vmem_shared>>) offsets(%dma_start3A_485 : memref<128xi32, #tpu.memory_space<vmem>>) semaphore(%arg26 : memref<!tpu.dma_semaphore, #tpu.memory_space<semaphore_mem>>) {add = true}
      } else {
      }
      %add3A_161 = arith.constant 3 : i32
      %add3A_162 = arith.addi %add3A_152, %add3A_161 : i32
      %ge3A_163 = arith.constant 0 : i32
      %ge3A_164 = arith.cmpi sge, %add3A_162, %ge3A_163 : i32
      %lt3A_165 = arith.constant 16 : i32
      %lt3A_166 = arith.cmpi slt, %add3A_162, %lt3A_165 : i32
      %and3A_167 = arith.andi %ge3A_164, %lt3A_166 : i1
      %convert_element_type3A_168 = arith.extui %and3A_167 : i1 to i32
      %cond3A_169 = arith.constant 0 : i32
      %cond3A_170 = arith.cmpi ne, %convert_element_type3A_168, %cond3A_169 : i32
      scf.if %cond3A_170 {
        %mul3A_409 = arith.constant 256 : i32
        %mul3A_410 = arith.muli %arg0, %mul3A_409 : i32
        %add3A_411 = arith.addi %mul3A_410, %arg1 : i32
        %mul3A_412 = arith.constant 16 : i32
        %mul3A_413 = arith.muli %mul3A_412, %add3A_162 : i32
        %add3A_414 = arith.addi %add3A_411, %mul3A_413 : i32
        %dma_start3A_415 = arith.constant 0 : i32
        %dma_start3A_416 = tpu.memref_slice %arg3[%add3A_414, %dma_start3A_415] : memref<512x128xi32, #tpu.memory_space<hbm>> -> memref<1x128xi32, #tpu.memory_space<hbm>>
        %dma_start3A_417 = tpu.memref_squeeze %dma_start3A_416 : memref<1x128xi32, #tpu.memory_space<hbm>> -> memref<128xi32, #tpu.memory_space<hbm>>
        %dma_start3A_418 = arith.constant 0 : i32
        %dma_start3A_419 = tpu.memref_slice %arg3[%add3A_414, %dma_start3A_418] : memref<512x128xi32, #tpu.memory_space<hbm>> -> memref<1x128xi32, #tpu.memory_space<hbm>>
        %dma_start3A_420 = tpu.memref_squeeze %dma_start3A_419 : memref<1x128xi32, #tpu.memory_space<hbm>> -> memref<128xi32, #tpu.memory_space<hbm>>
        tpu.enqueue_dma source(%dma_start3A_420 : memref<128xi32, #tpu.memory_space<hbm>>) target(%arg8 : memref<128xi32, #tpu.memory_space<vmem>>) target_semaphore(%arg20 : memref<!tpu.dma_semaphore, #tpu.memory_space<semaphore_mem>>)
        %dma_start3A_421 = arith.constant 0 : i32
        %dma_start3A_422 = tpu.memref_slice %arg4[%add3A_414, %dma_start3A_421] : memref<512x128xi32, #tpu.memory_space<hbm>> -> memref<1x128xi32, #tpu.memory_space<hbm>>
        %dma_start3A_423 = tpu.memref_squeeze %dma_start3A_422 : memref<1x128xi32, #tpu.memory_space<hbm>> -> memref<128xi32, #tpu.memory_space<hbm>>
        %dma_start3A_424 = arith.constant 0 : i32
        %dma_start3A_425 = tpu.memref_slice %arg4[%add3A_414, %dma_start3A_424] : memref<512x128xi32, #tpu.memory_space<hbm>> -> memref<1x128xi32, #tpu.memory_space<hbm>>
        %dma_start3A_426 = tpu.memref_squeeze %dma_start3A_425 : memref<1x128xi32, #tpu.memory_space<hbm>> -> memref<128xi32, #tpu.memory_space<hbm>>
        tpu.enqueue_dma source(%dma_start3A_426 : memref<128xi32, #tpu.memory_space<hbm>>) target(%arg11 : memref<128xi32, #tpu.memory_space<vmem>>) target_semaphore(%arg20 : memref<!tpu.dma_semaphore, #tpu.memory_space<semaphore_mem>>)
      } else {
      }
      %sub3A_171 = arith.constant 1 : i32
      %sub3A_172 = arith.subi %add3A_152, %sub3A_171 : i32
      %ge3A_173 = arith.constant 0 : i32
      %ge3A_174 = arith.cmpi sge, %sub3A_172, %ge3A_173 : i32
      %lt3A_175 = arith.constant 16 : i32
      %lt3A_176 = arith.cmpi slt, %sub3A_172, %lt3A_175 : i32
      %and3A_177 = arith.andi %ge3A_174, %lt3A_176 : i1
      %convert_element_type3A_178 = arith.extui %and3A_177 : i1 to i32
      %cond3A_179 = arith.constant 0 : i32
      %cond3A_180 = arith.cmpi ne, %convert_element_type3A_178, %cond3A_179 : i32
      scf.if %cond3A_180 {
        %dma_wait3A_409 = arith.constant 0 : i32
        %dma_wait3A_410 = arith.constant 0 : i32
        %dma_wait3A_411 = tpu.memref_slice %arg13[%dma_wait3A_409, %dma_wait3A_410] : memref<1x128xi32, #tpu.memory_space<vmem>> -> memref<1x128xi32, #tpu.memory_space<vmem>>
        %dma_wait3A_412 = tpu.memref_squeeze %dma_wait3A_411 : memref<1x128xi32, #tpu.memory_space<vmem>> -> memref<128xi32, #tpu.memory_space<vmem>>
        %dma_wait3A_413 = arith.constant 0 : i32
        %dma_wait3A_414 = arith.constant 0 : i32
        %dma_wait3A_415 = tpu.memref_slice %arg18[%dma_wait3A_413, %dma_wait3A_414] : memref<4096x128xf32, #tpu.memory_space<vmem_shared>> -> memref<4096x128xf32, #tpu.memory_space<vmem_shared>>
        tpu.wait_indirect_dma semaphore(%arg25 : memref<!tpu.dma_semaphore, #tpu.memory_space<semaphore_mem>>) src(%arg15 : memref<128x128xf32, #tpu.memory_space<vmem>>) dst(%dma_wait3A_415 : memref<4096x128xf32, #tpu.memory_space<vmem_shared>>)
      } else {
      }
      %add3A_181 = arith.constant 2 : i32
      %add3A_182 = arith.addi %add3A_152, %add3A_181 : i32
      %ge3A_183 = arith.constant 0 : i32
      %ge3A_184 = arith.cmpi sge, %add3A_182, %ge3A_183 : i32
      %lt3A_185 = arith.constant 16 : i32
      %lt3A_186 = arith.cmpi slt, %add3A_182, %lt3A_185 : i32
      %and3A_187 = arith.andi %ge3A_184, %lt3A_186 : i1
      %convert_element_type3A_188 = arith.extui %and3A_187 : i1 to i32
      %cond3A_189 = arith.constant 0 : i32
      %cond3A_190 = arith.cmpi ne, %convert_element_type3A_188, %cond3A_189 : i32
      scf.if %cond3A_190 {
        %mul3A_409 = arith.constant 256 : i32
        %mul3A_410 = arith.muli %arg0, %mul3A_409 : i32
        %add3A_411 = arith.addi %mul3A_410, %arg1 : i32
        %mul3A_412 = arith.constant 16 : i32
        %mul3A_413 = arith.muli %mul3A_412, %add3A_182 : i32
        %add3A_414 = arith.addi %add3A_411, %mul3A_413 : i32
        %dma_wait3A_415 = arith.constant 0 : i32
        %dma_wait3A_416 = tpu.memref_slice %arg3[%add3A_414, %dma_wait3A_415] : memref<512x128xi32, #tpu.memory_space<hbm>> -> memref<1x128xi32, #tpu.memory_space<hbm>>
        %dma_wait3A_417 = tpu.memref_squeeze %dma_wait3A_416 : memref<1x128xi32, #tpu.memory_space<hbm>> -> memref<128xi32, #tpu.memory_space<hbm>>
        %dma_wait3A_418 = arith.constant 0 : i32
        %dma_wait3A_419 = tpu.memref_slice %arg3[%add3A_414, %dma_wait3A_418] : memref<512x128xi32, #tpu.memory_space<hbm>> -> memref<1x128xi32, #tpu.memory_space<hbm>>
        %dma_wait3A_420 = tpu.memref_squeeze %dma_wait3A_419 : memref<1x128xi32, #tpu.memory_space<hbm>> -> memref<128xi32, #tpu.memory_space<hbm>>
        tpu.wait_dma2 semaphore(%arg19 : memref<!tpu.dma_semaphore, #tpu.memory_space<semaphore_mem>>) src(%dma_wait3A_420 : memref<128xi32, #tpu.memory_space<hbm>>) dst(%arg7 : memref<128xi32, #tpu.memory_space<vmem>>)
        %dma_wait3A_421 = arith.constant 0 : i32
        %dma_wait3A_422 = tpu.memref_slice %arg4[%add3A_414, %dma_wait3A_421] : memref<512x128xi32, #tpu.memory_space<hbm>> -> memref<1x128xi32, #tpu.memory_space<hbm>>
        %dma_wait3A_423 = tpu.memref_squeeze %dma_wait3A_422 : memref<1x128xi32, #tpu.memory_space<hbm>> -> memref<128xi32, #tpu.memory_space<hbm>>
        %dma_wait3A_424 = arith.constant 0 : i32
        %dma_wait3A_425 = tpu.memref_slice %arg4[%add3A_414, %dma_wait3A_424] : memref<512x128xi32, #tpu.memory_space<hbm>> -> memref<1x128xi32, #tpu.memory_space<hbm>>
        %dma_wait3A_426 = tpu.memref_squeeze %dma_wait3A_425 : memref<1x128xi32, #tpu.memory_space<hbm>> -> memref<128xi32, #tpu.memory_space<hbm>>
        tpu.wait_dma2 semaphore(%arg19 : memref<!tpu.dma_semaphore, #tpu.memory_space<semaphore_mem>>) src(%dma_wait3A_426 : memref<128xi32, #tpu.memory_space<hbm>>) dst(%arg10 : memref<128xi32, #tpu.memory_space<vmem>>)
      } else {
      }
      %add3A_191 = arith.constant 2 : i32
      %add3A_192 = arith.addi %add3A_152, %add3A_191 : i32
      %ge3A_193 = arith.constant 0 : i32
      %ge3A_194 = arith.cmpi sge, %add3A_192, %ge3A_193 : i32
      %lt3A_195 = arith.constant 16 : i32
      %lt3A_196 = arith.cmpi slt, %add3A_192, %lt3A_195 : i32
      %and3A_197 = arith.andi %ge3A_194, %lt3A_196 : i1
      %convert_element_type3A_198 = arith.extui %and3A_197 : i1 to i32
      %cond3A_199 = arith.constant 0 : i32
      %cond3A_200 = arith.cmpi ne, %convert_element_type3A_198, %cond3A_199 : i32
      scf.if %cond3A_200 {
        %dma_start3A_409 = arith.constant 0 : i32
        %dma_start3A_410 = arith.constant 0 : i32
        %dma_start3A_411 = tpu.memref_slice %arg2[%dma_start3A_409, %dma_start3A_410] : memref<20000x128xf32, #tpu.memory_space<hbm>> -> memref<20000x128xf32, #tpu.memory_space<hbm>>
        tpu.enqueue_indirect_dma source(%dma_start3A_411 : memref<20000x128xf32, #tpu.memory_space<hbm>>) target(%arg15 : memref<128x128xf32, #tpu.memory_space<vmem>>) offsets(%arg7 : memref<128xi32, #tpu.memory_space<vmem>>) semaphore(%arg22 : memref<!tpu.dma_semaphore, #tpu.memory_space<semaphore_mem>>)
      } else {
      }
      %mul3A_201 = arith.constant 6 : i32
      %mul3A_202 = arith.muli %mul3A_201, %scan3A_102 : i32
      %add3A_203 = arith.constant 2 : i32
      %add3A_204 = arith.addi %mul3A_202, %add3A_203 : i32
      %ge3A_205 = arith.constant 0 : i32
      %ge3A_206 = arith.cmpi sge, %add3A_204, %ge3A_205 : i32
      %lt3A_207 = arith.constant 16 : i32
      %lt3A_208 = arith.cmpi slt, %add3A_204, %lt3A_207 : i32
      %and3A_209 = arith.andi %ge3A_206, %lt3A_208 : i1
      %convert_element_type3A_210 = arith.extui %and3A_209 : i1 to i32
      %cond3A_211 = arith.constant 0 : i32
      %cond3A_212 = arith.cmpi ne, %convert_element_type3A_210, %cond3A_211 : i32
      scf.if %cond3A_212 {
        %dma_wait3A_409 = arith.constant 0 : i32
        %dma_wait3A_410 = arith.constant 0 : i32
        %dma_wait3A_411 = tpu.memref_slice %arg2[%dma_wait3A_409, %dma_wait3A_410] : memref<20000x128xf32, #tpu.memory_space<hbm>> -> memref<20000x128xf32, #tpu.memory_space<hbm>>
        tpu.wait_indirect_dma semaphore(%arg24 : memref<!tpu.dma_semaphore, #tpu.memory_space<semaphore_mem>>) src(%dma_wait3A_411 : memref<20000x128xf32, #tpu.memory_space<hbm>>) dst(%arg17 : memref<128x128xf32, #tpu.memory_space<vmem>>)
        %get3A = arith.constant 0 : index
        %get3A_412 = tpu.vector_load %arg12[%get3A] {strides = array<i32>} : memref<128xi32, #tpu.memory_space<vmem>>, vector<16xi32>,
        %get3A_413 = vector.shape_cast %get3A_412 : vector<16xi32> to vector<16xi32>
        %swap3A = arith.constant 0 : i32
        %swap3A_414 = arith.index_cast %swap3A : i32 to index
        %swap3A_415 = arith.constant 0 : index
        %swap3A_416 = tpu.vector_load %arg13[%swap3A_414, %swap3A_415] {strides = array<i32>} : memref<1x128xi32, #tpu.memory_space<vmem>>, vector<1x16xi32>,
        %swap3A_417 = vector.shape_cast %swap3A_416 : vector<1x16xi32> to vector<16xi32>
        %swap3A_418 = vector.shape_cast %get3A_413 : vector<16xi32> to vector<1x16xi32>
        tpu.vector_store %arg13[%swap3A_414, %swap3A_415], %swap3A_418 {strides = array<i32>} : memref<1x128xi32, #tpu.memory_space<vmem>>, vector<1x16xi32>,
        %get3A_419 = arith.constant 16 : index
        %get3A_420 = tpu.vector_load %arg12[%get3A_419] {strides = array<i32>} : memref<128xi32, #tpu.memory_space<vmem>>, vector<16xi32>,
        %get3A_421 = vector.shape_cast %get3A_420 : vector<16xi32> to vector<16xi32>
        %swap3A_422 = arith.constant 0 : i32
        %swap3A_423 = arith.index_cast %swap3A_422 : i32 to index
        %swap3A_424 = arith.constant 16 : index
        %swap3A_425 = tpu.vector_load %arg13[%swap3A_423, %swap3A_424] {strides = array<i32>} : memref<1x128xi32, #tpu.memory_space<vmem>>, vector<1x16xi32>,
        %swap3A_426 = vector.shape_cast %swap3A_425 : vector<1x16xi32> to vector<16xi32>
        %swap3A_427 = vector.shape_cast %get3A_421 : vector<16xi32> to vector<1x16xi32>
        tpu.vector_store %arg13[%swap3A_423, %swap3A_424], %swap3A_427 {strides = array<i32>} : memref<1x128xi32, #tpu.memory_space<vmem>>, vector<1x16xi32>,
        %get3A_428 = arith.constant 32 : index
        %get3A_429 = tpu.vector_load %arg12[%get3A_428] {strides = array<i32>} : memref<128xi32, #tpu.memory_space<vmem>>, vector<16xi32>,
        %get3A_430 = vector.shape_cast %get3A_429 : vector<16xi32> to vector<16xi32>
        %swap3A_431 = arith.constant 0 : i32
        %swap3A_432 = arith.index_cast %swap3A_431 : i32 to index
        %swap3A_433 = arith.constant 32 : index
        %swap3A_434 = tpu.vector_load %arg13[%swap3A_432, %swap3A_433] {strides = array<i32>} : memref<1x128xi32, #tpu.memory_space<vmem>>, vector<1x16xi32>,
        %swap3A_435 = vector.shape_cast %swap3A_434 : vector<1x16xi32> to vector<16xi32>
        %swap3A_436 = vector.shape_cast %get3A_430 : vector<16xi32> to vector<1x16xi32>
        tpu.vector_store %arg13[%swap3A_432, %swap3A_433], %swap3A_436 {strides = array<i32>} : memref<1x128xi32, #tpu.memory_space<vmem>>, vector<1x16xi32>,
        %get3A_437 = arith.constant 48 : index
        %get3A_438 = tpu.vector_load %arg12[%get3A_437] {strides = array<i32>} : memref<128xi32, #tpu.memory_space<vmem>>, vector<16xi32>,
        %get3A_439 = vector.shape_cast %get3A_438 : vector<16xi32> to vector<16xi32>
        %swap3A_440 = arith.constant 0 : i32
        %swap3A_441 = arith.index_cast %swap3A_440 : i32 to index
        %swap3A_442 = arith.constant 48 : index
        %swap3A_443 = tpu.vector_load %arg13[%swap3A_441, %swap3A_442] {strides = array<i32>} : memref<1x128xi32, #tpu.memory_space<vmem>>, vector<1x16xi32>,
        %swap3A_444 = vector.shape_cast %swap3A_443 : vector<1x16xi32> to vector<16xi32>
        %swap3A_445 = vector.shape_cast %get3A_439 : vector<16xi32> to vector<1x16xi32>
        tpu.vector_store %arg13[%swap3A_441, %swap3A_442], %swap3A_445 {strides = array<i32>} : memref<1x128xi32, #tpu.memory_space<vmem>>, vector<1x16xi32>,
        %get3A_446 = arith.constant 64 : index
        %get3A_447 = tpu.vector_load %arg12[%get3A_446] {strides = array<i32>} : memref<128xi32, #tpu.memory_space<vmem>>, vector<16xi32>,
        %get3A_448 = vector.shape_cast %get3A_447 : vector<16xi32> to vector<16xi32>
        %swap3A_449 = arith.constant 0 : i32
        %swap3A_450 = arith.index_cast %swap3A_449 : i32 to index
        %swap3A_451 = arith.constant 64 : index
        %swap3A_452 = tpu.vector_load %arg13[%swap3A_450, %swap3A_451] {strides = array<i32>} : memref<1x128xi32, #tpu.memory_space<vmem>>, vector<1x16xi32>,
        %swap3A_453 = vector.shape_cast %swap3A_452 : vector<1x16xi32> to vector<16xi32>
        %swap3A_454 = vector.shape_cast %get3A_448 : vector<16xi32> to vector<1x16xi32>
        tpu.vector_store %arg13[%swap3A_450, %swap3A_451], %swap3A_454 {strides = array<i32>} : memref<1x128xi32, #tpu.memory_space<vmem>>, vector<1x16xi32>,
        %get3A_455 = arith.constant 80 : index
        %get3A_456 = tpu.vector_load %arg12[%get3A_455] {strides = array<i32>} : memref<128xi32, #tpu.memory_space<vmem>>, vector<16xi32>,
        %get3A_457 = vector.shape_cast %get3A_456 : vector<16xi32> to vector<16xi32>
        %swap3A_458 = arith.constant 0 : i32
        %swap3A_459 = arith.index_cast %swap3A_458 : i32 to index
        %swap3A_460 = arith.constant 80 : index
        %swap3A_461 = tpu.vector_load %arg13[%swap3A_459, %swap3A_460] {strides = array<i32>} : memref<1x128xi32, #tpu.memory_space<vmem>>, vector<1x16xi32>,
        %swap3A_462 = vector.shape_cast %swap3A_461 : vector<1x16xi32> to vector<16xi32>
        %swap3A_463 = vector.shape_cast %get3A_457 : vector<16xi32> to vector<1x16xi32>
        tpu.vector_store %arg13[%swap3A_459, %swap3A_460], %swap3A_463 {strides = array<i32>} : memref<1x128xi32, #tpu.memory_space<vmem>>, vector<1x16xi32>,
        %get3A_464 = arith.constant 96 : index
        %get3A_465 = tpu.vector_load %arg12[%get3A_464] {strides = array<i32>} : memref<128xi32, #tpu.memory_space<vmem>>, vector<16xi32>,
        %get3A_466 = vector.shape_cast %get3A_465 : vector<16xi32> to vector<16xi32>
        %swap3A_467 = arith.constant 0 : i32
        %swap3A_468 = arith.index_cast %swap3A_467 : i32 to index
        %swap3A_469 = arith.constant 96 : index
        %swap3A_470 = tpu.vector_load %arg13[%swap3A_468, %swap3A_469] {strides = array<i32>} : memref<1x128xi32, #tpu.memory_space<vmem>>, vector<1x16xi32>,
        %swap3A_471 = vector.shape_cast %swap3A_470 : vector<1x16xi32> to vector<16xi32>
        %swap3A_472 = vector.shape_cast %get3A_466 : vector<16xi32> to vector<1x16xi32>
        tpu.vector_store %arg13[%swap3A_468, %swap3A_469], %swap3A_472 {strides = array<i32>} : memref<1x128xi32, #tpu.memory_space<vmem>>, vector<1x16xi32>,
        %get3A_473 = arith.constant 112 : index
        %get3A_474 = tpu.vector_load %arg12[%get3A_473] {strides = array<i32>} : memref<128xi32, #tpu.memory_space<vmem>>, vector<16xi32>,
        %get3A_475 = vector.shape_cast %get3A_474 : vector<16xi32> to vector<16xi32>
        %swap3A_476 = arith.constant 0 : i32
        %swap3A_477 = arith.index_cast %swap3A_476 : i32 to index
        %swap3A_478 = arith.constant 112 : index
        %swap3A_479 = tpu.vector_load %arg13[%swap3A_477, %swap3A_478] {strides = array<i32>} : memref<1x128xi32, #tpu.memory_space<vmem>>, vector<1x16xi32>,
        %swap3A_480 = vector.shape_cast %swap3A_479 : vector<1x16xi32> to vector<16xi32>
        %swap3A_481 = vector.shape_cast %get3A_475 : vector<16xi32> to vector<1x16xi32>
        tpu.vector_store %arg13[%swap3A_477, %swap3A_478], %swap3A_481 {strides = array<i32>} : memref<1x128xi32, #tpu.memory_space<vmem>>, vector<1x16xi32>,
        %dma_start3A_482 = arith.constant 0 : i32
        %dma_start3A_483 = arith.constant 0 : i32
        %dma_start3A_484 = tpu.memref_slice %arg13[%dma_start3A_482, %dma_start3A_483] : memref<1x128xi32, #tpu.memory_space<vmem>> -> memref<1x128xi32, #tpu.memory_space<vmem>>
        %dma_start3A_485 = tpu.memref_squeeze %dma_start3A_484 : memref<1x128xi32, #tpu.memory_space<vmem>> -> memref<128xi32, #tpu.memory_space<vmem>>
        %dma_start3A_486 = arith.constant 0 : i32
        %dma_start3A_487 = arith.constant 0 : i32
        %dma_start3A_488 = tpu.memref_slice %arg18[%dma_start3A_486, %dma_start3A_487] : memref<4096x128xf32, #tpu.memory_space<vmem_shared>> -> memref<4096x128xf32, #tpu.memory_space<vmem_shared>>
        tpu.enqueue_indirect_dma source(%arg17 : memref<128x128xf32, #tpu.memory_space<vmem>>) target(%dma_start3A_488 : memref<4096x128xf32, #tpu.memory_space<vmem_shared>>) offsets(%dma_start3A_485 : memref<128xi32, #tpu.memory_space<vmem>>) semaphore(%arg25 : memref<!tpu.dma_semaphore, #tpu.memory_space<semaphore_mem>>) {add = true}
      } else {
      }
      %add3A_213 = arith.constant 3 : i32
      %add3A_214 = arith.addi %add3A_204, %add3A_213 : i32
      %ge3A_215 = arith.constant 0 : i32
      %ge3A_216 = arith.cmpi sge, %add3A_214, %ge3A_215 : i32
      %lt3A_217 = arith.constant 16 : i32
      %lt3A_218 = arith.cmpi slt, %add3A_214, %lt3A_217 : i32
      %and3A_219 = arith.andi %ge3A_216, %lt3A_218 : i1
      %convert_element_type3A_220 = arith.extui %and3A_219 : i1 to i32
      %cond3A_221 = arith.constant 0 : i32
      %cond3A_222 = arith.cmpi ne, %convert_element_type3A_220, %cond3A_221 : i32
      scf.if %cond3A_222 {
        %mul3A_409 = arith.constant 256 : i32
        %mul3A_410 = arith.muli %arg0, %mul3A_409 : i32
        %add3A_411 = arith.addi %mul3A_410, %arg1 : i32
        %mul3A_412 = arith.constant 16 : i32
        %mul3A_413 = arith.muli %mul3A_412, %add3A_214 : i32
        %add3A_414 = arith.addi %add3A_411, %mul3A_413 : i32
        %dma_start3A_415 = arith.constant 0 : i32
        %dma_start3A_416 = tpu.memref_slice %arg3[%add3A_414, %dma_start3A_415] : memref<512x128xi32, #tpu.memory_space<hbm>> -> memref<1x128xi32, #tpu.memory_space<hbm>>
        %dma_start3A_417 = tpu.memref_squeeze %dma_start3A_416 : memref<1x128xi32, #tpu.memory_space<hbm>> -> memref<128xi32, #tpu.memory_space<hbm>>
        %dma_start3A_418 = arith.constant 0 : i32
        %dma_start3A_419 = tpu.memref_slice %arg3[%add3A_414, %dma_start3A_418] : memref<512x128xi32, #tpu.memory_space<hbm>> -> memref<1x128xi32, #tpu.memory_space<hbm>>
        %dma_start3A_420 = tpu.memref_squeeze %dma_start3A_419 : memref<1x128xi32, #tpu.memory_space<hbm>> -> memref<128xi32, #tpu.memory_space<hbm>>
        tpu.enqueue_dma source(%dma_start3A_420 : memref<128xi32, #tpu.memory_space<hbm>>) target(%arg9 : memref<128xi32, #tpu.memory_space<vmem>>) target_semaphore(%arg21 : memref<!tpu.dma_semaphore, #tpu.memory_space<semaphore_mem>>)
        %dma_start3A_421 = arith.constant 0 : i32
        %dma_start3A_422 = tpu.memref_slice %arg4[%add3A_414, %dma_start3A_421] : memref<512x128xi32, #tpu.memory_space<hbm>> -> memref<1x128xi32, #tpu.memory_space<hbm>>
        %dma_start3A_423 = tpu.memref_squeeze %dma_start3A_422 : memref<1x128xi32, #tpu.memory_space<hbm>> -> memref<128xi32, #tpu.memory_space<hbm>>
        %dma_start3A_424 = arith.constant 0 : i32
        %dma_start3A_425 = tpu.memref_slice %arg4[%add3A_414, %dma_start3A_424] : memref<512x128xi32, #tpu.memory_space<hbm>> -> memref<1x128xi32, #tpu.memory_space<hbm>>
        %dma_start3A_426 = tpu.memref_squeeze %dma_start3A_425 : memref<1x128xi32, #tpu.memory_space<hbm>> -> memref<128xi32, #tpu.memory_space<hbm>>
        tpu.enqueue_dma source(%dma_start3A_426 : memref<128xi32, #tpu.memory_space<hbm>>) target(%arg12 : memref<128xi32, #tpu.memory_space<vmem>>) target_semaphore(%arg21 : memref<!tpu.dma_semaphore, #tpu.memory_space<semaphore_mem>>)
      } else {
      }
      %sub3A_223 = arith.constant 1 : i32
      %sub3A_224 = arith.subi %add3A_204, %sub3A_223 : i32
      %ge3A_225 = arith.constant 0 : i32
      %ge3A_226 = arith.cmpi sge, %sub3A_224, %ge3A_225 : i32
      %lt3A_227 = arith.constant 16 : i32
      %lt3A_228 = arith.cmpi slt, %sub3A_224, %lt3A_227 : i32
      %and3A_229 = arith.andi %ge3A_226, %lt3A_228 : i1
      %convert_element_type3A_230 = arith.extui %and3A_229 : i1 to i32
      %cond3A_231 = arith.constant 0 : i32
      %cond3A_232 = arith.cmpi ne, %convert_element_type3A_230, %cond3A_231 : i32
      scf.if %cond3A_232 {
        %dma_wait3A_409 = arith.constant 0 : i32
        %dma_wait3A_410 = arith.constant 0 : i32
        %dma_wait3A_411 = tpu.memref_slice %arg14[%dma_wait3A_409, %dma_wait3A_410] : memref<1x128xi32, #tpu.memory_space<vmem>> -> memref<1x128xi32, #tpu.memory_space<vmem>>
        %dma_wait3A_412 = tpu.memref_squeeze %dma_wait3A_411 : memref<1x128xi32, #tpu.memory_space<vmem>> -> memref<128xi32, #tpu.memory_space<vmem>>
        %dma_wait3A_413 = arith.constant 0 : i32
        %dma_wait3A_414 = arith.constant 0 : i32
        %dma_wait3A_415 = tpu.memref_slice %arg18[%dma_wait3A_413, %dma_wait3A_414] : memref<4096x128xf32, #tpu.memory_space<vmem_shared>> -> memref<4096x128xf32, #tpu.memory_space<vmem_shared>>
        tpu.wait_indirect_dma semaphore(%arg26 : memref<!tpu.dma_semaphore, #tpu.memory_space<semaphore_mem>>) src(%arg16 : memref<128x128xf32, #tpu.memory_space<vmem>>) dst(%dma_wait3A_415 : memref<4096x128xf32, #tpu.memory_space<vmem_shared>>)
      } else {
      }
      %add3A_233 = arith.constant 2 : i32
      %add3A_234 = arith.addi %add3A_204, %add3A_233 : i32
      %ge3A_235 = arith.constant 0 : i32
      %ge3A_236 = arith.cmpi sge, %add3A_234, %ge3A_235 : i32
      %lt3A_237 = arith.constant 16 : i32
      %lt3A_238 = arith.cmpi slt, %add3A_234, %lt3A_237 : i32
      %and3A_239 = arith.andi %ge3A_236, %lt3A_238 : i1
      %convert_element_type3A_240 = arith.extui %and3A_239 : i1 to i32
      %cond3A_241 = arith.constant 0 : i32
      %cond3A_242 = arith.cmpi ne, %convert_element_type3A_240, %cond3A_241 : i32
      scf.if %cond3A_242 {
        %mul3A_409 = arith.constant 256 : i32
        %mul3A_410 = arith.muli %arg0, %mul3A_409 : i32
        %add3A_411 = arith.addi %mul3A_410, %arg1 : i32
        %mul3A_412 = arith.constant 16 : i32
        %mul3A_413 = arith.muli %mul3A_412, %add3A_234 : i32
        %add3A_414 = arith.addi %add3A_411, %mul3A_413 : i32
        %dma_wait3A_415 = arith.constant 0 : i32
        %dma_wait3A_416 = tpu.memref_slice %arg3[%add3A_414, %dma_wait3A_415] : memref<512x128xi32, #tpu.memory_space<hbm>> -> memref<1x128xi32, #tpu.memory_space<hbm>>
        %dma_wait3A_417 = tpu.memref_squeeze %dma_wait3A_416 : memref<1x128xi32, #tpu.memory_space<hbm>> -> memref<128xi32, #tpu.memory_space<hbm>>
        %dma_wait3A_418 = arith.constant 0 : i32
        %dma_wait3A_419 = tpu.memref_slice %arg3[%add3A_414, %dma_wait3A_418] : memref<512x128xi32, #tpu.memory_space<hbm>> -> memref<1x128xi32, #tpu.memory_space<hbm>>
        %dma_wait3A_420 = tpu.memref_squeeze %dma_wait3A_419 : memref<1x128xi32, #tpu.memory_space<hbm>> -> memref<128xi32, #tpu.memory_space<hbm>>
        tpu.wait_dma2 semaphore(%arg20 : memref<!tpu.dma_semaphore, #tpu.memory_space<semaphore_mem>>) src(%dma_wait3A_420 : memref<128xi32, #tpu.memory_space<hbm>>) dst(%arg8 : memref<128xi32, #tpu.memory_space<vmem>>)
        %dma_wait3A_421 = arith.constant 0 : i32
        %dma_wait3A_422 = tpu.memref_slice %arg4[%add3A_414, %dma_wait3A_421] : memref<512x128xi32, #tpu.memory_space<hbm>> -> memref<1x128xi32, #tpu.memory_space<hbm>>
        %dma_wait3A_423 = tpu.memref_squeeze %dma_wait3A_422 : memref<1x128xi32, #tpu.memory_space<hbm>> -> memref<128xi32, #tpu.memory_space<hbm>>
        %dma_wait3A_424 = arith.constant 0 : i32
        %dma_wait3A_425 = tpu.memref_slice %arg4[%add3A_414, %dma_wait3A_424] : memref<512x128xi32, #tpu.memory_space<hbm>> -> memref<1x128xi32, #tpu.memory_space<hbm>>
        %dma_wait3A_426 = tpu.memref_squeeze %dma_wait3A_425 : memref<1x128xi32, #tpu.memory_space<hbm>> -> memref<128xi32, #tpu.memory_space<hbm>>
        tpu.wait_dma2 semaphore(%arg20 : memref<!tpu.dma_semaphore, #tpu.memory_space<semaphore_mem>>) src(%dma_wait3A_426 : memref<128xi32, #tpu.memory_space<hbm>>) dst(%arg11 : memref<128xi32, #tpu.memory_space<vmem>>)
      } else {
      }
      %add3A_243 = arith.constant 2 : i32
      %add3A_244 = arith.addi %add3A_204, %add3A_243 : i32
      %ge3A_245 = arith.constant 0 : i32
      %ge3A_246 = arith.cmpi sge, %add3A_244, %ge3A_245 : i32
      %lt3A_247 = arith.constant 16 : i32
      %lt3A_248 = arith.cmpi slt, %add3A_244, %lt3A_247 : i32
      %and3A_249 = arith.andi %ge3A_246, %lt3A_248 : i1
      %convert_element_type3A_250 = arith.extui %and3A_249 : i1 to i32
      %cond3A_251 = arith.constant 0 : i32
      %cond3A_252 = arith.cmpi ne, %convert_element_type3A_250, %cond3A_251 : i32
      scf.if %cond3A_252 {
        %dma_start3A_409 = arith.constant 0 : i32
        %dma_start3A_410 = arith.constant 0 : i32
        %dma_start3A_411 = tpu.memref_slice %arg2[%dma_start3A_409, %dma_start3A_410] : memref<20000x128xf32, #tpu.memory_space<hbm>> -> memref<20000x128xf32, #tpu.memory_space<hbm>>
        tpu.enqueue_indirect_dma source(%dma_start3A_411 : memref<20000x128xf32, #tpu.memory_space<hbm>>) target(%arg16 : memref<128x128xf32, #tpu.memory_space<vmem>>) offsets(%arg8 : memref<128xi32, #tpu.memory_space<vmem>>) semaphore(%arg23 : memref<!tpu.dma_semaphore, #tpu.memory_space<semaphore_mem>>)
      } else {
      }
      %mul3A_253 = arith.constant 6 : i32
      %mul3A_254 = arith.muli %mul3A_253, %scan3A_102 : i32
      %add3A_255 = arith.constant 3 : i32
      %add3A_256 = arith.addi %mul3A_254, %add3A_255 : i32
      %ge3A_257 = arith.constant 0 : i32
      %ge3A_258 = arith.cmpi sge, %add3A_256, %ge3A_257 : i32
      %lt3A_259 = arith.constant 16 : i32
      %lt3A_260 = arith.cmpi slt, %add3A_256, %lt3A_259 : i32
      %and3A_261 = arith.andi %ge3A_258, %lt3A_260 : i1
      %convert_element_type3A_262 = arith.extui %and3A_261 : i1 to i32
      %cond3A_263 = arith.constant 0 : i32
      %cond3A_264 = arith.cmpi ne, %convert_element_type3A_262, %cond3A_263 : i32
      scf.if %cond3A_264 {
        %dma_wait3A_409 = arith.constant 0 : i32
        %dma_wait3A_410 = arith.constant 0 : i32
        %dma_wait3A_411 = tpu.memref_slice %arg2[%dma_wait3A_409, %dma_wait3A_410] : memref<20000x128xf32, #tpu.memory_space<hbm>> -> memref<20000x128xf32, #tpu.memory_space<hbm>>
        tpu.wait_indirect_dma semaphore(%arg22 : memref<!tpu.dma_semaphore, #tpu.memory_space<semaphore_mem>>) src(%dma_wait3A_411 : memref<20000x128xf32, #tpu.memory_space<hbm>>) dst(%arg15 : memref<128x128xf32, #tpu.memory_space<vmem>>)
        %get3A = arith.constant 0 : index
        %get3A_412 = tpu.vector_load %arg10[%get3A] {strides = array<i32>} : memref<128xi32, #tpu.memory_space<vmem>>, vector<16xi32>,
        %get3A_413 = vector.shape_cast %get3A_412 : vector<16xi32> to vector<16xi32>
        %swap3A = arith.constant 0 : i32
        %swap3A_414 = arith.index_cast %swap3A : i32 to index
        %swap3A_415 = arith.constant 0 : index
        %swap3A_416 = tpu.vector_load %arg14[%swap3A_414, %swap3A_415] {strides = array<i32>} : memref<1x128xi32, #tpu.memory_space<vmem>>, vector<1x16xi32>,
        %swap3A_417 = vector.shape_cast %swap3A_416 : vector<1x16xi32> to vector<16xi32>
        %swap3A_418 = vector.shape_cast %get3A_413 : vector<16xi32> to vector<1x16xi32>
        tpu.vector_store %arg14[%swap3A_414, %swap3A_415], %swap3A_418 {strides = array<i32>} : memref<1x128xi32, #tpu.memory_space<vmem>>, vector<1x16xi32>,
        %get3A_419 = arith.constant 16 : index
        %get3A_420 = tpu.vector_load %arg10[%get3A_419] {strides = array<i32>} : memref<128xi32, #tpu.memory_space<vmem>>, vector<16xi32>,
        %get3A_421 = vector.shape_cast %get3A_420 : vector<16xi32> to vector<16xi32>
        %swap3A_422 = arith.constant 0 : i32
        %swap3A_423 = arith.index_cast %swap3A_422 : i32 to index
        %swap3A_424 = arith.constant 16 : index
        %swap3A_425 = tpu.vector_load %arg14[%swap3A_423, %swap3A_424] {strides = array<i32>} : memref<1x128xi32, #tpu.memory_space<vmem>>, vector<1x16xi32>,
        %swap3A_426 = vector.shape_cast %swap3A_425 : vector<1x16xi32> to vector<16xi32>
        %swap3A_427 = vector.shape_cast %get3A_421 : vector<16xi32> to vector<1x16xi32>
        tpu.vector_store %arg14[%swap3A_423, %swap3A_424], %swap3A_427 {strides = array<i32>} : memref<1x128xi32, #tpu.memory_space<vmem>>, vector<1x16xi32>,
        %get3A_428 = arith.constant 32 : index
        %get3A_429 = tpu.vector_load %arg10[%get3A_428] {strides = array<i32>} : memref<128xi32, #tpu.memory_space<vmem>>, vector<16xi32>,
        %get3A_430 = vector.shape_cast %get3A_429 : vector<16xi32> to vector<16xi32>
        %swap3A_431 = arith.constant 0 : i32
        %swap3A_432 = arith.index_cast %swap3A_431 : i32 to index
        %swap3A_433 = arith.constant 32 : index
        %swap3A_434 = tpu.vector_load %arg14[%swap3A_432, %swap3A_433] {strides = array<i32>} : memref<1x128xi32, #tpu.memory_space<vmem>>, vector<1x16xi32>,
        %swap3A_435 = vector.shape_cast %swap3A_434 : vector<1x16xi32> to vector<16xi32>
        %swap3A_436 = vector.shape_cast %get3A_430 : vector<16xi32> to vector<1x16xi32>
        tpu.vector_store %arg14[%swap3A_432, %swap3A_433], %swap3A_436 {strides = array<i32>} : memref<1x128xi32, #tpu.memory_space<vmem>>, vector<1x16xi32>,
        %get3A_437 = arith.constant 48 : index
        %get3A_438 = tpu.vector_load %arg10[%get3A_437] {strides = array<i32>} : memref<128xi32, #tpu.memory_space<vmem>>, vector<16xi32>,
        %get3A_439 = vector.shape_cast %get3A_438 : vector<16xi32> to vector<16xi32>
        %swap3A_440 = arith.constant 0 : i32
        %swap3A_441 = arith.index_cast %swap3A_440 : i32 to index
        %swap3A_442 = arith.constant 48 : index
        %swap3A_443 = tpu.vector_load %arg14[%swap3A_441, %swap3A_442] {strides = array<i32>} : memref<1x128xi32, #tpu.memory_space<vmem>>, vector<1x16xi32>,
        %swap3A_444 = vector.shape_cast %swap3A_443 : vector<1x16xi32> to vector<16xi32>
        %swap3A_445 = vector.shape_cast %get3A_439 : vector<16xi32> to vector<1x16xi32>
        tpu.vector_store %arg14[%swap3A_441, %swap3A_442], %swap3A_445 {strides = array<i32>} : memref<1x128xi32, #tpu.memory_space<vmem>>, vector<1x16xi32>,
        %get3A_446 = arith.constant 64 : index
        %get3A_447 = tpu.vector_load %arg10[%get3A_446] {strides = array<i32>} : memref<128xi32, #tpu.memory_space<vmem>>, vector<16xi32>,
        %get3A_448 = vector.shape_cast %get3A_447 : vector<16xi32> to vector<16xi32>
        %swap3A_449 = arith.constant 0 : i32
        %swap3A_450 = arith.index_cast %swap3A_449 : i32 to index
        %swap3A_451 = arith.constant 64 : index
        %swap3A_452 = tpu.vector_load %arg14[%swap3A_450, %swap3A_451] {strides = array<i32>} : memref<1x128xi32, #tpu.memory_space<vmem>>, vector<1x16xi32>,
        %swap3A_453 = vector.shape_cast %swap3A_452 : vector<1x16xi32> to vector<16xi32>
        %swap3A_454 = vector.shape_cast %get3A_448 : vector<16xi32> to vector<1x16xi32>
        tpu.vector_store %arg14[%swap3A_450, %swap3A_451], %swap3A_454 {strides = array<i32>} : memref<1x128xi32, #tpu.memory_space<vmem>>, vector<1x16xi32>,
        %get3A_455 = arith.constant 80 : index
        %get3A_456 = tpu.vector_load %arg10[%get3A_455] {strides = array<i32>} : memref<128xi32, #tpu.memory_space<vmem>>, vector<16xi32>,
        %get3A_457 = vector.shape_cast %get3A_456 : vector<16xi32> to vector<16xi32>
        %swap3A_458 = arith.constant 0 : i32
        %swap3A_459 = arith.index_cast %swap3A_458 : i32 to index
        %swap3A_460 = arith.constant 80 : index
        %swap3A_461 = tpu.vector_load %arg14[%swap3A_459, %swap3A_460] {strides = array<i32>} : memref<1x128xi32, #tpu.memory_space<vmem>>, vector<1x16xi32>,
        %swap3A_462 = vector.shape_cast %swap3A_461 : vector<1x16xi32> to vector<16xi32>
        %swap3A_463 = vector.shape_cast %get3A_457 : vector<16xi32> to vector<1x16xi32>
        tpu.vector_store %arg14[%swap3A_459, %swap3A_460], %swap3A_463 {strides = array<i32>} : memref<1x128xi32, #tpu.memory_space<vmem>>, vector<1x16xi32>,
        %get3A_464 = arith.constant 96 : index
        %get3A_465 = tpu.vector_load %arg10[%get3A_464] {strides = array<i32>} : memref<128xi32, #tpu.memory_space<vmem>>, vector<16xi32>,
        %get3A_466 = vector.shape_cast %get3A_465 : vector<16xi32> to vector<16xi32>
        %swap3A_467 = arith.constant 0 : i32
        %swap3A_468 = arith.index_cast %swap3A_467 : i32 to index
        %swap3A_469 = arith.constant 96 : index
        %swap3A_470 = tpu.vector_load %arg14[%swap3A_468, %swap3A_469] {strides = array<i32>} : memref<1x128xi32, #tpu.memory_space<vmem>>, vector<1x16xi32>,
        %swap3A_471 = vector.shape_cast %swap3A_470 : vector<1x16xi32> to vector<16xi32>
        %swap3A_472 = vector.shape_cast %get3A_466 : vector<16xi32> to vector<1x16xi32>
        tpu.vector_store %arg14[%swap3A_468, %swap3A_469], %swap3A_472 {strides = array<i32>} : memref<1x128xi32, #tpu.memory_space<vmem>>, vector<1x16xi32>,
        %get3A_473 = arith.constant 112 : index
        %get3A_474 = tpu.vector_load %arg10[%get3A_473] {strides = array<i32>} : memref<128xi32, #tpu.memory_space<vmem>>, vector<16xi32>,
        %get3A_475 = vector.shape_cast %get3A_474 : vector<16xi32> to vector<16xi32>
        %swap3A_476 = arith.constant 0 : i32
        %swap3A_477 = arith.index_cast %swap3A_476 : i32 to index
        %swap3A_478 = arith.constant 112 : index
        %swap3A_479 = tpu.vector_load %arg14[%swap3A_477, %swap3A_478] {strides = array<i32>} : memref<1x128xi32, #tpu.memory_space<vmem>>, vector<1x16xi32>,
        %swap3A_480 = vector.shape_cast %swap3A_479 : vector<1x16xi32> to vector<16xi32>
        %swap3A_481 = vector.shape_cast %get3A_475 : vector<16xi32> to vector<1x16xi32>
        tpu.vector_store %arg14[%swap3A_477, %swap3A_478], %swap3A_481 {strides = array<i32>} : memref<1x128xi32, #tpu.memory_space<vmem>>, vector<1x16xi32>,
        %dma_start3A_482 = arith.constant 0 : i32
        %dma_start3A_483 = arith.constant 0 : i32
        %dma_start3A_484 = tpu.memref_slice %arg14[%dma_start3A_482, %dma_start3A_483] : memref<1x128xi32, #tpu.memory_space<vmem>> -> memref<1x128xi32, #tpu.memory_space<vmem>>
        %dma_start3A_485 = tpu.memref_squeeze %dma_start3A_484 : memref<1x128xi32, #tpu.memory_space<vmem>> -> memref<128xi32, #tpu.memory_space<vmem>>
        %dma_start3A_486 = arith.constant 0 : i32
        %dma_start3A_487 = arith.constant 0 : i32
        %dma_start3A_488 = tpu.memref_slice %arg18[%dma_start3A_486, %dma_start3A_487] : memref<4096x128xf32, #tpu.memory_space<vmem_shared>> -> memref<4096x128xf32, #tpu.memory_space<vmem_shared>>
        tpu.enqueue_indirect_dma source(%arg15 : memref<128x128xf32, #tpu.memory_space<vmem>>) target(%dma_start3A_488 : memref<4096x128xf32, #tpu.memory_space<vmem_shared>>) offsets(%dma_start3A_485 : memref<128xi32, #tpu.memory_space<vmem>>) semaphore(%arg26 : memref<!tpu.dma_semaphore, #tpu.memory_space<semaphore_mem>>) {add = true}
      } else {
      }
      %add3A_265 = arith.constant 3 : i32
      %add3A_266 = arith.addi %add3A_256, %add3A_265 : i32
      %ge3A_267 = arith.constant 0 : i32
      %ge3A_268 = arith.cmpi sge, %add3A_266, %ge3A_267 : i32
      %lt3A_269 = arith.constant 16 : i32
      %lt3A_270 = arith.cmpi slt, %add3A_266, %lt3A_269 : i32
      %and3A_271 = arith.andi %ge3A_268, %lt3A_270 : i1
      %convert_element_type3A_272 = arith.extui %and3A_271 : i1 to i32
      %cond3A_273 = arith.constant 0 : i32
      %cond3A_274 = arith.cmpi ne, %convert_element_type3A_272, %cond3A_273 : i32
      scf.if %cond3A_274 {
        %mul3A_409 = arith.constant 256 : i32
        %mul3A_410 = arith.muli %arg0, %mul3A_409 : i32
        %add3A_411 = arith.addi %mul3A_410, %arg1 : i32
        %mul3A_412 = arith.constant 16 : i32
        %mul3A_413 = arith.muli %mul3A_412, %add3A_266 : i32
        %add3A_414 = arith.addi %add3A_411, %mul3A_413 : i32
        %dma_start3A_415 = arith.constant 0 : i32
        %dma_start3A_416 = tpu.memref_slice %arg3[%add3A_414, %dma_start3A_415] : memref<512x128xi32, #tpu.memory_space<hbm>> -> memref<1x128xi32, #tpu.memory_space<hbm>>
        %dma_start3A_417 = tpu.memref_squeeze %dma_start3A_416 : memref<1x128xi32, #tpu.memory_space<hbm>> -> memref<128xi32, #tpu.memory_space<hbm>>
        %dma_start3A_418 = arith.constant 0 : i32
        %dma_start3A_419 = tpu.memref_slice %arg3[%add3A_414, %dma_start3A_418] : memref<512x128xi32, #tpu.memory_space<hbm>> -> memref<1x128xi32, #tpu.memory_space<hbm>>
        %dma_start3A_420 = tpu.memref_squeeze %dma_start3A_419 : memref<1x128xi32, #tpu.memory_space<hbm>> -> memref<128xi32, #tpu.memory_space<hbm>>
        tpu.enqueue_dma source(%dma_start3A_420 : memref<128xi32, #tpu.memory_space<hbm>>) target(%arg7 : memref<128xi32, #tpu.memory_space<vmem>>) target_semaphore(%arg19 : memref<!tpu.dma_semaphore, #tpu.memory_space<semaphore_mem>>)
        %dma_start3A_421 = arith.constant 0 : i32
        %dma_start3A_422 = tpu.memref_slice %arg4[%add3A_414, %dma_start3A_421] : memref<512x128xi32, #tpu.memory_space<hbm>> -> memref<1x128xi32, #tpu.memory_space<hbm>>
        %dma_start3A_423 = tpu.memref_squeeze %dma_start3A_422 : memref<1x128xi32, #tpu.memory_space<hbm>> -> memref<128xi32, #tpu.memory_space<hbm>>
        %dma_start3A_424 = arith.constant 0 : i32
        %dma_start3A_425 = tpu.memref_slice %arg4[%add3A_414, %dma_start3A_424] : memref<512x128xi32, #tpu.memory_space<hbm>> -> memref<1x128xi32, #tpu.memory_space<hbm>>
        %dma_start3A_426 = tpu.memref_squeeze %dma_start3A_425 : memref<1x128xi32, #tpu.memory_space<hbm>> -> memref<128xi32, #tpu.memory_space<hbm>>
        tpu.enqueue_dma source(%dma_start3A_426 : memref<128xi32, #tpu.memory_space<hbm>>) target(%arg10 : memref<128xi32, #tpu.memory_space<vmem>>) target_semaphore(%arg19 : memref<!tpu.dma_semaphore, #tpu.memory_space<semaphore_mem>>)
      } else {
      }
      %sub3A_275 = arith.constant 1 : i32
      %sub3A_276 = arith.subi %add3A_256, %sub3A_275 : i32
      %ge3A_277 = arith.constant 0 : i32
      %ge3A_278 = arith.cmpi sge, %sub3A_276, %ge3A_277 : i32
      %lt3A_279 = arith.constant 16 : i32
      %lt3A_280 = arith.cmpi slt, %sub3A_276, %lt3A_279 : i32
      %and3A_281 = arith.andi %ge3A_278, %lt3A_280 : i1
      %convert_element_type3A_282 = arith.extui %and3A_281 : i1 to i32
      %cond3A_283 = arith.constant 0 : i32
      %cond3A_284 = arith.cmpi ne, %convert_element_type3A_282, %cond3A_283 : i32
      scf.if %cond3A_284 {
        %dma_wait3A_409 = arith.constant 0 : i32
        %dma_wait3A_410 = arith.constant 0 : i32
        %dma_wait3A_411 = tpu.memref_slice %arg13[%dma_wait3A_409, %dma_wait3A_410] : memref<1x128xi32, #tpu.memory_space<vmem>> -> memref<1x128xi32, #tpu.memory_space<vmem>>
        %dma_wait3A_412 = tpu.memref_squeeze %dma_wait3A_411 : memref<1x128xi32, #tpu.memory_space<vmem>> -> memref<128xi32, #tpu.memory_space<vmem>>
        %dma_wait3A_413 = arith.constant 0 : i32
        %dma_wait3A_414 = arith.constant 0 : i32
        %dma_wait3A_415 = tpu.memref_slice %arg18[%dma_wait3A_413, %dma_wait3A_414] : memref<4096x128xf32, #tpu.memory_space<vmem_shared>> -> memref<4096x128xf32, #tpu.memory_space<vmem_shared>>
        tpu.wait_indirect_dma semaphore(%arg25 : memref<!tpu.dma_semaphore, #tpu.memory_space<semaphore_mem>>) src(%arg17 : memref<128x128xf32, #tpu.memory_space<vmem>>) dst(%dma_wait3A_415 : memref<4096x128xf32, #tpu.memory_space<vmem_shared>>)
      } else {
      }
      %add3A_285 = arith.constant 2 : i32
      %add3A_286 = arith.addi %add3A_256, %add3A_285 : i32
      %ge3A_287 = arith.constant 0 : i32
      %ge3A_288 = arith.cmpi sge, %add3A_286, %ge3A_287 : i32
      %lt3A_289 = arith.constant 16 : i32
      %lt3A_290 = arith.cmpi slt, %add3A_286, %lt3A_289 : i32
      %and3A_291 = arith.andi %ge3A_288, %lt3A_290 : i1
      %convert_element_type3A_292 = arith.extui %and3A_291 : i1 to i32
      %cond3A_293 = arith.constant 0 : i32
      %cond3A_294 = arith.cmpi ne, %convert_element_type3A_292, %cond3A_293 : i32
      scf.if %cond3A_294 {
        %mul3A_409 = arith.constant 256 : i32
        %mul3A_410 = arith.muli %arg0, %mul3A_409 : i32
        %add3A_411 = arith.addi %mul3A_410, %arg1 : i32
        %mul3A_412 = arith.constant 16 : i32
        %mul3A_413 = arith.muli %mul3A_412, %add3A_286 : i32
        %add3A_414 = arith.addi %add3A_411, %mul3A_413 : i32
        %dma_wait3A_415 = arith.constant 0 : i32
        %dma_wait3A_416 = tpu.memref_slice %arg3[%add3A_414, %dma_wait3A_415] : memref<512x128xi32, #tpu.memory_space<hbm>> -> memref<1x128xi32, #tpu.memory_space<hbm>>
        %dma_wait3A_417 = tpu.memref_squeeze %dma_wait3A_416 : memref<1x128xi32, #tpu.memory_space<hbm>> -> memref<128xi32, #tpu.memory_space<hbm>>
        %dma_wait3A_418 = arith.constant 0 : i32
        %dma_wait3A_419 = tpu.memref_slice %arg3[%add3A_414, %dma_wait3A_418] : memref<512x128xi32, #tpu.memory_space<hbm>> -> memref<1x128xi32, #tpu.memory_space<hbm>>
        %dma_wait3A_420 = tpu.memref_squeeze %dma_wait3A_419 : memref<1x128xi32, #tpu.memory_space<hbm>> -> memref<128xi32, #tpu.memory_space<hbm>>
        tpu.wait_dma2 semaphore(%arg21 : memref<!tpu.dma_semaphore, #tpu.memory_space<semaphore_mem>>) src(%dma_wait3A_420 : memref<128xi32, #tpu.memory_space<hbm>>) dst(%arg9 : memref<128xi32, #tpu.memory_space<vmem>>)
        %dma_wait3A_421 = arith.constant 0 : i32
        %dma_wait3A_422 = tpu.memref_slice %arg4[%add3A_414, %dma_wait3A_421] : memref<512x128xi32, #tpu.memory_space<hbm>> -> memref<1x128xi32, #tpu.memory_space<hbm>>
        %dma_wait3A_423 = tpu.memref_squeeze %dma_wait3A_422 : memref<1x128xi32, #tpu.memory_space<hbm>> -> memref<128xi32, #tpu.memory_space<hbm>>
        %dma_wait3A_424 = arith.constant 0 : i32
        %dma_wait3A_425 = tpu.memref_slice %arg4[%add3A_414, %dma_wait3A_424] : memref<512x128xi32, #tpu.memory_space<hbm>> -> memref<1x128xi32, #tpu.memory_space<hbm>>
        %dma_wait3A_426 = tpu.memref_squeeze %dma_wait3A_425 : memref<1x128xi32, #tpu.memory_space<hbm>> -> memref<128xi32, #tpu.memory_space<hbm>>
        tpu.wait_dma2 semaphore(%arg21 : memref<!tpu.dma_semaphore, #tpu.memory_space<semaphore_mem>>) src(%dma_wait3A_426 : memref<128xi32, #tpu.memory_space<hbm>>) dst(%arg12 : memref<128xi32, #tpu.memory_space<vmem>>)
      } else {
      }
      %add3A_295 = arith.constant 2 : i32
      %add3A_296 = arith.addi %add3A_256, %add3A_295 : i32
      %ge3A_297 = arith.constant 0 : i32
      %ge3A_298 = arith.cmpi sge, %add3A_296, %ge3A_297 : i32
      %lt3A_299 = arith.constant 16 : i32
      %lt3A_300 = arith.cmpi slt, %add3A_296, %lt3A_299 : i32
      %and3A_301 = arith.andi %ge3A_298, %lt3A_300 : i1
      %convert_element_type3A_302 = arith.extui %and3A_301 : i1 to i32
      %cond3A_303 = arith.constant 0 : i32
      %cond3A_304 = arith.cmpi ne, %convert_element_type3A_302, %cond3A_303 : i32
      scf.if %cond3A_304 {
        %dma_start3A_409 = arith.constant 0 : i32
        %dma_start3A_410 = arith.constant 0 : i32
        %dma_start3A_411 = tpu.memref_slice %arg2[%dma_start3A_409, %dma_start3A_410] : memref<20000x128xf32, #tpu.memory_space<hbm>> -> memref<20000x128xf32, #tpu.memory_space<hbm>>
        tpu.enqueue_indirect_dma source(%dma_start3A_411 : memref<20000x128xf32, #tpu.memory_space<hbm>>) target(%arg17 : memref<128x128xf32, #tpu.memory_space<vmem>>) offsets(%arg9 : memref<128xi32, #tpu.memory_space<vmem>>) semaphore(%arg24 : memref<!tpu.dma_semaphore, #tpu.memory_space<semaphore_mem>>)
      } else {
      }
      %mul3A_305 = arith.constant 6 : i32
      %mul3A_306 = arith.muli %mul3A_305, %scan3A_102 : i32
      %add3A_307 = arith.constant 4 : i32
      %add3A_308 = arith.addi %mul3A_306, %add3A_307 : i32
      %ge3A_309 = arith.constant 0 : i32
      %ge3A_310 = arith.cmpi sge, %add3A_308, %ge3A_309 : i32
      %lt3A_311 = arith.constant 16 : i32
      %lt3A_312 = arith.cmpi slt, %add3A_308, %lt3A_311 : i32
      %and3A_313 = arith.andi %ge3A_310, %lt3A_312 : i1
      %convert_element_type3A_314 = arith.extui %and3A_313 : i1 to i32
      %cond3A_315 = arith.constant 0 : i32
      %cond3A_316 = arith.cmpi ne, %convert_element_type3A_314, %cond3A_315 : i32
      scf.if %cond3A_316 {
        %dma_wait3A_409 = arith.constant 0 : i32
        %dma_wait3A_410 = arith.constant 0 : i32
        %dma_wait3A_411 = tpu.memref_slice %arg2[%dma_wait3A_409, %dma_wait3A_410] : memref<20000x128xf32, #tpu.memory_space<hbm>> -> memref<20000x128xf32, #tpu.memory_space<hbm>>
        tpu.wait_indirect_dma semaphore(%arg23 : memref<!tpu.dma_semaphore, #tpu.memory_space<semaphore_mem>>) src(%dma_wait3A_411 : memref<20000x128xf32, #tpu.memory_space<hbm>>) dst(%arg16 : memref<128x128xf32, #tpu.memory_space<vmem>>)
        %get3A = arith.constant 0 : index
        %get3A_412 = tpu.vector_load %arg11[%get3A] {strides = array<i32>} : memref<128xi32, #tpu.memory_space<vmem>>, vector<16xi32>,
        %get3A_413 = vector.shape_cast %get3A_412 : vector<16xi32> to vector<16xi32>
        %swap3A = arith.constant 0 : i32
        %swap3A_414 = arith.index_cast %swap3A : i32 to index
        %swap3A_415 = arith.constant 0 : index
        %swap3A_416 = tpu.vector_load %arg13[%swap3A_414, %swap3A_415] {strides = array<i32>} : memref<1x128xi32, #tpu.memory_space<vmem>>, vector<1x16xi32>,
        %swap3A_417 = vector.shape_cast %swap3A_416 : vector<1x16xi32> to vector<16xi32>
        %swap3A_418 = vector.shape_cast %get3A_413 : vector<16xi32> to vector<1x16xi32>
        tpu.vector_store %arg13[%swap3A_414, %swap3A_415], %swap3A_418 {strides = array<i32>} : memref<1x128xi32, #tpu.memory_space<vmem>>, vector<1x16xi32>,
        %get3A_419 = arith.constant 16 : index
        %get3A_420 = tpu.vector_load %arg11[%get3A_419] {strides = array<i32>} : memref<128xi32, #tpu.memory_space<vmem>>, vector<16xi32>,
        %get3A_421 = vector.shape_cast %get3A_420 : vector<16xi32> to vector<16xi32>
        %swap3A_422 = arith.constant 0 : i32
        %swap3A_423 = arith.index_cast %swap3A_422 : i32 to index
        %swap3A_424 = arith.constant 16 : index
        %swap3A_425 = tpu.vector_load %arg13[%swap3A_423, %swap3A_424] {strides = array<i32>} : memref<1x128xi32, #tpu.memory_space<vmem>>, vector<1x16xi32>,
        %swap3A_426 = vector.shape_cast %swap3A_425 : vector<1x16xi32> to vector<16xi32>
        %swap3A_427 = vector.shape_cast %get3A_421 : vector<16xi32> to vector<1x16xi32>
        tpu.vector_store %arg13[%swap3A_423, %swap3A_424], %swap3A_427 {strides = array<i32>} : memref<1x128xi32, #tpu.memory_space<vmem>>, vector<1x16xi32>,
        %get3A_428 = arith.constant 32 : index
        %get3A_429 = tpu.vector_load %arg11[%get3A_428] {strides = array<i32>} : memref<128xi32, #tpu.memory_space<vmem>>, vector<16xi32>,
        %get3A_430 = vector.shape_cast %get3A_429 : vector<16xi32> to vector<16xi32>
        %swap3A_431 = arith.constant 0 : i32
        %swap3A_432 = arith.index_cast %swap3A_431 : i32 to index
        %swap3A_433 = arith.constant 32 : index
        %swap3A_434 = tpu.vector_load %arg13[%swap3A_432, %swap3A_433] {strides = array<i32>} : memref<1x128xi32, #tpu.memory_space<vmem>>, vector<1x16xi32>,
        %swap3A_435 = vector.shape_cast %swap3A_434 : vector<1x16xi32> to vector<16xi32>
        %swap3A_436 = vector.shape_cast %get3A_430 : vector<16xi32> to vector<1x16xi32>
        tpu.vector_store %arg13[%swap3A_432, %swap3A_433], %swap3A_436 {strides = array<i32>} : memref<1x128xi32, #tpu.memory_space<vmem>>, vector<1x16xi32>,
        %get3A_437 = arith.constant 48 : index
        %get3A_438 = tpu.vector_load %arg11[%get3A_437] {strides = array<i32>} : memref<128xi32, #tpu.memory_space<vmem>>, vector<16xi32>,
        %get3A_439 = vector.shape_cast %get3A_438 : vector<16xi32> to vector<16xi32>
        %swap3A_440 = arith.constant 0 : i32
        %swap3A_441 = arith.index_cast %swap3A_440 : i32 to index
        %swap3A_442 = arith.constant 48 : index
        %swap3A_443 = tpu.vector_load %arg13[%swap3A_441, %swap3A_442] {strides = array<i32>} : memref<1x128xi32, #tpu.memory_space<vmem>>, vector<1x16xi32>,
        %swap3A_444 = vector.shape_cast %swap3A_443 : vector<1x16xi32> to vector<16xi32>
        %swap3A_445 = vector.shape_cast %get3A_439 : vector<16xi32> to vector<1x16xi32>
        tpu.vector_store %arg13[%swap3A_441, %swap3A_442], %swap3A_445 {strides = array<i32>} : memref<1x128xi32, #tpu.memory_space<vmem>>, vector<1x16xi32>,
        %get3A_446 = arith.constant 64 : index
        %get3A_447 = tpu.vector_load %arg11[%get3A_446] {strides = array<i32>} : memref<128xi32, #tpu.memory_space<vmem>>, vector<16xi32>,
        %get3A_448 = vector.shape_cast %get3A_447 : vector<16xi32> to vector<16xi32>
        %swap3A_449 = arith.constant 0 : i32
        %swap3A_450 = arith.index_cast %swap3A_449 : i32 to index
        %swap3A_451 = arith.constant 64 : index
        %swap3A_452 = tpu.vector_load %arg13[%swap3A_450, %swap3A_451] {strides = array<i32>} : memref<1x128xi32, #tpu.memory_space<vmem>>, vector<1x16xi32>,
        %swap3A_453 = vector.shape_cast %swap3A_452 : vector<1x16xi32> to vector<16xi32>
        %swap3A_454 = vector.shape_cast %get3A_448 : vector<16xi32> to vector<1x16xi32>
        tpu.vector_store %arg13[%swap3A_450, %swap3A_451], %swap3A_454 {strides = array<i32>} : memref<1x128xi32, #tpu.memory_space<vmem>>, vector<1x16xi32>,
        %get3A_455 = arith.constant 80 : index
        %get3A_456 = tpu.vector_load %arg11[%get3A_455] {strides = array<i32>} : memref<128xi32, #tpu.memory_space<vmem>>, vector<16xi32>,
        %get3A_457 = vector.shape_cast %get3A_456 : vector<16xi32> to vector<16xi32>
        %swap3A_458 = arith.constant 0 : i32
        %swap3A_459 = arith.index_cast %swap3A_458 : i32 to index
        %swap3A_460 = arith.constant 80 : index
        %swap3A_461 = tpu.vector_load %arg13[%swap3A_459, %swap3A_460] {strides = array<i32>} : memref<1x128xi32, #tpu.memory_space<vmem>>, vector<1x16xi32>,
        %swap3A_462 = vector.shape_cast %swap3A_461 : vector<1x16xi32> to vector<16xi32>
        %swap3A_463 = vector.shape_cast %get3A_457 : vector<16xi32> to vector<1x16xi32>
        tpu.vector_store %arg13[%swap3A_459, %swap3A_460], %swap3A_463 {strides = array<i32>} : memref<1x128xi32, #tpu.memory_space<vmem>>, vector<1x16xi32>,
        %get3A_464 = arith.constant 96 : index
        %get3A_465 = tpu.vector_load %arg11[%get3A_464] {strides = array<i32>} : memref<128xi32, #tpu.memory_space<vmem>>, vector<16xi32>,
        %get3A_466 = vector.shape_cast %get3A_465 : vector<16xi32> to vector<16xi32>
        %swap3A_467 = arith.constant 0 : i32
        %swap3A_468 = arith.index_cast %swap3A_467 : i32 to index
        %swap3A_469 = arith.constant 96 : index
        %swap3A_470 = tpu.vector_load %arg13[%swap3A_468, %swap3A_469] {strides = array<i32>} : memref<1x128xi32, #tpu.memory_space<vmem>>, vector<1x16xi32>,
        %swap3A_471 = vector.shape_cast %swap3A_470 : vector<1x16xi32> to vector<16xi32>
        %swap3A_472 = vector.shape_cast %get3A_466 : vector<16xi32> to vector<1x16xi32>
        tpu.vector_store %arg13[%swap3A_468, %swap3A_469], %swap3A_472 {strides = array<i32>} : memref<1x128xi32, #tpu.memory_space<vmem>>, vector<1x16xi32>,
        %get3A_473 = arith.constant 112 : index
        %get3A_474 = tpu.vector_load %arg11[%get3A_473] {strides = array<i32>} : memref<128xi32, #tpu.memory_space<vmem>>, vector<16xi32>,
        %get3A_475 = vector.shape_cast %get3A_474 : vector<16xi32> to vector<16xi32>
        %swap3A_476 = arith.constant 0 : i32
        %swap3A_477 = arith.index_cast %swap3A_476 : i32 to index
        %swap3A_478 = arith.constant 112 : index
        %swap3A_479 = tpu.vector_load %arg13[%swap3A_477, %swap3A_478] {strides = array<i32>} : memref<1x128xi32, #tpu.memory_space<vmem>>, vector<1x16xi32>,
        %swap3A_480 = vector.shape_cast %swap3A_479 : vector<1x16xi32> to vector<16xi32>
        %swap3A_481 = vector.shape_cast %get3A_475 : vector<16xi32> to vector<1x16xi32>
        tpu.vector_store %arg13[%swap3A_477, %swap3A_478], %swap3A_481 {strides = array<i32>} : memref<1x128xi32, #tpu.memory_space<vmem>>, vector<1x16xi32>,
        %dma_start3A_482 = arith.constant 0 : i32
        %dma_start3A_483 = arith.constant 0 : i32
        %dma_start3A_484 = tpu.memref_slice %arg13[%dma_start3A_482, %dma_start3A_483] : memref<1x128xi32, #tpu.memory_space<vmem>> -> memref<1x128xi32, #tpu.memory_space<vmem>>
        %dma_start3A_485 = tpu.memref_squeeze %dma_start3A_484 : memref<1x128xi32, #tpu.memory_space<vmem>> -> memref<128xi32, #tpu.memory_space<vmem>>
        %dma_start3A_486 = arith.constant 0 : i32
        %dma_start3A_487 = arith.constant 0 : i32
        %dma_start3A_488 = tpu.memref_slice %arg18[%dma_start3A_486, %dma_start3A_487] : memref<4096x128xf32, #tpu.memory_space<vmem_shared>> -> memref<4096x128xf32, #tpu.memory_space<vmem_shared>>
        tpu.enqueue_indirect_dma source(%arg16 : memref<128x128xf32, #tpu.memory_space<vmem>>) target(%dma_start3A_488 : memref<4096x128xf32, #tpu.memory_space<vmem_shared>>) offsets(%dma_start3A_485 : memref<128xi32, #tpu.memory_space<vmem>>) semaphore(%arg25 : memref<!tpu.dma_semaphore, #tpu.memory_space<semaphore_mem>>) {add = true}
      } else {
      }
      %add3A_317 = arith.constant 3 : i32
      %add3A_318 = arith.addi %add3A_308, %add3A_317 : i32
      %ge3A_319 = arith.constant 0 : i32
      %ge3A_320 = arith.cmpi sge, %add3A_318, %ge3A_319 : i32
      %lt3A_321 = arith.constant 16 : i32
      %lt3A_322 = arith.cmpi slt, %add3A_318, %lt3A_321 : i32
      %and3A_323 = arith.andi %ge3A_320, %lt3A_322 : i1
      %convert_element_type3A_324 = arith.extui %and3A_323 : i1 to i32
      %cond3A_325 = arith.constant 0 : i32
      %cond3A_326 = arith.cmpi ne, %convert_element_type3A_324, %cond3A_325 : i32
      scf.if %cond3A_326 {
        %mul3A_409 = arith.constant 256 : i32
        %mul3A_410 = arith.muli %arg0, %mul3A_409 : i32
        %add3A_411 = arith.addi %mul3A_410, %arg1 : i32
        %mul3A_412 = arith.constant 16 : i32
        %mul3A_413 = arith.muli %mul3A_412, %add3A_318 : i32
        %add3A_414 = arith.addi %add3A_411, %mul3A_413 : i32
        %dma_start3A_415 = arith.constant 0 : i32
        %dma_start3A_416 = tpu.memref_slice %arg3[%add3A_414, %dma_start3A_415] : memref<512x128xi32, #tpu.memory_space<hbm>> -> memref<1x128xi32, #tpu.memory_space<hbm>>
        %dma_start3A_417 = tpu.memref_squeeze %dma_start3A_416 : memref<1x128xi32, #tpu.memory_space<hbm>> -> memref<128xi32, #tpu.memory_space<hbm>>
        %dma_start3A_418 = arith.constant 0 : i32
        %dma_start3A_419 = tpu.memref_slice %arg3[%add3A_414, %dma_start3A_418] : memref<512x128xi32, #tpu.memory_space<hbm>> -> memref<1x128xi32, #tpu.memory_space<hbm>>
        %dma_start3A_420 = tpu.memref_squeeze %dma_start3A_419 : memref<1x128xi32, #tpu.memory_space<hbm>> -> memref<128xi32, #tpu.memory_space<hbm>>
        tpu.enqueue_dma source(%dma_start3A_420 : memref<128xi32, #tpu.memory_space<hbm>>) target(%arg8 : memref<128xi32, #tpu.memory_space<vmem>>) target_semaphore(%arg20 : memref<!tpu.dma_semaphore, #tpu.memory_space<semaphore_mem>>)
        %dma_start3A_421 = arith.constant 0 : i32
        %dma_start3A_422 = tpu.memref_slice %arg4[%add3A_414, %dma_start3A_421] : memref<512x128xi32, #tpu.memory_space<hbm>> -> memref<1x128xi32, #tpu.memory_space<hbm>>
        %dma_start3A_423 = tpu.memref_squeeze %dma_start3A_422 : memref<1x128xi32, #tpu.memory_space<hbm>> -> memref<128xi32, #tpu.memory_space<hbm>>
        %dma_start3A_424 = arith.constant 0 : i32
        %dma_start3A_425 = tpu.memref_slice %arg4[%add3A_414, %dma_start3A_424] : memref<512x128xi32, #tpu.memory_space<hbm>> -> memref<1x128xi32, #tpu.memory_space<hbm>>
        %dma_start3A_426 = tpu.memref_squeeze %dma_start3A_425 : memref<1x128xi32, #tpu.memory_space<hbm>> -> memref<128xi32, #tpu.memory_space<hbm>>
        tpu.enqueue_dma source(%dma_start3A_426 : memref<128xi32, #tpu.memory_space<hbm>>) target(%arg11 : memref<128xi32, #tpu.memory_space<vmem>>) target_semaphore(%arg20 : memref<!tpu.dma_semaphore, #tpu.memory_space<semaphore_mem>>)
      } else {
      }
      %sub3A_327 = arith.constant 1 : i32
      %sub3A_328 = arith.subi %add3A_308, %sub3A_327 : i32
      %ge3A_329 = arith.constant 0 : i32
      %ge3A_330 = arith.cmpi sge, %sub3A_328, %ge3A_329 : i32
      %lt3A_331 = arith.constant 16 : i32
      %lt3A_332 = arith.cmpi slt, %sub3A_328, %lt3A_331 : i32
      %and3A_333 = arith.andi %ge3A_330, %lt3A_332 : i1
      %convert_element_type3A_334 = arith.extui %and3A_333 : i1 to i32
      %cond3A_335 = arith.constant 0 : i32
      %cond3A_336 = arith.cmpi ne, %convert_element_type3A_334, %cond3A_335 : i32
      scf.if %cond3A_336 {
        %dma_wait3A_409 = arith.constant 0 : i32
        %dma_wait3A_410 = arith.constant 0 : i32
        %dma_wait3A_411 = tpu.memref_slice %arg14[%dma_wait3A_409, %dma_wait3A_410] : memref<1x128xi32, #tpu.memory_space<vmem>> -> memref<1x128xi32, #tpu.memory_space<vmem>>
        %dma_wait3A_412 = tpu.memref_squeeze %dma_wait3A_411 : memref<1x128xi32, #tpu.memory_space<vmem>> -> memref<128xi32, #tpu.memory_space<vmem>>
        %dma_wait3A_413 = arith.constant 0 : i32
        %dma_wait3A_414 = arith.constant 0 : i32
        %dma_wait3A_415 = tpu.memref_slice %arg18[%dma_wait3A_413, %dma_wait3A_414] : memref<4096x128xf32, #tpu.memory_space<vmem_shared>> -> memref<4096x128xf32, #tpu.memory_space<vmem_shared>>
        tpu.wait_indirect_dma semaphore(%arg26 : memref<!tpu.dma_semaphore, #tpu.memory_space<semaphore_mem>>) src(%arg15 : memref<128x128xf32, #tpu.memory_space<vmem>>) dst(%dma_wait3A_415 : memref<4096x128xf32, #tpu.memory_space<vmem_shared>>)
      } else {
      }
      %add3A_337 = arith.constant 2 : i32
      %add3A_338 = arith.addi %add3A_308, %add3A_337 : i32
      %ge3A_339 = arith.constant 0 : i32
      %ge3A_340 = arith.cmpi sge, %add3A_338, %ge3A_339 : i32
      %lt3A_341 = arith.constant 16 : i32
      %lt3A_342 = arith.cmpi slt, %add3A_338, %lt3A_341 : i32
      %and3A_343 = arith.andi %ge3A_340, %lt3A_342 : i1
      %convert_element_type3A_344 = arith.extui %and3A_343 : i1 to i32
      %cond3A_345 = arith.constant 0 : i32
      %cond3A_346 = arith.cmpi ne, %convert_element_type3A_344, %cond3A_345 : i32
      scf.if %cond3A_346 {
        %mul3A_409 = arith.constant 256 : i32
        %mul3A_410 = arith.muli %arg0, %mul3A_409 : i32
        %add3A_411 = arith.addi %mul3A_410, %arg1 : i32
        %mul3A_412 = arith.constant 16 : i32
        %mul3A_413 = arith.muli %mul3A_412, %add3A_338 : i32
        %add3A_414 = arith.addi %add3A_411, %mul3A_413 : i32
        %dma_wait3A_415 = arith.constant 0 : i32
        %dma_wait3A_416 = tpu.memref_slice %arg3[%add3A_414, %dma_wait3A_415] : memref<512x128xi32, #tpu.memory_space<hbm>> -> memref<1x128xi32, #tpu.memory_space<hbm>>
        %dma_wait3A_417 = tpu.memref_squeeze %dma_wait3A_416 : memref<1x128xi32, #tpu.memory_space<hbm>> -> memref<128xi32, #tpu.memory_space<hbm>>
        %dma_wait3A_418 = arith.constant 0 : i32
        %dma_wait3A_419 = tpu.memref_slice %arg3[%add3A_414, %dma_wait3A_418] : memref<512x128xi32, #tpu.memory_space<hbm>> -> memref<1x128xi32, #tpu.memory_space<hbm>>
        %dma_wait3A_420 = tpu.memref_squeeze %dma_wait3A_419 : memref<1x128xi32, #tpu.memory_space<hbm>> -> memref<128xi32, #tpu.memory_space<hbm>>
        tpu.wait_dma2 semaphore(%arg19 : memref<!tpu.dma_semaphore, #tpu.memory_space<semaphore_mem>>) src(%dma_wait3A_420 : memref<128xi32, #tpu.memory_space<hbm>>) dst(%arg7 : memref<128xi32, #tpu.memory_space<vmem>>)
        %dma_wait3A_421 = arith.constant 0 : i32
        %dma_wait3A_422 = tpu.memref_slice %arg4[%add3A_414, %dma_wait3A_421] : memref<512x128xi32, #tpu.memory_space<hbm>> -> memref<1x128xi32, #tpu.memory_space<hbm>>
        %dma_wait3A_423 = tpu.memref_squeeze %dma_wait3A_422 : memref<1x128xi32, #tpu.memory_space<hbm>> -> memref<128xi32, #tpu.memory_space<hbm>>
        %dma_wait3A_424 = arith.constant 0 : i32
        %dma_wait3A_425 = tpu.memref_slice %arg4[%add3A_414, %dma_wait3A_424] : memref<512x128xi32, #tpu.memory_space<hbm>> -> memref<1x128xi32, #tpu.memory_space<hbm>>
        %dma_wait3A_426 = tpu.memref_squeeze %dma_wait3A_425 : memref<1x128xi32, #tpu.memory_space<hbm>> -> memref<128xi32, #tpu.memory_space<hbm>>
        tpu.wait_dma2 semaphore(%arg19 : memref<!tpu.dma_semaphore, #tpu.memory_space<semaphore_mem>>) src(%dma_wait3A_426 : memref<128xi32, #tpu.memory_space<hbm>>) dst(%arg10 : memref<128xi32, #tpu.memory_space<vmem>>)
      } else {
      }
      %add3A_347 = arith.constant 2 : i32
      %add3A_348 = arith.addi %add3A_308, %add3A_347 : i32
      %ge3A_349 = arith.constant 0 : i32
      %ge3A_350 = arith.cmpi sge, %add3A_348, %ge3A_349 : i32
      %lt3A_351 = arith.constant 16 : i32
      %lt3A_352 = arith.cmpi slt, %add3A_348, %lt3A_351 : i32
      %and3A_353 = arith.andi %ge3A_350, %lt3A_352 : i1
      %convert_element_type3A_354 = arith.extui %and3A_353 : i1 to i32
      %cond3A_355 = arith.constant 0 : i32
      %cond3A_356 = arith.cmpi ne, %convert_element_type3A_354, %cond3A_355 : i32
      scf.if %cond3A_356 {
        %dma_start3A_409 = arith.constant 0 : i32
        %dma_start3A_410 = arith.constant 0 : i32
        %dma_start3A_411 = tpu.memref_slice %arg2[%dma_start3A_409, %dma_start3A_410] : memref<20000x128xf32, #tpu.memory_space<hbm>> -> memref<20000x128xf32, #tpu.memory_space<hbm>>
        tpu.enqueue_indirect_dma source(%dma_start3A_411 : memref<20000x128xf32, #tpu.memory_space<hbm>>) target(%arg15 : memref<128x128xf32, #tpu.memory_space<vmem>>) offsets(%arg7 : memref<128xi32, #tpu.memory_space<vmem>>) semaphore(%arg22 : memref<!tpu.dma_semaphore, #tpu.memory_space<semaphore_mem>>)
      } else {
      }
      %mul3A_357 = arith.constant 6 : i32
      %mul3A_358 = arith.muli %mul3A_357, %scan3A_102 : i32
      %add3A_359 = arith.constant 5 : i32
      %add3A_360 = arith.addi %mul3A_358, %add3A_359 : i32
      %ge3A_361 = arith.constant 0 : i32
      %ge3A_362 = arith.cmpi sge, %add3A_360, %ge3A_361 : i32
      %lt3A_363 = arith.constant 16 : i32
      %lt3A_364 = arith.cmpi slt, %add3A_360, %lt3A_363 : i32
      %and3A_365 = arith.andi %ge3A_362, %lt3A_364 : i1
      %convert_element_type3A_366 = arith.extui %and3A_365 : i1 to i32
      %cond3A_367 = arith.constant 0 : i32
      %cond3A_368 = arith.cmpi ne, %convert_element_type3A_366, %cond3A_367 : i32
      scf.if %cond3A_368 {
        %dma_wait3A_409 = arith.constant 0 : i32
        %dma_wait3A_410 = arith.constant 0 : i32
        %dma_wait3A_411 = tpu.memref_slice %arg2[%dma_wait3A_409, %dma_wait3A_410] : memref<20000x128xf32, #tpu.memory_space<hbm>> -> memref<20000x128xf32, #tpu.memory_space<hbm>>
        tpu.wait_indirect_dma semaphore(%arg24 : memref<!tpu.dma_semaphore, #tpu.memory_space<semaphore_mem>>) src(%dma_wait3A_411 : memref<20000x128xf32, #tpu.memory_space<hbm>>) dst(%arg17 : memref<128x128xf32, #tpu.memory_space<vmem>>)
        %get3A = arith.constant 0 : index
        %get3A_412 = tpu.vector_load %arg12[%get3A] {strides = array<i32>} : memref<128xi32, #tpu.memory_space<vmem>>, vector<16xi32>,
        %get3A_413 = vector.shape_cast %get3A_412 : vector<16xi32> to vector<16xi32>
        %swap3A = arith.constant 0 : i32
        %swap3A_414 = arith.index_cast %swap3A : i32 to index
        %swap3A_415 = arith.constant 0 : index
        %swap3A_416 = tpu.vector_load %arg14[%swap3A_414, %swap3A_415] {strides = array<i32>} : memref<1x128xi32, #tpu.memory_space<vmem>>, vector<1x16xi32>,
        %swap3A_417 = vector.shape_cast %swap3A_416 : vector<1x16xi32> to vector<16xi32>
        %swap3A_418 = vector.shape_cast %get3A_413 : vector<16xi32> to vector<1x16xi32>
        tpu.vector_store %arg14[%swap3A_414, %swap3A_415], %swap3A_418 {strides = array<i32>} : memref<1x128xi32, #tpu.memory_space<vmem>>, vector<1x16xi32>,
        %get3A_419 = arith.constant 16 : index
        %get3A_420 = tpu.vector_load %arg12[%get3A_419] {strides = array<i32>} : memref<128xi32, #tpu.memory_space<vmem>>, vector<16xi32>,
        %get3A_421 = vector.shape_cast %get3A_420 : vector<16xi32> to vector<16xi32>
        %swap3A_422 = arith.constant 0 : i32
        %swap3A_423 = arith.index_cast %swap3A_422 : i32 to index
        %swap3A_424 = arith.constant 16 : index
        %swap3A_425 = tpu.vector_load %arg14[%swap3A_423, %swap3A_424] {strides = array<i32>} : memref<1x128xi32, #tpu.memory_space<vmem>>, vector<1x16xi32>,
        %swap3A_426 = vector.shape_cast %swap3A_425 : vector<1x16xi32> to vector<16xi32>
        %swap3A_427 = vector.shape_cast %get3A_421 : vector<16xi32> to vector<1x16xi32>
        tpu.vector_store %arg14[%swap3A_423, %swap3A_424], %swap3A_427 {strides = array<i32>} : memref<1x128xi32, #tpu.memory_space<vmem>>, vector<1x16xi32>,
        %get3A_428 = arith.constant 32 : index
        %get3A_429 = tpu.vector_load %arg12[%get3A_428] {strides = array<i32>} : memref<128xi32, #tpu.memory_space<vmem>>, vector<16xi32>,
        %get3A_430 = vector.shape_cast %get3A_429 : vector<16xi32> to vector<16xi32>
        %swap3A_431 = arith.constant 0 : i32
        %swap3A_432 = arith.index_cast %swap3A_431 : i32 to index
        %swap3A_433 = arith.constant 32 : index
        %swap3A_434 = tpu.vector_load %arg14[%swap3A_432, %swap3A_433] {strides = array<i32>} : memref<1x128xi32, #tpu.memory_space<vmem>>, vector<1x16xi32>,
        %swap3A_435 = vector.shape_cast %swap3A_434 : vector<1x16xi32> to vector<16xi32>
        %swap3A_436 = vector.shape_cast %get3A_430 : vector<16xi32> to vector<1x16xi32>
        tpu.vector_store %arg14[%swap3A_432, %swap3A_433], %swap3A_436 {strides = array<i32>} : memref<1x128xi32, #tpu.memory_space<vmem>>, vector<1x16xi32>,
        %get3A_437 = arith.constant 48 : index
        %get3A_438 = tpu.vector_load %arg12[%get3A_437] {strides = array<i32>} : memref<128xi32, #tpu.memory_space<vmem>>, vector<16xi32>,
        %get3A_439 = vector.shape_cast %get3A_438 : vector<16xi32> to vector<16xi32>
        %swap3A_440 = arith.constant 0 : i32
        %swap3A_441 = arith.index_cast %swap3A_440 : i32 to index
        %swap3A_442 = arith.constant 48 : index
        %swap3A_443 = tpu.vector_load %arg14[%swap3A_441, %swap3A_442] {strides = array<i32>} : memref<1x128xi32, #tpu.memory_space<vmem>>, vector<1x16xi32>,
        %swap3A_444 = vector.shape_cast %swap3A_443 : vector<1x16xi32> to vector<16xi32>
        %swap3A_445 = vector.shape_cast %get3A_439 : vector<16xi32> to vector<1x16xi32>
        tpu.vector_store %arg14[%swap3A_441, %swap3A_442], %swap3A_445 {strides = array<i32>} : memref<1x128xi32, #tpu.memory_space<vmem>>, vector<1x16xi32>,
        %get3A_446 = arith.constant 64 : index
        %get3A_447 = tpu.vector_load %arg12[%get3A_446] {strides = array<i32>} : memref<128xi32, #tpu.memory_space<vmem>>, vector<16xi32>,
        %get3A_448 = vector.shape_cast %get3A_447 : vector<16xi32> to vector<16xi32>
        %swap3A_449 = arith.constant 0 : i32
        %swap3A_450 = arith.index_cast %swap3A_449 : i32 to index
        %swap3A_451 = arith.constant 64 : index
        %swap3A_452 = tpu.vector_load %arg14[%swap3A_450, %swap3A_451] {strides = array<i32>} : memref<1x128xi32, #tpu.memory_space<vmem>>, vector<1x16xi32>,
        %swap3A_453 = vector.shape_cast %swap3A_452 : vector<1x16xi32> to vector<16xi32>
        %swap3A_454 = vector.shape_cast %get3A_448 : vector<16xi32> to vector<1x16xi32>
        tpu.vector_store %arg14[%swap3A_450, %swap3A_451], %swap3A_454 {strides = array<i32>} : memref<1x128xi32, #tpu.memory_space<vmem>>, vector<1x16xi32>,
        %get3A_455 = arith.constant 80 : index
        %get3A_456 = tpu.vector_load %arg12[%get3A_455] {strides = array<i32>} : memref<128xi32, #tpu.memory_space<vmem>>, vector<16xi32>,
        %get3A_457 = vector.shape_cast %get3A_456 : vector<16xi32> to vector<16xi32>
        %swap3A_458 = arith.constant 0 : i32
        %swap3A_459 = arith.index_cast %swap3A_458 : i32 to index
        %swap3A_460 = arith.constant 80 : index
        %swap3A_461 = tpu.vector_load %arg14[%swap3A_459, %swap3A_460] {strides = array<i32>} : memref<1x128xi32, #tpu.memory_space<vmem>>, vector<1x16xi32>,
        %swap3A_462 = vector.shape_cast %swap3A_461 : vector<1x16xi32> to vector<16xi32>
        %swap3A_463 = vector.shape_cast %get3A_457 : vector<16xi32> to vector<1x16xi32>
        tpu.vector_store %arg14[%swap3A_459, %swap3A_460], %swap3A_463 {strides = array<i32>} : memref<1x128xi32, #tpu.memory_space<vmem>>, vector<1x16xi32>,
        %get3A_464 = arith.constant 96 : index
        %get3A_465 = tpu.vector_load %arg12[%get3A_464] {strides = array<i32>} : memref<128xi32, #tpu.memory_space<vmem>>, vector<16xi32>,
        %get3A_466 = vector.shape_cast %get3A_465 : vector<16xi32> to vector<16xi32>
        %swap3A_467 = arith.constant 0 : i32
        %swap3A_468 = arith.index_cast %swap3A_467 : i32 to index
        %swap3A_469 = arith.constant 96 : index
        %swap3A_470 = tpu.vector_load %arg14[%swap3A_468, %swap3A_469] {strides = array<i32>} : memref<1x128xi32, #tpu.memory_space<vmem>>, vector<1x16xi32>,
        %swap3A_471 = vector.shape_cast %swap3A_470 : vector<1x16xi32> to vector<16xi32>
        %swap3A_472 = vector.shape_cast %get3A_466 : vector<16xi32> to vector<1x16xi32>
        tpu.vector_store %arg14[%swap3A_468, %swap3A_469], %swap3A_472 {strides = array<i32>} : memref<1x128xi32, #tpu.memory_space<vmem>>, vector<1x16xi32>,
        %get3A_473 = arith.constant 112 : index
        %get3A_474 = tpu.vector_load %arg12[%get3A_473] {strides = array<i32>} : memref<128xi32, #tpu.memory_space<vmem>>, vector<16xi32>,
        %get3A_475 = vector.shape_cast %get3A_474 : vector<16xi32> to vector<16xi32>
        %swap3A_476 = arith.constant 0 : i32
        %swap3A_477 = arith.index_cast %swap3A_476 : i32 to index
        %swap3A_478 = arith.constant 112 : index
        %swap3A_479 = tpu.vector_load %arg14[%swap3A_477, %swap3A_478] {strides = array<i32>} : memref<1x128xi32, #tpu.memory_space<vmem>>, vector<1x16xi32>,
        %swap3A_480 = vector.shape_cast %swap3A_479 : vector<1x16xi32> to vector<16xi32>
        %swap3A_481 = vector.shape_cast %get3A_475 : vector<16xi32> to vector<1x16xi32>
        tpu.vector_store %arg14[%swap3A_477, %swap3A_478], %swap3A_481 {strides = array<i32>} : memref<1x128xi32, #tpu.memory_space<vmem>>, vector<1x16xi32>,
        %dma_start3A_482 = arith.constant 0 : i32
        %dma_start3A_483 = arith.constant 0 : i32
        %dma_start3A_484 = tpu.memref_slice %arg14[%dma_start3A_482, %dma_start3A_483] : memref<1x128xi32, #tpu.memory_space<vmem>> -> memref<1x128xi32, #tpu.memory_space<vmem>>
        %dma_start3A_485 = tpu.memref_squeeze %dma_start3A_484 : memref<1x128xi32, #tpu.memory_space<vmem>> -> memref<128xi32, #tpu.memory_space<vmem>>
        %dma_start3A_486 = arith.constant 0 : i32
        %dma_start3A_487 = arith.constant 0 : i32
        %dma_start3A_488 = tpu.memref_slice %arg18[%dma_start3A_486, %dma_start3A_487] : memref<4096x128xf32, #tpu.memory_space<vmem_shared>> -> memref<4096x128xf32, #tpu.memory_space<vmem_shared>>
        tpu.enqueue_indirect_dma source(%arg17 : memref<128x128xf32, #tpu.memory_space<vmem>>) target(%dma_start3A_488 : memref<4096x128xf32, #tpu.memory_space<vmem_shared>>) offsets(%dma_start3A_485 : memref<128xi32, #tpu.memory_space<vmem>>) semaphore(%arg26 : memref<!tpu.dma_semaphore, #tpu.memory_space<semaphore_mem>>) {add = true}
      } else {
      }
      %add3A_369 = arith.constant 3 : i32
      %add3A_370 = arith.addi %add3A_360, %add3A_369 : i32
      %ge3A_371 = arith.constant 0 : i32
      %ge3A_372 = arith.cmpi sge, %add3A_370, %ge3A_371 : i32
      %lt3A_373 = arith.constant 16 : i32
      %lt3A_374 = arith.cmpi slt, %add3A_370, %lt3A_373 : i32
      %and3A_375 = arith.andi %ge3A_372, %lt3A_374 : i1
      %convert_element_type3A_376 = arith.extui %and3A_375 : i1 to i32
      %cond3A_377 = arith.constant 0 : i32
      %cond3A_378 = arith.cmpi ne, %convert_element_type3A_376, %cond3A_377 : i32
      scf.if %cond3A_378 {
        %mul3A_409 = arith.constant 256 : i32
        %mul3A_410 = arith.muli %arg0, %mul3A_409 : i32
        %add3A_411 = arith.addi %mul3A_410, %arg1 : i32
        %mul3A_412 = arith.constant 16 : i32
        %mul3A_413 = arith.muli %mul3A_412, %add3A_370 : i32
        %add3A_414 = arith.addi %add3A_411, %mul3A_413 : i32
        %dma_start3A_415 = arith.constant 0 : i32
        %dma_start3A_416 = tpu.memref_slice %arg3[%add3A_414, %dma_start3A_415] : memref<512x128xi32, #tpu.memory_space<hbm>> -> memref<1x128xi32, #tpu.memory_space<hbm>>
        %dma_start3A_417 = tpu.memref_squeeze %dma_start3A_416 : memref<1x128xi32, #tpu.memory_space<hbm>> -> memref<128xi32, #tpu.memory_space<hbm>>
        %dma_start3A_418 = arith.constant 0 : i32
        %dma_start3A_419 = tpu.memref_slice %arg3[%add3A_414, %dma_start3A_418] : memref<512x128xi32, #tpu.memory_space<hbm>> -> memref<1x128xi32, #tpu.memory_space<hbm>>
        %dma_start3A_420 = tpu.memref_squeeze %dma_start3A_419 : memref<1x128xi32, #tpu.memory_space<hbm>> -> memref<128xi32, #tpu.memory_space<hbm>>
        tpu.enqueue_dma source(%dma_start3A_420 : memref<128xi32, #tpu.memory_space<hbm>>) target(%arg9 : memref<128xi32, #tpu.memory_space<vmem>>) target_semaphore(%arg21 : memref<!tpu.dma_semaphore, #tpu.memory_space<semaphore_mem>>)
        %dma_start3A_421 = arith.constant 0 : i32
        %dma_start3A_422 = tpu.memref_slice %arg4[%add3A_414, %dma_start3A_421] : memref<512x128xi32, #tpu.memory_space<hbm>> -> memref<1x128xi32, #tpu.memory_space<hbm>>
        %dma_start3A_423 = tpu.memref_squeeze %dma_start3A_422 : memref<1x128xi32, #tpu.memory_space<hbm>> -> memref<128xi32, #tpu.memory_space<hbm>>
        %dma_start3A_424 = arith.constant 0 : i32
        %dma_start3A_425 = tpu.memref_slice %arg4[%add3A_414, %dma_start3A_424] : memref<512x128xi32, #tpu.memory_space<hbm>> -> memref<1x128xi32, #tpu.memory_space<hbm>>
        %dma_start3A_426 = tpu.memref_squeeze %dma_start3A_425 : memref<1x128xi32, #tpu.memory_space<hbm>> -> memref<128xi32, #tpu.memory_space<hbm>>
        tpu.enqueue_dma source(%dma_start3A_426 : memref<128xi32, #tpu.memory_space<hbm>>) target(%arg12 : memref<128xi32, #tpu.memory_space<vmem>>) target_semaphore(%arg21 : memref<!tpu.dma_semaphore, #tpu.memory_space<semaphore_mem>>)
      } else {
      }
      %sub3A_379 = arith.constant 1 : i32
      %sub3A_380 = arith.subi %add3A_360, %sub3A_379 : i32
      %ge3A_381 = arith.constant 0 : i32
      %ge3A_382 = arith.cmpi sge, %sub3A_380, %ge3A_381 : i32
      %lt3A_383 = arith.constant 16 : i32
      %lt3A_384 = arith.cmpi slt, %sub3A_380, %lt3A_383 : i32
      %and3A_385 = arith.andi %ge3A_382, %lt3A_384 : i1
      %convert_element_type3A_386 = arith.extui %and3A_385 : i1 to i32
      %cond3A_387 = arith.constant 0 : i32
      %cond3A_388 = arith.cmpi ne, %convert_element_type3A_386, %cond3A_387 : i32
      scf.if %cond3A_388 {
        %dma_wait3A_409 = arith.constant 0 : i32
        %dma_wait3A_410 = arith.constant 0 : i32
        %dma_wait3A_411 = tpu.memref_slice %arg13[%dma_wait3A_409, %dma_wait3A_410] : memref<1x128xi32, #tpu.memory_space<vmem>> -> memref<1x128xi32, #tpu.memory_space<vmem>>
        %dma_wait3A_412 = tpu.memref_squeeze %dma_wait3A_411 : memref<1x128xi32, #tpu.memory_space<vmem>> -> memref<128xi32, #tpu.memory_space<vmem>>
        %dma_wait3A_413 = arith.constant 0 : i32
        %dma_wait3A_414 = arith.constant 0 : i32
        %dma_wait3A_415 = tpu.memref_slice %arg18[%dma_wait3A_413, %dma_wait3A_414] : memref<4096x128xf32, #tpu.memory_space<vmem_shared>> -> memref<4096x128xf32, #tpu.memory_space<vmem_shared>>
        tpu.wait_indirect_dma semaphore(%arg25 : memref<!tpu.dma_semaphore, #tpu.memory_space<semaphore_mem>>) src(%arg16 : memref<128x128xf32, #tpu.memory_space<vmem>>) dst(%dma_wait3A_415 : memref<4096x128xf32, #tpu.memory_space<vmem_shared>>)
      } else {
      }
      %add3A_389 = arith.constant 2 : i32
      %add3A_390 = arith.addi %add3A_360, %add3A_389 : i32
      %ge3A_391 = arith.constant 0 : i32
      %ge3A_392 = arith.cmpi sge, %add3A_390, %ge3A_391 : i32
      %lt3A_393 = arith.constant 16 : i32
      %lt3A_394 = arith.cmpi slt, %add3A_390, %lt3A_393 : i32
      %and3A_395 = arith.andi %ge3A_392, %lt3A_394 : i1
      %convert_element_type3A_396 = arith.extui %and3A_395 : i1 to i32
      %cond3A_397 = arith.constant 0 : i32
      %cond3A_398 = arith.cmpi ne, %convert_element_type3A_396, %cond3A_397 : i32
      scf.if %cond3A_398 {
        %mul3A_409 = arith.constant 256 : i32
        %mul3A_410 = arith.muli %arg0, %mul3A_409 : i32
        %add3A_411 = arith.addi %mul3A_410, %arg1 : i32
        %mul3A_412 = arith.constant 16 : i32
        %mul3A_413 = arith.muli %mul3A_412, %add3A_390 : i32
        %add3A_414 = arith.addi %add3A_411, %mul3A_413 : i32
        %dma_wait3A_415 = arith.constant 0 : i32
        %dma_wait3A_416 = tpu.memref_slice %arg3[%add3A_414, %dma_wait3A_415] : memref<512x128xi32, #tpu.memory_space<hbm>> -> memref<1x128xi32, #tpu.memory_space<hbm>>
        %dma_wait3A_417 = tpu.memref_squeeze %dma_wait3A_416 : memref<1x128xi32, #tpu.memory_space<hbm>> -> memref<128xi32, #tpu.memory_space<hbm>>
        %dma_wait3A_418 = arith.constant 0 : i32
        %dma_wait3A_419 = tpu.memref_slice %arg3[%add3A_414, %dma_wait3A_418] : memref<512x128xi32, #tpu.memory_space<hbm>> -> memref<1x128xi32, #tpu.memory_space<hbm>>
        %dma_wait3A_420 = tpu.memref_squeeze %dma_wait3A_419 : memref<1x128xi32, #tpu.memory_space<hbm>> -> memref<128xi32, #tpu.memory_space<hbm>>
        tpu.wait_dma2 semaphore(%arg20 : memref<!tpu.dma_semaphore, #tpu.memory_space<semaphore_mem>>) src(%dma_wait3A_420 : memref<128xi32, #tpu.memory_space<hbm>>) dst(%arg8 : memref<128xi32, #tpu.memory_space<vmem>>)
        %dma_wait3A_421 = arith.constant 0 : i32
        %dma_wait3A_422 = tpu.memref_slice %arg4[%add3A_414, %dma_wait3A_421] : memref<512x128xi32, #tpu.memory_space<hbm>> -> memref<1x128xi32, #tpu.memory_space<hbm>>
        %dma_wait3A_423 = tpu.memref_squeeze %dma_wait3A_422 : memref<1x128xi32, #tpu.memory_space<hbm>> -> memref<128xi32, #tpu.memory_space<hbm>>
        %dma_wait3A_424 = arith.constant 0 : i32
        %dma_wait3A_425 = tpu.memref_slice %arg4[%add3A_414, %dma_wait3A_424] : memref<512x128xi32, #tpu.memory_space<hbm>> -> memref<1x128xi32, #tpu.memory_space<hbm>>
        %dma_wait3A_426 = tpu.memref_squeeze %dma_wait3A_425 : memref<1x128xi32, #tpu.memory_space<hbm>> -> memref<128xi32, #tpu.memory_space<hbm>>
        tpu.wait_dma2 semaphore(%arg20 : memref<!tpu.dma_semaphore, #tpu.memory_space<semaphore_mem>>) src(%dma_wait3A_426 : memref<128xi32, #tpu.memory_space<hbm>>) dst(%arg11 : memref<128xi32, #tpu.memory_space<vmem>>)
      } else {
      }
      %add3A_399 = arith.constant 2 : i32
      %add3A_400 = arith.addi %add3A_360, %add3A_399 : i32
      %ge3A_401 = arith.constant 0 : i32
      %ge3A_402 = arith.cmpi sge, %add3A_400, %ge3A_401 : i32
      %lt3A_403 = arith.constant 16 : i32
      %lt3A_404 = arith.cmpi slt, %add3A_400, %lt3A_403 : i32
      %and3A_405 = arith.andi %ge3A_402, %lt3A_404 : i1
      %convert_element_type3A_406 = arith.extui %and3A_405 : i1 to i32
      %cond3A_407 = arith.constant 0 : i32
      %cond3A_408 = arith.cmpi ne, %convert_element_type3A_406, %cond3A_407 : i32
      scf.if %cond3A_408 {
        %dma_start3A_409 = arith.constant 0 : i32
        %dma_start3A_410 = arith.constant 0 : i32
        %dma_start3A_411 = tpu.memref_slice %arg2[%dma_start3A_409, %dma_start3A_410] : memref<20000x128xf32, #tpu.memory_space<hbm>> -> memref<20000x128xf32, #tpu.memory_space<hbm>>
        tpu.enqueue_indirect_dma source(%dma_start3A_411 : memref<20000x128xf32, #tpu.memory_space<hbm>>) target(%arg16 : memref<128x128xf32, #tpu.memory_space<vmem>>) offsets(%arg8 : memref<128xi32, #tpu.memory_space<vmem>>) semaphore(%arg23 : memref<!tpu.dma_semaphore, #tpu.memory_space<semaphore_mem>>)
      } else {
      }
    }
    %scan3A_93 = arith.constant 3 : i32
    %barrier3A_94 = arith.constant 0 : index
    tpu.barrier barrier_id(%barrier3A_94)
    %mul3A_95 = arith.constant 256 : i32
    %mul3A_96 = arith.muli %arg1, %mul3A_95 : i32
    %mul3A_97 = arith.constant 4096 : i32
    %mul3A_98 = arith.muli %arg0, %mul3A_97 : i32
    %mul3A_99 = arith.constant 256 : i32
    %mul3A_100 = arith.muli %arg1, %mul3A_99 : i32
    %add3A_101 = arith.addi %mul3A_98, %mul3A_100 : i32
    "tpu.region"() ({
      %run_scoped3A = tpu.sem_alloc : memref<!tpu.dma_semaphore, #tpu.memory_space<semaphore_mem>>
      %dma_start3A_102 = arith.constant 0 : i32
      %dma_start3A_103 = tpu.memref_slice %arg6[%add3A_101, %dma_start3A_102] : memref<8192x128xf32, #tpu.memory_space<hbm>> -> memref<256x128xf32, #tpu.memory_space<hbm>>
      %dma_start3A_104 = arith.constant 0 : i32
      %dma_start3A_105 = tpu.memref_slice %arg18[%mul3A_96, %dma_start3A_104] : memref<4096x128xf32, #tpu.memory_space<vmem_shared>> -> memref<256x128xf32, #tpu.memory_space<vmem_shared>>
      tpu.enqueue_dma source(%dma_start3A_105 : memref<256x128xf32, #tpu.memory_space<vmem_shared>>) target(%dma_start3A_103 : memref<256x128xf32, #tpu.memory_space<hbm>>) target_semaphore(%run_scoped3A : memref<!tpu.dma_semaphore, #tpu.memory_space<semaphore_mem>>)
      %dma_wait3A_106 = arith.constant 0 : i32
      %dma_wait3A_107 = tpu.memref_slice %arg6[%add3A_101, %dma_wait3A_106] : memref<8192x128xf32, #tpu.memory_space<hbm>> -> memref<256x128xf32, #tpu.memory_space<hbm>>
      %dma_wait3A_108 = arith.constant 0 : i32
      %dma_wait3A_109 = tpu.memref_slice %arg18[%mul3A_96, %dma_wait3A_108] : memref<4096x128xf32, #tpu.memory_space<vmem_shared>> -> memref<256x128xf32, #tpu.memory_space<vmem_shared>>
      tpu.wait_dma2 semaphore(%run_scoped3A : memref<!tpu.dma_semaphore, #tpu.memory_space<semaphore_mem>>) src(%dma_wait3A_109 : memref<256x128xf32, #tpu.memory_space<vmem_shared>>) dst(%dma_wait3A_107 : memref<256x128xf32, #tpu.memory_space<hbm>>)
      tpu.yield
    }) : () -> ()
    return
  }
}

#map = affine_map<(d0, d1) -> (0, 0)>
module attributes {stable_mosaic.version = 14 : i64} {
  func.func @body(%arg0: i32, %arg1: i32, %arg2: memref<100000x128xf32, #tpu.memory_space<hbm>>, %arg3: memref<2500x128xi32, #tpu.memory_space<hbm>>, %arg4: memref<2500x128xi32, #tpu.memory_space<hbm>>, %arg5: memref<624x128xf32, #tpu.memory_space<hbm>>, %arg6: memref<20000x128xf32, #tpu.memory_space<hbm>>, %arg7: memref<128xi32, #tpu.memory_space<vmem>>, %arg8: memref<128xi32, #tpu.memory_space<vmem>>, %arg9: memref<128xi32, #tpu.memory_space<vmem>>, %arg10: memref<128xi32, #tpu.memory_space<vmem>>, %arg11: memref<128xi32, #tpu.memory_space<vmem>>, %arg12: memref<128xi32, #tpu.memory_space<vmem>>, %arg13: memref<1x128xi32, #tpu.memory_space<vmem>>, %arg14: memref<1x128xi32, #tpu.memory_space<vmem>>, %arg15: memref<128x128xf32, #tpu.memory_space<vmem>>, %arg16: memref<128x128xf32, #tpu.memory_space<vmem>>, %arg17: memref<128x128xf32, #tpu.memory_space<vmem>>, %arg18: memref<10008x128xf32, #tpu.memory_space<vmem_shared>>, %arg19: memref<!tpu.dma_semaphore, #tpu.memory_space<semaphore_mem>>, %arg20: memref<!tpu.dma_semaphore, #tpu.memory_space<semaphore_mem>>, %arg21: memref<!tpu.dma_semaphore, #tpu.memory_space<semaphore_mem>>, %arg22: memref<!tpu.dma_semaphore, #tpu.memory_space<semaphore_mem>>, %arg23: memref<!tpu.dma_semaphore, #tpu.memory_space<semaphore_mem>>, %arg24: memref<!tpu.dma_semaphore, #tpu.memory_space<semaphore_mem>>, %arg25: memref<!tpu.dma_semaphore, #tpu.memory_space<semaphore_mem>>, %arg26: memref<!tpu.dma_semaphore, #tpu.memory_space<semaphore_mem>>) attributes {dimension_semantics = [#tpu.dimension_semantics<core_parallel>, #tpu.dimension_semantics<subcore_parallel>], iteration_bounds = array<i64: 2, 16>, scalar_prefetch = 0 : i64, scratch_operands = 20 : i64, tpu.core_type = #tpu.core_type<sc_vector_subcore>, window_params = [{transform_indices = #map}, {transform_indices = #map}, {transform_indices = #map}, {transform_indices = #map}, {transform_indices = #map}]} {
    %add3A = arith.constant 0 : i32
    %add3A_0 = arith.addi %arg1, %add3A : i32
    %lt3A = arith.constant 2500 : i32
    %lt3A_1 = arith.cmpi slt, %add3A_0, %lt3A : i32
    %and3A = arith.constant true
    %and3A_2 = arith.andi %and3A, %lt3A_1 : i1
    %convert_element_type3A = arith.extui %and3A_2 : i1 to i32
    %cond3A = arith.constant 0 : i32
    %cond3A_3 = arith.cmpi ne, %convert_element_type3A, %cond3A : i32
    scf.if %cond3A_3 {
      %add3A_88 = arith.constant 0 : i32
      %add3A_89 = arith.addi %arg1, %add3A_88 : i32
      %dma_start3A = arith.constant 0 : i32
      %dma_start3A_90 = tpu.memref_slice %arg3[%add3A_89, %dma_start3A] : memref<2500x128xi32, #tpu.memory_space<hbm>> -> memref<1x128xi32, #tpu.memory_space<hbm>>
      %dma_start3A_91 = tpu.memref_squeeze %dma_start3A_90 : memref<1x128xi32, #tpu.memory_space<hbm>> -> memref<128xi32, #tpu.memory_space<hbm>>
      %dma_start3A_92 = arith.constant 0 : i32
      %dma_start3A_93 = tpu.memref_slice %arg3[%add3A_89, %dma_start3A_92] : memref<2500x128xi32, #tpu.memory_space<hbm>> -> memref<1x128xi32, #tpu.memory_space<hbm>>
      %dma_start3A_94 = tpu.memref_squeeze %dma_start3A_93 : memref<1x128xi32, #tpu.memory_space<hbm>> -> memref<128xi32, #tpu.memory_space<hbm>>
      tpu.enqueue_dma source(%dma_start3A_94 : memref<128xi32, #tpu.memory_space<hbm>>) target(%arg7 : memref<128xi32, #tpu.memory_space<vmem>>) target_semaphore(%arg19 : memref<!tpu.dma_semaphore, #tpu.memory_space<semaphore_mem>>)
      %dma_start3A_95 = arith.constant 0 : i32
      %dma_start3A_96 = tpu.memref_slice %arg4[%add3A_89, %dma_start3A_95] : memref<2500x128xi32, #tpu.memory_space<hbm>> -> memref<1x128xi32, #tpu.memory_space<hbm>>
      %dma_start3A_97 = tpu.memref_squeeze %dma_start3A_96 : memref<1x128xi32, #tpu.memory_space<hbm>> -> memref<128xi32, #tpu.memory_space<hbm>>
      %dma_start3A_98 = arith.constant 0 : i32
      %dma_start3A_99 = tpu.memref_slice %arg4[%add3A_89, %dma_start3A_98] : memref<2500x128xi32, #tpu.memory_space<hbm>> -> memref<1x128xi32, #tpu.memory_space<hbm>>
      %dma_start3A_100 = tpu.memref_squeeze %dma_start3A_99 : memref<1x128xi32, #tpu.memory_space<hbm>> -> memref<128xi32, #tpu.memory_space<hbm>>
      tpu.enqueue_dma source(%dma_start3A_100 : memref<128xi32, #tpu.memory_space<hbm>>) target(%arg10 : memref<128xi32, #tpu.memory_space<vmem>>) target_semaphore(%arg19 : memref<!tpu.dma_semaphore, #tpu.memory_space<semaphore_mem>>)
    } else {
    }
    %add3A_4 = arith.constant 16 : i32
    %add3A_5 = arith.addi %arg1, %add3A_4 : i32
    %lt3A_6 = arith.constant 2500 : i32
    %lt3A_7 = arith.cmpi slt, %add3A_5, %lt3A_6 : i32
    %and3A_8 = arith.constant true
    %and3A_9 = arith.andi %and3A_8, %lt3A_7 : i1
    %convert_element_type3A_10 = arith.extui %and3A_9 : i1 to i32
    %cond3A_11 = arith.constant 0 : i32
    %cond3A_12 = arith.cmpi ne, %convert_element_type3A_10, %cond3A_11 : i32
    scf.if %cond3A_12 {
      %add3A_88 = arith.constant 16 : i32
      %add3A_89 = arith.addi %arg1, %add3A_88 : i32
      %dma_start3A = arith.constant 0 : i32
      %dma_start3A_90 = tpu.memref_slice %arg3[%add3A_89, %dma_start3A] : memref<2500x128xi32, #tpu.memory_space<hbm>> -> memref<1x128xi32, #tpu.memory_space<hbm>>
      %dma_start3A_91 = tpu.memref_squeeze %dma_start3A_90 : memref<1x128xi32, #tpu.memory_space<hbm>> -> memref<128xi32, #tpu.memory_space<hbm>>
      %dma_start3A_92 = arith.constant 0 : i32
      %dma_start3A_93 = tpu.memref_slice %arg3[%add3A_89, %dma_start3A_92] : memref<2500x128xi32, #tpu.memory_space<hbm>> -> memref<1x128xi32, #tpu.memory_space<hbm>>
      %dma_start3A_94 = tpu.memref_squeeze %dma_start3A_93 : memref<1x128xi32, #tpu.memory_space<hbm>> -> memref<128xi32, #tpu.memory_space<hbm>>
      tpu.enqueue_dma source(%dma_start3A_94 : memref<128xi32, #tpu.memory_space<hbm>>) target(%arg8 : memref<128xi32, #tpu.memory_space<vmem>>) target_semaphore(%arg20 : memref<!tpu.dma_semaphore, #tpu.memory_space<semaphore_mem>>)
      %dma_start3A_95 = arith.constant 0 : i32
      %dma_start3A_96 = tpu.memref_slice %arg4[%add3A_89, %dma_start3A_95] : memref<2500x128xi32, #tpu.memory_space<hbm>> -> memref<1x128xi32, #tpu.memory_space<hbm>>
      %dma_start3A_97 = tpu.memref_squeeze %dma_start3A_96 : memref<1x128xi32, #tpu.memory_space<hbm>> -> memref<128xi32, #tpu.memory_space<hbm>>
      %dma_start3A_98 = arith.constant 0 : i32
      %dma_start3A_99 = tpu.memref_slice %arg4[%add3A_89, %dma_start3A_98] : memref<2500x128xi32, #tpu.memory_space<hbm>> -> memref<1x128xi32, #tpu.memory_space<hbm>>
      %dma_start3A_100 = tpu.memref_squeeze %dma_start3A_99 : memref<1x128xi32, #tpu.memory_space<hbm>> -> memref<128xi32, #tpu.memory_space<hbm>>
      tpu.enqueue_dma source(%dma_start3A_100 : memref<128xi32, #tpu.memory_space<hbm>>) target(%arg11 : memref<128xi32, #tpu.memory_space<vmem>>) target_semaphore(%arg20 : memref<!tpu.dma_semaphore, #tpu.memory_space<semaphore_mem>>)
    } else {
    }
    %add3A_13 = arith.constant 32 : i32
    %add3A_14 = arith.addi %arg1, %add3A_13 : i32
    %lt3A_15 = arith.constant 2500 : i32
    %lt3A_16 = arith.cmpi slt, %add3A_14, %lt3A_15 : i32
    %and3A_17 = arith.constant true
    %and3A_18 = arith.andi %and3A_17, %lt3A_16 : i1
    %convert_element_type3A_19 = arith.extui %and3A_18 : i1 to i32
    %cond3A_20 = arith.constant 0 : i32
    %cond3A_21 = arith.cmpi ne, %convert_element_type3A_19, %cond3A_20 : i32
    scf.if %cond3A_21 {
      %add3A_88 = arith.constant 32 : i32
      %add3A_89 = arith.addi %arg1, %add3A_88 : i32
      %dma_start3A = arith.constant 0 : i32
      %dma_start3A_90 = tpu.memref_slice %arg3[%add3A_89, %dma_start3A] : memref<2500x128xi32, #tpu.memory_space<hbm>> -> memref<1x128xi32, #tpu.memory_space<hbm>>
      %dma_start3A_91 = tpu.memref_squeeze %dma_start3A_90 : memref<1x128xi32, #tpu.memory_space<hbm>> -> memref<128xi32, #tpu.memory_space<hbm>>
      %dma_start3A_92 = arith.constant 0 : i32
      %dma_start3A_93 = tpu.memref_slice %arg3[%add3A_89, %dma_start3A_92] : memref<2500x128xi32, #tpu.memory_space<hbm>> -> memref<1x128xi32, #tpu.memory_space<hbm>>
      %dma_start3A_94 = tpu.memref_squeeze %dma_start3A_93 : memref<1x128xi32, #tpu.memory_space<hbm>> -> memref<128xi32, #tpu.memory_space<hbm>>
      tpu.enqueue_dma source(%dma_start3A_94 : memref<128xi32, #tpu.memory_space<hbm>>) target(%arg9 : memref<128xi32, #tpu.memory_space<vmem>>) target_semaphore(%arg21 : memref<!tpu.dma_semaphore, #tpu.memory_space<semaphore_mem>>)
      %dma_start3A_95 = arith.constant 0 : i32
      %dma_start3A_96 = tpu.memref_slice %arg4[%add3A_89, %dma_start3A_95] : memref<2500x128xi32, #tpu.memory_space<hbm>> -> memref<1x128xi32, #tpu.memory_space<hbm>>
      %dma_start3A_97 = tpu.memref_squeeze %dma_start3A_96 : memref<1x128xi32, #tpu.memory_space<hbm>> -> memref<128xi32, #tpu.memory_space<hbm>>
      %dma_start3A_98 = arith.constant 0 : i32
      %dma_start3A_99 = tpu.memref_slice %arg4[%add3A_89, %dma_start3A_98] : memref<2500x128xi32, #tpu.memory_space<hbm>> -> memref<1x128xi32, #tpu.memory_space<hbm>>
      %dma_start3A_100 = tpu.memref_squeeze %dma_start3A_99 : memref<1x128xi32, #tpu.memory_space<hbm>> -> memref<128xi32, #tpu.memory_space<hbm>>
      tpu.enqueue_dma source(%dma_start3A_100 : memref<128xi32, #tpu.memory_space<hbm>>) target(%arg12 : memref<128xi32, #tpu.memory_space<vmem>>) target_semaphore(%arg21 : memref<!tpu.dma_semaphore, #tpu.memory_space<semaphore_mem>>)
    } else {
    }
    %mul3A = arith.constant 624 : i32
    %mul3A_22 = arith.muli %arg1, %mul3A : i32
    "tpu.region"() ({
      %run_scoped3A = tpu.sem_alloc : memref<!tpu.dma_semaphore, #tpu.memory_space<semaphore_mem>>
      %dma_start3A = arith.constant 0 : i32
      %dma_start3A_88 = tpu.memref_slice %arg18[%mul3A_22, %dma_start3A] : memref<10008x128xf32, #tpu.memory_space<vmem_shared>> -> memref<624x128xf32, #tpu.memory_space<vmem_shared>>
      tpu.enqueue_dma source(%arg5 : memref<624x128xf32, #tpu.memory_space<hbm>>) target(%dma_start3A_88 : memref<624x128xf32, #tpu.memory_space<vmem_shared>>) target_semaphore(%run_scoped3A : memref<!tpu.dma_semaphore, #tpu.memory_space<semaphore_mem>>)
      %dma_wait3A = arith.constant 0 : i32
      %dma_wait3A_89 = tpu.memref_slice %arg18[%mul3A_22, %dma_wait3A] : memref<10008x128xf32, #tpu.memory_space<vmem_shared>> -> memref<624x128xf32, #tpu.memory_space<vmem_shared>>
      tpu.wait_dma2 semaphore(%run_scoped3A : memref<!tpu.dma_semaphore, #tpu.memory_space<semaphore_mem>>) src(%arg5 : memref<624x128xf32, #tpu.memory_space<hbm>>) dst(%dma_wait3A_89 : memref<624x128xf32, #tpu.memory_space<vmem_shared>>)
      tpu.yield
    }) : () -> ()
    %eq3A = arith.constant 0 : i32
    %eq3A_23 = arith.cmpi eq, %arg1, %eq3A : i32
    %convert_element_type3A_24 = arith.extui %eq3A_23 : i1 to i32
    %cond3A_25 = arith.constant 0 : i32
    %cond3A_26 = arith.cmpi ne, %convert_element_type3A_24, %cond3A_25 : i32
    scf.if %cond3A_26 {
      "tpu.region"() ({
        %run_scoped3A = tpu.sem_alloc : memref<!tpu.dma_semaphore, #tpu.memory_space<semaphore_mem>>
        %dma_start3A = arith.constant 9984 : i32
        %dma_start3A_88 = arith.constant 0 : i32
        %dma_start3A_89 = tpu.memref_slice %arg18[%dma_start3A, %dma_start3A_88] : memref<10008x128xf32, #tpu.memory_space<vmem_shared>> -> memref<24x128xf32, #tpu.memory_space<vmem_shared>>
        %dma_start3A_90 = arith.constant 0 : i32
        %dma_start3A_91 = arith.constant 0 : i32
        %dma_start3A_92 = tpu.memref_slice %arg5[%dma_start3A_90, %dma_start3A_91] : memref<624x128xf32, #tpu.memory_space<hbm>> -> memref<24x128xf32, #tpu.memory_space<hbm>>
        tpu.enqueue_dma source(%dma_start3A_92 : memref<24x128xf32, #tpu.memory_space<hbm>>) target(%dma_start3A_89 : memref<24x128xf32, #tpu.memory_space<vmem_shared>>) target_semaphore(%run_scoped3A : memref<!tpu.dma_semaphore, #tpu.memory_space<semaphore_mem>>)
        %dma_wait3A = arith.constant 9984 : i32
        %dma_wait3A_93 = arith.constant 0 : i32
        %dma_wait3A_94 = tpu.memref_slice %arg18[%dma_wait3A, %dma_wait3A_93] : memref<10008x128xf32, #tpu.memory_space<vmem_shared>> -> memref<24x128xf32, #tpu.memory_space<vmem_shared>>
        %dma_wait3A_95 = arith.constant 0 : i32
        %dma_wait3A_96 = arith.constant 0 : i32
        %dma_wait3A_97 = tpu.memref_slice %arg5[%dma_wait3A_95, %dma_wait3A_96] : memref<624x128xf32, #tpu.memory_space<hbm>> -> memref<24x128xf32, #tpu.memory_space<hbm>>
        tpu.wait_dma2 semaphore(%run_scoped3A : memref<!tpu.dma_semaphore, #tpu.memory_space<semaphore_mem>>) src(%dma_wait3A_97 : memref<24x128xf32, #tpu.memory_space<hbm>>) dst(%dma_wait3A_94 : memref<24x128xf32, #tpu.memory_space<vmem_shared>>)
        tpu.yield
      }) : () -> ()
    } else {
    }
    %add3A_27 = arith.constant 0 : i32
    %add3A_28 = arith.addi %arg1, %add3A_27 : i32
    %lt3A_29 = arith.constant 2500 : i32
    %lt3A_30 = arith.cmpi slt, %add3A_28, %lt3A_29 : i32
    %and3A_31 = arith.constant true
    %and3A_32 = arith.andi %and3A_31, %lt3A_30 : i1
    %convert_element_type3A_33 = arith.extui %and3A_32 : i1 to i32
    %cond3A_34 = arith.constant 0 : i32
    %cond3A_35 = arith.cmpi ne, %convert_element_type3A_33, %cond3A_34 : i32
    scf.if %cond3A_35 {
      %add3A_88 = arith.constant 0 : i32
      %add3A_89 = arith.addi %arg1, %add3A_88 : i32
      %dma_wait3A = arith.constant 0 : i32
      %dma_wait3A_90 = tpu.memref_slice %arg3[%add3A_89, %dma_wait3A] : memref<2500x128xi32, #tpu.memory_space<hbm>> -> memref<1x128xi32, #tpu.memory_space<hbm>>
      %dma_wait3A_91 = tpu.memref_squeeze %dma_wait3A_90 : memref<1x128xi32, #tpu.memory_space<hbm>> -> memref<128xi32, #tpu.memory_space<hbm>>
      %dma_wait3A_92 = arith.constant 0 : i32
      %dma_wait3A_93 = tpu.memref_slice %arg3[%add3A_89, %dma_wait3A_92] : memref<2500x128xi32, #tpu.memory_space<hbm>> -> memref<1x128xi32, #tpu.memory_space<hbm>>
      %dma_wait3A_94 = tpu.memref_squeeze %dma_wait3A_93 : memref<1x128xi32, #tpu.memory_space<hbm>> -> memref<128xi32, #tpu.memory_space<hbm>>
      tpu.wait_dma2 semaphore(%arg19 : memref<!tpu.dma_semaphore, #tpu.memory_space<semaphore_mem>>) src(%dma_wait3A_94 : memref<128xi32, #tpu.memory_space<hbm>>) dst(%arg7 : memref<128xi32, #tpu.memory_space<vmem>>)
      %dma_wait3A_95 = arith.constant 0 : i32
      %dma_wait3A_96 = tpu.memref_slice %arg4[%add3A_89, %dma_wait3A_95] : memref<2500x128xi32, #tpu.memory_space<hbm>> -> memref<1x128xi32, #tpu.memory_space<hbm>>
      %dma_wait3A_97 = tpu.memref_squeeze %dma_wait3A_96 : memref<1x128xi32, #tpu.memory_space<hbm>> -> memref<128xi32, #tpu.memory_space<hbm>>
      %dma_wait3A_98 = arith.constant 0 : i32
      %dma_wait3A_99 = tpu.memref_slice %arg4[%add3A_89, %dma_wait3A_98] : memref<2500x128xi32, #tpu.memory_space<hbm>> -> memref<1x128xi32, #tpu.memory_space<hbm>>
      %dma_wait3A_100 = tpu.memref_squeeze %dma_wait3A_99 : memref<1x128xi32, #tpu.memory_space<hbm>> -> memref<128xi32, #tpu.memory_space<hbm>>
      tpu.wait_dma2 semaphore(%arg19 : memref<!tpu.dma_semaphore, #tpu.memory_space<semaphore_mem>>) src(%dma_wait3A_100 : memref<128xi32, #tpu.memory_space<hbm>>) dst(%arg10 : memref<128xi32, #tpu.memory_space<vmem>>)
    } else {
    }
    %add3A_36 = arith.constant 0 : i32
    %add3A_37 = arith.addi %arg1, %add3A_36 : i32
    %lt3A_38 = arith.constant 2500 : i32
    %lt3A_39 = arith.cmpi slt, %add3A_37, %lt3A_38 : i32
    %and3A_40 = arith.constant true
    %and3A_41 = arith.andi %and3A_40, %lt3A_39 : i1
    %convert_element_type3A_42 = arith.extui %and3A_41 : i1 to i32
    %cond3A_43 = arith.constant 0 : i32
    %cond3A_44 = arith.cmpi ne, %convert_element_type3A_42, %cond3A_43 : i32
    scf.if %cond3A_44 {
      %dma_start3A = arith.constant 0 : i32
      %dma_start3A_88 = arith.constant 0 : i32
      %dma_start3A_89 = tpu.memref_slice %arg2[%dma_start3A, %dma_start3A_88] : memref<100000x128xf32, #tpu.memory_space<hbm>> -> memref<100000x128xf32, #tpu.memory_space<hbm>>
      tpu.enqueue_indirect_dma source(%dma_start3A_89 : memref<100000x128xf32, #tpu.memory_space<hbm>>) target(%arg15 : memref<128x128xf32, #tpu.memory_space<vmem>>) offsets(%arg7 : memref<128xi32, #tpu.memory_space<vmem>>) semaphore(%arg22 : memref<!tpu.dma_semaphore, #tpu.memory_space<semaphore_mem>>)
    } else {
    }
    %add3A_45 = arith.constant 16 : i32
    %add3A_46 = arith.addi %arg1, %add3A_45 : i32
    %lt3A_47 = arith.constant 2500 : i32
    %lt3A_48 = arith.cmpi slt, %add3A_46, %lt3A_47 : i32
    %and3A_49 = arith.constant true
    %and3A_50 = arith.andi %and3A_49, %lt3A_48 : i1
    %convert_element_type3A_51 = arith.extui %and3A_50 : i1 to i32
    %cond3A_52 = arith.constant 0 : i32
    %cond3A_53 = arith.cmpi ne, %convert_element_type3A_51, %cond3A_52 : i32
    scf.if %cond3A_53 {
      %add3A_88 = arith.constant 16 : i32
      %add3A_89 = arith.addi %arg1, %add3A_88 : i32
      %dma_wait3A = arith.constant 0 : i32
      %dma_wait3A_90 = tpu.memref_slice %arg3[%add3A_89, %dma_wait3A] : memref<2500x128xi32, #tpu.memory_space<hbm>> -> memref<1x128xi32, #tpu.memory_space<hbm>>
      %dma_wait3A_91 = tpu.memref_squeeze %dma_wait3A_90 : memref<1x128xi32, #tpu.memory_space<hbm>> -> memref<128xi32, #tpu.memory_space<hbm>>
      %dma_wait3A_92 = arith.constant 0 : i32
      %dma_wait3A_93 = tpu.memref_slice %arg3[%add3A_89, %dma_wait3A_92] : memref<2500x128xi32, #tpu.memory_space<hbm>> -> memref<1x128xi32, #tpu.memory_space<hbm>>
      %dma_wait3A_94 = tpu.memref_squeeze %dma_wait3A_93 : memref<1x128xi32, #tpu.memory_space<hbm>> -> memref<128xi32, #tpu.memory_space<hbm>>
      tpu.wait_dma2 semaphore(%arg20 : memref<!tpu.dma_semaphore, #tpu.memory_space<semaphore_mem>>) src(%dma_wait3A_94 : memref<128xi32, #tpu.memory_space<hbm>>) dst(%arg8 : memref<128xi32, #tpu.memory_space<vmem>>)
      %dma_wait3A_95 = arith.constant 0 : i32
      %dma_wait3A_96 = tpu.memref_slice %arg4[%add3A_89, %dma_wait3A_95] : memref<2500x128xi32, #tpu.memory_space<hbm>> -> memref<1x128xi32, #tpu.memory_space<hbm>>
      %dma_wait3A_97 = tpu.memref_squeeze %dma_wait3A_96 : memref<1x128xi32, #tpu.memory_space<hbm>> -> memref<128xi32, #tpu.memory_space<hbm>>
      %dma_wait3A_98 = arith.constant 0 : i32
      %dma_wait3A_99 = tpu.memref_slice %arg4[%add3A_89, %dma_wait3A_98] : memref<2500x128xi32, #tpu.memory_space<hbm>> -> memref<1x128xi32, #tpu.memory_space<hbm>>
      %dma_wait3A_100 = tpu.memref_squeeze %dma_wait3A_99 : memref<1x128xi32, #tpu.memory_space<hbm>> -> memref<128xi32, #tpu.memory_space<hbm>>
      tpu.wait_dma2 semaphore(%arg20 : memref<!tpu.dma_semaphore, #tpu.memory_space<semaphore_mem>>) src(%dma_wait3A_100 : memref<128xi32, #tpu.memory_space<hbm>>) dst(%arg11 : memref<128xi32, #tpu.memory_space<vmem>>)
    } else {
    }
    %add3A_54 = arith.constant 16 : i32
    %add3A_55 = arith.addi %arg1, %add3A_54 : i32
    %lt3A_56 = arith.constant 2500 : i32
    %lt3A_57 = arith.cmpi slt, %add3A_55, %lt3A_56 : i32
    %and3A_58 = arith.constant true
    %and3A_59 = arith.andi %and3A_58, %lt3A_57 : i1
    %convert_element_type3A_60 = arith.extui %and3A_59 : i1 to i32
    %cond3A_61 = arith.constant 0 : i32
    %cond3A_62 = arith.cmpi ne, %convert_element_type3A_60, %cond3A_61 : i32
    scf.if %cond3A_62 {
      %dma_start3A = arith.constant 0 : i32
      %dma_start3A_88 = arith.constant 0 : i32
      %dma_start3A_89 = tpu.memref_slice %arg2[%dma_start3A, %dma_start3A_88] : memref<100000x128xf32, #tpu.memory_space<hbm>> -> memref<100000x128xf32, #tpu.memory_space<hbm>>
      tpu.enqueue_indirect_dma source(%dma_start3A_89 : memref<100000x128xf32, #tpu.memory_space<hbm>>) target(%arg16 : memref<128x128xf32, #tpu.memory_space<vmem>>) offsets(%arg8 : memref<128xi32, #tpu.memory_space<vmem>>) semaphore(%arg23 : memref<!tpu.dma_semaphore, #tpu.memory_space<semaphore_mem>>)
    } else {
    }
    %barrier3A = arith.constant 0 : index
    tpu.barrier barrier_id(%barrier3A)
    %scan3A = arith.constant 0 : i32
    %scan3A_63 = arith.constant 0 : i32
    %scan3A_64 = arith.constant 27 : i32
    %scan3A_65 = arith.addi %scan3A_63, %scan3A_64 : i32
    %scan3A_66 = arith.constant 1 : i32
    scf.for %scan3A_88 = %scan3A_63 to %scan3A_65 step %scan3A_66  : i32 {
      %mul3A_89 = arith.constant 6 : i32
      %mul3A_90 = arith.muli %mul3A_89, %scan3A_88 : i32
      %add3A_91 = arith.constant 0 : i32
      %add3A_92 = arith.addi %mul3A_90, %add3A_91 : i32
      %ge3A = arith.constant 0 : i32
      %ge3A_93 = arith.cmpi sge, %add3A_92, %ge3A : i32
      %mul3A_94 = arith.constant 16 : i32
      %mul3A_95 = arith.muli %mul3A_94, %add3A_92 : i32
      %add3A_96 = arith.addi %arg1, %mul3A_95 : i32
      %lt3A_97 = arith.constant 2500 : i32
      %lt3A_98 = arith.cmpi slt, %add3A_96, %lt3A_97 : i32
      %and3A_99 = arith.andi %ge3A_93, %lt3A_98 : i1
      %convert_element_type3A_100 = arith.extui %and3A_99 : i1 to i32
      %cond3A_101 = arith.constant 0 : i32
      %cond3A_102 = arith.cmpi ne, %convert_element_type3A_100, %cond3A_101 : i32
      scf.if %cond3A_102 {
        %dma_wait3A = arith.constant 0 : i32
        %dma_wait3A_489 = arith.constant 0 : i32
        %dma_wait3A_490 = tpu.memref_slice %arg2[%dma_wait3A, %dma_wait3A_489] : memref<100000x128xf32, #tpu.memory_space<hbm>> -> memref<100000x128xf32, #tpu.memory_space<hbm>>
        tpu.wait_indirect_dma semaphore(%arg22 : memref<!tpu.dma_semaphore, #tpu.memory_space<semaphore_mem>>) src(%dma_wait3A_490 : memref<100000x128xf32, #tpu.memory_space<hbm>>) dst(%arg15 : memref<128x128xf32, #tpu.memory_space<vmem>>)
        %get3A = arith.constant 0 : index
        %get3A_491 = tpu.vector_load %arg10[%get3A] {strides = array<i32>} : memref<128xi32, #tpu.memory_space<vmem>>, vector<16xi32>,
        %get3A_492 = vector.shape_cast %get3A_491 : vector<16xi32> to vector<16xi32>
        %mul3A_493 = arith.constant 10000 : i32
        %mul3A_494 = arith.muli %arg0, %mul3A_493 : i32
        %sub3A_495 = vector.broadcast %mul3A_494 : i32 to vector<16xi32>
        %sub3A_496 = arith.subi %get3A_492, %sub3A_495 : vector<16xi32>
        %lt3A_497 = arith.constant 0 : i32
        %lt3A_498 = vector.broadcast %lt3A_497 : i32 to vector<16xi32>
        %lt3A_499 = arith.cmpi slt, %sub3A_496, %lt3A_498 : vector<16xi32>
        %ge3A_500 = arith.constant 10000 : i32
        %ge3A_501 = vector.broadcast %ge3A_500 : i32 to vector<16xi32>
        %ge3A_502 = arith.cmpi sge, %sub3A_496, %ge3A_501 : vector<16xi32>
        %or3A = arith.ori %lt3A_499, %ge3A_502 : vector<16xi1>
        %jit3A = arith.constant 10000 : i32
        %broadcast_in_dim3A = vector.broadcast %jit3A : i32 to vector<16xi32>
        %select_n3A = arith.select %or3A, %broadcast_in_dim3A, %sub3A_496 : vector<16xi1>, vector<16xi32>
        %swap3A = arith.constant 0 : i32
        %swap3A_503 = arith.index_cast %swap3A : i32 to index
        %swap3A_504 = arith.constant 0 : index
        %swap3A_505 = tpu.vector_load %arg13[%swap3A_503, %swap3A_504] {strides = array<i32>} : memref<1x128xi32, #tpu.memory_space<vmem>>, vector<1x16xi32>,
        %swap3A_506 = vector.shape_cast %swap3A_505 : vector<1x16xi32> to vector<16xi32>
        %swap3A_507 = vector.shape_cast %select_n3A : vector<16xi32> to vector<1x16xi32>
        tpu.vector_store %arg13[%swap3A_503, %swap3A_504], %swap3A_507 {strides = array<i32>} : memref<1x128xi32, #tpu.memory_space<vmem>>, vector<1x16xi32>,
        %get3A_508 = arith.constant 16 : index
        %get3A_509 = tpu.vector_load %arg10[%get3A_508] {strides = array<i32>} : memref<128xi32, #tpu.memory_space<vmem>>, vector<16xi32>,
        %get3A_510 = vector.shape_cast %get3A_509 : vector<16xi32> to vector<16xi32>
        %mul3A_511 = arith.constant 10000 : i32
        %mul3A_512 = arith.muli %arg0, %mul3A_511 : i32
        %sub3A_513 = vector.broadcast %mul3A_512 : i32 to vector<16xi32>
        %sub3A_514 = arith.subi %get3A_510, %sub3A_513 : vector<16xi32>
        %lt3A_515 = arith.constant 0 : i32
        %lt3A_516 = vector.broadcast %lt3A_515 : i32 to vector<16xi32>
        %lt3A_517 = arith.cmpi slt, %sub3A_514, %lt3A_516 : vector<16xi32>
        %ge3A_518 = arith.constant 10000 : i32
        %ge3A_519 = vector.broadcast %ge3A_518 : i32 to vector<16xi32>
        %ge3A_520 = arith.cmpi sge, %sub3A_514, %ge3A_519 : vector<16xi32>
        %or3A_521 = arith.ori %lt3A_517, %ge3A_520 : vector<16xi1>
        %jit3A_522 = arith.constant 10000 : i32
        %broadcast_in_dim3A_523 = vector.broadcast %jit3A_522 : i32 to vector<16xi32>
        %select_n3A_524 = arith.select %or3A_521, %broadcast_in_dim3A_523, %sub3A_514 : vector<16xi1>, vector<16xi32>
        %swap3A_525 = arith.constant 0 : i32
        %swap3A_526 = arith.index_cast %swap3A_525 : i32 to index
        %swap3A_527 = arith.constant 16 : index
        %swap3A_528 = tpu.vector_load %arg13[%swap3A_526, %swap3A_527] {strides = array<i32>} : memref<1x128xi32, #tpu.memory_space<vmem>>, vector<1x16xi32>,
        %swap3A_529 = vector.shape_cast %swap3A_528 : vector<1x16xi32> to vector<16xi32>
        %swap3A_530 = vector.shape_cast %select_n3A_524 : vector<16xi32> to vector<1x16xi32>
        tpu.vector_store %arg13[%swap3A_526, %swap3A_527], %swap3A_530 {strides = array<i32>} : memref<1x128xi32, #tpu.memory_space<vmem>>, vector<1x16xi32>,
        %get3A_531 = arith.constant 32 : index
        %get3A_532 = tpu.vector_load %arg10[%get3A_531] {strides = array<i32>} : memref<128xi32, #tpu.memory_space<vmem>>, vector<16xi32>,
        %get3A_533 = vector.shape_cast %get3A_532 : vector<16xi32> to vector<16xi32>
        %mul3A_534 = arith.constant 10000 : i32
        %mul3A_535 = arith.muli %arg0, %mul3A_534 : i32
        %sub3A_536 = vector.broadcast %mul3A_535 : i32 to vector<16xi32>
        %sub3A_537 = arith.subi %get3A_533, %sub3A_536 : vector<16xi32>
        %lt3A_538 = arith.constant 0 : i32
        %lt3A_539 = vector.broadcast %lt3A_538 : i32 to vector<16xi32>
        %lt3A_540 = arith.cmpi slt, %sub3A_537, %lt3A_539 : vector<16xi32>
        %ge3A_541 = arith.constant 10000 : i32
        %ge3A_542 = vector.broadcast %ge3A_541 : i32 to vector<16xi32>
        %ge3A_543 = arith.cmpi sge, %sub3A_537, %ge3A_542 : vector<16xi32>
        %or3A_544 = arith.ori %lt3A_540, %ge3A_543 : vector<16xi1>
        %jit3A_545 = arith.constant 10000 : i32
        %broadcast_in_dim3A_546 = vector.broadcast %jit3A_545 : i32 to vector<16xi32>
        %select_n3A_547 = arith.select %or3A_544, %broadcast_in_dim3A_546, %sub3A_537 : vector<16xi1>, vector<16xi32>
        %swap3A_548 = arith.constant 0 : i32
        %swap3A_549 = arith.index_cast %swap3A_548 : i32 to index
        %swap3A_550 = arith.constant 32 : index
        %swap3A_551 = tpu.vector_load %arg13[%swap3A_549, %swap3A_550] {strides = array<i32>} : memref<1x128xi32, #tpu.memory_space<vmem>>, vector<1x16xi32>,
        %swap3A_552 = vector.shape_cast %swap3A_551 : vector<1x16xi32> to vector<16xi32>
        %swap3A_553 = vector.shape_cast %select_n3A_547 : vector<16xi32> to vector<1x16xi32>
        tpu.vector_store %arg13[%swap3A_549, %swap3A_550], %swap3A_553 {strides = array<i32>} : memref<1x128xi32, #tpu.memory_space<vmem>>, vector<1x16xi32>,
        %get3A_554 = arith.constant 48 : index
        %get3A_555 = tpu.vector_load %arg10[%get3A_554] {strides = array<i32>} : memref<128xi32, #tpu.memory_space<vmem>>, vector<16xi32>,
        %get3A_556 = vector.shape_cast %get3A_555 : vector<16xi32> to vector<16xi32>
        %mul3A_557 = arith.constant 10000 : i32
        %mul3A_558 = arith.muli %arg0, %mul3A_557 : i32
        %sub3A_559 = vector.broadcast %mul3A_558 : i32 to vector<16xi32>
        %sub3A_560 = arith.subi %get3A_556, %sub3A_559 : vector<16xi32>
        %lt3A_561 = arith.constant 0 : i32
        %lt3A_562 = vector.broadcast %lt3A_561 : i32 to vector<16xi32>
        %lt3A_563 = arith.cmpi slt, %sub3A_560, %lt3A_562 : vector<16xi32>
        %ge3A_564 = arith.constant 10000 : i32
        %ge3A_565 = vector.broadcast %ge3A_564 : i32 to vector<16xi32>
        %ge3A_566 = arith.cmpi sge, %sub3A_560, %ge3A_565 : vector<16xi32>
        %or3A_567 = arith.ori %lt3A_563, %ge3A_566 : vector<16xi1>
        %jit3A_568 = arith.constant 10000 : i32
        %broadcast_in_dim3A_569 = vector.broadcast %jit3A_568 : i32 to vector<16xi32>
        %select_n3A_570 = arith.select %or3A_567, %broadcast_in_dim3A_569, %sub3A_560 : vector<16xi1>, vector<16xi32>
        %swap3A_571 = arith.constant 0 : i32
        %swap3A_572 = arith.index_cast %swap3A_571 : i32 to index
        %swap3A_573 = arith.constant 48 : index
        %swap3A_574 = tpu.vector_load %arg13[%swap3A_572, %swap3A_573] {strides = array<i32>} : memref<1x128xi32, #tpu.memory_space<vmem>>, vector<1x16xi32>,
        %swap3A_575 = vector.shape_cast %swap3A_574 : vector<1x16xi32> to vector<16xi32>
        %swap3A_576 = vector.shape_cast %select_n3A_570 : vector<16xi32> to vector<1x16xi32>
        tpu.vector_store %arg13[%swap3A_572, %swap3A_573], %swap3A_576 {strides = array<i32>} : memref<1x128xi32, #tpu.memory_space<vmem>>, vector<1x16xi32>,
        %get3A_577 = arith.constant 64 : index
        %get3A_578 = tpu.vector_load %arg10[%get3A_577] {strides = array<i32>} : memref<128xi32, #tpu.memory_space<vmem>>, vector<16xi32>,
        %get3A_579 = vector.shape_cast %get3A_578 : vector<16xi32> to vector<16xi32>
        %mul3A_580 = arith.constant 10000 : i32
        %mul3A_581 = arith.muli %arg0, %mul3A_580 : i32
        %sub3A_582 = vector.broadcast %mul3A_581 : i32 to vector<16xi32>
        %sub3A_583 = arith.subi %get3A_579, %sub3A_582 : vector<16xi32>
        %lt3A_584 = arith.constant 0 : i32
        %lt3A_585 = vector.broadcast %lt3A_584 : i32 to vector<16xi32>
        %lt3A_586 = arith.cmpi slt, %sub3A_583, %lt3A_585 : vector<16xi32>
        %ge3A_587 = arith.constant 10000 : i32
        %ge3A_588 = vector.broadcast %ge3A_587 : i32 to vector<16xi32>
        %ge3A_589 = arith.cmpi sge, %sub3A_583, %ge3A_588 : vector<16xi32>
        %or3A_590 = arith.ori %lt3A_586, %ge3A_589 : vector<16xi1>
        %jit3A_591 = arith.constant 10000 : i32
        %broadcast_in_dim3A_592 = vector.broadcast %jit3A_591 : i32 to vector<16xi32>
        %select_n3A_593 = arith.select %or3A_590, %broadcast_in_dim3A_592, %sub3A_583 : vector<16xi1>, vector<16xi32>
        %swap3A_594 = arith.constant 0 : i32
        %swap3A_595 = arith.index_cast %swap3A_594 : i32 to index
        %swap3A_596 = arith.constant 64 : index
        %swap3A_597 = tpu.vector_load %arg13[%swap3A_595, %swap3A_596] {strides = array<i32>} : memref<1x128xi32, #tpu.memory_space<vmem>>, vector<1x16xi32>,
        %swap3A_598 = vector.shape_cast %swap3A_597 : vector<1x16xi32> to vector<16xi32>
        %swap3A_599 = vector.shape_cast %select_n3A_593 : vector<16xi32> to vector<1x16xi32>
        tpu.vector_store %arg13[%swap3A_595, %swap3A_596], %swap3A_599 {strides = array<i32>} : memref<1x128xi32, #tpu.memory_space<vmem>>, vector<1x16xi32>,
        %get3A_600 = arith.constant 80 : index
        %get3A_601 = tpu.vector_load %arg10[%get3A_600] {strides = array<i32>} : memref<128xi32, #tpu.memory_space<vmem>>, vector<16xi32>,
        %get3A_602 = vector.shape_cast %get3A_601 : vector<16xi32> to vector<16xi32>
        %mul3A_603 = arith.constant 10000 : i32
        %mul3A_604 = arith.muli %arg0, %mul3A_603 : i32
        %sub3A_605 = vector.broadcast %mul3A_604 : i32 to vector<16xi32>
        %sub3A_606 = arith.subi %get3A_602, %sub3A_605 : vector<16xi32>
        %lt3A_607 = arith.constant 0 : i32
        %lt3A_608 = vector.broadcast %lt3A_607 : i32 to vector<16xi32>
        %lt3A_609 = arith.cmpi slt, %sub3A_606, %lt3A_608 : vector<16xi32>
        %ge3A_610 = arith.constant 10000 : i32
        %ge3A_611 = vector.broadcast %ge3A_610 : i32 to vector<16xi32>
        %ge3A_612 = arith.cmpi sge, %sub3A_606, %ge3A_611 : vector<16xi32>
        %or3A_613 = arith.ori %lt3A_609, %ge3A_612 : vector<16xi1>
        %jit3A_614 = arith.constant 10000 : i32
        %broadcast_in_dim3A_615 = vector.broadcast %jit3A_614 : i32 to vector<16xi32>
        %select_n3A_616 = arith.select %or3A_613, %broadcast_in_dim3A_615, %sub3A_606 : vector<16xi1>, vector<16xi32>
        %swap3A_617 = arith.constant 0 : i32
        %swap3A_618 = arith.index_cast %swap3A_617 : i32 to index
        %swap3A_619 = arith.constant 80 : index
        %swap3A_620 = tpu.vector_load %arg13[%swap3A_618, %swap3A_619] {strides = array<i32>} : memref<1x128xi32, #tpu.memory_space<vmem>>, vector<1x16xi32>,
        %swap3A_621 = vector.shape_cast %swap3A_620 : vector<1x16xi32> to vector<16xi32>
        %swap3A_622 = vector.shape_cast %select_n3A_616 : vector<16xi32> to vector<1x16xi32>
        tpu.vector_store %arg13[%swap3A_618, %swap3A_619], %swap3A_622 {strides = array<i32>} : memref<1x128xi32, #tpu.memory_space<vmem>>, vector<1x16xi32>,
        %get3A_623 = arith.constant 96 : index
        %get3A_624 = tpu.vector_load %arg10[%get3A_623] {strides = array<i32>} : memref<128xi32, #tpu.memory_space<vmem>>, vector<16xi32>,
        %get3A_625 = vector.shape_cast %get3A_624 : vector<16xi32> to vector<16xi32>
        %mul3A_626 = arith.constant 10000 : i32
        %mul3A_627 = arith.muli %arg0, %mul3A_626 : i32
        %sub3A_628 = vector.broadcast %mul3A_627 : i32 to vector<16xi32>
        %sub3A_629 = arith.subi %get3A_625, %sub3A_628 : vector<16xi32>
        %lt3A_630 = arith.constant 0 : i32
        %lt3A_631 = vector.broadcast %lt3A_630 : i32 to vector<16xi32>
        %lt3A_632 = arith.cmpi slt, %sub3A_629, %lt3A_631 : vector<16xi32>
        %ge3A_633 = arith.constant 10000 : i32
        %ge3A_634 = vector.broadcast %ge3A_633 : i32 to vector<16xi32>
        %ge3A_635 = arith.cmpi sge, %sub3A_629, %ge3A_634 : vector<16xi32>
        %or3A_636 = arith.ori %lt3A_632, %ge3A_635 : vector<16xi1>
        %jit3A_637 = arith.constant 10000 : i32
        %broadcast_in_dim3A_638 = vector.broadcast %jit3A_637 : i32 to vector<16xi32>
        %select_n3A_639 = arith.select %or3A_636, %broadcast_in_dim3A_638, %sub3A_629 : vector<16xi1>, vector<16xi32>
        %swap3A_640 = arith.constant 0 : i32
        %swap3A_641 = arith.index_cast %swap3A_640 : i32 to index
        %swap3A_642 = arith.constant 96 : index
        %swap3A_643 = tpu.vector_load %arg13[%swap3A_641, %swap3A_642] {strides = array<i32>} : memref<1x128xi32, #tpu.memory_space<vmem>>, vector<1x16xi32>,
        %swap3A_644 = vector.shape_cast %swap3A_643 : vector<1x16xi32> to vector<16xi32>
        %swap3A_645 = vector.shape_cast %select_n3A_639 : vector<16xi32> to vector<1x16xi32>
        tpu.vector_store %arg13[%swap3A_641, %swap3A_642], %swap3A_645 {strides = array<i32>} : memref<1x128xi32, #tpu.memory_space<vmem>>, vector<1x16xi32>,
        %get3A_646 = arith.constant 112 : index
        %get3A_647 = tpu.vector_load %arg10[%get3A_646] {strides = array<i32>} : memref<128xi32, #tpu.memory_space<vmem>>, vector<16xi32>,
        %get3A_648 = vector.shape_cast %get3A_647 : vector<16xi32> to vector<16xi32>
        %mul3A_649 = arith.constant 10000 : i32
        %mul3A_650 = arith.muli %arg0, %mul3A_649 : i32
        %sub3A_651 = vector.broadcast %mul3A_650 : i32 to vector<16xi32>
        %sub3A_652 = arith.subi %get3A_648, %sub3A_651 : vector<16xi32>
        %lt3A_653 = arith.constant 0 : i32
        %lt3A_654 = vector.broadcast %lt3A_653 : i32 to vector<16xi32>
        %lt3A_655 = arith.cmpi slt, %sub3A_652, %lt3A_654 : vector<16xi32>
        %ge3A_656 = arith.constant 10000 : i32
        %ge3A_657 = vector.broadcast %ge3A_656 : i32 to vector<16xi32>
        %ge3A_658 = arith.cmpi sge, %sub3A_652, %ge3A_657 : vector<16xi32>
        %or3A_659 = arith.ori %lt3A_655, %ge3A_658 : vector<16xi1>
        %jit3A_660 = arith.constant 10000 : i32
        %broadcast_in_dim3A_661 = vector.broadcast %jit3A_660 : i32 to vector<16xi32>
        %select_n3A_662 = arith.select %or3A_659, %broadcast_in_dim3A_661, %sub3A_652 : vector<16xi1>, vector<16xi32>
        %swap3A_663 = arith.constant 0 : i32
        %swap3A_664 = arith.index_cast %swap3A_663 : i32 to index
        %swap3A_665 = arith.constant 112 : index
        %swap3A_666 = tpu.vector_load %arg13[%swap3A_664, %swap3A_665] {strides = array<i32>} : memref<1x128xi32, #tpu.memory_space<vmem>>, vector<1x16xi32>,
        %swap3A_667 = vector.shape_cast %swap3A_666 : vector<1x16xi32> to vector<16xi32>
        %swap3A_668 = vector.shape_cast %select_n3A_662 : vector<16xi32> to vector<1x16xi32>
        tpu.vector_store %arg13[%swap3A_664, %swap3A_665], %swap3A_668 {strides = array<i32>} : memref<1x128xi32, #tpu.memory_space<vmem>>, vector<1x16xi32>,
        %dma_start3A = arith.constant 0 : i32
        %dma_start3A_669 = arith.constant 0 : i32
        %dma_start3A_670 = tpu.memref_slice %arg13[%dma_start3A, %dma_start3A_669] : memref<1x128xi32, #tpu.memory_space<vmem>> -> memref<1x128xi32, #tpu.memory_space<vmem>>
        %dma_start3A_671 = tpu.memref_squeeze %dma_start3A_670 : memref<1x128xi32, #tpu.memory_space<vmem>> -> memref<128xi32, #tpu.memory_space<vmem>>
        %dma_start3A_672 = arith.constant 0 : i32
        %dma_start3A_673 = arith.constant 0 : i32
        %dma_start3A_674 = tpu.memref_slice %arg18[%dma_start3A_672, %dma_start3A_673] : memref<10008x128xf32, #tpu.memory_space<vmem_shared>> -> memref<10008x128xf32, #tpu.memory_space<vmem_shared>>
        tpu.enqueue_indirect_dma source(%arg15 : memref<128x128xf32, #tpu.memory_space<vmem>>) target(%dma_start3A_674 : memref<10008x128xf32, #tpu.memory_space<vmem_shared>>) offsets(%dma_start3A_671 : memref<128xi32, #tpu.memory_space<vmem>>) semaphore(%arg25 : memref<!tpu.dma_semaphore, #tpu.memory_space<semaphore_mem>>) {add = true}
      } else {
      }
      %add3A_103 = arith.constant 3 : i32
      %add3A_104 = arith.addi %add3A_92, %add3A_103 : i32
      %ge3A_105 = arith.constant 0 : i32
      %ge3A_106 = arith.cmpi sge, %add3A_104, %ge3A_105 : i32
      %mul3A_107 = arith.constant 16 : i32
      %mul3A_108 = arith.muli %mul3A_107, %add3A_104 : i32
      %add3A_109 = arith.addi %arg1, %mul3A_108 : i32
      %lt3A_110 = arith.constant 2500 : i32
      %lt3A_111 = arith.cmpi slt, %add3A_109, %lt3A_110 : i32
      %and3A_112 = arith.andi %ge3A_106, %lt3A_111 : i1
      %convert_element_type3A_113 = arith.extui %and3A_112 : i1 to i32
      %cond3A_114 = arith.constant 0 : i32
      %cond3A_115 = arith.cmpi ne, %convert_element_type3A_113, %cond3A_114 : i32
      scf.if %cond3A_115 {
        %mul3A_489 = arith.constant 16 : i32
        %mul3A_490 = arith.muli %mul3A_489, %add3A_104 : i32
        %add3A_491 = arith.addi %arg1, %mul3A_490 : i32
        %dma_start3A = arith.constant 0 : i32
        %dma_start3A_492 = tpu.memref_slice %arg3[%add3A_491, %dma_start3A] : memref<2500x128xi32, #tpu.memory_space<hbm>> -> memref<1x128xi32, #tpu.memory_space<hbm>>
        %dma_start3A_493 = tpu.memref_squeeze %dma_start3A_492 : memref<1x128xi32, #tpu.memory_space<hbm>> -> memref<128xi32, #tpu.memory_space<hbm>>
        %dma_start3A_494 = arith.constant 0 : i32
        %dma_start3A_495 = tpu.memref_slice %arg3[%add3A_491, %dma_start3A_494] : memref<2500x128xi32, #tpu.memory_space<hbm>> -> memref<1x128xi32, #tpu.memory_space<hbm>>
        %dma_start3A_496 = tpu.memref_squeeze %dma_start3A_495 : memref<1x128xi32, #tpu.memory_space<hbm>> -> memref<128xi32, #tpu.memory_space<hbm>>
        tpu.enqueue_dma source(%dma_start3A_496 : memref<128xi32, #tpu.memory_space<hbm>>) target(%arg7 : memref<128xi32, #tpu.memory_space<vmem>>) target_semaphore(%arg19 : memref<!tpu.dma_semaphore, #tpu.memory_space<semaphore_mem>>)
        %dma_start3A_497 = arith.constant 0 : i32
        %dma_start3A_498 = tpu.memref_slice %arg4[%add3A_491, %dma_start3A_497] : memref<2500x128xi32, #tpu.memory_space<hbm>> -> memref<1x128xi32, #tpu.memory_space<hbm>>
        %dma_start3A_499 = tpu.memref_squeeze %dma_start3A_498 : memref<1x128xi32, #tpu.memory_space<hbm>> -> memref<128xi32, #tpu.memory_space<hbm>>
        %dma_start3A_500 = arith.constant 0 : i32
        %dma_start3A_501 = tpu.memref_slice %arg4[%add3A_491, %dma_start3A_500] : memref<2500x128xi32, #tpu.memory_space<hbm>> -> memref<1x128xi32, #tpu.memory_space<hbm>>
        %dma_start3A_502 = tpu.memref_squeeze %dma_start3A_501 : memref<1x128xi32, #tpu.memory_space<hbm>> -> memref<128xi32, #tpu.memory_space<hbm>>
        tpu.enqueue_dma source(%dma_start3A_502 : memref<128xi32, #tpu.memory_space<hbm>>) target(%arg10 : memref<128xi32, #tpu.memory_space<vmem>>) target_semaphore(%arg19 : memref<!tpu.dma_semaphore, #tpu.memory_space<semaphore_mem>>)
      } else {
      }
      %sub3A = arith.constant 1 : i32
      %sub3A_116 = arith.subi %add3A_92, %sub3A : i32
      %ge3A_117 = arith.constant 0 : i32
      %ge3A_118 = arith.cmpi sge, %sub3A_116, %ge3A_117 : i32
      %mul3A_119 = arith.constant 16 : i32
      %mul3A_120 = arith.muli %mul3A_119, %sub3A_116 : i32
      %add3A_121 = arith.addi %arg1, %mul3A_120 : i32
      %lt3A_122 = arith.constant 2500 : i32
      %lt3A_123 = arith.cmpi slt, %add3A_121, %lt3A_122 : i32
      %and3A_124 = arith.andi %ge3A_118, %lt3A_123 : i1
      %convert_element_type3A_125 = arith.extui %and3A_124 : i1 to i32
      %cond3A_126 = arith.constant 0 : i32
      %cond3A_127 = arith.cmpi ne, %convert_element_type3A_125, %cond3A_126 : i32
      scf.if %cond3A_127 {
        %dma_wait3A = arith.constant 0 : i32
        %dma_wait3A_489 = arith.constant 0 : i32
        %dma_wait3A_490 = tpu.memref_slice %arg14[%dma_wait3A, %dma_wait3A_489] : memref<1x128xi32, #tpu.memory_space<vmem>> -> memref<1x128xi32, #tpu.memory_space<vmem>>
        %dma_wait3A_491 = tpu.memref_squeeze %dma_wait3A_490 : memref<1x128xi32, #tpu.memory_space<vmem>> -> memref<128xi32, #tpu.memory_space<vmem>>
        %dma_wait3A_492 = arith.constant 0 : i32
        %dma_wait3A_493 = arith.constant 0 : i32
        %dma_wait3A_494 = tpu.memref_slice %arg18[%dma_wait3A_492, %dma_wait3A_493] : memref<10008x128xf32, #tpu.memory_space<vmem_shared>> -> memref<10008x128xf32, #tpu.memory_space<vmem_shared>>
        tpu.wait_indirect_dma semaphore(%arg26 : memref<!tpu.dma_semaphore, #tpu.memory_space<semaphore_mem>>) src(%arg17 : memref<128x128xf32, #tpu.memory_space<vmem>>) dst(%dma_wait3A_494 : memref<10008x128xf32, #tpu.memory_space<vmem_shared>>)
      } else {
      }
      %add3A_128 = arith.constant 2 : i32
      %add3A_129 = arith.addi %add3A_92, %add3A_128 : i32
      %ge3A_130 = arith.constant 0 : i32
      %ge3A_131 = arith.cmpi sge, %add3A_129, %ge3A_130 : i32
      %mul3A_132 = arith.constant 16 : i32
      %mul3A_133 = arith.muli %mul3A_132, %add3A_129 : i32
      %add3A_134 = arith.addi %arg1, %mul3A_133 : i32
      %lt3A_135 = arith.constant 2500 : i32
      %lt3A_136 = arith.cmpi slt, %add3A_134, %lt3A_135 : i32
      %and3A_137 = arith.andi %ge3A_131, %lt3A_136 : i1
      %convert_element_type3A_138 = arith.extui %and3A_137 : i1 to i32
      %cond3A_139 = arith.constant 0 : i32
      %cond3A_140 = arith.cmpi ne, %convert_element_type3A_138, %cond3A_139 : i32
      scf.if %cond3A_140 {
        %mul3A_489 = arith.constant 16 : i32
        %mul3A_490 = arith.muli %mul3A_489, %add3A_129 : i32
        %add3A_491 = arith.addi %arg1, %mul3A_490 : i32
        %dma_wait3A = arith.constant 0 : i32
        %dma_wait3A_492 = tpu.memref_slice %arg3[%add3A_491, %dma_wait3A] : memref<2500x128xi32, #tpu.memory_space<hbm>> -> memref<1x128xi32, #tpu.memory_space<hbm>>
        %dma_wait3A_493 = tpu.memref_squeeze %dma_wait3A_492 : memref<1x128xi32, #tpu.memory_space<hbm>> -> memref<128xi32, #tpu.memory_space<hbm>>
        %dma_wait3A_494 = arith.constant 0 : i32
        %dma_wait3A_495 = tpu.memref_slice %arg3[%add3A_491, %dma_wait3A_494] : memref<2500x128xi32, #tpu.memory_space<hbm>> -> memref<1x128xi32, #tpu.memory_space<hbm>>
        %dma_wait3A_496 = tpu.memref_squeeze %dma_wait3A_495 : memref<1x128xi32, #tpu.memory_space<hbm>> -> memref<128xi32, #tpu.memory_space<hbm>>
        tpu.wait_dma2 semaphore(%arg21 : memref<!tpu.dma_semaphore, #tpu.memory_space<semaphore_mem>>) src(%dma_wait3A_496 : memref<128xi32, #tpu.memory_space<hbm>>) dst(%arg9 : memref<128xi32, #tpu.memory_space<vmem>>)
        %dma_wait3A_497 = arith.constant 0 : i32
        %dma_wait3A_498 = tpu.memref_slice %arg4[%add3A_491, %dma_wait3A_497] : memref<2500x128xi32, #tpu.memory_space<hbm>> -> memref<1x128xi32, #tpu.memory_space<hbm>>
        %dma_wait3A_499 = tpu.memref_squeeze %dma_wait3A_498 : memref<1x128xi32, #tpu.memory_space<hbm>> -> memref<128xi32, #tpu.memory_space<hbm>>
        %dma_wait3A_500 = arith.constant 0 : i32
        %dma_wait3A_501 = tpu.memref_slice %arg4[%add3A_491, %dma_wait3A_500] : memref<2500x128xi32, #tpu.memory_space<hbm>> -> memref<1x128xi32, #tpu.memory_space<hbm>>
        %dma_wait3A_502 = tpu.memref_squeeze %dma_wait3A_501 : memref<1x128xi32, #tpu.memory_space<hbm>> -> memref<128xi32, #tpu.memory_space<hbm>>
        tpu.wait_dma2 semaphore(%arg21 : memref<!tpu.dma_semaphore, #tpu.memory_space<semaphore_mem>>) src(%dma_wait3A_502 : memref<128xi32, #tpu.memory_space<hbm>>) dst(%arg12 : memref<128xi32, #tpu.memory_space<vmem>>)
      } else {
      }
      %add3A_141 = arith.constant 2 : i32
      %add3A_142 = arith.addi %add3A_92, %add3A_141 : i32
      %ge3A_143 = arith.constant 0 : i32
      %ge3A_144 = arith.cmpi sge, %add3A_142, %ge3A_143 : i32
      %mul3A_145 = arith.constant 16 : i32
      %mul3A_146 = arith.muli %mul3A_145, %add3A_142 : i32
      %add3A_147 = arith.addi %arg1, %mul3A_146 : i32
      %lt3A_148 = arith.constant 2500 : i32
      %lt3A_149 = arith.cmpi slt, %add3A_147, %lt3A_148 : i32
      %and3A_150 = arith.andi %ge3A_144, %lt3A_149 : i1
      %convert_element_type3A_151 = arith.extui %and3A_150 : i1 to i32
      %cond3A_152 = arith.constant 0 : i32
      %cond3A_153 = arith.cmpi ne, %convert_element_type3A_151, %cond3A_152 : i32
      scf.if %cond3A_153 {
        %dma_start3A = arith.constant 0 : i32
        %dma_start3A_489 = arith.constant 0 : i32
        %dma_start3A_490 = tpu.memref_slice %arg2[%dma_start3A, %dma_start3A_489] : memref<100000x128xf32, #tpu.memory_space<hbm>> -> memref<100000x128xf32, #tpu.memory_space<hbm>>
        tpu.enqueue_indirect_dma source(%dma_start3A_490 : memref<100000x128xf32, #tpu.memory_space<hbm>>) target(%arg17 : memref<128x128xf32, #tpu.memory_space<vmem>>) offsets(%arg9 : memref<128xi32, #tpu.memory_space<vmem>>) semaphore(%arg24 : memref<!tpu.dma_semaphore, #tpu.memory_space<semaphore_mem>>)
      } else {
      }
      %mul3A_154 = arith.constant 6 : i32
      %mul3A_155 = arith.muli %mul3A_154, %scan3A_88 : i32
      %add3A_156 = arith.constant 1 : i32
      %add3A_157 = arith.addi %mul3A_155, %add3A_156 : i32
      %ge3A_158 = arith.constant 0 : i32
      %ge3A_159 = arith.cmpi sge, %add3A_157, %ge3A_158 : i32
      %mul3A_160 = arith.constant 16 : i32
      %mul3A_161 = arith.muli %mul3A_160, %add3A_157 : i32
      %add3A_162 = arith.addi %arg1, %mul3A_161 : i32
      %lt3A_163 = arith.constant 2500 : i32
      %lt3A_164 = arith.cmpi slt, %add3A_162, %lt3A_163 : i32
      %and3A_165 = arith.andi %ge3A_159, %lt3A_164 : i1
      %convert_element_type3A_166 = arith.extui %and3A_165 : i1 to i32
      %cond3A_167 = arith.constant 0 : i32
      %cond3A_168 = arith.cmpi ne, %convert_element_type3A_166, %cond3A_167 : i32
      scf.if %cond3A_168 {
        %dma_wait3A = arith.constant 0 : i32
        %dma_wait3A_489 = arith.constant 0 : i32
        %dma_wait3A_490 = tpu.memref_slice %arg2[%dma_wait3A, %dma_wait3A_489] : memref<100000x128xf32, #tpu.memory_space<hbm>> -> memref<100000x128xf32, #tpu.memory_space<hbm>>
        tpu.wait_indirect_dma semaphore(%arg23 : memref<!tpu.dma_semaphore, #tpu.memory_space<semaphore_mem>>) src(%dma_wait3A_490 : memref<100000x128xf32, #tpu.memory_space<hbm>>) dst(%arg16 : memref<128x128xf32, #tpu.memory_space<vmem>>)
        %get3A = arith.constant 0 : index
        %get3A_491 = tpu.vector_load %arg11[%get3A] {strides = array<i32>} : memref<128xi32, #tpu.memory_space<vmem>>, vector<16xi32>,
        %get3A_492 = vector.shape_cast %get3A_491 : vector<16xi32> to vector<16xi32>
        %mul3A_493 = arith.constant 10000 : i32
        %mul3A_494 = arith.muli %arg0, %mul3A_493 : i32
        %sub3A_495 = vector.broadcast %mul3A_494 : i32 to vector<16xi32>
        %sub3A_496 = arith.subi %get3A_492, %sub3A_495 : vector<16xi32>
        %lt3A_497 = arith.constant 0 : i32
        %lt3A_498 = vector.broadcast %lt3A_497 : i32 to vector<16xi32>
        %lt3A_499 = arith.cmpi slt, %sub3A_496, %lt3A_498 : vector<16xi32>
        %ge3A_500 = arith.constant 10000 : i32
        %ge3A_501 = vector.broadcast %ge3A_500 : i32 to vector<16xi32>
        %ge3A_502 = arith.cmpi sge, %sub3A_496, %ge3A_501 : vector<16xi32>
        %or3A = arith.ori %lt3A_499, %ge3A_502 : vector<16xi1>
        %jit3A = arith.constant 10000 : i32
        %broadcast_in_dim3A = vector.broadcast %jit3A : i32 to vector<16xi32>
        %select_n3A = arith.select %or3A, %broadcast_in_dim3A, %sub3A_496 : vector<16xi1>, vector<16xi32>
        %swap3A = arith.constant 0 : i32
        %swap3A_503 = arith.index_cast %swap3A : i32 to index
        %swap3A_504 = arith.constant 0 : index
        %swap3A_505 = tpu.vector_load %arg14[%swap3A_503, %swap3A_504] {strides = array<i32>} : memref<1x128xi32, #tpu.memory_space<vmem>>, vector<1x16xi32>,
        %swap3A_506 = vector.shape_cast %swap3A_505 : vector<1x16xi32> to vector<16xi32>
        %swap3A_507 = vector.shape_cast %select_n3A : vector<16xi32> to vector<1x16xi32>
        tpu.vector_store %arg14[%swap3A_503, %swap3A_504], %swap3A_507 {strides = array<i32>} : memref<1x128xi32, #tpu.memory_space<vmem>>, vector<1x16xi32>,
        %get3A_508 = arith.constant 16 : index
        %get3A_509 = tpu.vector_load %arg11[%get3A_508] {strides = array<i32>} : memref<128xi32, #tpu.memory_space<vmem>>, vector<16xi32>,
        %get3A_510 = vector.shape_cast %get3A_509 : vector<16xi32> to vector<16xi32>
        %mul3A_511 = arith.constant 10000 : i32
        %mul3A_512 = arith.muli %arg0, %mul3A_511 : i32
        %sub3A_513 = vector.broadcast %mul3A_512 : i32 to vector<16xi32>
        %sub3A_514 = arith.subi %get3A_510, %sub3A_513 : vector<16xi32>
        %lt3A_515 = arith.constant 0 : i32
        %lt3A_516 = vector.broadcast %lt3A_515 : i32 to vector<16xi32>
        %lt3A_517 = arith.cmpi slt, %sub3A_514, %lt3A_516 : vector<16xi32>
        %ge3A_518 = arith.constant 10000 : i32
        %ge3A_519 = vector.broadcast %ge3A_518 : i32 to vector<16xi32>
        %ge3A_520 = arith.cmpi sge, %sub3A_514, %ge3A_519 : vector<16xi32>
        %or3A_521 = arith.ori %lt3A_517, %ge3A_520 : vector<16xi1>
        %jit3A_522 = arith.constant 10000 : i32
        %broadcast_in_dim3A_523 = vector.broadcast %jit3A_522 : i32 to vector<16xi32>
        %select_n3A_524 = arith.select %or3A_521, %broadcast_in_dim3A_523, %sub3A_514 : vector<16xi1>, vector<16xi32>
        %swap3A_525 = arith.constant 0 : i32
        %swap3A_526 = arith.index_cast %swap3A_525 : i32 to index
        %swap3A_527 = arith.constant 16 : index
        %swap3A_528 = tpu.vector_load %arg14[%swap3A_526, %swap3A_527] {strides = array<i32>} : memref<1x128xi32, #tpu.memory_space<vmem>>, vector<1x16xi32>,
        %swap3A_529 = vector.shape_cast %swap3A_528 : vector<1x16xi32> to vector<16xi32>
        %swap3A_530 = vector.shape_cast %select_n3A_524 : vector<16xi32> to vector<1x16xi32>
        tpu.vector_store %arg14[%swap3A_526, %swap3A_527], %swap3A_530 {strides = array<i32>} : memref<1x128xi32, #tpu.memory_space<vmem>>, vector<1x16xi32>,
        %get3A_531 = arith.constant 32 : index
        %get3A_532 = tpu.vector_load %arg11[%get3A_531] {strides = array<i32>} : memref<128xi32, #tpu.memory_space<vmem>>, vector<16xi32>,
        %get3A_533 = vector.shape_cast %get3A_532 : vector<16xi32> to vector<16xi32>
        %mul3A_534 = arith.constant 10000 : i32
        %mul3A_535 = arith.muli %arg0, %mul3A_534 : i32
        %sub3A_536 = vector.broadcast %mul3A_535 : i32 to vector<16xi32>
        %sub3A_537 = arith.subi %get3A_533, %sub3A_536 : vector<16xi32>
        %lt3A_538 = arith.constant 0 : i32
        %lt3A_539 = vector.broadcast %lt3A_538 : i32 to vector<16xi32>
        %lt3A_540 = arith.cmpi slt, %sub3A_537, %lt3A_539 : vector<16xi32>
        %ge3A_541 = arith.constant 10000 : i32
        %ge3A_542 = vector.broadcast %ge3A_541 : i32 to vector<16xi32>
        %ge3A_543 = arith.cmpi sge, %sub3A_537, %ge3A_542 : vector<16xi32>
        %or3A_544 = arith.ori %lt3A_540, %ge3A_543 : vector<16xi1>
        %jit3A_545 = arith.constant 10000 : i32
        %broadcast_in_dim3A_546 = vector.broadcast %jit3A_545 : i32 to vector<16xi32>
        %select_n3A_547 = arith.select %or3A_544, %broadcast_in_dim3A_546, %sub3A_537 : vector<16xi1>, vector<16xi32>
        %swap3A_548 = arith.constant 0 : i32
        %swap3A_549 = arith.index_cast %swap3A_548 : i32 to index
        %swap3A_550 = arith.constant 32 : index
        %swap3A_551 = tpu.vector_load %arg14[%swap3A_549, %swap3A_550] {strides = array<i32>} : memref<1x128xi32, #tpu.memory_space<vmem>>, vector<1x16xi32>,
        %swap3A_552 = vector.shape_cast %swap3A_551 : vector<1x16xi32> to vector<16xi32>
        %swap3A_553 = vector.shape_cast %select_n3A_547 : vector<16xi32> to vector<1x16xi32>
        tpu.vector_store %arg14[%swap3A_549, %swap3A_550], %swap3A_553 {strides = array<i32>} : memref<1x128xi32, #tpu.memory_space<vmem>>, vector<1x16xi32>,
        %get3A_554 = arith.constant 48 : index
        %get3A_555 = tpu.vector_load %arg11[%get3A_554] {strides = array<i32>} : memref<128xi32, #tpu.memory_space<vmem>>, vector<16xi32>,
        %get3A_556 = vector.shape_cast %get3A_555 : vector<16xi32> to vector<16xi32>
        %mul3A_557 = arith.constant 10000 : i32
        %mul3A_558 = arith.muli %arg0, %mul3A_557 : i32
        %sub3A_559 = vector.broadcast %mul3A_558 : i32 to vector<16xi32>
        %sub3A_560 = arith.subi %get3A_556, %sub3A_559 : vector<16xi32>
        %lt3A_561 = arith.constant 0 : i32
        %lt3A_562 = vector.broadcast %lt3A_561 : i32 to vector<16xi32>
        %lt3A_563 = arith.cmpi slt, %sub3A_560, %lt3A_562 : vector<16xi32>
        %ge3A_564 = arith.constant 10000 : i32
        %ge3A_565 = vector.broadcast %ge3A_564 : i32 to vector<16xi32>
        %ge3A_566 = arith.cmpi sge, %sub3A_560, %ge3A_565 : vector<16xi32>
        %or3A_567 = arith.ori %lt3A_563, %ge3A_566 : vector<16xi1>
        %jit3A_568 = arith.constant 10000 : i32
        %broadcast_in_dim3A_569 = vector.broadcast %jit3A_568 : i32 to vector<16xi32>
        %select_n3A_570 = arith.select %or3A_567, %broadcast_in_dim3A_569, %sub3A_560 : vector<16xi1>, vector<16xi32>
        %swap3A_571 = arith.constant 0 : i32
        %swap3A_572 = arith.index_cast %swap3A_571 : i32 to index
        %swap3A_573 = arith.constant 48 : index
        %swap3A_574 = tpu.vector_load %arg14[%swap3A_572, %swap3A_573] {strides = array<i32>} : memref<1x128xi32, #tpu.memory_space<vmem>>, vector<1x16xi32>,
        %swap3A_575 = vector.shape_cast %swap3A_574 : vector<1x16xi32> to vector<16xi32>
        %swap3A_576 = vector.shape_cast %select_n3A_570 : vector<16xi32> to vector<1x16xi32>
        tpu.vector_store %arg14[%swap3A_572, %swap3A_573], %swap3A_576 {strides = array<i32>} : memref<1x128xi32, #tpu.memory_space<vmem>>, vector<1x16xi32>,
        %get3A_577 = arith.constant 64 : index
        %get3A_578 = tpu.vector_load %arg11[%get3A_577] {strides = array<i32>} : memref<128xi32, #tpu.memory_space<vmem>>, vector<16xi32>,
        %get3A_579 = vector.shape_cast %get3A_578 : vector<16xi32> to vector<16xi32>
        %mul3A_580 = arith.constant 10000 : i32
        %mul3A_581 = arith.muli %arg0, %mul3A_580 : i32
        %sub3A_582 = vector.broadcast %mul3A_581 : i32 to vector<16xi32>
        %sub3A_583 = arith.subi %get3A_579, %sub3A_582 : vector<16xi32>
        %lt3A_584 = arith.constant 0 : i32
        %lt3A_585 = vector.broadcast %lt3A_584 : i32 to vector<16xi32>
        %lt3A_586 = arith.cmpi slt, %sub3A_583, %lt3A_585 : vector<16xi32>
        %ge3A_587 = arith.constant 10000 : i32
        %ge3A_588 = vector.broadcast %ge3A_587 : i32 to vector<16xi32>
        %ge3A_589 = arith.cmpi sge, %sub3A_583, %ge3A_588 : vector<16xi32>
        %or3A_590 = arith.ori %lt3A_586, %ge3A_589 : vector<16xi1>
        %jit3A_591 = arith.constant 10000 : i32
        %broadcast_in_dim3A_592 = vector.broadcast %jit3A_591 : i32 to vector<16xi32>
        %select_n3A_593 = arith.select %or3A_590, %broadcast_in_dim3A_592, %sub3A_583 : vector<16xi1>, vector<16xi32>
        %swap3A_594 = arith.constant 0 : i32
        %swap3A_595 = arith.index_cast %swap3A_594 : i32 to index
        %swap3A_596 = arith.constant 64 : index
        %swap3A_597 = tpu.vector_load %arg14[%swap3A_595, %swap3A_596] {strides = array<i32>} : memref<1x128xi32, #tpu.memory_space<vmem>>, vector<1x16xi32>,
        %swap3A_598 = vector.shape_cast %swap3A_597 : vector<1x16xi32> to vector<16xi32>
        %swap3A_599 = vector.shape_cast %select_n3A_593 : vector<16xi32> to vector<1x16xi32>
        tpu.vector_store %arg14[%swap3A_595, %swap3A_596], %swap3A_599 {strides = array<i32>} : memref<1x128xi32, #tpu.memory_space<vmem>>, vector<1x16xi32>,
        %get3A_600 = arith.constant 80 : index
        %get3A_601 = tpu.vector_load %arg11[%get3A_600] {strides = array<i32>} : memref<128xi32, #tpu.memory_space<vmem>>, vector<16xi32>,
        %get3A_602 = vector.shape_cast %get3A_601 : vector<16xi32> to vector<16xi32>
        %mul3A_603 = arith.constant 10000 : i32
        %mul3A_604 = arith.muli %arg0, %mul3A_603 : i32
        %sub3A_605 = vector.broadcast %mul3A_604 : i32 to vector<16xi32>
        %sub3A_606 = arith.subi %get3A_602, %sub3A_605 : vector<16xi32>
        %lt3A_607 = arith.constant 0 : i32
        %lt3A_608 = vector.broadcast %lt3A_607 : i32 to vector<16xi32>
        %lt3A_609 = arith.cmpi slt, %sub3A_606, %lt3A_608 : vector<16xi32>
        %ge3A_610 = arith.constant 10000 : i32
        %ge3A_611 = vector.broadcast %ge3A_610 : i32 to vector<16xi32>
        %ge3A_612 = arith.cmpi sge, %sub3A_606, %ge3A_611 : vector<16xi32>
        %or3A_613 = arith.ori %lt3A_609, %ge3A_612 : vector<16xi1>
        %jit3A_614 = arith.constant 10000 : i32
        %broadcast_in_dim3A_615 = vector.broadcast %jit3A_614 : i32 to vector<16xi32>
        %select_n3A_616 = arith.select %or3A_613, %broadcast_in_dim3A_615, %sub3A_606 : vector<16xi1>, vector<16xi32>
        %swap3A_617 = arith.constant 0 : i32
        %swap3A_618 = arith.index_cast %swap3A_617 : i32 to index
        %swap3A_619 = arith.constant 80 : index
        %swap3A_620 = tpu.vector_load %arg14[%swap3A_618, %swap3A_619] {strides = array<i32>} : memref<1x128xi32, #tpu.memory_space<vmem>>, vector<1x16xi32>,
        %swap3A_621 = vector.shape_cast %swap3A_620 : vector<1x16xi32> to vector<16xi32>
        %swap3A_622 = vector.shape_cast %select_n3A_616 : vector<16xi32> to vector<1x16xi32>
        tpu.vector_store %arg14[%swap3A_618, %swap3A_619], %swap3A_622 {strides = array<i32>} : memref<1x128xi32, #tpu.memory_space<vmem>>, vector<1x16xi32>,
        %get3A_623 = arith.constant 96 : index
        %get3A_624 = tpu.vector_load %arg11[%get3A_623] {strides = array<i32>} : memref<128xi32, #tpu.memory_space<vmem>>, vector<16xi32>,
        %get3A_625 = vector.shape_cast %get3A_624 : vector<16xi32> to vector<16xi32>
        %mul3A_626 = arith.constant 10000 : i32
        %mul3A_627 = arith.muli %arg0, %mul3A_626 : i32
        %sub3A_628 = vector.broadcast %mul3A_627 : i32 to vector<16xi32>
        %sub3A_629 = arith.subi %get3A_625, %sub3A_628 : vector<16xi32>
        %lt3A_630 = arith.constant 0 : i32
        %lt3A_631 = vector.broadcast %lt3A_630 : i32 to vector<16xi32>
        %lt3A_632 = arith.cmpi slt, %sub3A_629, %lt3A_631 : vector<16xi32>
        %ge3A_633 = arith.constant 10000 : i32
        %ge3A_634 = vector.broadcast %ge3A_633 : i32 to vector<16xi32>
        %ge3A_635 = arith.cmpi sge, %sub3A_629, %ge3A_634 : vector<16xi32>
        %or3A_636 = arith.ori %lt3A_632, %ge3A_635 : vector<16xi1>
        %jit3A_637 = arith.constant 10000 : i32
        %broadcast_in_dim3A_638 = vector.broadcast %jit3A_637 : i32 to vector<16xi32>
        %select_n3A_639 = arith.select %or3A_636, %broadcast_in_dim3A_638, %sub3A_629 : vector<16xi1>, vector<16xi32>
        %swap3A_640 = arith.constant 0 : i32
        %swap3A_641 = arith.index_cast %swap3A_640 : i32 to index
        %swap3A_642 = arith.constant 96 : index
        %swap3A_643 = tpu.vector_load %arg14[%swap3A_641, %swap3A_642] {strides = array<i32>} : memref<1x128xi32, #tpu.memory_space<vmem>>, vector<1x16xi32>,
        %swap3A_644 = vector.shape_cast %swap3A_643 : vector<1x16xi32> to vector<16xi32>
        %swap3A_645 = vector.shape_cast %select_n3A_639 : vector<16xi32> to vector<1x16xi32>
        tpu.vector_store %arg14[%swap3A_641, %swap3A_642], %swap3A_645 {strides = array<i32>} : memref<1x128xi32, #tpu.memory_space<vmem>>, vector<1x16xi32>,
        %get3A_646 = arith.constant 112 : index
        %get3A_647 = tpu.vector_load %arg11[%get3A_646] {strides = array<i32>} : memref<128xi32, #tpu.memory_space<vmem>>, vector<16xi32>,
        %get3A_648 = vector.shape_cast %get3A_647 : vector<16xi32> to vector<16xi32>
        %mul3A_649 = arith.constant 10000 : i32
        %mul3A_650 = arith.muli %arg0, %mul3A_649 : i32
        %sub3A_651 = vector.broadcast %mul3A_650 : i32 to vector<16xi32>
        %sub3A_652 = arith.subi %get3A_648, %sub3A_651 : vector<16xi32>
        %lt3A_653 = arith.constant 0 : i32
        %lt3A_654 = vector.broadcast %lt3A_653 : i32 to vector<16xi32>
        %lt3A_655 = arith.cmpi slt, %sub3A_652, %lt3A_654 : vector<16xi32>
        %ge3A_656 = arith.constant 10000 : i32
        %ge3A_657 = vector.broadcast %ge3A_656 : i32 to vector<16xi32>
        %ge3A_658 = arith.cmpi sge, %sub3A_652, %ge3A_657 : vector<16xi32>
        %or3A_659 = arith.ori %lt3A_655, %ge3A_658 : vector<16xi1>
        %jit3A_660 = arith.constant 10000 : i32
        %broadcast_in_dim3A_661 = vector.broadcast %jit3A_660 : i32 to vector<16xi32>
        %select_n3A_662 = arith.select %or3A_659, %broadcast_in_dim3A_661, %sub3A_652 : vector<16xi1>, vector<16xi32>
        %swap3A_663 = arith.constant 0 : i32
        %swap3A_664 = arith.index_cast %swap3A_663 : i32 to index
        %swap3A_665 = arith.constant 112 : index
        %swap3A_666 = tpu.vector_load %arg14[%swap3A_664, %swap3A_665] {strides = array<i32>} : memref<1x128xi32, #tpu.memory_space<vmem>>, vector<1x16xi32>,
        %swap3A_667 = vector.shape_cast %swap3A_666 : vector<1x16xi32> to vector<16xi32>
        %swap3A_668 = vector.shape_cast %select_n3A_662 : vector<16xi32> to vector<1x16xi32>
        tpu.vector_store %arg14[%swap3A_664, %swap3A_665], %swap3A_668 {strides = array<i32>} : memref<1x128xi32, #tpu.memory_space<vmem>>, vector<1x16xi32>,
        %dma_start3A = arith.constant 0 : i32
        %dma_start3A_669 = arith.constant 0 : i32
        %dma_start3A_670 = tpu.memref_slice %arg14[%dma_start3A, %dma_start3A_669] : memref<1x128xi32, #tpu.memory_space<vmem>> -> memref<1x128xi32, #tpu.memory_space<vmem>>
        %dma_start3A_671 = tpu.memref_squeeze %dma_start3A_670 : memref<1x128xi32, #tpu.memory_space<vmem>> -> memref<128xi32, #tpu.memory_space<vmem>>
        %dma_start3A_672 = arith.constant 0 : i32
        %dma_start3A_673 = arith.constant 0 : i32
        %dma_start3A_674 = tpu.memref_slice %arg18[%dma_start3A_672, %dma_start3A_673] : memref<10008x128xf32, #tpu.memory_space<vmem_shared>> -> memref<10008x128xf32, #tpu.memory_space<vmem_shared>>
        tpu.enqueue_indirect_dma source(%arg16 : memref<128x128xf32, #tpu.memory_space<vmem>>) target(%dma_start3A_674 : memref<10008x128xf32, #tpu.memory_space<vmem_shared>>) offsets(%dma_start3A_671 : memref<128xi32, #tpu.memory_space<vmem>>) semaphore(%arg26 : memref<!tpu.dma_semaphore, #tpu.memory_space<semaphore_mem>>) {add = true}
      } else {
      }
      %add3A_169 = arith.constant 3 : i32
      %add3A_170 = arith.addi %add3A_157, %add3A_169 : i32
      %ge3A_171 = arith.constant 0 : i32
      %ge3A_172 = arith.cmpi sge, %add3A_170, %ge3A_171 : i32
      %mul3A_173 = arith.constant 16 : i32
      %mul3A_174 = arith.muli %mul3A_173, %add3A_170 : i32
      %add3A_175 = arith.addi %arg1, %mul3A_174 : i32
      %lt3A_176 = arith.constant 2500 : i32
      %lt3A_177 = arith.cmpi slt, %add3A_175, %lt3A_176 : i32
      %and3A_178 = arith.andi %ge3A_172, %lt3A_177 : i1
      %convert_element_type3A_179 = arith.extui %and3A_178 : i1 to i32
      %cond3A_180 = arith.constant 0 : i32
      %cond3A_181 = arith.cmpi ne, %convert_element_type3A_179, %cond3A_180 : i32
      scf.if %cond3A_181 {
        %mul3A_489 = arith.constant 16 : i32
        %mul3A_490 = arith.muli %mul3A_489, %add3A_170 : i32
        %add3A_491 = arith.addi %arg1, %mul3A_490 : i32
        %dma_start3A = arith.constant 0 : i32
        %dma_start3A_492 = tpu.memref_slice %arg3[%add3A_491, %dma_start3A] : memref<2500x128xi32, #tpu.memory_space<hbm>> -> memref<1x128xi32, #tpu.memory_space<hbm>>
        %dma_start3A_493 = tpu.memref_squeeze %dma_start3A_492 : memref<1x128xi32, #tpu.memory_space<hbm>> -> memref<128xi32, #tpu.memory_space<hbm>>
        %dma_start3A_494 = arith.constant 0 : i32
        %dma_start3A_495 = tpu.memref_slice %arg3[%add3A_491, %dma_start3A_494] : memref<2500x128xi32, #tpu.memory_space<hbm>> -> memref<1x128xi32, #tpu.memory_space<hbm>>
        %dma_start3A_496 = tpu.memref_squeeze %dma_start3A_495 : memref<1x128xi32, #tpu.memory_space<hbm>> -> memref<128xi32, #tpu.memory_space<hbm>>
        tpu.enqueue_dma source(%dma_start3A_496 : memref<128xi32, #tpu.memory_space<hbm>>) target(%arg8 : memref<128xi32, #tpu.memory_space<vmem>>) target_semaphore(%arg20 : memref<!tpu.dma_semaphore, #tpu.memory_space<semaphore_mem>>)
        %dma_start3A_497 = arith.constant 0 : i32
        %dma_start3A_498 = tpu.memref_slice %arg4[%add3A_491, %dma_start3A_497] : memref<2500x128xi32, #tpu.memory_space<hbm>> -> memref<1x128xi32, #tpu.memory_space<hbm>>
        %dma_start3A_499 = tpu.memref_squeeze %dma_start3A_498 : memref<1x128xi32, #tpu.memory_space<hbm>> -> memref<128xi32, #tpu.memory_space<hbm>>
        %dma_start3A_500 = arith.constant 0 : i32
        %dma_start3A_501 = tpu.memref_slice %arg4[%add3A_491, %dma_start3A_500] : memref<2500x128xi32, #tpu.memory_space<hbm>> -> memref<1x128xi32, #tpu.memory_space<hbm>>
        %dma_start3A_502 = tpu.memref_squeeze %dma_start3A_501 : memref<1x128xi32, #tpu.memory_space<hbm>> -> memref<128xi32, #tpu.memory_space<hbm>>
        tpu.enqueue_dma source(%dma_start3A_502 : memref<128xi32, #tpu.memory_space<hbm>>) target(%arg11 : memref<128xi32, #tpu.memory_space<vmem>>) target_semaphore(%arg20 : memref<!tpu.dma_semaphore, #tpu.memory_space<semaphore_mem>>)
      } else {
      }
      %sub3A_182 = arith.constant 1 : i32
      %sub3A_183 = arith.subi %add3A_157, %sub3A_182 : i32
      %ge3A_184 = arith.constant 0 : i32
      %ge3A_185 = arith.cmpi sge, %sub3A_183, %ge3A_184 : i32
      %mul3A_186 = arith.constant 16 : i32
      %mul3A_187 = arith.muli %mul3A_186, %sub3A_183 : i32
      %add3A_188 = arith.addi %arg1, %mul3A_187 : i32
      %lt3A_189 = arith.constant 2500 : i32
      %lt3A_190 = arith.cmpi slt, %add3A_188, %lt3A_189 : i32
      %and3A_191 = arith.andi %ge3A_185, %lt3A_190 : i1
      %convert_element_type3A_192 = arith.extui %and3A_191 : i1 to i32
      %cond3A_193 = arith.constant 0 : i32
      %cond3A_194 = arith.cmpi ne, %convert_element_type3A_192, %cond3A_193 : i32
      scf.if %cond3A_194 {
        %dma_wait3A = arith.constant 0 : i32
        %dma_wait3A_489 = arith.constant 0 : i32
        %dma_wait3A_490 = tpu.memref_slice %arg13[%dma_wait3A, %dma_wait3A_489] : memref<1x128xi32, #tpu.memory_space<vmem>> -> memref<1x128xi32, #tpu.memory_space<vmem>>
        %dma_wait3A_491 = tpu.memref_squeeze %dma_wait3A_490 : memref<1x128xi32, #tpu.memory_space<vmem>> -> memref<128xi32, #tpu.memory_space<vmem>>
        %dma_wait3A_492 = arith.constant 0 : i32
        %dma_wait3A_493 = arith.constant 0 : i32
        %dma_wait3A_494 = tpu.memref_slice %arg18[%dma_wait3A_492, %dma_wait3A_493] : memref<10008x128xf32, #tpu.memory_space<vmem_shared>> -> memref<10008x128xf32, #tpu.memory_space<vmem_shared>>
        tpu.wait_indirect_dma semaphore(%arg25 : memref<!tpu.dma_semaphore, #tpu.memory_space<semaphore_mem>>) src(%arg15 : memref<128x128xf32, #tpu.memory_space<vmem>>) dst(%dma_wait3A_494 : memref<10008x128xf32, #tpu.memory_space<vmem_shared>>)
      } else {
      }
      %add3A_195 = arith.constant 2 : i32
      %add3A_196 = arith.addi %add3A_157, %add3A_195 : i32
      %ge3A_197 = arith.constant 0 : i32
      %ge3A_198 = arith.cmpi sge, %add3A_196, %ge3A_197 : i32
      %mul3A_199 = arith.constant 16 : i32
      %mul3A_200 = arith.muli %mul3A_199, %add3A_196 : i32
      %add3A_201 = arith.addi %arg1, %mul3A_200 : i32
      %lt3A_202 = arith.constant 2500 : i32
      %lt3A_203 = arith.cmpi slt, %add3A_201, %lt3A_202 : i32
      %and3A_204 = arith.andi %ge3A_198, %lt3A_203 : i1
      %convert_element_type3A_205 = arith.extui %and3A_204 : i1 to i32
      %cond3A_206 = arith.constant 0 : i32
      %cond3A_207 = arith.cmpi ne, %convert_element_type3A_205, %cond3A_206 : i32
      scf.if %cond3A_207 {
        %mul3A_489 = arith.constant 16 : i32
        %mul3A_490 = arith.muli %mul3A_489, %add3A_196 : i32
        %add3A_491 = arith.addi %arg1, %mul3A_490 : i32
        %dma_wait3A = arith.constant 0 : i32
        %dma_wait3A_492 = tpu.memref_slice %arg3[%add3A_491, %dma_wait3A] : memref<2500x128xi32, #tpu.memory_space<hbm>> -> memref<1x128xi32, #tpu.memory_space<hbm>>
        %dma_wait3A_493 = tpu.memref_squeeze %dma_wait3A_492 : memref<1x128xi32, #tpu.memory_space<hbm>> -> memref<128xi32, #tpu.memory_space<hbm>>
        %dma_wait3A_494 = arith.constant 0 : i32
        %dma_wait3A_495 = tpu.memref_slice %arg3[%add3A_491, %dma_wait3A_494] : memref<2500x128xi32, #tpu.memory_space<hbm>> -> memref<1x128xi32, #tpu.memory_space<hbm>>
        %dma_wait3A_496 = tpu.memref_squeeze %dma_wait3A_495 : memref<1x128xi32, #tpu.memory_space<hbm>> -> memref<128xi32, #tpu.memory_space<hbm>>
        tpu.wait_dma2 semaphore(%arg19 : memref<!tpu.dma_semaphore, #tpu.memory_space<semaphore_mem>>) src(%dma_wait3A_496 : memref<128xi32, #tpu.memory_space<hbm>>) dst(%arg7 : memref<128xi32, #tpu.memory_space<vmem>>)
        %dma_wait3A_497 = arith.constant 0 : i32
        %dma_wait3A_498 = tpu.memref_slice %arg4[%add3A_491, %dma_wait3A_497] : memref<2500x128xi32, #tpu.memory_space<hbm>> -> memref<1x128xi32, #tpu.memory_space<hbm>>
        %dma_wait3A_499 = tpu.memref_squeeze %dma_wait3A_498 : memref<1x128xi32, #tpu.memory_space<hbm>> -> memref<128xi32, #tpu.memory_space<hbm>>
        %dma_wait3A_500 = arith.constant 0 : i32
        %dma_wait3A_501 = tpu.memref_slice %arg4[%add3A_491, %dma_wait3A_500] : memref<2500x128xi32, #tpu.memory_space<hbm>> -> memref<1x128xi32, #tpu.memory_space<hbm>>
        %dma_wait3A_502 = tpu.memref_squeeze %dma_wait3A_501 : memref<1x128xi32, #tpu.memory_space<hbm>> -> memref<128xi32, #tpu.memory_space<hbm>>
        tpu.wait_dma2 semaphore(%arg19 : memref<!tpu.dma_semaphore, #tpu.memory_space<semaphore_mem>>) src(%dma_wait3A_502 : memref<128xi32, #tpu.memory_space<hbm>>) dst(%arg10 : memref<128xi32, #tpu.memory_space<vmem>>)
      } else {
      }
      %add3A_208 = arith.constant 2 : i32
      %add3A_209 = arith.addi %add3A_157, %add3A_208 : i32
      %ge3A_210 = arith.constant 0 : i32
      %ge3A_211 = arith.cmpi sge, %add3A_209, %ge3A_210 : i32
      %mul3A_212 = arith.constant 16 : i32
      %mul3A_213 = arith.muli %mul3A_212, %add3A_209 : i32
      %add3A_214 = arith.addi %arg1, %mul3A_213 : i32
      %lt3A_215 = arith.constant 2500 : i32
      %lt3A_216 = arith.cmpi slt, %add3A_214, %lt3A_215 : i32
      %and3A_217 = arith.andi %ge3A_211, %lt3A_216 : i1
      %convert_element_type3A_218 = arith.extui %and3A_217 : i1 to i32
      %cond3A_219 = arith.constant 0 : i32
      %cond3A_220 = arith.cmpi ne, %convert_element_type3A_218, %cond3A_219 : i32
      scf.if %cond3A_220 {
        %dma_start3A = arith.constant 0 : i32
        %dma_start3A_489 = arith.constant 0 : i32
        %dma_start3A_490 = tpu.memref_slice %arg2[%dma_start3A, %dma_start3A_489] : memref<100000x128xf32, #tpu.memory_space<hbm>> -> memref<100000x128xf32, #tpu.memory_space<hbm>>
        tpu.enqueue_indirect_dma source(%dma_start3A_490 : memref<100000x128xf32, #tpu.memory_space<hbm>>) target(%arg15 : memref<128x128xf32, #tpu.memory_space<vmem>>) offsets(%arg7 : memref<128xi32, #tpu.memory_space<vmem>>) semaphore(%arg22 : memref<!tpu.dma_semaphore, #tpu.memory_space<semaphore_mem>>)
      } else {
      }
      %mul3A_221 = arith.constant 6 : i32
      %mul3A_222 = arith.muli %mul3A_221, %scan3A_88 : i32
      %add3A_223 = arith.constant 2 : i32
      %add3A_224 = arith.addi %mul3A_222, %add3A_223 : i32
      %ge3A_225 = arith.constant 0 : i32
      %ge3A_226 = arith.cmpi sge, %add3A_224, %ge3A_225 : i32
      %mul3A_227 = arith.constant 16 : i32
      %mul3A_228 = arith.muli %mul3A_227, %add3A_224 : i32
      %add3A_229 = arith.addi %arg1, %mul3A_228 : i32
      %lt3A_230 = arith.constant 2500 : i32
      %lt3A_231 = arith.cmpi slt, %add3A_229, %lt3A_230 : i32
      %and3A_232 = arith.andi %ge3A_226, %lt3A_231 : i1
      %convert_element_type3A_233 = arith.extui %and3A_232 : i1 to i32
      %cond3A_234 = arith.constant 0 : i32
      %cond3A_235 = arith.cmpi ne, %convert_element_type3A_233, %cond3A_234 : i32
      scf.if %cond3A_235 {
        %dma_wait3A = arith.constant 0 : i32
        %dma_wait3A_489 = arith.constant 0 : i32
        %dma_wait3A_490 = tpu.memref_slice %arg2[%dma_wait3A, %dma_wait3A_489] : memref<100000x128xf32, #tpu.memory_space<hbm>> -> memref<100000x128xf32, #tpu.memory_space<hbm>>
        tpu.wait_indirect_dma semaphore(%arg24 : memref<!tpu.dma_semaphore, #tpu.memory_space<semaphore_mem>>) src(%dma_wait3A_490 : memref<100000x128xf32, #tpu.memory_space<hbm>>) dst(%arg17 : memref<128x128xf32, #tpu.memory_space<vmem>>)
        %get3A = arith.constant 0 : index
        %get3A_491 = tpu.vector_load %arg12[%get3A] {strides = array<i32>} : memref<128xi32, #tpu.memory_space<vmem>>, vector<16xi32>,
        %get3A_492 = vector.shape_cast %get3A_491 : vector<16xi32> to vector<16xi32>
        %mul3A_493 = arith.constant 10000 : i32
        %mul3A_494 = arith.muli %arg0, %mul3A_493 : i32
        %sub3A_495 = vector.broadcast %mul3A_494 : i32 to vector<16xi32>
        %sub3A_496 = arith.subi %get3A_492, %sub3A_495 : vector<16xi32>
        %lt3A_497 = arith.constant 0 : i32
        %lt3A_498 = vector.broadcast %lt3A_497 : i32 to vector<16xi32>
        %lt3A_499 = arith.cmpi slt, %sub3A_496, %lt3A_498 : vector<16xi32>
        %ge3A_500 = arith.constant 10000 : i32
        %ge3A_501 = vector.broadcast %ge3A_500 : i32 to vector<16xi32>
        %ge3A_502 = arith.cmpi sge, %sub3A_496, %ge3A_501 : vector<16xi32>
        %or3A = arith.ori %lt3A_499, %ge3A_502 : vector<16xi1>
        %jit3A = arith.constant 10000 : i32
        %broadcast_in_dim3A = vector.broadcast %jit3A : i32 to vector<16xi32>
        %select_n3A = arith.select %or3A, %broadcast_in_dim3A, %sub3A_496 : vector<16xi1>, vector<16xi32>
        %swap3A = arith.constant 0 : i32
        %swap3A_503 = arith.index_cast %swap3A : i32 to index
        %swap3A_504 = arith.constant 0 : index
        %swap3A_505 = tpu.vector_load %arg13[%swap3A_503, %swap3A_504] {strides = array<i32>} : memref<1x128xi32, #tpu.memory_space<vmem>>, vector<1x16xi32>,
        %swap3A_506 = vector.shape_cast %swap3A_505 : vector<1x16xi32> to vector<16xi32>
        %swap3A_507 = vector.shape_cast %select_n3A : vector<16xi32> to vector<1x16xi32>
        tpu.vector_store %arg13[%swap3A_503, %swap3A_504], %swap3A_507 {strides = array<i32>} : memref<1x128xi32, #tpu.memory_space<vmem>>, vector<1x16xi32>,
        %get3A_508 = arith.constant 16 : index
        %get3A_509 = tpu.vector_load %arg12[%get3A_508] {strides = array<i32>} : memref<128xi32, #tpu.memory_space<vmem>>, vector<16xi32>,
        %get3A_510 = vector.shape_cast %get3A_509 : vector<16xi32> to vector<16xi32>
        %mul3A_511 = arith.constant 10000 : i32
        %mul3A_512 = arith.muli %arg0, %mul3A_511 : i32
        %sub3A_513 = vector.broadcast %mul3A_512 : i32 to vector<16xi32>
        %sub3A_514 = arith.subi %get3A_510, %sub3A_513 : vector<16xi32>
        %lt3A_515 = arith.constant 0 : i32
        %lt3A_516 = vector.broadcast %lt3A_515 : i32 to vector<16xi32>
        %lt3A_517 = arith.cmpi slt, %sub3A_514, %lt3A_516 : vector<16xi32>
        %ge3A_518 = arith.constant 10000 : i32
        %ge3A_519 = vector.broadcast %ge3A_518 : i32 to vector<16xi32>
        %ge3A_520 = arith.cmpi sge, %sub3A_514, %ge3A_519 : vector<16xi32>
        %or3A_521 = arith.ori %lt3A_517, %ge3A_520 : vector<16xi1>
        %jit3A_522 = arith.constant 10000 : i32
        %broadcast_in_dim3A_523 = vector.broadcast %jit3A_522 : i32 to vector<16xi32>
        %select_n3A_524 = arith.select %or3A_521, %broadcast_in_dim3A_523, %sub3A_514 : vector<16xi1>, vector<16xi32>
        %swap3A_525 = arith.constant 0 : i32
        %swap3A_526 = arith.index_cast %swap3A_525 : i32 to index
        %swap3A_527 = arith.constant 16 : index
        %swap3A_528 = tpu.vector_load %arg13[%swap3A_526, %swap3A_527] {strides = array<i32>} : memref<1x128xi32, #tpu.memory_space<vmem>>, vector<1x16xi32>,
        %swap3A_529 = vector.shape_cast %swap3A_528 : vector<1x16xi32> to vector<16xi32>
        %swap3A_530 = vector.shape_cast %select_n3A_524 : vector<16xi32> to vector<1x16xi32>
        tpu.vector_store %arg13[%swap3A_526, %swap3A_527], %swap3A_530 {strides = array<i32>} : memref<1x128xi32, #tpu.memory_space<vmem>>, vector<1x16xi32>,
        %get3A_531 = arith.constant 32 : index
        %get3A_532 = tpu.vector_load %arg12[%get3A_531] {strides = array<i32>} : memref<128xi32, #tpu.memory_space<vmem>>, vector<16xi32>,
        %get3A_533 = vector.shape_cast %get3A_532 : vector<16xi32> to vector<16xi32>
        %mul3A_534 = arith.constant 10000 : i32
        %mul3A_535 = arith.muli %arg0, %mul3A_534 : i32
        %sub3A_536 = vector.broadcast %mul3A_535 : i32 to vector<16xi32>
        %sub3A_537 = arith.subi %get3A_533, %sub3A_536 : vector<16xi32>
        %lt3A_538 = arith.constant 0 : i32
        %lt3A_539 = vector.broadcast %lt3A_538 : i32 to vector<16xi32>
        %lt3A_540 = arith.cmpi slt, %sub3A_537, %lt3A_539 : vector<16xi32>
        %ge3A_541 = arith.constant 10000 : i32
        %ge3A_542 = vector.broadcast %ge3A_541 : i32 to vector<16xi32>
        %ge3A_543 = arith.cmpi sge, %sub3A_537, %ge3A_542 : vector<16xi32>
        %or3A_544 = arith.ori %lt3A_540, %ge3A_543 : vector<16xi1>
        %jit3A_545 = arith.constant 10000 : i32
        %broadcast_in_dim3A_546 = vector.broadcast %jit3A_545 : i32 to vector<16xi32>
        %select_n3A_547 = arith.select %or3A_544, %broadcast_in_dim3A_546, %sub3A_537 : vector<16xi1>, vector<16xi32>
        %swap3A_548 = arith.constant 0 : i32
        %swap3A_549 = arith.index_cast %swap3A_548 : i32 to index
        %swap3A_550 = arith.constant 32 : index
        %swap3A_551 = tpu.vector_load %arg13[%swap3A_549, %swap3A_550] {strides = array<i32>} : memref<1x128xi32, #tpu.memory_space<vmem>>, vector<1x16xi32>,
        %swap3A_552 = vector.shape_cast %swap3A_551 : vector<1x16xi32> to vector<16xi32>
        %swap3A_553 = vector.shape_cast %select_n3A_547 : vector<16xi32> to vector<1x16xi32>
        tpu.vector_store %arg13[%swap3A_549, %swap3A_550], %swap3A_553 {strides = array<i32>} : memref<1x128xi32, #tpu.memory_space<vmem>>, vector<1x16xi32>,
        %get3A_554 = arith.constant 48 : index
        %get3A_555 = tpu.vector_load %arg12[%get3A_554] {strides = array<i32>} : memref<128xi32, #tpu.memory_space<vmem>>, vector<16xi32>,
        %get3A_556 = vector.shape_cast %get3A_555 : vector<16xi32> to vector<16xi32>
        %mul3A_557 = arith.constant 10000 : i32
        %mul3A_558 = arith.muli %arg0, %mul3A_557 : i32
        %sub3A_559 = vector.broadcast %mul3A_558 : i32 to vector<16xi32>
        %sub3A_560 = arith.subi %get3A_556, %sub3A_559 : vector<16xi32>
        %lt3A_561 = arith.constant 0 : i32
        %lt3A_562 = vector.broadcast %lt3A_561 : i32 to vector<16xi32>
        %lt3A_563 = arith.cmpi slt, %sub3A_560, %lt3A_562 : vector<16xi32>
        %ge3A_564 = arith.constant 10000 : i32
        %ge3A_565 = vector.broadcast %ge3A_564 : i32 to vector<16xi32>
        %ge3A_566 = arith.cmpi sge, %sub3A_560, %ge3A_565 : vector<16xi32>
        %or3A_567 = arith.ori %lt3A_563, %ge3A_566 : vector<16xi1>
        %jit3A_568 = arith.constant 10000 : i32
        %broadcast_in_dim3A_569 = vector.broadcast %jit3A_568 : i32 to vector<16xi32>
        %select_n3A_570 = arith.select %or3A_567, %broadcast_in_dim3A_569, %sub3A_560 : vector<16xi1>, vector<16xi32>
        %swap3A_571 = arith.constant 0 : i32
        %swap3A_572 = arith.index_cast %swap3A_571 : i32 to index
        %swap3A_573 = arith.constant 48 : index
        %swap3A_574 = tpu.vector_load %arg13[%swap3A_572, %swap3A_573] {strides = array<i32>} : memref<1x128xi32, #tpu.memory_space<vmem>>, vector<1x16xi32>,
        %swap3A_575 = vector.shape_cast %swap3A_574 : vector<1x16xi32> to vector<16xi32>
        %swap3A_576 = vector.shape_cast %select_n3A_570 : vector<16xi32> to vector<1x16xi32>
        tpu.vector_store %arg13[%swap3A_572, %swap3A_573], %swap3A_576 {strides = array<i32>} : memref<1x128xi32, #tpu.memory_space<vmem>>, vector<1x16xi32>,
        %get3A_577 = arith.constant 64 : index
        %get3A_578 = tpu.vector_load %arg12[%get3A_577] {strides = array<i32>} : memref<128xi32, #tpu.memory_space<vmem>>, vector<16xi32>,
        %get3A_579 = vector.shape_cast %get3A_578 : vector<16xi32> to vector<16xi32>
        %mul3A_580 = arith.constant 10000 : i32
        %mul3A_581 = arith.muli %arg0, %mul3A_580 : i32
        %sub3A_582 = vector.broadcast %mul3A_581 : i32 to vector<16xi32>
        %sub3A_583 = arith.subi %get3A_579, %sub3A_582 : vector<16xi32>
        %lt3A_584 = arith.constant 0 : i32
        %lt3A_585 = vector.broadcast %lt3A_584 : i32 to vector<16xi32>
        %lt3A_586 = arith.cmpi slt, %sub3A_583, %lt3A_585 : vector<16xi32>
        %ge3A_587 = arith.constant 10000 : i32
        %ge3A_588 = vector.broadcast %ge3A_587 : i32 to vector<16xi32>
        %ge3A_589 = arith.cmpi sge, %sub3A_583, %ge3A_588 : vector<16xi32>
        %or3A_590 = arith.ori %lt3A_586, %ge3A_589 : vector<16xi1>
        %jit3A_591 = arith.constant 10000 : i32
        %broadcast_in_dim3A_592 = vector.broadcast %jit3A_591 : i32 to vector<16xi32>
        %select_n3A_593 = arith.select %or3A_590, %broadcast_in_dim3A_592, %sub3A_583 : vector<16xi1>, vector<16xi32>
        %swap3A_594 = arith.constant 0 : i32
        %swap3A_595 = arith.index_cast %swap3A_594 : i32 to index
        %swap3A_596 = arith.constant 64 : index
        %swap3A_597 = tpu.vector_load %arg13[%swap3A_595, %swap3A_596] {strides = array<i32>} : memref<1x128xi32, #tpu.memory_space<vmem>>, vector<1x16xi32>,
        %swap3A_598 = vector.shape_cast %swap3A_597 : vector<1x16xi32> to vector<16xi32>
        %swap3A_599 = vector.shape_cast %select_n3A_593 : vector<16xi32> to vector<1x16xi32>
        tpu.vector_store %arg13[%swap3A_595, %swap3A_596], %swap3A_599 {strides = array<i32>} : memref<1x128xi32, #tpu.memory_space<vmem>>, vector<1x16xi32>,
        %get3A_600 = arith.constant 80 : index
        %get3A_601 = tpu.vector_load %arg12[%get3A_600] {strides = array<i32>} : memref<128xi32, #tpu.memory_space<vmem>>, vector<16xi32>,
        %get3A_602 = vector.shape_cast %get3A_601 : vector<16xi32> to vector<16xi32>
        %mul3A_603 = arith.constant 10000 : i32
        %mul3A_604 = arith.muli %arg0, %mul3A_603 : i32
        %sub3A_605 = vector.broadcast %mul3A_604 : i32 to vector<16xi32>
        %sub3A_606 = arith.subi %get3A_602, %sub3A_605 : vector<16xi32>
        %lt3A_607 = arith.constant 0 : i32
        %lt3A_608 = vector.broadcast %lt3A_607 : i32 to vector<16xi32>
        %lt3A_609 = arith.cmpi slt, %sub3A_606, %lt3A_608 : vector<16xi32>
        %ge3A_610 = arith.constant 10000 : i32
        %ge3A_611 = vector.broadcast %ge3A_610 : i32 to vector<16xi32>
        %ge3A_612 = arith.cmpi sge, %sub3A_606, %ge3A_611 : vector<16xi32>
        %or3A_613 = arith.ori %lt3A_609, %ge3A_612 : vector<16xi1>
        %jit3A_614 = arith.constant 10000 : i32
        %broadcast_in_dim3A_615 = vector.broadcast %jit3A_614 : i32 to vector<16xi32>
        %select_n3A_616 = arith.select %or3A_613, %broadcast_in_dim3A_615, %sub3A_606 : vector<16xi1>, vector<16xi32>
        %swap3A_617 = arith.constant 0 : i32
        %swap3A_618 = arith.index_cast %swap3A_617 : i32 to index
        %swap3A_619 = arith.constant 80 : index
        %swap3A_620 = tpu.vector_load %arg13[%swap3A_618, %swap3A_619] {strides = array<i32>} : memref<1x128xi32, #tpu.memory_space<vmem>>, vector<1x16xi32>,
        %swap3A_621 = vector.shape_cast %swap3A_620 : vector<1x16xi32> to vector<16xi32>
        %swap3A_622 = vector.shape_cast %select_n3A_616 : vector<16xi32> to vector<1x16xi32>
        tpu.vector_store %arg13[%swap3A_618, %swap3A_619], %swap3A_622 {strides = array<i32>} : memref<1x128xi32, #tpu.memory_space<vmem>>, vector<1x16xi32>,
        %get3A_623 = arith.constant 96 : index
        %get3A_624 = tpu.vector_load %arg12[%get3A_623] {strides = array<i32>} : memref<128xi32, #tpu.memory_space<vmem>>, vector<16xi32>,
        %get3A_625 = vector.shape_cast %get3A_624 : vector<16xi32> to vector<16xi32>
        %mul3A_626 = arith.constant 10000 : i32
        %mul3A_627 = arith.muli %arg0, %mul3A_626 : i32
        %sub3A_628 = vector.broadcast %mul3A_627 : i32 to vector<16xi32>
        %sub3A_629 = arith.subi %get3A_625, %sub3A_628 : vector<16xi32>
        %lt3A_630 = arith.constant 0 : i32
        %lt3A_631 = vector.broadcast %lt3A_630 : i32 to vector<16xi32>
        %lt3A_632 = arith.cmpi slt, %sub3A_629, %lt3A_631 : vector<16xi32>
        %ge3A_633 = arith.constant 10000 : i32
        %ge3A_634 = vector.broadcast %ge3A_633 : i32 to vector<16xi32>
        %ge3A_635 = arith.cmpi sge, %sub3A_629, %ge3A_634 : vector<16xi32>
        %or3A_636 = arith.ori %lt3A_632, %ge3A_635 : vector<16xi1>
        %jit3A_637 = arith.constant 10000 : i32
        %broadcast_in_dim3A_638 = vector.broadcast %jit3A_637 : i32 to vector<16xi32>
        %select_n3A_639 = arith.select %or3A_636, %broadcast_in_dim3A_638, %sub3A_629 : vector<16xi1>, vector<16xi32>
        %swap3A_640 = arith.constant 0 : i32
        %swap3A_641 = arith.index_cast %swap3A_640 : i32 to index
        %swap3A_642 = arith.constant 96 : index
        %swap3A_643 = tpu.vector_load %arg13[%swap3A_641, %swap3A_642] {strides = array<i32>} : memref<1x128xi32, #tpu.memory_space<vmem>>, vector<1x16xi32>,
        %swap3A_644 = vector.shape_cast %swap3A_643 : vector<1x16xi32> to vector<16xi32>
        %swap3A_645 = vector.shape_cast %select_n3A_639 : vector<16xi32> to vector<1x16xi32>
        tpu.vector_store %arg13[%swap3A_641, %swap3A_642], %swap3A_645 {strides = array<i32>} : memref<1x128xi32, #tpu.memory_space<vmem>>, vector<1x16xi32>,
        %get3A_646 = arith.constant 112 : index
        %get3A_647 = tpu.vector_load %arg12[%get3A_646] {strides = array<i32>} : memref<128xi32, #tpu.memory_space<vmem>>, vector<16xi32>,
        %get3A_648 = vector.shape_cast %get3A_647 : vector<16xi32> to vector<16xi32>
        %mul3A_649 = arith.constant 10000 : i32
        %mul3A_650 = arith.muli %arg0, %mul3A_649 : i32
        %sub3A_651 = vector.broadcast %mul3A_650 : i32 to vector<16xi32>
        %sub3A_652 = arith.subi %get3A_648, %sub3A_651 : vector<16xi32>
        %lt3A_653 = arith.constant 0 : i32
        %lt3A_654 = vector.broadcast %lt3A_653 : i32 to vector<16xi32>
        %lt3A_655 = arith.cmpi slt, %sub3A_652, %lt3A_654 : vector<16xi32>
        %ge3A_656 = arith.constant 10000 : i32
        %ge3A_657 = vector.broadcast %ge3A_656 : i32 to vector<16xi32>
        %ge3A_658 = arith.cmpi sge, %sub3A_652, %ge3A_657 : vector<16xi32>
        %or3A_659 = arith.ori %lt3A_655, %ge3A_658 : vector<16xi1>
        %jit3A_660 = arith.constant 10000 : i32
        %broadcast_in_dim3A_661 = vector.broadcast %jit3A_660 : i32 to vector<16xi32>
        %select_n3A_662 = arith.select %or3A_659, %broadcast_in_dim3A_661, %sub3A_652 : vector<16xi1>, vector<16xi32>
        %swap3A_663 = arith.constant 0 : i32
        %swap3A_664 = arith.index_cast %swap3A_663 : i32 to index
        %swap3A_665 = arith.constant 112 : index
        %swap3A_666 = tpu.vector_load %arg13[%swap3A_664, %swap3A_665] {strides = array<i32>} : memref<1x128xi32, #tpu.memory_space<vmem>>, vector<1x16xi32>,
        %swap3A_667 = vector.shape_cast %swap3A_666 : vector<1x16xi32> to vector<16xi32>
        %swap3A_668 = vector.shape_cast %select_n3A_662 : vector<16xi32> to vector<1x16xi32>
        tpu.vector_store %arg13[%swap3A_664, %swap3A_665], %swap3A_668 {strides = array<i32>} : memref<1x128xi32, #tpu.memory_space<vmem>>, vector<1x16xi32>,
        %dma_start3A = arith.constant 0 : i32
        %dma_start3A_669 = arith.constant 0 : i32
        %dma_start3A_670 = tpu.memref_slice %arg13[%dma_start3A, %dma_start3A_669] : memref<1x128xi32, #tpu.memory_space<vmem>> -> memref<1x128xi32, #tpu.memory_space<vmem>>
        %dma_start3A_671 = tpu.memref_squeeze %dma_start3A_670 : memref<1x128xi32, #tpu.memory_space<vmem>> -> memref<128xi32, #tpu.memory_space<vmem>>
        %dma_start3A_672 = arith.constant 0 : i32
        %dma_start3A_673 = arith.constant 0 : i32
        %dma_start3A_674 = tpu.memref_slice %arg18[%dma_start3A_672, %dma_start3A_673] : memref<10008x128xf32, #tpu.memory_space<vmem_shared>> -> memref<10008x128xf32, #tpu.memory_space<vmem_shared>>
        tpu.enqueue_indirect_dma source(%arg17 : memref<128x128xf32, #tpu.memory_space<vmem>>) target(%dma_start3A_674 : memref<10008x128xf32, #tpu.memory_space<vmem_shared>>) offsets(%dma_start3A_671 : memref<128xi32, #tpu.memory_space<vmem>>) semaphore(%arg25 : memref<!tpu.dma_semaphore, #tpu.memory_space<semaphore_mem>>) {add = true}
      } else {
      }
      %add3A_236 = arith.constant 3 : i32
      %add3A_237 = arith.addi %add3A_224, %add3A_236 : i32
      %ge3A_238 = arith.constant 0 : i32
      %ge3A_239 = arith.cmpi sge, %add3A_237, %ge3A_238 : i32
      %mul3A_240 = arith.constant 16 : i32
      %mul3A_241 = arith.muli %mul3A_240, %add3A_237 : i32
      %add3A_242 = arith.addi %arg1, %mul3A_241 : i32
      %lt3A_243 = arith.constant 2500 : i32
      %lt3A_244 = arith.cmpi slt, %add3A_242, %lt3A_243 : i32
      %and3A_245 = arith.andi %ge3A_239, %lt3A_244 : i1
      %convert_element_type3A_246 = arith.extui %and3A_245 : i1 to i32
      %cond3A_247 = arith.constant 0 : i32
      %cond3A_248 = arith.cmpi ne, %convert_element_type3A_246, %cond3A_247 : i32
      scf.if %cond3A_248 {
        %mul3A_489 = arith.constant 16 : i32
        %mul3A_490 = arith.muli %mul3A_489, %add3A_237 : i32
        %add3A_491 = arith.addi %arg1, %mul3A_490 : i32
        %dma_start3A = arith.constant 0 : i32
        %dma_start3A_492 = tpu.memref_slice %arg3[%add3A_491, %dma_start3A] : memref<2500x128xi32, #tpu.memory_space<hbm>> -> memref<1x128xi32, #tpu.memory_space<hbm>>
        %dma_start3A_493 = tpu.memref_squeeze %dma_start3A_492 : memref<1x128xi32, #tpu.memory_space<hbm>> -> memref<128xi32, #tpu.memory_space<hbm>>
        %dma_start3A_494 = arith.constant 0 : i32
        %dma_start3A_495 = tpu.memref_slice %arg3[%add3A_491, %dma_start3A_494] : memref<2500x128xi32, #tpu.memory_space<hbm>> -> memref<1x128xi32, #tpu.memory_space<hbm>>
        %dma_start3A_496 = tpu.memref_squeeze %dma_start3A_495 : memref<1x128xi32, #tpu.memory_space<hbm>> -> memref<128xi32, #tpu.memory_space<hbm>>
        tpu.enqueue_dma source(%dma_start3A_496 : memref<128xi32, #tpu.memory_space<hbm>>) target(%arg9 : memref<128xi32, #tpu.memory_space<vmem>>) target_semaphore(%arg21 : memref<!tpu.dma_semaphore, #tpu.memory_space<semaphore_mem>>)
        %dma_start3A_497 = arith.constant 0 : i32
        %dma_start3A_498 = tpu.memref_slice %arg4[%add3A_491, %dma_start3A_497] : memref<2500x128xi32, #tpu.memory_space<hbm>> -> memref<1x128xi32, #tpu.memory_space<hbm>>
        %dma_start3A_499 = tpu.memref_squeeze %dma_start3A_498 : memref<1x128xi32, #tpu.memory_space<hbm>> -> memref<128xi32, #tpu.memory_space<hbm>>
        %dma_start3A_500 = arith.constant 0 : i32
        %dma_start3A_501 = tpu.memref_slice %arg4[%add3A_491, %dma_start3A_500] : memref<2500x128xi32, #tpu.memory_space<hbm>> -> memref<1x128xi32, #tpu.memory_space<hbm>>
        %dma_start3A_502 = tpu.memref_squeeze %dma_start3A_501 : memref<1x128xi32, #tpu.memory_space<hbm>> -> memref<128xi32, #tpu.memory_space<hbm>>
        tpu.enqueue_dma source(%dma_start3A_502 : memref<128xi32, #tpu.memory_space<hbm>>) target(%arg12 : memref<128xi32, #tpu.memory_space<vmem>>) target_semaphore(%arg21 : memref<!tpu.dma_semaphore, #tpu.memory_space<semaphore_mem>>)
      } else {
      }
      %sub3A_249 = arith.constant 1 : i32
      %sub3A_250 = arith.subi %add3A_224, %sub3A_249 : i32
      %ge3A_251 = arith.constant 0 : i32
      %ge3A_252 = arith.cmpi sge, %sub3A_250, %ge3A_251 : i32
      %mul3A_253 = arith.constant 16 : i32
      %mul3A_254 = arith.muli %mul3A_253, %sub3A_250 : i32
      %add3A_255 = arith.addi %arg1, %mul3A_254 : i32
      %lt3A_256 = arith.constant 2500 : i32
      %lt3A_257 = arith.cmpi slt, %add3A_255, %lt3A_256 : i32
      %and3A_258 = arith.andi %ge3A_252, %lt3A_257 : i1
      %convert_element_type3A_259 = arith.extui %and3A_258 : i1 to i32
      %cond3A_260 = arith.constant 0 : i32
      %cond3A_261 = arith.cmpi ne, %convert_element_type3A_259, %cond3A_260 : i32
      scf.if %cond3A_261 {
        %dma_wait3A = arith.constant 0 : i32
        %dma_wait3A_489 = arith.constant 0 : i32
        %dma_wait3A_490 = tpu.memref_slice %arg14[%dma_wait3A, %dma_wait3A_489] : memref<1x128xi32, #tpu.memory_space<vmem>> -> memref<1x128xi32, #tpu.memory_space<vmem>>
        %dma_wait3A_491 = tpu.memref_squeeze %dma_wait3A_490 : memref<1x128xi32, #tpu.memory_space<vmem>> -> memref<128xi32, #tpu.memory_space<vmem>>
        %dma_wait3A_492 = arith.constant 0 : i32
        %dma_wait3A_493 = arith.constant 0 : i32
        %dma_wait3A_494 = tpu.memref_slice %arg18[%dma_wait3A_492, %dma_wait3A_493] : memref<10008x128xf32, #tpu.memory_space<vmem_shared>> -> memref<10008x128xf32, #tpu.memory_space<vmem_shared>>
        tpu.wait_indirect_dma semaphore(%arg26 : memref<!tpu.dma_semaphore, #tpu.memory_space<semaphore_mem>>) src(%arg16 : memref<128x128xf32, #tpu.memory_space<vmem>>) dst(%dma_wait3A_494 : memref<10008x128xf32, #tpu.memory_space<vmem_shared>>)
      } else {
      }
      %add3A_262 = arith.constant 2 : i32
      %add3A_263 = arith.addi %add3A_224, %add3A_262 : i32
      %ge3A_264 = arith.constant 0 : i32
      %ge3A_265 = arith.cmpi sge, %add3A_263, %ge3A_264 : i32
      %mul3A_266 = arith.constant 16 : i32
      %mul3A_267 = arith.muli %mul3A_266, %add3A_263 : i32
      %add3A_268 = arith.addi %arg1, %mul3A_267 : i32
      %lt3A_269 = arith.constant 2500 : i32
      %lt3A_270 = arith.cmpi slt, %add3A_268, %lt3A_269 : i32
      %and3A_271 = arith.andi %ge3A_265, %lt3A_270 : i1
      %convert_element_type3A_272 = arith.extui %and3A_271 : i1 to i32
      %cond3A_273 = arith.constant 0 : i32
      %cond3A_274 = arith.cmpi ne, %convert_element_type3A_272, %cond3A_273 : i32
      scf.if %cond3A_274 {
        %mul3A_489 = arith.constant 16 : i32
        %mul3A_490 = arith.muli %mul3A_489, %add3A_263 : i32
        %add3A_491 = arith.addi %arg1, %mul3A_490 : i32
        %dma_wait3A = arith.constant 0 : i32
        %dma_wait3A_492 = tpu.memref_slice %arg3[%add3A_491, %dma_wait3A] : memref<2500x128xi32, #tpu.memory_space<hbm>> -> memref<1x128xi32, #tpu.memory_space<hbm>>
        %dma_wait3A_493 = tpu.memref_squeeze %dma_wait3A_492 : memref<1x128xi32, #tpu.memory_space<hbm>> -> memref<128xi32, #tpu.memory_space<hbm>>
        %dma_wait3A_494 = arith.constant 0 : i32
        %dma_wait3A_495 = tpu.memref_slice %arg3[%add3A_491, %dma_wait3A_494] : memref<2500x128xi32, #tpu.memory_space<hbm>> -> memref<1x128xi32, #tpu.memory_space<hbm>>
        %dma_wait3A_496 = tpu.memref_squeeze %dma_wait3A_495 : memref<1x128xi32, #tpu.memory_space<hbm>> -> memref<128xi32, #tpu.memory_space<hbm>>
        tpu.wait_dma2 semaphore(%arg20 : memref<!tpu.dma_semaphore, #tpu.memory_space<semaphore_mem>>) src(%dma_wait3A_496 : memref<128xi32, #tpu.memory_space<hbm>>) dst(%arg8 : memref<128xi32, #tpu.memory_space<vmem>>)
        %dma_wait3A_497 = arith.constant 0 : i32
        %dma_wait3A_498 = tpu.memref_slice %arg4[%add3A_491, %dma_wait3A_497] : memref<2500x128xi32, #tpu.memory_space<hbm>> -> memref<1x128xi32, #tpu.memory_space<hbm>>
        %dma_wait3A_499 = tpu.memref_squeeze %dma_wait3A_498 : memref<1x128xi32, #tpu.memory_space<hbm>> -> memref<128xi32, #tpu.memory_space<hbm>>
        %dma_wait3A_500 = arith.constant 0 : i32
        %dma_wait3A_501 = tpu.memref_slice %arg4[%add3A_491, %dma_wait3A_500] : memref<2500x128xi32, #tpu.memory_space<hbm>> -> memref<1x128xi32, #tpu.memory_space<hbm>>
        %dma_wait3A_502 = tpu.memref_squeeze %dma_wait3A_501 : memref<1x128xi32, #tpu.memory_space<hbm>> -> memref<128xi32, #tpu.memory_space<hbm>>
        tpu.wait_dma2 semaphore(%arg20 : memref<!tpu.dma_semaphore, #tpu.memory_space<semaphore_mem>>) src(%dma_wait3A_502 : memref<128xi32, #tpu.memory_space<hbm>>) dst(%arg11 : memref<128xi32, #tpu.memory_space<vmem>>)
      } else {
      }
      %add3A_275 = arith.constant 2 : i32
      %add3A_276 = arith.addi %add3A_224, %add3A_275 : i32
      %ge3A_277 = arith.constant 0 : i32
      %ge3A_278 = arith.cmpi sge, %add3A_276, %ge3A_277 : i32
      %mul3A_279 = arith.constant 16 : i32
      %mul3A_280 = arith.muli %mul3A_279, %add3A_276 : i32
      %add3A_281 = arith.addi %arg1, %mul3A_280 : i32
      %lt3A_282 = arith.constant 2500 : i32
      %lt3A_283 = arith.cmpi slt, %add3A_281, %lt3A_282 : i32
      %and3A_284 = arith.andi %ge3A_278, %lt3A_283 : i1
      %convert_element_type3A_285 = arith.extui %and3A_284 : i1 to i32
      %cond3A_286 = arith.constant 0 : i32
      %cond3A_287 = arith.cmpi ne, %convert_element_type3A_285, %cond3A_286 : i32
      scf.if %cond3A_287 {
        %dma_start3A = arith.constant 0 : i32
        %dma_start3A_489 = arith.constant 0 : i32
        %dma_start3A_490 = tpu.memref_slice %arg2[%dma_start3A, %dma_start3A_489] : memref<100000x128xf32, #tpu.memory_space<hbm>> -> memref<100000x128xf32, #tpu.memory_space<hbm>>
        tpu.enqueue_indirect_dma source(%dma_start3A_490 : memref<100000x128xf32, #tpu.memory_space<hbm>>) target(%arg16 : memref<128x128xf32, #tpu.memory_space<vmem>>) offsets(%arg8 : memref<128xi32, #tpu.memory_space<vmem>>) semaphore(%arg23 : memref<!tpu.dma_semaphore, #tpu.memory_space<semaphore_mem>>)
      } else {
      }
      %mul3A_288 = arith.constant 6 : i32
      %mul3A_289 = arith.muli %mul3A_288, %scan3A_88 : i32
      %add3A_290 = arith.constant 3 : i32
      %add3A_291 = arith.addi %mul3A_289, %add3A_290 : i32
      %ge3A_292 = arith.constant 0 : i32
      %ge3A_293 = arith.cmpi sge, %add3A_291, %ge3A_292 : i32
      %mul3A_294 = arith.constant 16 : i32
      %mul3A_295 = arith.muli %mul3A_294, %add3A_291 : i32
      %add3A_296 = arith.addi %arg1, %mul3A_295 : i32
      %lt3A_297 = arith.constant 2500 : i32
      %lt3A_298 = arith.cmpi slt, %add3A_296, %lt3A_297 : i32
      %and3A_299 = arith.andi %ge3A_293, %lt3A_298 : i1
      %convert_element_type3A_300 = arith.extui %and3A_299 : i1 to i32
      %cond3A_301 = arith.constant 0 : i32
      %cond3A_302 = arith.cmpi ne, %convert_element_type3A_300, %cond3A_301 : i32
      scf.if %cond3A_302 {
        %dma_wait3A = arith.constant 0 : i32
        %dma_wait3A_489 = arith.constant 0 : i32
        %dma_wait3A_490 = tpu.memref_slice %arg2[%dma_wait3A, %dma_wait3A_489] : memref<100000x128xf32, #tpu.memory_space<hbm>> -> memref<100000x128xf32, #tpu.memory_space<hbm>>
        tpu.wait_indirect_dma semaphore(%arg22 : memref<!tpu.dma_semaphore, #tpu.memory_space<semaphore_mem>>) src(%dma_wait3A_490 : memref<100000x128xf32, #tpu.memory_space<hbm>>) dst(%arg15 : memref<128x128xf32, #tpu.memory_space<vmem>>)
        %get3A = arith.constant 0 : index
        %get3A_491 = tpu.vector_load %arg10[%get3A] {strides = array<i32>} : memref<128xi32, #tpu.memory_space<vmem>>, vector<16xi32>,
        %get3A_492 = vector.shape_cast %get3A_491 : vector<16xi32> to vector<16xi32>
        %mul3A_493 = arith.constant 10000 : i32
        %mul3A_494 = arith.muli %arg0, %mul3A_493 : i32
        %sub3A_495 = vector.broadcast %mul3A_494 : i32 to vector<16xi32>
        %sub3A_496 = arith.subi %get3A_492, %sub3A_495 : vector<16xi32>
        %lt3A_497 = arith.constant 0 : i32
        %lt3A_498 = vector.broadcast %lt3A_497 : i32 to vector<16xi32>
        %lt3A_499 = arith.cmpi slt, %sub3A_496, %lt3A_498 : vector<16xi32>
        %ge3A_500 = arith.constant 10000 : i32
        %ge3A_501 = vector.broadcast %ge3A_500 : i32 to vector<16xi32>
        %ge3A_502 = arith.cmpi sge, %sub3A_496, %ge3A_501 : vector<16xi32>
        %or3A = arith.ori %lt3A_499, %ge3A_502 : vector<16xi1>
        %jit3A = arith.constant 10000 : i32
        %broadcast_in_dim3A = vector.broadcast %jit3A : i32 to vector<16xi32>
        %select_n3A = arith.select %or3A, %broadcast_in_dim3A, %sub3A_496 : vector<16xi1>, vector<16xi32>
        %swap3A = arith.constant 0 : i32
        %swap3A_503 = arith.index_cast %swap3A : i32 to index
        %swap3A_504 = arith.constant 0 : index
        %swap3A_505 = tpu.vector_load %arg14[%swap3A_503, %swap3A_504] {strides = array<i32>} : memref<1x128xi32, #tpu.memory_space<vmem>>, vector<1x16xi32>,
        %swap3A_506 = vector.shape_cast %swap3A_505 : vector<1x16xi32> to vector<16xi32>
        %swap3A_507 = vector.shape_cast %select_n3A : vector<16xi32> to vector<1x16xi32>
        tpu.vector_store %arg14[%swap3A_503, %swap3A_504], %swap3A_507 {strides = array<i32>} : memref<1x128xi32, #tpu.memory_space<vmem>>, vector<1x16xi32>,
        %get3A_508 = arith.constant 16 : index
        %get3A_509 = tpu.vector_load %arg10[%get3A_508] {strides = array<i32>} : memref<128xi32, #tpu.memory_space<vmem>>, vector<16xi32>,
        %get3A_510 = vector.shape_cast %get3A_509 : vector<16xi32> to vector<16xi32>
        %mul3A_511 = arith.constant 10000 : i32
        %mul3A_512 = arith.muli %arg0, %mul3A_511 : i32
        %sub3A_513 = vector.broadcast %mul3A_512 : i32 to vector<16xi32>
        %sub3A_514 = arith.subi %get3A_510, %sub3A_513 : vector<16xi32>
        %lt3A_515 = arith.constant 0 : i32
        %lt3A_516 = vector.broadcast %lt3A_515 : i32 to vector<16xi32>
        %lt3A_517 = arith.cmpi slt, %sub3A_514, %lt3A_516 : vector<16xi32>
        %ge3A_518 = arith.constant 10000 : i32
        %ge3A_519 = vector.broadcast %ge3A_518 : i32 to vector<16xi32>
        %ge3A_520 = arith.cmpi sge, %sub3A_514, %ge3A_519 : vector<16xi32>
        %or3A_521 = arith.ori %lt3A_517, %ge3A_520 : vector<16xi1>
        %jit3A_522 = arith.constant 10000 : i32
        %broadcast_in_dim3A_523 = vector.broadcast %jit3A_522 : i32 to vector<16xi32>
        %select_n3A_524 = arith.select %or3A_521, %broadcast_in_dim3A_523, %sub3A_514 : vector<16xi1>, vector<16xi32>
        %swap3A_525 = arith.constant 0 : i32
        %swap3A_526 = arith.index_cast %swap3A_525 : i32 to index
        %swap3A_527 = arith.constant 16 : index
        %swap3A_528 = tpu.vector_load %arg14[%swap3A_526, %swap3A_527] {strides = array<i32>} : memref<1x128xi32, #tpu.memory_space<vmem>>, vector<1x16xi32>,
        %swap3A_529 = vector.shape_cast %swap3A_528 : vector<1x16xi32> to vector<16xi32>
        %swap3A_530 = vector.shape_cast %select_n3A_524 : vector<16xi32> to vector<1x16xi32>
        tpu.vector_store %arg14[%swap3A_526, %swap3A_527], %swap3A_530 {strides = array<i32>} : memref<1x128xi32, #tpu.memory_space<vmem>>, vector<1x16xi32>,
        %get3A_531 = arith.constant 32 : index
        %get3A_532 = tpu.vector_load %arg10[%get3A_531] {strides = array<i32>} : memref<128xi32, #tpu.memory_space<vmem>>, vector<16xi32>,
        %get3A_533 = vector.shape_cast %get3A_532 : vector<16xi32> to vector<16xi32>
        %mul3A_534 = arith.constant 10000 : i32
        %mul3A_535 = arith.muli %arg0, %mul3A_534 : i32
        %sub3A_536 = vector.broadcast %mul3A_535 : i32 to vector<16xi32>
        %sub3A_537 = arith.subi %get3A_533, %sub3A_536 : vector<16xi32>
        %lt3A_538 = arith.constant 0 : i32
        %lt3A_539 = vector.broadcast %lt3A_538 : i32 to vector<16xi32>
        %lt3A_540 = arith.cmpi slt, %sub3A_537, %lt3A_539 : vector<16xi32>
        %ge3A_541 = arith.constant 10000 : i32
        %ge3A_542 = vector.broadcast %ge3A_541 : i32 to vector<16xi32>
        %ge3A_543 = arith.cmpi sge, %sub3A_537, %ge3A_542 : vector<16xi32>
        %or3A_544 = arith.ori %lt3A_540, %ge3A_543 : vector<16xi1>
        %jit3A_545 = arith.constant 10000 : i32
        %broadcast_in_dim3A_546 = vector.broadcast %jit3A_545 : i32 to vector<16xi32>
        %select_n3A_547 = arith.select %or3A_544, %broadcast_in_dim3A_546, %sub3A_537 : vector<16xi1>, vector<16xi32>
        %swap3A_548 = arith.constant 0 : i32
        %swap3A_549 = arith.index_cast %swap3A_548 : i32 to index
        %swap3A_550 = arith.constant 32 : index
        %swap3A_551 = tpu.vector_load %arg14[%swap3A_549, %swap3A_550] {strides = array<i32>} : memref<1x128xi32, #tpu.memory_space<vmem>>, vector<1x16xi32>,
        %swap3A_552 = vector.shape_cast %swap3A_551 : vector<1x16xi32> to vector<16xi32>
        %swap3A_553 = vector.shape_cast %select_n3A_547 : vector<16xi32> to vector<1x16xi32>
        tpu.vector_store %arg14[%swap3A_549, %swap3A_550], %swap3A_553 {strides = array<i32>} : memref<1x128xi32, #tpu.memory_space<vmem>>, vector<1x16xi32>,
        %get3A_554 = arith.constant 48 : index
        %get3A_555 = tpu.vector_load %arg10[%get3A_554] {strides = array<i32>} : memref<128xi32, #tpu.memory_space<vmem>>, vector<16xi32>,
        %get3A_556 = vector.shape_cast %get3A_555 : vector<16xi32> to vector<16xi32>
        %mul3A_557 = arith.constant 10000 : i32
        %mul3A_558 = arith.muli %arg0, %mul3A_557 : i32
        %sub3A_559 = vector.broadcast %mul3A_558 : i32 to vector<16xi32>
        %sub3A_560 = arith.subi %get3A_556, %sub3A_559 : vector<16xi32>
        %lt3A_561 = arith.constant 0 : i32
        %lt3A_562 = vector.broadcast %lt3A_561 : i32 to vector<16xi32>
        %lt3A_563 = arith.cmpi slt, %sub3A_560, %lt3A_562 : vector<16xi32>
        %ge3A_564 = arith.constant 10000 : i32
        %ge3A_565 = vector.broadcast %ge3A_564 : i32 to vector<16xi32>
        %ge3A_566 = arith.cmpi sge, %sub3A_560, %ge3A_565 : vector<16xi32>
        %or3A_567 = arith.ori %lt3A_563, %ge3A_566 : vector<16xi1>
        %jit3A_568 = arith.constant 10000 : i32
        %broadcast_in_dim3A_569 = vector.broadcast %jit3A_568 : i32 to vector<16xi32>
        %select_n3A_570 = arith.select %or3A_567, %broadcast_in_dim3A_569, %sub3A_560 : vector<16xi1>, vector<16xi32>
        %swap3A_571 = arith.constant 0 : i32
        %swap3A_572 = arith.index_cast %swap3A_571 : i32 to index
        %swap3A_573 = arith.constant 48 : index
        %swap3A_574 = tpu.vector_load %arg14[%swap3A_572, %swap3A_573] {strides = array<i32>} : memref<1x128xi32, #tpu.memory_space<vmem>>, vector<1x16xi32>,
        %swap3A_575 = vector.shape_cast %swap3A_574 : vector<1x16xi32> to vector<16xi32>
        %swap3A_576 = vector.shape_cast %select_n3A_570 : vector<16xi32> to vector<1x16xi32>
        tpu.vector_store %arg14[%swap3A_572, %swap3A_573], %swap3A_576 {strides = array<i32>} : memref<1x128xi32, #tpu.memory_space<vmem>>, vector<1x16xi32>,
        %get3A_577 = arith.constant 64 : index
        %get3A_578 = tpu.vector_load %arg10[%get3A_577] {strides = array<i32>} : memref<128xi32, #tpu.memory_space<vmem>>, vector<16xi32>,
        %get3A_579 = vector.shape_cast %get3A_578 : vector<16xi32> to vector<16xi32>
        %mul3A_580 = arith.constant 10000 : i32
        %mul3A_581 = arith.muli %arg0, %mul3A_580 : i32
        %sub3A_582 = vector.broadcast %mul3A_581 : i32 to vector<16xi32>
        %sub3A_583 = arith.subi %get3A_579, %sub3A_582 : vector<16xi32>
        %lt3A_584 = arith.constant 0 : i32
        %lt3A_585 = vector.broadcast %lt3A_584 : i32 to vector<16xi32>
        %lt3A_586 = arith.cmpi slt, %sub3A_583, %lt3A_585 : vector<16xi32>
        %ge3A_587 = arith.constant 10000 : i32
        %ge3A_588 = vector.broadcast %ge3A_587 : i32 to vector<16xi32>
        %ge3A_589 = arith.cmpi sge, %sub3A_583, %ge3A_588 : vector<16xi32>
        %or3A_590 = arith.ori %lt3A_586, %ge3A_589 : vector<16xi1>
        %jit3A_591 = arith.constant 10000 : i32
        %broadcast_in_dim3A_592 = vector.broadcast %jit3A_591 : i32 to vector<16xi32>
        %select_n3A_593 = arith.select %or3A_590, %broadcast_in_dim3A_592, %sub3A_583 : vector<16xi1>, vector<16xi32>
        %swap3A_594 = arith.constant 0 : i32
        %swap3A_595 = arith.index_cast %swap3A_594 : i32 to index
        %swap3A_596 = arith.constant 64 : index
        %swap3A_597 = tpu.vector_load %arg14[%swap3A_595, %swap3A_596] {strides = array<i32>} : memref<1x128xi32, #tpu.memory_space<vmem>>, vector<1x16xi32>,
        %swap3A_598 = vector.shape_cast %swap3A_597 : vector<1x16xi32> to vector<16xi32>
        %swap3A_599 = vector.shape_cast %select_n3A_593 : vector<16xi32> to vector<1x16xi32>
        tpu.vector_store %arg14[%swap3A_595, %swap3A_596], %swap3A_599 {strides = array<i32>} : memref<1x128xi32, #tpu.memory_space<vmem>>, vector<1x16xi32>,
        %get3A_600 = arith.constant 80 : index
        %get3A_601 = tpu.vector_load %arg10[%get3A_600] {strides = array<i32>} : memref<128xi32, #tpu.memory_space<vmem>>, vector<16xi32>,
        %get3A_602 = vector.shape_cast %get3A_601 : vector<16xi32> to vector<16xi32>
        %mul3A_603 = arith.constant 10000 : i32
        %mul3A_604 = arith.muli %arg0, %mul3A_603 : i32
        %sub3A_605 = vector.broadcast %mul3A_604 : i32 to vector<16xi32>
        %sub3A_606 = arith.subi %get3A_602, %sub3A_605 : vector<16xi32>
        %lt3A_607 = arith.constant 0 : i32
        %lt3A_608 = vector.broadcast %lt3A_607 : i32 to vector<16xi32>
        %lt3A_609 = arith.cmpi slt, %sub3A_606, %lt3A_608 : vector<16xi32>
        %ge3A_610 = arith.constant 10000 : i32
        %ge3A_611 = vector.broadcast %ge3A_610 : i32 to vector<16xi32>
        %ge3A_612 = arith.cmpi sge, %sub3A_606, %ge3A_611 : vector<16xi32>
        %or3A_613 = arith.ori %lt3A_609, %ge3A_612 : vector<16xi1>
        %jit3A_614 = arith.constant 10000 : i32
        %broadcast_in_dim3A_615 = vector.broadcast %jit3A_614 : i32 to vector<16xi32>
        %select_n3A_616 = arith.select %or3A_613, %broadcast_in_dim3A_615, %sub3A_606 : vector<16xi1>, vector<16xi32>
        %swap3A_617 = arith.constant 0 : i32
        %swap3A_618 = arith.index_cast %swap3A_617 : i32 to index
        %swap3A_619 = arith.constant 80 : index
        %swap3A_620 = tpu.vector_load %arg14[%swap3A_618, %swap3A_619] {strides = array<i32>} : memref<1x128xi32, #tpu.memory_space<vmem>>, vector<1x16xi32>,
        %swap3A_621 = vector.shape_cast %swap3A_620 : vector<1x16xi32> to vector<16xi32>
        %swap3A_622 = vector.shape_cast %select_n3A_616 : vector<16xi32> to vector<1x16xi32>
        tpu.vector_store %arg14[%swap3A_618, %swap3A_619], %swap3A_622 {strides = array<i32>} : memref<1x128xi32, #tpu.memory_space<vmem>>, vector<1x16xi32>,
        %get3A_623 = arith.constant 96 : index
        %get3A_624 = tpu.vector_load %arg10[%get3A_623] {strides = array<i32>} : memref<128xi32, #tpu.memory_space<vmem>>, vector<16xi32>,
        %get3A_625 = vector.shape_cast %get3A_624 : vector<16xi32> to vector<16xi32>
        %mul3A_626 = arith.constant 10000 : i32
        %mul3A_627 = arith.muli %arg0, %mul3A_626 : i32
        %sub3A_628 = vector.broadcast %mul3A_627 : i32 to vector<16xi32>
        %sub3A_629 = arith.subi %get3A_625, %sub3A_628 : vector<16xi32>
        %lt3A_630 = arith.constant 0 : i32
        %lt3A_631 = vector.broadcast %lt3A_630 : i32 to vector<16xi32>
        %lt3A_632 = arith.cmpi slt, %sub3A_629, %lt3A_631 : vector<16xi32>
        %ge3A_633 = arith.constant 10000 : i32
        %ge3A_634 = vector.broadcast %ge3A_633 : i32 to vector<16xi32>
        %ge3A_635 = arith.cmpi sge, %sub3A_629, %ge3A_634 : vector<16xi32>
        %or3A_636 = arith.ori %lt3A_632, %ge3A_635 : vector<16xi1>
        %jit3A_637 = arith.constant 10000 : i32
        %broadcast_in_dim3A_638 = vector.broadcast %jit3A_637 : i32 to vector<16xi32>
        %select_n3A_639 = arith.select %or3A_636, %broadcast_in_dim3A_638, %sub3A_629 : vector<16xi1>, vector<16xi32>
        %swap3A_640 = arith.constant 0 : i32
        %swap3A_641 = arith.index_cast %swap3A_640 : i32 to index
        %swap3A_642 = arith.constant 96 : index
        %swap3A_643 = tpu.vector_load %arg14[%swap3A_641, %swap3A_642] {strides = array<i32>} : memref<1x128xi32, #tpu.memory_space<vmem>>, vector<1x16xi32>,
        %swap3A_644 = vector.shape_cast %swap3A_643 : vector<1x16xi32> to vector<16xi32>
        %swap3A_645 = vector.shape_cast %select_n3A_639 : vector<16xi32> to vector<1x16xi32>
        tpu.vector_store %arg14[%swap3A_641, %swap3A_642], %swap3A_645 {strides = array<i32>} : memref<1x128xi32, #tpu.memory_space<vmem>>, vector<1x16xi32>,
        %get3A_646 = arith.constant 112 : index
        %get3A_647 = tpu.vector_load %arg10[%get3A_646] {strides = array<i32>} : memref<128xi32, #tpu.memory_space<vmem>>, vector<16xi32>,
        %get3A_648 = vector.shape_cast %get3A_647 : vector<16xi32> to vector<16xi32>
        %mul3A_649 = arith.constant 10000 : i32
        %mul3A_650 = arith.muli %arg0, %mul3A_649 : i32
        %sub3A_651 = vector.broadcast %mul3A_650 : i32 to vector<16xi32>
        %sub3A_652 = arith.subi %get3A_648, %sub3A_651 : vector<16xi32>
        %lt3A_653 = arith.constant 0 : i32
        %lt3A_654 = vector.broadcast %lt3A_653 : i32 to vector<16xi32>
        %lt3A_655 = arith.cmpi slt, %sub3A_652, %lt3A_654 : vector<16xi32>
        %ge3A_656 = arith.constant 10000 : i32
        %ge3A_657 = vector.broadcast %ge3A_656 : i32 to vector<16xi32>
        %ge3A_658 = arith.cmpi sge, %sub3A_652, %ge3A_657 : vector<16xi32>
        %or3A_659 = arith.ori %lt3A_655, %ge3A_658 : vector<16xi1>
        %jit3A_660 = arith.constant 10000 : i32
        %broadcast_in_dim3A_661 = vector.broadcast %jit3A_660 : i32 to vector<16xi32>
        %select_n3A_662 = arith.select %or3A_659, %broadcast_in_dim3A_661, %sub3A_652 : vector<16xi1>, vector<16xi32>
        %swap3A_663 = arith.constant 0 : i32
        %swap3A_664 = arith.index_cast %swap3A_663 : i32 to index
        %swap3A_665 = arith.constant 112 : index
        %swap3A_666 = tpu.vector_load %arg14[%swap3A_664, %swap3A_665] {strides = array<i32>} : memref<1x128xi32, #tpu.memory_space<vmem>>, vector<1x16xi32>,
        %swap3A_667 = vector.shape_cast %swap3A_666 : vector<1x16xi32> to vector<16xi32>
        %swap3A_668 = vector.shape_cast %select_n3A_662 : vector<16xi32> to vector<1x16xi32>
        tpu.vector_store %arg14[%swap3A_664, %swap3A_665], %swap3A_668 {strides = array<i32>} : memref<1x128xi32, #tpu.memory_space<vmem>>, vector<1x16xi32>,
        %dma_start3A = arith.constant 0 : i32
        %dma_start3A_669 = arith.constant 0 : i32
        %dma_start3A_670 = tpu.memref_slice %arg14[%dma_start3A, %dma_start3A_669] : memref<1x128xi32, #tpu.memory_space<vmem>> -> memref<1x128xi32, #tpu.memory_space<vmem>>
        %dma_start3A_671 = tpu.memref_squeeze %dma_start3A_670 : memref<1x128xi32, #tpu.memory_space<vmem>> -> memref<128xi32, #tpu.memory_space<vmem>>
        %dma_start3A_672 = arith.constant 0 : i32
        %dma_start3A_673 = arith.constant 0 : i32
        %dma_start3A_674 = tpu.memref_slice %arg18[%dma_start3A_672, %dma_start3A_673] : memref<10008x128xf32, #tpu.memory_space<vmem_shared>> -> memref<10008x128xf32, #tpu.memory_space<vmem_shared>>
        tpu.enqueue_indirect_dma source(%arg15 : memref<128x128xf32, #tpu.memory_space<vmem>>) target(%dma_start3A_674 : memref<10008x128xf32, #tpu.memory_space<vmem_shared>>) offsets(%dma_start3A_671 : memref<128xi32, #tpu.memory_space<vmem>>) semaphore(%arg26 : memref<!tpu.dma_semaphore, #tpu.memory_space<semaphore_mem>>) {add = true}
      } else {
      }
      %add3A_303 = arith.constant 3 : i32
      %add3A_304 = arith.addi %add3A_291, %add3A_303 : i32
      %ge3A_305 = arith.constant 0 : i32
      %ge3A_306 = arith.cmpi sge, %add3A_304, %ge3A_305 : i32
      %mul3A_307 = arith.constant 16 : i32
      %mul3A_308 = arith.muli %mul3A_307, %add3A_304 : i32
      %add3A_309 = arith.addi %arg1, %mul3A_308 : i32
      %lt3A_310 = arith.constant 2500 : i32
      %lt3A_311 = arith.cmpi slt, %add3A_309, %lt3A_310 : i32
      %and3A_312 = arith.andi %ge3A_306, %lt3A_311 : i1
      %convert_element_type3A_313 = arith.extui %and3A_312 : i1 to i32
      %cond3A_314 = arith.constant 0 : i32
      %cond3A_315 = arith.cmpi ne, %convert_element_type3A_313, %cond3A_314 : i32
      scf.if %cond3A_315 {
        %mul3A_489 = arith.constant 16 : i32
        %mul3A_490 = arith.muli %mul3A_489, %add3A_304 : i32
        %add3A_491 = arith.addi %arg1, %mul3A_490 : i32
        %dma_start3A = arith.constant 0 : i32
        %dma_start3A_492 = tpu.memref_slice %arg3[%add3A_491, %dma_start3A] : memref<2500x128xi32, #tpu.memory_space<hbm>> -> memref<1x128xi32, #tpu.memory_space<hbm>>
        %dma_start3A_493 = tpu.memref_squeeze %dma_start3A_492 : memref<1x128xi32, #tpu.memory_space<hbm>> -> memref<128xi32, #tpu.memory_space<hbm>>
        %dma_start3A_494 = arith.constant 0 : i32
        %dma_start3A_495 = tpu.memref_slice %arg3[%add3A_491, %dma_start3A_494] : memref<2500x128xi32, #tpu.memory_space<hbm>> -> memref<1x128xi32, #tpu.memory_space<hbm>>
        %dma_start3A_496 = tpu.memref_squeeze %dma_start3A_495 : memref<1x128xi32, #tpu.memory_space<hbm>> -> memref<128xi32, #tpu.memory_space<hbm>>
        tpu.enqueue_dma source(%dma_start3A_496 : memref<128xi32, #tpu.memory_space<hbm>>) target(%arg7 : memref<128xi32, #tpu.memory_space<vmem>>) target_semaphore(%arg19 : memref<!tpu.dma_semaphore, #tpu.memory_space<semaphore_mem>>)
        %dma_start3A_497 = arith.constant 0 : i32
        %dma_start3A_498 = tpu.memref_slice %arg4[%add3A_491, %dma_start3A_497] : memref<2500x128xi32, #tpu.memory_space<hbm>> -> memref<1x128xi32, #tpu.memory_space<hbm>>
        %dma_start3A_499 = tpu.memref_squeeze %dma_start3A_498 : memref<1x128xi32, #tpu.memory_space<hbm>> -> memref<128xi32, #tpu.memory_space<hbm>>
        %dma_start3A_500 = arith.constant 0 : i32
        %dma_start3A_501 = tpu.memref_slice %arg4[%add3A_491, %dma_start3A_500] : memref<2500x128xi32, #tpu.memory_space<hbm>> -> memref<1x128xi32, #tpu.memory_space<hbm>>
        %dma_start3A_502 = tpu.memref_squeeze %dma_start3A_501 : memref<1x128xi32, #tpu.memory_space<hbm>> -> memref<128xi32, #tpu.memory_space<hbm>>
        tpu.enqueue_dma source(%dma_start3A_502 : memref<128xi32, #tpu.memory_space<hbm>>) target(%arg10 : memref<128xi32, #tpu.memory_space<vmem>>) target_semaphore(%arg19 : memref<!tpu.dma_semaphore, #tpu.memory_space<semaphore_mem>>)
      } else {
      }
      %sub3A_316 = arith.constant 1 : i32
      %sub3A_317 = arith.subi %add3A_291, %sub3A_316 : i32
      %ge3A_318 = arith.constant 0 : i32
      %ge3A_319 = arith.cmpi sge, %sub3A_317, %ge3A_318 : i32
      %mul3A_320 = arith.constant 16 : i32
      %mul3A_321 = arith.muli %mul3A_320, %sub3A_317 : i32
      %add3A_322 = arith.addi %arg1, %mul3A_321 : i32
      %lt3A_323 = arith.constant 2500 : i32
      %lt3A_324 = arith.cmpi slt, %add3A_322, %lt3A_323 : i32
      %and3A_325 = arith.andi %ge3A_319, %lt3A_324 : i1
      %convert_element_type3A_326 = arith.extui %and3A_325 : i1 to i32
      %cond3A_327 = arith.constant 0 : i32
      %cond3A_328 = arith.cmpi ne, %convert_element_type3A_326, %cond3A_327 : i32
      scf.if %cond3A_328 {
        %dma_wait3A = arith.constant 0 : i32
        %dma_wait3A_489 = arith.constant 0 : i32
        %dma_wait3A_490 = tpu.memref_slice %arg13[%dma_wait3A, %dma_wait3A_489] : memref<1x128xi32, #tpu.memory_space<vmem>> -> memref<1x128xi32, #tpu.memory_space<vmem>>
        %dma_wait3A_491 = tpu.memref_squeeze %dma_wait3A_490 : memref<1x128xi32, #tpu.memory_space<vmem>> -> memref<128xi32, #tpu.memory_space<vmem>>
        %dma_wait3A_492 = arith.constant 0 : i32
        %dma_wait3A_493 = arith.constant 0 : i32
        %dma_wait3A_494 = tpu.memref_slice %arg18[%dma_wait3A_492, %dma_wait3A_493] : memref<10008x128xf32, #tpu.memory_space<vmem_shared>> -> memref<10008x128xf32, #tpu.memory_space<vmem_shared>>
        tpu.wait_indirect_dma semaphore(%arg25 : memref<!tpu.dma_semaphore, #tpu.memory_space<semaphore_mem>>) src(%arg17 : memref<128x128xf32, #tpu.memory_space<vmem>>) dst(%dma_wait3A_494 : memref<10008x128xf32, #tpu.memory_space<vmem_shared>>)
      } else {
      }
      %add3A_329 = arith.constant 2 : i32
      %add3A_330 = arith.addi %add3A_291, %add3A_329 : i32
      %ge3A_331 = arith.constant 0 : i32
      %ge3A_332 = arith.cmpi sge, %add3A_330, %ge3A_331 : i32
      %mul3A_333 = arith.constant 16 : i32
      %mul3A_334 = arith.muli %mul3A_333, %add3A_330 : i32
      %add3A_335 = arith.addi %arg1, %mul3A_334 : i32
      %lt3A_336 = arith.constant 2500 : i32
      %lt3A_337 = arith.cmpi slt, %add3A_335, %lt3A_336 : i32
      %and3A_338 = arith.andi %ge3A_332, %lt3A_337 : i1
      %convert_element_type3A_339 = arith.extui %and3A_338 : i1 to i32
      %cond3A_340 = arith.constant 0 : i32
      %cond3A_341 = arith.cmpi ne, %convert_element_type3A_339, %cond3A_340 : i32
      scf.if %cond3A_341 {
        %mul3A_489 = arith.constant 16 : i32
        %mul3A_490 = arith.muli %mul3A_489, %add3A_330 : i32
        %add3A_491 = arith.addi %arg1, %mul3A_490 : i32
        %dma_wait3A = arith.constant 0 : i32
        %dma_wait3A_492 = tpu.memref_slice %arg3[%add3A_491, %dma_wait3A] : memref<2500x128xi32, #tpu.memory_space<hbm>> -> memref<1x128xi32, #tpu.memory_space<hbm>>
        %dma_wait3A_493 = tpu.memref_squeeze %dma_wait3A_492 : memref<1x128xi32, #tpu.memory_space<hbm>> -> memref<128xi32, #tpu.memory_space<hbm>>
        %dma_wait3A_494 = arith.constant 0 : i32
        %dma_wait3A_495 = tpu.memref_slice %arg3[%add3A_491, %dma_wait3A_494] : memref<2500x128xi32, #tpu.memory_space<hbm>> -> memref<1x128xi32, #tpu.memory_space<hbm>>
        %dma_wait3A_496 = tpu.memref_squeeze %dma_wait3A_495 : memref<1x128xi32, #tpu.memory_space<hbm>> -> memref<128xi32, #tpu.memory_space<hbm>>
        tpu.wait_dma2 semaphore(%arg21 : memref<!tpu.dma_semaphore, #tpu.memory_space<semaphore_mem>>) src(%dma_wait3A_496 : memref<128xi32, #tpu.memory_space<hbm>>) dst(%arg9 : memref<128xi32, #tpu.memory_space<vmem>>)
        %dma_wait3A_497 = arith.constant 0 : i32
        %dma_wait3A_498 = tpu.memref_slice %arg4[%add3A_491, %dma_wait3A_497] : memref<2500x128xi32, #tpu.memory_space<hbm>> -> memref<1x128xi32, #tpu.memory_space<hbm>>
        %dma_wait3A_499 = tpu.memref_squeeze %dma_wait3A_498 : memref<1x128xi32, #tpu.memory_space<hbm>> -> memref<128xi32, #tpu.memory_space<hbm>>
        %dma_wait3A_500 = arith.constant 0 : i32
        %dma_wait3A_501 = tpu.memref_slice %arg4[%add3A_491, %dma_wait3A_500] : memref<2500x128xi32, #tpu.memory_space<hbm>> -> memref<1x128xi32, #tpu.memory_space<hbm>>
        %dma_wait3A_502 = tpu.memref_squeeze %dma_wait3A_501 : memref<1x128xi32, #tpu.memory_space<hbm>> -> memref<128xi32, #tpu.memory_space<hbm>>
        tpu.wait_dma2 semaphore(%arg21 : memref<!tpu.dma_semaphore, #tpu.memory_space<semaphore_mem>>) src(%dma_wait3A_502 : memref<128xi32, #tpu.memory_space<hbm>>) dst(%arg12 : memref<128xi32, #tpu.memory_space<vmem>>)
      } else {
      }
      %add3A_342 = arith.constant 2 : i32
      %add3A_343 = arith.addi %add3A_291, %add3A_342 : i32
      %ge3A_344 = arith.constant 0 : i32
      %ge3A_345 = arith.cmpi sge, %add3A_343, %ge3A_344 : i32
      %mul3A_346 = arith.constant 16 : i32
      %mul3A_347 = arith.muli %mul3A_346, %add3A_343 : i32
      %add3A_348 = arith.addi %arg1, %mul3A_347 : i32
      %lt3A_349 = arith.constant 2500 : i32
      %lt3A_350 = arith.cmpi slt, %add3A_348, %lt3A_349 : i32
      %and3A_351 = arith.andi %ge3A_345, %lt3A_350 : i1
      %convert_element_type3A_352 = arith.extui %and3A_351 : i1 to i32
      %cond3A_353 = arith.constant 0 : i32
      %cond3A_354 = arith.cmpi ne, %convert_element_type3A_352, %cond3A_353 : i32
      scf.if %cond3A_354 {
        %dma_start3A = arith.constant 0 : i32
        %dma_start3A_489 = arith.constant 0 : i32
        %dma_start3A_490 = tpu.memref_slice %arg2[%dma_start3A, %dma_start3A_489] : memref<100000x128xf32, #tpu.memory_space<hbm>> -> memref<100000x128xf32, #tpu.memory_space<hbm>>
        tpu.enqueue_indirect_dma source(%dma_start3A_490 : memref<100000x128xf32, #tpu.memory_space<hbm>>) target(%arg17 : memref<128x128xf32, #tpu.memory_space<vmem>>) offsets(%arg9 : memref<128xi32, #tpu.memory_space<vmem>>) semaphore(%arg24 : memref<!tpu.dma_semaphore, #tpu.memory_space<semaphore_mem>>)
      } else {
      }
      %mul3A_355 = arith.constant 6 : i32
      %mul3A_356 = arith.muli %mul3A_355, %scan3A_88 : i32
      %add3A_357 = arith.constant 4 : i32
      %add3A_358 = arith.addi %mul3A_356, %add3A_357 : i32
      %ge3A_359 = arith.constant 0 : i32
      %ge3A_360 = arith.cmpi sge, %add3A_358, %ge3A_359 : i32
      %mul3A_361 = arith.constant 16 : i32
      %mul3A_362 = arith.muli %mul3A_361, %add3A_358 : i32
      %add3A_363 = arith.addi %arg1, %mul3A_362 : i32
      %lt3A_364 = arith.constant 2500 : i32
      %lt3A_365 = arith.cmpi slt, %add3A_363, %lt3A_364 : i32
      %and3A_366 = arith.andi %ge3A_360, %lt3A_365 : i1
      %convert_element_type3A_367 = arith.extui %and3A_366 : i1 to i32
      %cond3A_368 = arith.constant 0 : i32
      %cond3A_369 = arith.cmpi ne, %convert_element_type3A_367, %cond3A_368 : i32
      scf.if %cond3A_369 {
        %dma_wait3A = arith.constant 0 : i32
        %dma_wait3A_489 = arith.constant 0 : i32
        %dma_wait3A_490 = tpu.memref_slice %arg2[%dma_wait3A, %dma_wait3A_489] : memref<100000x128xf32, #tpu.memory_space<hbm>> -> memref<100000x128xf32, #tpu.memory_space<hbm>>
        tpu.wait_indirect_dma semaphore(%arg23 : memref<!tpu.dma_semaphore, #tpu.memory_space<semaphore_mem>>) src(%dma_wait3A_490 : memref<100000x128xf32, #tpu.memory_space<hbm>>) dst(%arg16 : memref<128x128xf32, #tpu.memory_space<vmem>>)
        %get3A = arith.constant 0 : index
        %get3A_491 = tpu.vector_load %arg11[%get3A] {strides = array<i32>} : memref<128xi32, #tpu.memory_space<vmem>>, vector<16xi32>,
        %get3A_492 = vector.shape_cast %get3A_491 : vector<16xi32> to vector<16xi32>
        %mul3A_493 = arith.constant 10000 : i32
        %mul3A_494 = arith.muli %arg0, %mul3A_493 : i32
        %sub3A_495 = vector.broadcast %mul3A_494 : i32 to vector<16xi32>
        %sub3A_496 = arith.subi %get3A_492, %sub3A_495 : vector<16xi32>
        %lt3A_497 = arith.constant 0 : i32
        %lt3A_498 = vector.broadcast %lt3A_497 : i32 to vector<16xi32>
        %lt3A_499 = arith.cmpi slt, %sub3A_496, %lt3A_498 : vector<16xi32>
        %ge3A_500 = arith.constant 10000 : i32
        %ge3A_501 = vector.broadcast %ge3A_500 : i32 to vector<16xi32>
        %ge3A_502 = arith.cmpi sge, %sub3A_496, %ge3A_501 : vector<16xi32>
        %or3A = arith.ori %lt3A_499, %ge3A_502 : vector<16xi1>
        %jit3A = arith.constant 10000 : i32
        %broadcast_in_dim3A = vector.broadcast %jit3A : i32 to vector<16xi32>
        %select_n3A = arith.select %or3A, %broadcast_in_dim3A, %sub3A_496 : vector<16xi1>, vector<16xi32>
        %swap3A = arith.constant 0 : i32
        %swap3A_503 = arith.index_cast %swap3A : i32 to index
        %swap3A_504 = arith.constant 0 : index
        %swap3A_505 = tpu.vector_load %arg13[%swap3A_503, %swap3A_504] {strides = array<i32>} : memref<1x128xi32, #tpu.memory_space<vmem>>, vector<1x16xi32>,
        %swap3A_506 = vector.shape_cast %swap3A_505 : vector<1x16xi32> to vector<16xi32>
        %swap3A_507 = vector.shape_cast %select_n3A : vector<16xi32> to vector<1x16xi32>
        tpu.vector_store %arg13[%swap3A_503, %swap3A_504], %swap3A_507 {strides = array<i32>} : memref<1x128xi32, #tpu.memory_space<vmem>>, vector<1x16xi32>,
        %get3A_508 = arith.constant 16 : index
        %get3A_509 = tpu.vector_load %arg11[%get3A_508] {strides = array<i32>} : memref<128xi32, #tpu.memory_space<vmem>>, vector<16xi32>,
        %get3A_510 = vector.shape_cast %get3A_509 : vector<16xi32> to vector<16xi32>
        %mul3A_511 = arith.constant 10000 : i32
        %mul3A_512 = arith.muli %arg0, %mul3A_511 : i32
        %sub3A_513 = vector.broadcast %mul3A_512 : i32 to vector<16xi32>
        %sub3A_514 = arith.subi %get3A_510, %sub3A_513 : vector<16xi32>
        %lt3A_515 = arith.constant 0 : i32
        %lt3A_516 = vector.broadcast %lt3A_515 : i32 to vector<16xi32>
        %lt3A_517 = arith.cmpi slt, %sub3A_514, %lt3A_516 : vector<16xi32>
        %ge3A_518 = arith.constant 10000 : i32
        %ge3A_519 = vector.broadcast %ge3A_518 : i32 to vector<16xi32>
        %ge3A_520 = arith.cmpi sge, %sub3A_514, %ge3A_519 : vector<16xi32>
        %or3A_521 = arith.ori %lt3A_517, %ge3A_520 : vector<16xi1>
        %jit3A_522 = arith.constant 10000 : i32
        %broadcast_in_dim3A_523 = vector.broadcast %jit3A_522 : i32 to vector<16xi32>
        %select_n3A_524 = arith.select %or3A_521, %broadcast_in_dim3A_523, %sub3A_514 : vector<16xi1>, vector<16xi32>
        %swap3A_525 = arith.constant 0 : i32
        %swap3A_526 = arith.index_cast %swap3A_525 : i32 to index
        %swap3A_527 = arith.constant 16 : index
        %swap3A_528 = tpu.vector_load %arg13[%swap3A_526, %swap3A_527] {strides = array<i32>} : memref<1x128xi32, #tpu.memory_space<vmem>>, vector<1x16xi32>,
        %swap3A_529 = vector.shape_cast %swap3A_528 : vector<1x16xi32> to vector<16xi32>
        %swap3A_530 = vector.shape_cast %select_n3A_524 : vector<16xi32> to vector<1x16xi32>
        tpu.vector_store %arg13[%swap3A_526, %swap3A_527], %swap3A_530 {strides = array<i32>} : memref<1x128xi32, #tpu.memory_space<vmem>>, vector<1x16xi32>,
        %get3A_531 = arith.constant 32 : index
        %get3A_532 = tpu.vector_load %arg11[%get3A_531] {strides = array<i32>} : memref<128xi32, #tpu.memory_space<vmem>>, vector<16xi32>,
        %get3A_533 = vector.shape_cast %get3A_532 : vector<16xi32> to vector<16xi32>
        %mul3A_534 = arith.constant 10000 : i32
        %mul3A_535 = arith.muli %arg0, %mul3A_534 : i32
        %sub3A_536 = vector.broadcast %mul3A_535 : i32 to vector<16xi32>
        %sub3A_537 = arith.subi %get3A_533, %sub3A_536 : vector<16xi32>
        %lt3A_538 = arith.constant 0 : i32
        %lt3A_539 = vector.broadcast %lt3A_538 : i32 to vector<16xi32>
        %lt3A_540 = arith.cmpi slt, %sub3A_537, %lt3A_539 : vector<16xi32>
        %ge3A_541 = arith.constant 10000 : i32
        %ge3A_542 = vector.broadcast %ge3A_541 : i32 to vector<16xi32>
        %ge3A_543 = arith.cmpi sge, %sub3A_537, %ge3A_542 : vector<16xi32>
        %or3A_544 = arith.ori %lt3A_540, %ge3A_543 : vector<16xi1>
        %jit3A_545 = arith.constant 10000 : i32
        %broadcast_in_dim3A_546 = vector.broadcast %jit3A_545 : i32 to vector<16xi32>
        %select_n3A_547 = arith.select %or3A_544, %broadcast_in_dim3A_546, %sub3A_537 : vector<16xi1>, vector<16xi32>
        %swap3A_548 = arith.constant 0 : i32
        %swap3A_549 = arith.index_cast %swap3A_548 : i32 to index
        %swap3A_550 = arith.constant 32 : index
        %swap3A_551 = tpu.vector_load %arg13[%swap3A_549, %swap3A_550] {strides = array<i32>} : memref<1x128xi32, #tpu.memory_space<vmem>>, vector<1x16xi32>,
        %swap3A_552 = vector.shape_cast %swap3A_551 : vector<1x16xi32> to vector<16xi32>
        %swap3A_553 = vector.shape_cast %select_n3A_547 : vector<16xi32> to vector<1x16xi32>
        tpu.vector_store %arg13[%swap3A_549, %swap3A_550], %swap3A_553 {strides = array<i32>} : memref<1x128xi32, #tpu.memory_space<vmem>>, vector<1x16xi32>,
        %get3A_554 = arith.constant 48 : index
        %get3A_555 = tpu.vector_load %arg11[%get3A_554] {strides = array<i32>} : memref<128xi32, #tpu.memory_space<vmem>>, vector<16xi32>,
        %get3A_556 = vector.shape_cast %get3A_555 : vector<16xi32> to vector<16xi32>
        %mul3A_557 = arith.constant 10000 : i32
        %mul3A_558 = arith.muli %arg0, %mul3A_557 : i32
        %sub3A_559 = vector.broadcast %mul3A_558 : i32 to vector<16xi32>
        %sub3A_560 = arith.subi %get3A_556, %sub3A_559 : vector<16xi32>
        %lt3A_561 = arith.constant 0 : i32
        %lt3A_562 = vector.broadcast %lt3A_561 : i32 to vector<16xi32>
        %lt3A_563 = arith.cmpi slt, %sub3A_560, %lt3A_562 : vector<16xi32>
        %ge3A_564 = arith.constant 10000 : i32
        %ge3A_565 = vector.broadcast %ge3A_564 : i32 to vector<16xi32>
        %ge3A_566 = arith.cmpi sge, %sub3A_560, %ge3A_565 : vector<16xi32>
        %or3A_567 = arith.ori %lt3A_563, %ge3A_566 : vector<16xi1>
        %jit3A_568 = arith.constant 10000 : i32
        %broadcast_in_dim3A_569 = vector.broadcast %jit3A_568 : i32 to vector<16xi32>
        %select_n3A_570 = arith.select %or3A_567, %broadcast_in_dim3A_569, %sub3A_560 : vector<16xi1>, vector<16xi32>
        %swap3A_571 = arith.constant 0 : i32
        %swap3A_572 = arith.index_cast %swap3A_571 : i32 to index
        %swap3A_573 = arith.constant 48 : index
        %swap3A_574 = tpu.vector_load %arg13[%swap3A_572, %swap3A_573] {strides = array<i32>} : memref<1x128xi32, #tpu.memory_space<vmem>>, vector<1x16xi32>,
        %swap3A_575 = vector.shape_cast %swap3A_574 : vector<1x16xi32> to vector<16xi32>
        %swap3A_576 = vector.shape_cast %select_n3A_570 : vector<16xi32> to vector<1x16xi32>
        tpu.vector_store %arg13[%swap3A_572, %swap3A_573], %swap3A_576 {strides = array<i32>} : memref<1x128xi32, #tpu.memory_space<vmem>>, vector<1x16xi32>,
        %get3A_577 = arith.constant 64 : index
        %get3A_578 = tpu.vector_load %arg11[%get3A_577] {strides = array<i32>} : memref<128xi32, #tpu.memory_space<vmem>>, vector<16xi32>,
        %get3A_579 = vector.shape_cast %get3A_578 : vector<16xi32> to vector<16xi32>
        %mul3A_580 = arith.constant 10000 : i32
        %mul3A_581 = arith.muli %arg0, %mul3A_580 : i32
        %sub3A_582 = vector.broadcast %mul3A_581 : i32 to vector<16xi32>
        %sub3A_583 = arith.subi %get3A_579, %sub3A_582 : vector<16xi32>
        %lt3A_584 = arith.constant 0 : i32
        %lt3A_585 = vector.broadcast %lt3A_584 : i32 to vector<16xi32>
        %lt3A_586 = arith.cmpi slt, %sub3A_583, %lt3A_585 : vector<16xi32>
        %ge3A_587 = arith.constant 10000 : i32
        %ge3A_588 = vector.broadcast %ge3A_587 : i32 to vector<16xi32>
        %ge3A_589 = arith.cmpi sge, %sub3A_583, %ge3A_588 : vector<16xi32>
        %or3A_590 = arith.ori %lt3A_586, %ge3A_589 : vector<16xi1>
        %jit3A_591 = arith.constant 10000 : i32
        %broadcast_in_dim3A_592 = vector.broadcast %jit3A_591 : i32 to vector<16xi32>
        %select_n3A_593 = arith.select %or3A_590, %broadcast_in_dim3A_592, %sub3A_583 : vector<16xi1>, vector<16xi32>
        %swap3A_594 = arith.constant 0 : i32
        %swap3A_595 = arith.index_cast %swap3A_594 : i32 to index
        %swap3A_596 = arith.constant 64 : index
        %swap3A_597 = tpu.vector_load %arg13[%swap3A_595, %swap3A_596] {strides = array<i32>} : memref<1x128xi32, #tpu.memory_space<vmem>>, vector<1x16xi32>,
        %swap3A_598 = vector.shape_cast %swap3A_597 : vector<1x16xi32> to vector<16xi32>
        %swap3A_599 = vector.shape_cast %select_n3A_593 : vector<16xi32> to vector<1x16xi32>
        tpu.vector_store %arg13[%swap3A_595, %swap3A_596], %swap3A_599 {strides = array<i32>} : memref<1x128xi32, #tpu.memory_space<vmem>>, vector<1x16xi32>,
        %get3A_600 = arith.constant 80 : index
        %get3A_601 = tpu.vector_load %arg11[%get3A_600] {strides = array<i32>} : memref<128xi32, #tpu.memory_space<vmem>>, vector<16xi32>,
        %get3A_602 = vector.shape_cast %get3A_601 : vector<16xi32> to vector<16xi32>
        %mul3A_603 = arith.constant 10000 : i32
        %mul3A_604 = arith.muli %arg0, %mul3A_603 : i32
        %sub3A_605 = vector.broadcast %mul3A_604 : i32 to vector<16xi32>
        %sub3A_606 = arith.subi %get3A_602, %sub3A_605 : vector<16xi32>
        %lt3A_607 = arith.constant 0 : i32
        %lt3A_608 = vector.broadcast %lt3A_607 : i32 to vector<16xi32>
        %lt3A_609 = arith.cmpi slt, %sub3A_606, %lt3A_608 : vector<16xi32>
        %ge3A_610 = arith.constant 10000 : i32
        %ge3A_611 = vector.broadcast %ge3A_610 : i32 to vector<16xi32>
        %ge3A_612 = arith.cmpi sge, %sub3A_606, %ge3A_611 : vector<16xi32>
        %or3A_613 = arith.ori %lt3A_609, %ge3A_612 : vector<16xi1>
        %jit3A_614 = arith.constant 10000 : i32
        %broadcast_in_dim3A_615 = vector.broadcast %jit3A_614 : i32 to vector<16xi32>
        %select_n3A_616 = arith.select %or3A_613, %broadcast_in_dim3A_615, %sub3A_606 : vector<16xi1>, vector<16xi32>
        %swap3A_617 = arith.constant 0 : i32
        %swap3A_618 = arith.index_cast %swap3A_617 : i32 to index
        %swap3A_619 = arith.constant 80 : index
        %swap3A_620 = tpu.vector_load %arg13[%swap3A_618, %swap3A_619] {strides = array<i32>} : memref<1x128xi32, #tpu.memory_space<vmem>>, vector<1x16xi32>,
        %swap3A_621 = vector.shape_cast %swap3A_620 : vector<1x16xi32> to vector<16xi32>
        %swap3A_622 = vector.shape_cast %select_n3A_616 : vector<16xi32> to vector<1x16xi32>
        tpu.vector_store %arg13[%swap3A_618, %swap3A_619], %swap3A_622 {strides = array<i32>} : memref<1x128xi32, #tpu.memory_space<vmem>>, vector<1x16xi32>,
        %get3A_623 = arith.constant 96 : index
        %get3A_624 = tpu.vector_load %arg11[%get3A_623] {strides = array<i32>} : memref<128xi32, #tpu.memory_space<vmem>>, vector<16xi32>,
        %get3A_625 = vector.shape_cast %get3A_624 : vector<16xi32> to vector<16xi32>
        %mul3A_626 = arith.constant 10000 : i32
        %mul3A_627 = arith.muli %arg0, %mul3A_626 : i32
        %sub3A_628 = vector.broadcast %mul3A_627 : i32 to vector<16xi32>
        %sub3A_629 = arith.subi %get3A_625, %sub3A_628 : vector<16xi32>
        %lt3A_630 = arith.constant 0 : i32
        %lt3A_631 = vector.broadcast %lt3A_630 : i32 to vector<16xi32>
        %lt3A_632 = arith.cmpi slt, %sub3A_629, %lt3A_631 : vector<16xi32>
        %ge3A_633 = arith.constant 10000 : i32
        %ge3A_634 = vector.broadcast %ge3A_633 : i32 to vector<16xi32>
        %ge3A_635 = arith.cmpi sge, %sub3A_629, %ge3A_634 : vector<16xi32>
        %or3A_636 = arith.ori %lt3A_632, %ge3A_635 : vector<16xi1>
        %jit3A_637 = arith.constant 10000 : i32
        %broadcast_in_dim3A_638 = vector.broadcast %jit3A_637 : i32 to vector<16xi32>
        %select_n3A_639 = arith.select %or3A_636, %broadcast_in_dim3A_638, %sub3A_629 : vector<16xi1>, vector<16xi32>
        %swap3A_640 = arith.constant 0 : i32
        %swap3A_641 = arith.index_cast %swap3A_640 : i32 to index
        %swap3A_642 = arith.constant 96 : index
        %swap3A_643 = tpu.vector_load %arg13[%swap3A_641, %swap3A_642] {strides = array<i32>} : memref<1x128xi32, #tpu.memory_space<vmem>>, vector<1x16xi32>,
        %swap3A_644 = vector.shape_cast %swap3A_643 : vector<1x16xi32> to vector<16xi32>
        %swap3A_645 = vector.shape_cast %select_n3A_639 : vector<16xi32> to vector<1x16xi32>
        tpu.vector_store %arg13[%swap3A_641, %swap3A_642], %swap3A_645 {strides = array<i32>} : memref<1x128xi32, #tpu.memory_space<vmem>>, vector<1x16xi32>,
        %get3A_646 = arith.constant 112 : index
        %get3A_647 = tpu.vector_load %arg11[%get3A_646] {strides = array<i32>} : memref<128xi32, #tpu.memory_space<vmem>>, vector<16xi32>,
        %get3A_648 = vector.shape_cast %get3A_647 : vector<16xi32> to vector<16xi32>
        %mul3A_649 = arith.constant 10000 : i32
        %mul3A_650 = arith.muli %arg0, %mul3A_649 : i32
        %sub3A_651 = vector.broadcast %mul3A_650 : i32 to vector<16xi32>
        %sub3A_652 = arith.subi %get3A_648, %sub3A_651 : vector<16xi32>
        %lt3A_653 = arith.constant 0 : i32
        %lt3A_654 = vector.broadcast %lt3A_653 : i32 to vector<16xi32>
        %lt3A_655 = arith.cmpi slt, %sub3A_652, %lt3A_654 : vector<16xi32>
        %ge3A_656 = arith.constant 10000 : i32
        %ge3A_657 = vector.broadcast %ge3A_656 : i32 to vector<16xi32>
        %ge3A_658 = arith.cmpi sge, %sub3A_652, %ge3A_657 : vector<16xi32>
        %or3A_659 = arith.ori %lt3A_655, %ge3A_658 : vector<16xi1>
        %jit3A_660 = arith.constant 10000 : i32
        %broadcast_in_dim3A_661 = vector.broadcast %jit3A_660 : i32 to vector<16xi32>
        %select_n3A_662 = arith.select %or3A_659, %broadcast_in_dim3A_661, %sub3A_652 : vector<16xi1>, vector<16xi32>
        %swap3A_663 = arith.constant 0 : i32
        %swap3A_664 = arith.index_cast %swap3A_663 : i32 to index
        %swap3A_665 = arith.constant 112 : index
        %swap3A_666 = tpu.vector_load %arg13[%swap3A_664, %swap3A_665] {strides = array<i32>} : memref<1x128xi32, #tpu.memory_space<vmem>>, vector<1x16xi32>,
        %swap3A_667 = vector.shape_cast %swap3A_666 : vector<1x16xi32> to vector<16xi32>
        %swap3A_668 = vector.shape_cast %select_n3A_662 : vector<16xi32> to vector<1x16xi32>
        tpu.vector_store %arg13[%swap3A_664, %swap3A_665], %swap3A_668 {strides = array<i32>} : memref<1x128xi32, #tpu.memory_space<vmem>>, vector<1x16xi32>,
        %dma_start3A = arith.constant 0 : i32
        %dma_start3A_669 = arith.constant 0 : i32
        %dma_start3A_670 = tpu.memref_slice %arg13[%dma_start3A, %dma_start3A_669] : memref<1x128xi32, #tpu.memory_space<vmem>> -> memref<1x128xi32, #tpu.memory_space<vmem>>
        %dma_start3A_671 = tpu.memref_squeeze %dma_start3A_670 : memref<1x128xi32, #tpu.memory_space<vmem>> -> memref<128xi32, #tpu.memory_space<vmem>>
        %dma_start3A_672 = arith.constant 0 : i32
        %dma_start3A_673 = arith.constant 0 : i32
        %dma_start3A_674 = tpu.memref_slice %arg18[%dma_start3A_672, %dma_start3A_673] : memref<10008x128xf32, #tpu.memory_space<vmem_shared>> -> memref<10008x128xf32, #tpu.memory_space<vmem_shared>>
        tpu.enqueue_indirect_dma source(%arg16 : memref<128x128xf32, #tpu.memory_space<vmem>>) target(%dma_start3A_674 : memref<10008x128xf32, #tpu.memory_space<vmem_shared>>) offsets(%dma_start3A_671 : memref<128xi32, #tpu.memory_space<vmem>>) semaphore(%arg25 : memref<!tpu.dma_semaphore, #tpu.memory_space<semaphore_mem>>) {add = true}
      } else {
      }
      %add3A_370 = arith.constant 3 : i32
      %add3A_371 = arith.addi %add3A_358, %add3A_370 : i32
      %ge3A_372 = arith.constant 0 : i32
      %ge3A_373 = arith.cmpi sge, %add3A_371, %ge3A_372 : i32
      %mul3A_374 = arith.constant 16 : i32
      %mul3A_375 = arith.muli %mul3A_374, %add3A_371 : i32
      %add3A_376 = arith.addi %arg1, %mul3A_375 : i32
      %lt3A_377 = arith.constant 2500 : i32
      %lt3A_378 = arith.cmpi slt, %add3A_376, %lt3A_377 : i32
      %and3A_379 = arith.andi %ge3A_373, %lt3A_378 : i1
      %convert_element_type3A_380 = arith.extui %and3A_379 : i1 to i32
      %cond3A_381 = arith.constant 0 : i32
      %cond3A_382 = arith.cmpi ne, %convert_element_type3A_380, %cond3A_381 : i32
      scf.if %cond3A_382 {
        %mul3A_489 = arith.constant 16 : i32
        %mul3A_490 = arith.muli %mul3A_489, %add3A_371 : i32
        %add3A_491 = arith.addi %arg1, %mul3A_490 : i32
        %dma_start3A = arith.constant 0 : i32
        %dma_start3A_492 = tpu.memref_slice %arg3[%add3A_491, %dma_start3A] : memref<2500x128xi32, #tpu.memory_space<hbm>> -> memref<1x128xi32, #tpu.memory_space<hbm>>
        %dma_start3A_493 = tpu.memref_squeeze %dma_start3A_492 : memref<1x128xi32, #tpu.memory_space<hbm>> -> memref<128xi32, #tpu.memory_space<hbm>>
        %dma_start3A_494 = arith.constant 0 : i32
        %dma_start3A_495 = tpu.memref_slice %arg3[%add3A_491, %dma_start3A_494] : memref<2500x128xi32, #tpu.memory_space<hbm>> -> memref<1x128xi32, #tpu.memory_space<hbm>>
        %dma_start3A_496 = tpu.memref_squeeze %dma_start3A_495 : memref<1x128xi32, #tpu.memory_space<hbm>> -> memref<128xi32, #tpu.memory_space<hbm>>
        tpu.enqueue_dma source(%dma_start3A_496 : memref<128xi32, #tpu.memory_space<hbm>>) target(%arg8 : memref<128xi32, #tpu.memory_space<vmem>>) target_semaphore(%arg20 : memref<!tpu.dma_semaphore, #tpu.memory_space<semaphore_mem>>)
        %dma_start3A_497 = arith.constant 0 : i32
        %dma_start3A_498 = tpu.memref_slice %arg4[%add3A_491, %dma_start3A_497] : memref<2500x128xi32, #tpu.memory_space<hbm>> -> memref<1x128xi32, #tpu.memory_space<hbm>>
        %dma_start3A_499 = tpu.memref_squeeze %dma_start3A_498 : memref<1x128xi32, #tpu.memory_space<hbm>> -> memref<128xi32, #tpu.memory_space<hbm>>
        %dma_start3A_500 = arith.constant 0 : i32
        %dma_start3A_501 = tpu.memref_slice %arg4[%add3A_491, %dma_start3A_500] : memref<2500x128xi32, #tpu.memory_space<hbm>> -> memref<1x128xi32, #tpu.memory_space<hbm>>
        %dma_start3A_502 = tpu.memref_squeeze %dma_start3A_501 : memref<1x128xi32, #tpu.memory_space<hbm>> -> memref<128xi32, #tpu.memory_space<hbm>>
        tpu.enqueue_dma source(%dma_start3A_502 : memref<128xi32, #tpu.memory_space<hbm>>) target(%arg11 : memref<128xi32, #tpu.memory_space<vmem>>) target_semaphore(%arg20 : memref<!tpu.dma_semaphore, #tpu.memory_space<semaphore_mem>>)
      } else {
      }
      %sub3A_383 = arith.constant 1 : i32
      %sub3A_384 = arith.subi %add3A_358, %sub3A_383 : i32
      %ge3A_385 = arith.constant 0 : i32
      %ge3A_386 = arith.cmpi sge, %sub3A_384, %ge3A_385 : i32
      %mul3A_387 = arith.constant 16 : i32
      %mul3A_388 = arith.muli %mul3A_387, %sub3A_384 : i32
      %add3A_389 = arith.addi %arg1, %mul3A_388 : i32
      %lt3A_390 = arith.constant 2500 : i32
      %lt3A_391 = arith.cmpi slt, %add3A_389, %lt3A_390 : i32
      %and3A_392 = arith.andi %ge3A_386, %lt3A_391 : i1
      %convert_element_type3A_393 = arith.extui %and3A_392 : i1 to i32
      %cond3A_394 = arith.constant 0 : i32
      %cond3A_395 = arith.cmpi ne, %convert_element_type3A_393, %cond3A_394 : i32
      scf.if %cond3A_395 {
        %dma_wait3A = arith.constant 0 : i32
        %dma_wait3A_489 = arith.constant 0 : i32
        %dma_wait3A_490 = tpu.memref_slice %arg14[%dma_wait3A, %dma_wait3A_489] : memref<1x128xi32, #tpu.memory_space<vmem>> -> memref<1x128xi32, #tpu.memory_space<vmem>>
        %dma_wait3A_491 = tpu.memref_squeeze %dma_wait3A_490 : memref<1x128xi32, #tpu.memory_space<vmem>> -> memref<128xi32, #tpu.memory_space<vmem>>
        %dma_wait3A_492 = arith.constant 0 : i32
        %dma_wait3A_493 = arith.constant 0 : i32
        %dma_wait3A_494 = tpu.memref_slice %arg18[%dma_wait3A_492, %dma_wait3A_493] : memref<10008x128xf32, #tpu.memory_space<vmem_shared>> -> memref<10008x128xf32, #tpu.memory_space<vmem_shared>>
        tpu.wait_indirect_dma semaphore(%arg26 : memref<!tpu.dma_semaphore, #tpu.memory_space<semaphore_mem>>) src(%arg15 : memref<128x128xf32, #tpu.memory_space<vmem>>) dst(%dma_wait3A_494 : memref<10008x128xf32, #tpu.memory_space<vmem_shared>>)
      } else {
      }
      %add3A_396 = arith.constant 2 : i32
      %add3A_397 = arith.addi %add3A_358, %add3A_396 : i32
      %ge3A_398 = arith.constant 0 : i32
      %ge3A_399 = arith.cmpi sge, %add3A_397, %ge3A_398 : i32
      %mul3A_400 = arith.constant 16 : i32
      %mul3A_401 = arith.muli %mul3A_400, %add3A_397 : i32
      %add3A_402 = arith.addi %arg1, %mul3A_401 : i32
      %lt3A_403 = arith.constant 2500 : i32
      %lt3A_404 = arith.cmpi slt, %add3A_402, %lt3A_403 : i32
      %and3A_405 = arith.andi %ge3A_399, %lt3A_404 : i1
      %convert_element_type3A_406 = arith.extui %and3A_405 : i1 to i32
      %cond3A_407 = arith.constant 0 : i32
      %cond3A_408 = arith.cmpi ne, %convert_element_type3A_406, %cond3A_407 : i32
      scf.if %cond3A_408 {
        %mul3A_489 = arith.constant 16 : i32
        %mul3A_490 = arith.muli %mul3A_489, %add3A_397 : i32
        %add3A_491 = arith.addi %arg1, %mul3A_490 : i32
        %dma_wait3A = arith.constant 0 : i32
        %dma_wait3A_492 = tpu.memref_slice %arg3[%add3A_491, %dma_wait3A] : memref<2500x128xi32, #tpu.memory_space<hbm>> -> memref<1x128xi32, #tpu.memory_space<hbm>>
        %dma_wait3A_493 = tpu.memref_squeeze %dma_wait3A_492 : memref<1x128xi32, #tpu.memory_space<hbm>> -> memref<128xi32, #tpu.memory_space<hbm>>
        %dma_wait3A_494 = arith.constant 0 : i32
        %dma_wait3A_495 = tpu.memref_slice %arg3[%add3A_491, %dma_wait3A_494] : memref<2500x128xi32, #tpu.memory_space<hbm>> -> memref<1x128xi32, #tpu.memory_space<hbm>>
        %dma_wait3A_496 = tpu.memref_squeeze %dma_wait3A_495 : memref<1x128xi32, #tpu.memory_space<hbm>> -> memref<128xi32, #tpu.memory_space<hbm>>
        tpu.wait_dma2 semaphore(%arg19 : memref<!tpu.dma_semaphore, #tpu.memory_space<semaphore_mem>>) src(%dma_wait3A_496 : memref<128xi32, #tpu.memory_space<hbm>>) dst(%arg7 : memref<128xi32, #tpu.memory_space<vmem>>)
        %dma_wait3A_497 = arith.constant 0 : i32
        %dma_wait3A_498 = tpu.memref_slice %arg4[%add3A_491, %dma_wait3A_497] : memref<2500x128xi32, #tpu.memory_space<hbm>> -> memref<1x128xi32, #tpu.memory_space<hbm>>
        %dma_wait3A_499 = tpu.memref_squeeze %dma_wait3A_498 : memref<1x128xi32, #tpu.memory_space<hbm>> -> memref<128xi32, #tpu.memory_space<hbm>>
        %dma_wait3A_500 = arith.constant 0 : i32
        %dma_wait3A_501 = tpu.memref_slice %arg4[%add3A_491, %dma_wait3A_500] : memref<2500x128xi32, #tpu.memory_space<hbm>> -> memref<1x128xi32, #tpu.memory_space<hbm>>
        %dma_wait3A_502 = tpu.memref_squeeze %dma_wait3A_501 : memref<1x128xi32, #tpu.memory_space<hbm>> -> memref<128xi32, #tpu.memory_space<hbm>>
        tpu.wait_dma2 semaphore(%arg19 : memref<!tpu.dma_semaphore, #tpu.memory_space<semaphore_mem>>) src(%dma_wait3A_502 : memref<128xi32, #tpu.memory_space<hbm>>) dst(%arg10 : memref<128xi32, #tpu.memory_space<vmem>>)
      } else {
      }
      %add3A_409 = arith.constant 2 : i32
      %add3A_410 = arith.addi %add3A_358, %add3A_409 : i32
      %ge3A_411 = arith.constant 0 : i32
      %ge3A_412 = arith.cmpi sge, %add3A_410, %ge3A_411 : i32
      %mul3A_413 = arith.constant 16 : i32
      %mul3A_414 = arith.muli %mul3A_413, %add3A_410 : i32
      %add3A_415 = arith.addi %arg1, %mul3A_414 : i32
      %lt3A_416 = arith.constant 2500 : i32
      %lt3A_417 = arith.cmpi slt, %add3A_415, %lt3A_416 : i32
      %and3A_418 = arith.andi %ge3A_412, %lt3A_417 : i1
      %convert_element_type3A_419 = arith.extui %and3A_418 : i1 to i32
      %cond3A_420 = arith.constant 0 : i32
      %cond3A_421 = arith.cmpi ne, %convert_element_type3A_419, %cond3A_420 : i32
      scf.if %cond3A_421 {
        %dma_start3A = arith.constant 0 : i32
        %dma_start3A_489 = arith.constant 0 : i32
        %dma_start3A_490 = tpu.memref_slice %arg2[%dma_start3A, %dma_start3A_489] : memref<100000x128xf32, #tpu.memory_space<hbm>> -> memref<100000x128xf32, #tpu.memory_space<hbm>>
        tpu.enqueue_indirect_dma source(%dma_start3A_490 : memref<100000x128xf32, #tpu.memory_space<hbm>>) target(%arg15 : memref<128x128xf32, #tpu.memory_space<vmem>>) offsets(%arg7 : memref<128xi32, #tpu.memory_space<vmem>>) semaphore(%arg22 : memref<!tpu.dma_semaphore, #tpu.memory_space<semaphore_mem>>)
      } else {
      }
      %mul3A_422 = arith.constant 6 : i32
      %mul3A_423 = arith.muli %mul3A_422, %scan3A_88 : i32
      %add3A_424 = arith.constant 5 : i32
      %add3A_425 = arith.addi %mul3A_423, %add3A_424 : i32
      %ge3A_426 = arith.constant 0 : i32
      %ge3A_427 = arith.cmpi sge, %add3A_425, %ge3A_426 : i32
      %mul3A_428 = arith.constant 16 : i32
      %mul3A_429 = arith.muli %mul3A_428, %add3A_425 : i32
      %add3A_430 = arith.addi %arg1, %mul3A_429 : i32
      %lt3A_431 = arith.constant 2500 : i32
      %lt3A_432 = arith.cmpi slt, %add3A_430, %lt3A_431 : i32
      %and3A_433 = arith.andi %ge3A_427, %lt3A_432 : i1
      %convert_element_type3A_434 = arith.extui %and3A_433 : i1 to i32
      %cond3A_435 = arith.constant 0 : i32
      %cond3A_436 = arith.cmpi ne, %convert_element_type3A_434, %cond3A_435 : i32
      scf.if %cond3A_436 {
        %dma_wait3A = arith.constant 0 : i32
        %dma_wait3A_489 = arith.constant 0 : i32
        %dma_wait3A_490 = tpu.memref_slice %arg2[%dma_wait3A, %dma_wait3A_489] : memref<100000x128xf32, #tpu.memory_space<hbm>> -> memref<100000x128xf32, #tpu.memory_space<hbm>>
        tpu.wait_indirect_dma semaphore(%arg24 : memref<!tpu.dma_semaphore, #tpu.memory_space<semaphore_mem>>) src(%dma_wait3A_490 : memref<100000x128xf32, #tpu.memory_space<hbm>>) dst(%arg17 : memref<128x128xf32, #tpu.memory_space<vmem>>)
        %get3A = arith.constant 0 : index
        %get3A_491 = tpu.vector_load %arg12[%get3A] {strides = array<i32>} : memref<128xi32, #tpu.memory_space<vmem>>, vector<16xi32>,
        %get3A_492 = vector.shape_cast %get3A_491 : vector<16xi32> to vector<16xi32>
        %mul3A_493 = arith.constant 10000 : i32
        %mul3A_494 = arith.muli %arg0, %mul3A_493 : i32
        %sub3A_495 = vector.broadcast %mul3A_494 : i32 to vector<16xi32>
        %sub3A_496 = arith.subi %get3A_492, %sub3A_495 : vector<16xi32>
        %lt3A_497 = arith.constant 0 : i32
        %lt3A_498 = vector.broadcast %lt3A_497 : i32 to vector<16xi32>
        %lt3A_499 = arith.cmpi slt, %sub3A_496, %lt3A_498 : vector<16xi32>
        %ge3A_500 = arith.constant 10000 : i32
        %ge3A_501 = vector.broadcast %ge3A_500 : i32 to vector<16xi32>
        %ge3A_502 = arith.cmpi sge, %sub3A_496, %ge3A_501 : vector<16xi32>
        %or3A = arith.ori %lt3A_499, %ge3A_502 : vector<16xi1>
        %jit3A = arith.constant 10000 : i32
        %broadcast_in_dim3A = vector.broadcast %jit3A : i32 to vector<16xi32>
        %select_n3A = arith.select %or3A, %broadcast_in_dim3A, %sub3A_496 : vector<16xi1>, vector<16xi32>
        %swap3A = arith.constant 0 : i32
        %swap3A_503 = arith.index_cast %swap3A : i32 to index
        %swap3A_504 = arith.constant 0 : index
        %swap3A_505 = tpu.vector_load %arg14[%swap3A_503, %swap3A_504] {strides = array<i32>} : memref<1x128xi32, #tpu.memory_space<vmem>>, vector<1x16xi32>,
        %swap3A_506 = vector.shape_cast %swap3A_505 : vector<1x16xi32> to vector<16xi32>
        %swap3A_507 = vector.shape_cast %select_n3A : vector<16xi32> to vector<1x16xi32>
        tpu.vector_store %arg14[%swap3A_503, %swap3A_504], %swap3A_507 {strides = array<i32>} : memref<1x128xi32, #tpu.memory_space<vmem>>, vector<1x16xi32>,
        %get3A_508 = arith.constant 16 : index
        %get3A_509 = tpu.vector_load %arg12[%get3A_508] {strides = array<i32>} : memref<128xi32, #tpu.memory_space<vmem>>, vector<16xi32>,
        %get3A_510 = vector.shape_cast %get3A_509 : vector<16xi32> to vector<16xi32>
        %mul3A_511 = arith.constant 10000 : i32
        %mul3A_512 = arith.muli %arg0, %mul3A_511 : i32
        %sub3A_513 = vector.broadcast %mul3A_512 : i32 to vector<16xi32>
        %sub3A_514 = arith.subi %get3A_510, %sub3A_513 : vector<16xi32>
        %lt3A_515 = arith.constant 0 : i32
        %lt3A_516 = vector.broadcast %lt3A_515 : i32 to vector<16xi32>
        %lt3A_517 = arith.cmpi slt, %sub3A_514, %lt3A_516 : vector<16xi32>
        %ge3A_518 = arith.constant 10000 : i32
        %ge3A_519 = vector.broadcast %ge3A_518 : i32 to vector<16xi32>
        %ge3A_520 = arith.cmpi sge, %sub3A_514, %ge3A_519 : vector<16xi32>
        %or3A_521 = arith.ori %lt3A_517, %ge3A_520 : vector<16xi1>
        %jit3A_522 = arith.constant 10000 : i32
        %broadcast_in_dim3A_523 = vector.broadcast %jit3A_522 : i32 to vector<16xi32>
        %select_n3A_524 = arith.select %or3A_521, %broadcast_in_dim3A_523, %sub3A_514 : vector<16xi1>, vector<16xi32>
        %swap3A_525 = arith.constant 0 : i32
        %swap3A_526 = arith.index_cast %swap3A_525 : i32 to index
        %swap3A_527 = arith.constant 16 : index
        %swap3A_528 = tpu.vector_load %arg14[%swap3A_526, %swap3A_527] {strides = array<i32>} : memref<1x128xi32, #tpu.memory_space<vmem>>, vector<1x16xi32>,
        %swap3A_529 = vector.shape_cast %swap3A_528 : vector<1x16xi32> to vector<16xi32>
        %swap3A_530 = vector.shape_cast %select_n3A_524 : vector<16xi32> to vector<1x16xi32>
        tpu.vector_store %arg14[%swap3A_526, %swap3A_527], %swap3A_530 {strides = array<i32>} : memref<1x128xi32, #tpu.memory_space<vmem>>, vector<1x16xi32>,
        %get3A_531 = arith.constant 32 : index
        %get3A_532 = tpu.vector_load %arg12[%get3A_531] {strides = array<i32>} : memref<128xi32, #tpu.memory_space<vmem>>, vector<16xi32>,
        %get3A_533 = vector.shape_cast %get3A_532 : vector<16xi32> to vector<16xi32>
        %mul3A_534 = arith.constant 10000 : i32
        %mul3A_535 = arith.muli %arg0, %mul3A_534 : i32
        %sub3A_536 = vector.broadcast %mul3A_535 : i32 to vector<16xi32>
        %sub3A_537 = arith.subi %get3A_533, %sub3A_536 : vector<16xi32>
        %lt3A_538 = arith.constant 0 : i32
        %lt3A_539 = vector.broadcast %lt3A_538 : i32 to vector<16xi32>
        %lt3A_540 = arith.cmpi slt, %sub3A_537, %lt3A_539 : vector<16xi32>
        %ge3A_541 = arith.constant 10000 : i32
        %ge3A_542 = vector.broadcast %ge3A_541 : i32 to vector<16xi32>
        %ge3A_543 = arith.cmpi sge, %sub3A_537, %ge3A_542 : vector<16xi32>
        %or3A_544 = arith.ori %lt3A_540, %ge3A_543 : vector<16xi1>
        %jit3A_545 = arith.constant 10000 : i32
        %broadcast_in_dim3A_546 = vector.broadcast %jit3A_545 : i32 to vector<16xi32>
        %select_n3A_547 = arith.select %or3A_544, %broadcast_in_dim3A_546, %sub3A_537 : vector<16xi1>, vector<16xi32>
        %swap3A_548 = arith.constant 0 : i32
        %swap3A_549 = arith.index_cast %swap3A_548 : i32 to index
        %swap3A_550 = arith.constant 32 : index
        %swap3A_551 = tpu.vector_load %arg14[%swap3A_549, %swap3A_550] {strides = array<i32>} : memref<1x128xi32, #tpu.memory_space<vmem>>, vector<1x16xi32>,
        %swap3A_552 = vector.shape_cast %swap3A_551 : vector<1x16xi32> to vector<16xi32>
        %swap3A_553 = vector.shape_cast %select_n3A_547 : vector<16xi32> to vector<1x16xi32>
        tpu.vector_store %arg14[%swap3A_549, %swap3A_550], %swap3A_553 {strides = array<i32>} : memref<1x128xi32, #tpu.memory_space<vmem>>, vector<1x16xi32>,
        %get3A_554 = arith.constant 48 : index
        %get3A_555 = tpu.vector_load %arg12[%get3A_554] {strides = array<i32>} : memref<128xi32, #tpu.memory_space<vmem>>, vector<16xi32>,
        %get3A_556 = vector.shape_cast %get3A_555 : vector<16xi32> to vector<16xi32>
        %mul3A_557 = arith.constant 10000 : i32
        %mul3A_558 = arith.muli %arg0, %mul3A_557 : i32
        %sub3A_559 = vector.broadcast %mul3A_558 : i32 to vector<16xi32>
        %sub3A_560 = arith.subi %get3A_556, %sub3A_559 : vector<16xi32>
        %lt3A_561 = arith.constant 0 : i32
        %lt3A_562 = vector.broadcast %lt3A_561 : i32 to vector<16xi32>
        %lt3A_563 = arith.cmpi slt, %sub3A_560, %lt3A_562 : vector<16xi32>
        %ge3A_564 = arith.constant 10000 : i32
        %ge3A_565 = vector.broadcast %ge3A_564 : i32 to vector<16xi32>
        %ge3A_566 = arith.cmpi sge, %sub3A_560, %ge3A_565 : vector<16xi32>
        %or3A_567 = arith.ori %lt3A_563, %ge3A_566 : vector<16xi1>
        %jit3A_568 = arith.constant 10000 : i32
        %broadcast_in_dim3A_569 = vector.broadcast %jit3A_568 : i32 to vector<16xi32>
        %select_n3A_570 = arith.select %or3A_567, %broadcast_in_dim3A_569, %sub3A_560 : vector<16xi1>, vector<16xi32>
        %swap3A_571 = arith.constant 0 : i32
        %swap3A_572 = arith.index_cast %swap3A_571 : i32 to index
        %swap3A_573 = arith.constant 48 : index
        %swap3A_574 = tpu.vector_load %arg14[%swap3A_572, %swap3A_573] {strides = array<i32>} : memref<1x128xi32, #tpu.memory_space<vmem>>, vector<1x16xi32>,
        %swap3A_575 = vector.shape_cast %swap3A_574 : vector<1x16xi32> to vector<16xi32>
        %swap3A_576 = vector.shape_cast %select_n3A_570 : vector<16xi32> to vector<1x16xi32>
        tpu.vector_store %arg14[%swap3A_572, %swap3A_573], %swap3A_576 {strides = array<i32>} : memref<1x128xi32, #tpu.memory_space<vmem>>, vector<1x16xi32>,
        %get3A_577 = arith.constant 64 : index
        %get3A_578 = tpu.vector_load %arg12[%get3A_577] {strides = array<i32>} : memref<128xi32, #tpu.memory_space<vmem>>, vector<16xi32>,
        %get3A_579 = vector.shape_cast %get3A_578 : vector<16xi32> to vector<16xi32>
        %mul3A_580 = arith.constant 10000 : i32
        %mul3A_581 = arith.muli %arg0, %mul3A_580 : i32
        %sub3A_582 = vector.broadcast %mul3A_581 : i32 to vector<16xi32>
        %sub3A_583 = arith.subi %get3A_579, %sub3A_582 : vector<16xi32>
        %lt3A_584 = arith.constant 0 : i32
        %lt3A_585 = vector.broadcast %lt3A_584 : i32 to vector<16xi32>
        %lt3A_586 = arith.cmpi slt, %sub3A_583, %lt3A_585 : vector<16xi32>
        %ge3A_587 = arith.constant 10000 : i32
        %ge3A_588 = vector.broadcast %ge3A_587 : i32 to vector<16xi32>
        %ge3A_589 = arith.cmpi sge, %sub3A_583, %ge3A_588 : vector<16xi32>
        %or3A_590 = arith.ori %lt3A_586, %ge3A_589 : vector<16xi1>
        %jit3A_591 = arith.constant 10000 : i32
        %broadcast_in_dim3A_592 = vector.broadcast %jit3A_591 : i32 to vector<16xi32>
        %select_n3A_593 = arith.select %or3A_590, %broadcast_in_dim3A_592, %sub3A_583 : vector<16xi1>, vector<16xi32>
        %swap3A_594 = arith.constant 0 : i32
        %swap3A_595 = arith.index_cast %swap3A_594 : i32 to index
        %swap3A_596 = arith.constant 64 : index
        %swap3A_597 = tpu.vector_load %arg14[%swap3A_595, %swap3A_596] {strides = array<i32>} : memref<1x128xi32, #tpu.memory_space<vmem>>, vector<1x16xi32>,
        %swap3A_598 = vector.shape_cast %swap3A_597 : vector<1x16xi32> to vector<16xi32>
        %swap3A_599 = vector.shape_cast %select_n3A_593 : vector<16xi32> to vector<1x16xi32>
        tpu.vector_store %arg14[%swap3A_595, %swap3A_596], %swap3A_599 {strides = array<i32>} : memref<1x128xi32, #tpu.memory_space<vmem>>, vector<1x16xi32>,
        %get3A_600 = arith.constant 80 : index
        %get3A_601 = tpu.vector_load %arg12[%get3A_600] {strides = array<i32>} : memref<128xi32, #tpu.memory_space<vmem>>, vector<16xi32>,
        %get3A_602 = vector.shape_cast %get3A_601 : vector<16xi32> to vector<16xi32>
        %mul3A_603 = arith.constant 10000 : i32
        %mul3A_604 = arith.muli %arg0, %mul3A_603 : i32
        %sub3A_605 = vector.broadcast %mul3A_604 : i32 to vector<16xi32>
        %sub3A_606 = arith.subi %get3A_602, %sub3A_605 : vector<16xi32>
        %lt3A_607 = arith.constant 0 : i32
        %lt3A_608 = vector.broadcast %lt3A_607 : i32 to vector<16xi32>
        %lt3A_609 = arith.cmpi slt, %sub3A_606, %lt3A_608 : vector<16xi32>
        %ge3A_610 = arith.constant 10000 : i32
        %ge3A_611 = vector.broadcast %ge3A_610 : i32 to vector<16xi32>
        %ge3A_612 = arith.cmpi sge, %sub3A_606, %ge3A_611 : vector<16xi32>
        %or3A_613 = arith.ori %lt3A_609, %ge3A_612 : vector<16xi1>
        %jit3A_614 = arith.constant 10000 : i32
        %broadcast_in_dim3A_615 = vector.broadcast %jit3A_614 : i32 to vector<16xi32>
        %select_n3A_616 = arith.select %or3A_613, %broadcast_in_dim3A_615, %sub3A_606 : vector<16xi1>, vector<16xi32>
        %swap3A_617 = arith.constant 0 : i32
        %swap3A_618 = arith.index_cast %swap3A_617 : i32 to index
        %swap3A_619 = arith.constant 80 : index
        %swap3A_620 = tpu.vector_load %arg14[%swap3A_618, %swap3A_619] {strides = array<i32>} : memref<1x128xi32, #tpu.memory_space<vmem>>, vector<1x16xi32>,
        %swap3A_621 = vector.shape_cast %swap3A_620 : vector<1x16xi32> to vector<16xi32>
        %swap3A_622 = vector.shape_cast %select_n3A_616 : vector<16xi32> to vector<1x16xi32>
        tpu.vector_store %arg14[%swap3A_618, %swap3A_619], %swap3A_622 {strides = array<i32>} : memref<1x128xi32, #tpu.memory_space<vmem>>, vector<1x16xi32>,
        %get3A_623 = arith.constant 96 : index
        %get3A_624 = tpu.vector_load %arg12[%get3A_623] {strides = array<i32>} : memref<128xi32, #tpu.memory_space<vmem>>, vector<16xi32>,
        %get3A_625 = vector.shape_cast %get3A_624 : vector<16xi32> to vector<16xi32>
        %mul3A_626 = arith.constant 10000 : i32
        %mul3A_627 = arith.muli %arg0, %mul3A_626 : i32
        %sub3A_628 = vector.broadcast %mul3A_627 : i32 to vector<16xi32>
        %sub3A_629 = arith.subi %get3A_625, %sub3A_628 : vector<16xi32>
        %lt3A_630 = arith.constant 0 : i32
        %lt3A_631 = vector.broadcast %lt3A_630 : i32 to vector<16xi32>
        %lt3A_632 = arith.cmpi slt, %sub3A_629, %lt3A_631 : vector<16xi32>
        %ge3A_633 = arith.constant 10000 : i32
        %ge3A_634 = vector.broadcast %ge3A_633 : i32 to vector<16xi32>
        %ge3A_635 = arith.cmpi sge, %sub3A_629, %ge3A_634 : vector<16xi32>
        %or3A_636 = arith.ori %lt3A_632, %ge3A_635 : vector<16xi1>
        %jit3A_637 = arith.constant 10000 : i32
        %broadcast_in_dim3A_638 = vector.broadcast %jit3A_637 : i32 to vector<16xi32>
        %select_n3A_639 = arith.select %or3A_636, %broadcast_in_dim3A_638, %sub3A_629 : vector<16xi1>, vector<16xi32>
        %swap3A_640 = arith.constant 0 : i32
        %swap3A_641 = arith.index_cast %swap3A_640 : i32 to index
        %swap3A_642 = arith.constant 96 : index
        %swap3A_643 = tpu.vector_load %arg14[%swap3A_641, %swap3A_642] {strides = array<i32>} : memref<1x128xi32, #tpu.memory_space<vmem>>, vector<1x16xi32>,
        %swap3A_644 = vector.shape_cast %swap3A_643 : vector<1x16xi32> to vector<16xi32>
        %swap3A_645 = vector.shape_cast %select_n3A_639 : vector<16xi32> to vector<1x16xi32>
        tpu.vector_store %arg14[%swap3A_641, %swap3A_642], %swap3A_645 {strides = array<i32>} : memref<1x128xi32, #tpu.memory_space<vmem>>, vector<1x16xi32>,
        %get3A_646 = arith.constant 112 : index
        %get3A_647 = tpu.vector_load %arg12[%get3A_646] {strides = array<i32>} : memref<128xi32, #tpu.memory_space<vmem>>, vector<16xi32>,
        %get3A_648 = vector.shape_cast %get3A_647 : vector<16xi32> to vector<16xi32>
        %mul3A_649 = arith.constant 10000 : i32
        %mul3A_650 = arith.muli %arg0, %mul3A_649 : i32
        %sub3A_651 = vector.broadcast %mul3A_650 : i32 to vector<16xi32>
        %sub3A_652 = arith.subi %get3A_648, %sub3A_651 : vector<16xi32>
        %lt3A_653 = arith.constant 0 : i32
        %lt3A_654 = vector.broadcast %lt3A_653 : i32 to vector<16xi32>
        %lt3A_655 = arith.cmpi slt, %sub3A_652, %lt3A_654 : vector<16xi32>
        %ge3A_656 = arith.constant 10000 : i32
        %ge3A_657 = vector.broadcast %ge3A_656 : i32 to vector<16xi32>
        %ge3A_658 = arith.cmpi sge, %sub3A_652, %ge3A_657 : vector<16xi32>
        %or3A_659 = arith.ori %lt3A_655, %ge3A_658 : vector<16xi1>
        %jit3A_660 = arith.constant 10000 : i32
        %broadcast_in_dim3A_661 = vector.broadcast %jit3A_660 : i32 to vector<16xi32>
        %select_n3A_662 = arith.select %or3A_659, %broadcast_in_dim3A_661, %sub3A_652 : vector<16xi1>, vector<16xi32>
        %swap3A_663 = arith.constant 0 : i32
        %swap3A_664 = arith.index_cast %swap3A_663 : i32 to index
        %swap3A_665 = arith.constant 112 : index
        %swap3A_666 = tpu.vector_load %arg14[%swap3A_664, %swap3A_665] {strides = array<i32>} : memref<1x128xi32, #tpu.memory_space<vmem>>, vector<1x16xi32>,
        %swap3A_667 = vector.shape_cast %swap3A_666 : vector<1x16xi32> to vector<16xi32>
        %swap3A_668 = vector.shape_cast %select_n3A_662 : vector<16xi32> to vector<1x16xi32>
        tpu.vector_store %arg14[%swap3A_664, %swap3A_665], %swap3A_668 {strides = array<i32>} : memref<1x128xi32, #tpu.memory_space<vmem>>, vector<1x16xi32>,
        %dma_start3A = arith.constant 0 : i32
        %dma_start3A_669 = arith.constant 0 : i32
        %dma_start3A_670 = tpu.memref_slice %arg14[%dma_start3A, %dma_start3A_669] : memref<1x128xi32, #tpu.memory_space<vmem>> -> memref<1x128xi32, #tpu.memory_space<vmem>>
        %dma_start3A_671 = tpu.memref_squeeze %dma_start3A_670 : memref<1x128xi32, #tpu.memory_space<vmem>> -> memref<128xi32, #tpu.memory_space<vmem>>
        %dma_start3A_672 = arith.constant 0 : i32
        %dma_start3A_673 = arith.constant 0 : i32
        %dma_start3A_674 = tpu.memref_slice %arg18[%dma_start3A_672, %dma_start3A_673] : memref<10008x128xf32, #tpu.memory_space<vmem_shared>> -> memref<10008x128xf32, #tpu.memory_space<vmem_shared>>
        tpu.enqueue_indirect_dma source(%arg17 : memref<128x128xf32, #tpu.memory_space<vmem>>) target(%dma_start3A_674 : memref<10008x128xf32, #tpu.memory_space<vmem_shared>>) offsets(%dma_start3A_671 : memref<128xi32, #tpu.memory_space<vmem>>) semaphore(%arg26 : memref<!tpu.dma_semaphore, #tpu.memory_space<semaphore_mem>>) {add = true}
      } else {
      }
      %add3A_437 = arith.constant 3 : i32
      %add3A_438 = arith.addi %add3A_425, %add3A_437 : i32
      %ge3A_439 = arith.constant 0 : i32
      %ge3A_440 = arith.cmpi sge, %add3A_438, %ge3A_439 : i32
      %mul3A_441 = arith.constant 16 : i32
      %mul3A_442 = arith.muli %mul3A_441, %add3A_438 : i32
      %add3A_443 = arith.addi %arg1, %mul3A_442 : i32
      %lt3A_444 = arith.constant 2500 : i32
      %lt3A_445 = arith.cmpi slt, %add3A_443, %lt3A_444 : i32
      %and3A_446 = arith.andi %ge3A_440, %lt3A_445 : i1
      %convert_element_type3A_447 = arith.extui %and3A_446 : i1 to i32
      %cond3A_448 = arith.constant 0 : i32
      %cond3A_449 = arith.cmpi ne, %convert_element_type3A_447, %cond3A_448 : i32
      scf.if %cond3A_449 {
        %mul3A_489 = arith.constant 16 : i32
        %mul3A_490 = arith.muli %mul3A_489, %add3A_438 : i32
        %add3A_491 = arith.addi %arg1, %mul3A_490 : i32
        %dma_start3A = arith.constant 0 : i32
        %dma_start3A_492 = tpu.memref_slice %arg3[%add3A_491, %dma_start3A] : memref<2500x128xi32, #tpu.memory_space<hbm>> -> memref<1x128xi32, #tpu.memory_space<hbm>>
        %dma_start3A_493 = tpu.memref_squeeze %dma_start3A_492 : memref<1x128xi32, #tpu.memory_space<hbm>> -> memref<128xi32, #tpu.memory_space<hbm>>
        %dma_start3A_494 = arith.constant 0 : i32
        %dma_start3A_495 = tpu.memref_slice %arg3[%add3A_491, %dma_start3A_494] : memref<2500x128xi32, #tpu.memory_space<hbm>> -> memref<1x128xi32, #tpu.memory_space<hbm>>
        %dma_start3A_496 = tpu.memref_squeeze %dma_start3A_495 : memref<1x128xi32, #tpu.memory_space<hbm>> -> memref<128xi32, #tpu.memory_space<hbm>>
        tpu.enqueue_dma source(%dma_start3A_496 : memref<128xi32, #tpu.memory_space<hbm>>) target(%arg9 : memref<128xi32, #tpu.memory_space<vmem>>) target_semaphore(%arg21 : memref<!tpu.dma_semaphore, #tpu.memory_space<semaphore_mem>>)
        %dma_start3A_497 = arith.constant 0 : i32
        %dma_start3A_498 = tpu.memref_slice %arg4[%add3A_491, %dma_start3A_497] : memref<2500x128xi32, #tpu.memory_space<hbm>> -> memref<1x128xi32, #tpu.memory_space<hbm>>
        %dma_start3A_499 = tpu.memref_squeeze %dma_start3A_498 : memref<1x128xi32, #tpu.memory_space<hbm>> -> memref<128xi32, #tpu.memory_space<hbm>>
        %dma_start3A_500 = arith.constant 0 : i32
        %dma_start3A_501 = tpu.memref_slice %arg4[%add3A_491, %dma_start3A_500] : memref<2500x128xi32, #tpu.memory_space<hbm>> -> memref<1x128xi32, #tpu.memory_space<hbm>>
        %dma_start3A_502 = tpu.memref_squeeze %dma_start3A_501 : memref<1x128xi32, #tpu.memory_space<hbm>> -> memref<128xi32, #tpu.memory_space<hbm>>
        tpu.enqueue_dma source(%dma_start3A_502 : memref<128xi32, #tpu.memory_space<hbm>>) target(%arg12 : memref<128xi32, #tpu.memory_space<vmem>>) target_semaphore(%arg21 : memref<!tpu.dma_semaphore, #tpu.memory_space<semaphore_mem>>)
      } else {
      }
      %sub3A_450 = arith.constant 1 : i32
      %sub3A_451 = arith.subi %add3A_425, %sub3A_450 : i32
      %ge3A_452 = arith.constant 0 : i32
      %ge3A_453 = arith.cmpi sge, %sub3A_451, %ge3A_452 : i32
      %mul3A_454 = arith.constant 16 : i32
      %mul3A_455 = arith.muli %mul3A_454, %sub3A_451 : i32
      %add3A_456 = arith.addi %arg1, %mul3A_455 : i32
      %lt3A_457 = arith.constant 2500 : i32
      %lt3A_458 = arith.cmpi slt, %add3A_456, %lt3A_457 : i32
      %and3A_459 = arith.andi %ge3A_453, %lt3A_458 : i1
      %convert_element_type3A_460 = arith.extui %and3A_459 : i1 to i32
      %cond3A_461 = arith.constant 0 : i32
      %cond3A_462 = arith.cmpi ne, %convert_element_type3A_460, %cond3A_461 : i32
      scf.if %cond3A_462 {
        %dma_wait3A = arith.constant 0 : i32
        %dma_wait3A_489 = arith.constant 0 : i32
        %dma_wait3A_490 = tpu.memref_slice %arg13[%dma_wait3A, %dma_wait3A_489] : memref<1x128xi32, #tpu.memory_space<vmem>> -> memref<1x128xi32, #tpu.memory_space<vmem>>
        %dma_wait3A_491 = tpu.memref_squeeze %dma_wait3A_490 : memref<1x128xi32, #tpu.memory_space<vmem>> -> memref<128xi32, #tpu.memory_space<vmem>>
        %dma_wait3A_492 = arith.constant 0 : i32
        %dma_wait3A_493 = arith.constant 0 : i32
        %dma_wait3A_494 = tpu.memref_slice %arg18[%dma_wait3A_492, %dma_wait3A_493] : memref<10008x128xf32, #tpu.memory_space<vmem_shared>> -> memref<10008x128xf32, #tpu.memory_space<vmem_shared>>
        tpu.wait_indirect_dma semaphore(%arg25 : memref<!tpu.dma_semaphore, #tpu.memory_space<semaphore_mem>>) src(%arg16 : memref<128x128xf32, #tpu.memory_space<vmem>>) dst(%dma_wait3A_494 : memref<10008x128xf32, #tpu.memory_space<vmem_shared>>)
      } else {
      }
      %add3A_463 = arith.constant 2 : i32
      %add3A_464 = arith.addi %add3A_425, %add3A_463 : i32
      %ge3A_465 = arith.constant 0 : i32
      %ge3A_466 = arith.cmpi sge, %add3A_464, %ge3A_465 : i32
      %mul3A_467 = arith.constant 16 : i32
      %mul3A_468 = arith.muli %mul3A_467, %add3A_464 : i32
      %add3A_469 = arith.addi %arg1, %mul3A_468 : i32
      %lt3A_470 = arith.constant 2500 : i32
      %lt3A_471 = arith.cmpi slt, %add3A_469, %lt3A_470 : i32
      %and3A_472 = arith.andi %ge3A_466, %lt3A_471 : i1
      %convert_element_type3A_473 = arith.extui %and3A_472 : i1 to i32
      %cond3A_474 = arith.constant 0 : i32
      %cond3A_475 = arith.cmpi ne, %convert_element_type3A_473, %cond3A_474 : i32
      scf.if %cond3A_475 {
        %mul3A_489 = arith.constant 16 : i32
        %mul3A_490 = arith.muli %mul3A_489, %add3A_464 : i32
        %add3A_491 = arith.addi %arg1, %mul3A_490 : i32
        %dma_wait3A = arith.constant 0 : i32
        %dma_wait3A_492 = tpu.memref_slice %arg3[%add3A_491, %dma_wait3A] : memref<2500x128xi32, #tpu.memory_space<hbm>> -> memref<1x128xi32, #tpu.memory_space<hbm>>
        %dma_wait3A_493 = tpu.memref_squeeze %dma_wait3A_492 : memref<1x128xi32, #tpu.memory_space<hbm>> -> memref<128xi32, #tpu.memory_space<hbm>>
        %dma_wait3A_494 = arith.constant 0 : i32
        %dma_wait3A_495 = tpu.memref_slice %arg3[%add3A_491, %dma_wait3A_494] : memref<2500x128xi32, #tpu.memory_space<hbm>> -> memref<1x128xi32, #tpu.memory_space<hbm>>
        %dma_wait3A_496 = tpu.memref_squeeze %dma_wait3A_495 : memref<1x128xi32, #tpu.memory_space<hbm>> -> memref<128xi32, #tpu.memory_space<hbm>>
        tpu.wait_dma2 semaphore(%arg20 : memref<!tpu.dma_semaphore, #tpu.memory_space<semaphore_mem>>) src(%dma_wait3A_496 : memref<128xi32, #tpu.memory_space<hbm>>) dst(%arg8 : memref<128xi32, #tpu.memory_space<vmem>>)
        %dma_wait3A_497 = arith.constant 0 : i32
        %dma_wait3A_498 = tpu.memref_slice %arg4[%add3A_491, %dma_wait3A_497] : memref<2500x128xi32, #tpu.memory_space<hbm>> -> memref<1x128xi32, #tpu.memory_space<hbm>>
        %dma_wait3A_499 = tpu.memref_squeeze %dma_wait3A_498 : memref<1x128xi32, #tpu.memory_space<hbm>> -> memref<128xi32, #tpu.memory_space<hbm>>
        %dma_wait3A_500 = arith.constant 0 : i32
        %dma_wait3A_501 = tpu.memref_slice %arg4[%add3A_491, %dma_wait3A_500] : memref<2500x128xi32, #tpu.memory_space<hbm>> -> memref<1x128xi32, #tpu.memory_space<hbm>>
        %dma_wait3A_502 = tpu.memref_squeeze %dma_wait3A_501 : memref<1x128xi32, #tpu.memory_space<hbm>> -> memref<128xi32, #tpu.memory_space<hbm>>
        tpu.wait_dma2 semaphore(%arg20 : memref<!tpu.dma_semaphore, #tpu.memory_space<semaphore_mem>>) src(%dma_wait3A_502 : memref<128xi32, #tpu.memory_space<hbm>>) dst(%arg11 : memref<128xi32, #tpu.memory_space<vmem>>)
      } else {
      }
      %add3A_476 = arith.constant 2 : i32
      %add3A_477 = arith.addi %add3A_425, %add3A_476 : i32
      %ge3A_478 = arith.constant 0 : i32
      %ge3A_479 = arith.cmpi sge, %add3A_477, %ge3A_478 : i32
      %mul3A_480 = arith.constant 16 : i32
      %mul3A_481 = arith.muli %mul3A_480, %add3A_477 : i32
      %add3A_482 = arith.addi %arg1, %mul3A_481 : i32
      %lt3A_483 = arith.constant 2500 : i32
      %lt3A_484 = arith.cmpi slt, %add3A_482, %lt3A_483 : i32
      %and3A_485 = arith.andi %ge3A_479, %lt3A_484 : i1
      %convert_element_type3A_486 = arith.extui %and3A_485 : i1 to i32
      %cond3A_487 = arith.constant 0 : i32
      %cond3A_488 = arith.cmpi ne, %convert_element_type3A_486, %cond3A_487 : i32
      scf.if %cond3A_488 {
        %dma_start3A = arith.constant 0 : i32
        %dma_start3A_489 = arith.constant 0 : i32
        %dma_start3A_490 = tpu.memref_slice %arg2[%dma_start3A, %dma_start3A_489] : memref<100000x128xf32, #tpu.memory_space<hbm>> -> memref<100000x128xf32, #tpu.memory_space<hbm>>
        tpu.enqueue_indirect_dma source(%dma_start3A_490 : memref<100000x128xf32, #tpu.memory_space<hbm>>) target(%arg16 : memref<128x128xf32, #tpu.memory_space<vmem>>) offsets(%arg8 : memref<128xi32, #tpu.memory_space<vmem>>) semaphore(%arg23 : memref<!tpu.dma_semaphore, #tpu.memory_space<semaphore_mem>>)
      } else {
      }
    }
    %scan3A_67 = arith.constant 27 : i32
    %add3A_68 = arith.constant 2576 : i32
    %add3A_69 = arith.addi %arg1, %add3A_68 : i32
    %lt3A_70 = arith.constant 2500 : i32
    %lt3A_71 = arith.cmpi slt, %add3A_69, %lt3A_70 : i32
    %and3A_72 = arith.constant true
    %and3A_73 = arith.andi %and3A_72, %lt3A_71 : i1
    %convert_element_type3A_74 = arith.extui %and3A_73 : i1 to i32
    %cond3A_75 = arith.constant 0 : i32
    %cond3A_76 = arith.cmpi ne, %convert_element_type3A_74, %cond3A_75 : i32
    scf.if %cond3A_76 {
      %dma_wait3A = arith.constant 0 : i32
      %dma_wait3A_88 = arith.constant 0 : i32
      %dma_wait3A_89 = tpu.memref_slice %arg14[%dma_wait3A, %dma_wait3A_88] : memref<1x128xi32, #tpu.memory_space<vmem>> -> memref<1x128xi32, #tpu.memory_space<vmem>>
      %dma_wait3A_90 = tpu.memref_squeeze %dma_wait3A_89 : memref<1x128xi32, #tpu.memory_space<vmem>> -> memref<128xi32, #tpu.memory_space<vmem>>
      %dma_wait3A_91 = arith.constant 0 : i32
      %dma_wait3A_92 = arith.constant 0 : i32
      %dma_wait3A_93 = tpu.memref_slice %arg18[%dma_wait3A_91, %dma_wait3A_92] : memref<10008x128xf32, #tpu.memory_space<vmem_shared>> -> memref<10008x128xf32, #tpu.memory_space<vmem_shared>>
      tpu.wait_indirect_dma semaphore(%arg26 : memref<!tpu.dma_semaphore, #tpu.memory_space<semaphore_mem>>) src(%arg17 : memref<128x128xf32, #tpu.memory_space<vmem>>) dst(%dma_wait3A_93 : memref<10008x128xf32, #tpu.memory_space<vmem_shared>>)
    } else {
    }
    %barrier3A_77 = arith.constant 0 : index
    tpu.barrier barrier_id(%barrier3A_77)
    %lt3A_78 = arith.constant 15 : i32
    %lt3A_79 = arith.cmpi slt, %arg1, %lt3A_78 : i32
    %convert_element_type3A_80 = arith.extui %lt3A_79 : i1 to i32
    %cond3A_81 = arith.constant 0 : i32
    %cond3A_82 = arith.cmpi ne, %convert_element_type3A_80, %cond3A_81 : i32
    scf.if %cond3A_82 {
      %mul3A_88 = arith.constant 632 : i32
      %mul3A_89 = arith.muli %arg1, %mul3A_88 : i32
      %mul3A_90 = arith.constant 10000 : i32
      %mul3A_91 = arith.muli %arg0, %mul3A_90 : i32
      %mul3A_92 = arith.constant 632 : i32
      %mul3A_93 = arith.muli %arg1, %mul3A_92 : i32
      %add3A_94 = arith.addi %mul3A_91, %mul3A_93 : i32
      "tpu.region"() ({
        %run_scoped3A = tpu.sem_alloc : memref<!tpu.dma_semaphore, #tpu.memory_space<semaphore_mem>>
        %dma_start3A = arith.constant 0 : i32
        %dma_start3A_95 = tpu.memref_slice %arg6[%add3A_94, %dma_start3A] : memref<20000x128xf32, #tpu.memory_space<hbm>> -> memref<632x128xf32, #tpu.memory_space<hbm>>
        %dma_start3A_96 = arith.constant 0 : i32
        %dma_start3A_97 = tpu.memref_slice %arg18[%mul3A_89, %dma_start3A_96] : memref<10008x128xf32, #tpu.memory_space<vmem_shared>> -> memref<632x128xf32, #tpu.memory_space<vmem_shared>>
        tpu.enqueue_dma source(%dma_start3A_97 : memref<632x128xf32, #tpu.memory_space<vmem_shared>>) target(%dma_start3A_95 : memref<632x128xf32, #tpu.memory_space<hbm>>) target_semaphore(%run_scoped3A : memref<!tpu.dma_semaphore, #tpu.memory_space<semaphore_mem>>)
        %dma_wait3A = arith.constant 0 : i32
        %dma_wait3A_98 = tpu.memref_slice %arg6[%add3A_94, %dma_wait3A] : memref<20000x128xf32, #tpu.memory_space<hbm>> -> memref<632x128xf32, #tpu.memory_space<hbm>>
        %dma_wait3A_99 = arith.constant 0 : i32
        %dma_wait3A_100 = tpu.memref_slice %arg18[%mul3A_89, %dma_wait3A_99] : memref<10008x128xf32, #tpu.memory_space<vmem_shared>> -> memref<632x128xf32, #tpu.memory_space<vmem_shared>>
        tpu.wait_dma2 semaphore(%run_scoped3A : memref<!tpu.dma_semaphore, #tpu.memory_space<semaphore_mem>>) src(%dma_wait3A_100 : memref<632x128xf32, #tpu.memory_space<vmem_shared>>) dst(%dma_wait3A_98 : memref<632x128xf32, #tpu.memory_space<hbm>>)
        tpu.yield
      }) : () -> ()
    } else {
    }
    %eq3A_83 = arith.constant 15 : i32
    %eq3A_84 = arith.cmpi eq, %arg1, %eq3A_83 : i32
    %convert_element_type3A_85 = arith.extui %eq3A_84 : i1 to i32
    %cond3A_86 = arith.constant 0 : i32
    %cond3A_87 = arith.cmpi ne, %convert_element_type3A_85, %cond3A_86 : i32
    scf.if %cond3A_87 {
      %mul3A_88 = arith.constant 10000 : i32
      %mul3A_89 = arith.muli %arg0, %mul3A_88 : i32
      %add3A_90 = arith.constant 9480 : i32
      %add3A_91 = arith.addi %mul3A_89, %add3A_90 : i32
      "tpu.region"() ({
        %run_scoped3A = tpu.sem_alloc : memref<!tpu.dma_semaphore, #tpu.memory_space<semaphore_mem>>
        %dma_start3A = arith.constant 0 : i32
        %dma_start3A_92 = tpu.memref_slice %arg6[%add3A_91, %dma_start3A] : memref<20000x128xf32, #tpu.memory_space<hbm>> -> memref<520x128xf32, #tpu.memory_space<hbm>>
        %dma_start3A_93 = arith.constant 9480 : i32
        %dma_start3A_94 = arith.constant 0 : i32
        %dma_start3A_95 = tpu.memref_slice %arg18[%dma_start3A_93, %dma_start3A_94] : memref<10008x128xf32, #tpu.memory_space<vmem_shared>> -> memref<520x128xf32, #tpu.memory_space<vmem_shared>>
        tpu.enqueue_dma source(%dma_start3A_95 : memref<520x128xf32, #tpu.memory_space<vmem_shared>>) target(%dma_start3A_92 : memref<520x128xf32, #tpu.memory_space<hbm>>) target_semaphore(%run_scoped3A : memref<!tpu.dma_semaphore, #tpu.memory_space<semaphore_mem>>)
        %dma_wait3A = arith.constant 0 : i32
        %dma_wait3A_96 = tpu.memref_slice %arg6[%add3A_91, %dma_wait3A] : memref<20000x128xf32, #tpu.memory_space<hbm>> -> memref<520x128xf32, #tpu.memory_space<hbm>>
        %dma_wait3A_97 = arith.constant 9480 : i32
        %dma_wait3A_98 = arith.constant 0 : i32
        %dma_wait3A_99 = tpu.memref_slice %arg18[%dma_wait3A_97, %dma_wait3A_98] : memref<10008x128xf32, #tpu.memory_space<vmem_shared>> -> memref<520x128xf32, #tpu.memory_space<vmem_shared>>
        tpu.wait_dma2 semaphore(%run_scoped3A : memref<!tpu.dma_semaphore, #tpu.memory_space<semaphore_mem>>) src(%dma_wait3A_99 : memref<520x128xf32, #tpu.memory_space<vmem_shared>>) dst(%dma_wait3A_96 : memref<520x128xf32, #tpu.memory_space<hbm>>)
        tpu.yield
      }) : () -> ()
    } else {
    }
    return
  }
}

module attributes {stable_mosaic.version = 14 : i64} {
  func.func @_mlp_body(%arg0: i32, %arg1: memref<2000x128xf32, #tpu.memory_space<vmem>>, %arg2: memref<2000x128xf32, #tpu.memory_space<vmem>>, %arg3: memref<128x128xf32, #tpu.memory_space<vmem>>, %arg4: memref<1x128xf32, #tpu.memory_space<vmem>>, %arg5: memref<128x128xf32, #tpu.memory_space<vmem>>, %arg6: memref<1x128xf32, #tpu.memory_space<vmem>>, %arg7: memref<2000x128xf32, #tpu.memory_space<vmem>>) attributes {dimension_semantics = [#tpu.dimension_semantics<arbitrary>], iteration_bounds = array<i64: 10>, scalar_prefetch = 0 : i64, scratch_operands = 0 : i64, tpu.core_type = #tpu.core_type<tc>, window_params = [{transform_indices = @transform_0, window_bounds = array<i64: 2000, 128>}, {transform_indices = @transform_1, window_bounds = array<i64: 2000, 128>}, {pipeline_mode = #tpu.pipeline_mode<synchronous>, transform_indices = @transform_2, window_bounds = array<i64: 128, 128>}, {pipeline_mode = #tpu.pipeline_mode<synchronous>, transform_indices = @transform_3, window_bounds = array<i64: 1, 128>}, {pipeline_mode = #tpu.pipeline_mode<synchronous>, transform_indices = @transform_4, window_bounds = array<i64: 128, 128>}, {pipeline_mode = #tpu.pipeline_mode<synchronous>, transform_indices = @transform_5, window_bounds = array<i64: 1, 128>}, {transform_indices = @transform_6, window_bounds = array<i64: 2000, 128>}]} {
    %get3A = arith.constant 0 : index
    %get3A_0 = arith.constant 0 : index
    %get3A_1 = vector.load %arg1[%get3A, %get3A_0] : memref<2000x128xf32, #tpu.memory_space<vmem>>, vector<2000x128xf32>
    %get3A_2 = arith.constant 0 : index
    %get3A_3 = arith.constant 0 : index
    %get3A_4 = vector.load %arg2[%get3A_2, %get3A_3] : memref<2000x128xf32, #tpu.memory_space<vmem>>, vector<2000x128xf32>
    %add3A = arith.addf %get3A_1, %get3A_4 : vector<2000x128xf32>
    %get3A_5 = arith.constant 0 : index
    %get3A_6 = arith.constant 0 : index
    %get3A_7 = vector.load %arg3[%get3A_5, %get3A_6] : memref<128x128xf32, #tpu.memory_space<vmem>>, vector<128x128xf32>
    %dot_general3A = arith.constant dense<0.000000e+00> : vector<2000x128xf32>
    %dot_general3A_8 = tpu.matmul %add3A, %get3A_7, %dot_general3A {dimension_numbers = #tpu.dot_dimension_numbers<[1], [0], [0], [1], [0, 0, 1, 1], [], []>, transpose_lhs_hint = false} : vector<2000x128xf32>, vector<128x128xf32>, vector<2000x128xf32> -> vector<2000x128xf32>
    %get3A_9 = arith.constant 0 : index
    %get3A_10 = arith.constant 0 : index
    %get3A_11 = vector.load %arg4[%get3A_9, %get3A_10] : memref<1x128xf32, #tpu.memory_space<vmem>>, vector<1x128xf32>
    %add3A_12 = vector.broadcast %get3A_11 : vector<1x128xf32> to vector<2000x128xf32>
    %add3A_13 = arith.addf %dot_general3A_8, %add3A_12 : vector<2000x128xf32>
    %max3A = arith.constant 0.000000e+00 : f32
    %max3A_14 = vector.broadcast %max3A : f32 to vector<2000x128xf32>
    %max3A_15 = arith.maximumf %add3A_13, %max3A_14 : vector<2000x128xf32>
    %get3A_16 = arith.constant 0 : index
    %get3A_17 = arith.constant 0 : index
    %get3A_18 = vector.load %arg5[%get3A_16, %get3A_17] : memref<128x128xf32, #tpu.memory_space<vmem>>, vector<128x128xf32>
    %dot_general3A_19 = arith.constant dense<0.000000e+00> : vector<2000x128xf32>
    %dot_general3A_20 = tpu.matmul %max3A_15, %get3A_18, %dot_general3A_19 {dimension_numbers = #tpu.dot_dimension_numbers<[1], [0], [0], [1], [0, 0, 1, 1], [], []>, transpose_lhs_hint = false} : vector<2000x128xf32>, vector<128x128xf32>, vector<2000x128xf32> -> vector<2000x128xf32>
    %get3A_21 = arith.constant 0 : index
    %get3A_22 = arith.constant 0 : index
    %get3A_23 = vector.load %arg6[%get3A_21, %get3A_22] : memref<1x128xf32, #tpu.memory_space<vmem>>, vector<1x128xf32>
    %add3A_24 = vector.broadcast %get3A_23 : vector<1x128xf32> to vector<2000x128xf32>
    %add3A_25 = arith.addf %dot_general3A_20, %add3A_24 : vector<2000x128xf32>
    %max3A_26 = arith.constant 0.000000e+00 : f32
    %max3A_27 = vector.broadcast %max3A_26 : f32 to vector<2000x128xf32>
    %max3A_28 = arith.maximumf %add3A_25, %max3A_27 : vector<2000x128xf32>
    %swap3A = arith.constant 0 : index
    %swap3A_29 = arith.constant 0 : index
    %swap3A_30 = vector.load %arg7[%swap3A, %swap3A_29] : memref<2000x128xf32, #tpu.memory_space<vmem>>, vector<2000x128xf32>
    tpu.vector_store %arg7[%swap3A, %swap3A_29], %max3A_28 {strides = array<i32>} : memref<2000x128xf32, #tpu.memory_space<vmem>>, vector<2000x128xf32>,
    return
  }
  func.func @transform_0(%arg0: i32) -> (i32, i32) {
    %add3A = arith.constant 0 : i32
    %add3A_0 = arith.addi %arg0, %add3A : i32
    %c0_i32 = arith.constant 0 : i32
    %c0_i32_1 = arith.constant 0 : i32
    return %add3A_0, %c0_i32 : i32, i32
  }
  func.func @transform_1(%arg0: i32) -> (i32, i32) {
    %add3A = arith.constant 0 : i32
    %add3A_0 = arith.addi %arg0, %add3A : i32
    %c0_i32 = arith.constant 0 : i32
    %c0_i32_1 = arith.constant 0 : i32
    return %add3A_0, %c0_i32 : i32, i32
  }
  func.func @transform_2(%arg0: i32) -> (i32, i32) {
    %c0_i32 = arith.constant 0 : i32
    %c0_i32_0 = arith.constant 0 : i32
    %c0_i32_1 = arith.constant 0 : i32
    return %c0_i32, %c0_i32_0 : i32, i32
  }
  func.func @transform_3(%arg0: i32) -> (i32, i32) {
    %c0_i32 = arith.constant 0 : i32
    %c0_i32_0 = arith.constant 0 : i32
    %c0_i32_1 = arith.constant 0 : i32
    return %c0_i32, %c0_i32_0 : i32, i32
  }
  func.func @transform_4(%arg0: i32) -> (i32, i32) {
    %c0_i32 = arith.constant 0 : i32
    %c0_i32_0 = arith.constant 0 : i32
    %c0_i32_1 = arith.constant 0 : i32
    return %c0_i32, %c0_i32_0 : i32, i32
  }
  func.func @transform_5(%arg0: i32) -> (i32, i32) {
    %c0_i32 = arith.constant 0 : i32
    %c0_i32_0 = arith.constant 0 : i32
    %c0_i32_1 = arith.constant 0 : i32
    return %c0_i32, %c0_i32_0 : i32, i32
  }
  func.func @transform_6(%arg0: i32) -> (i32, i32) {
    %add3A = arith.constant 0 : i32
    %add3A_0 = arith.addi %arg0, %add3A : i32
    %c0_i32 = arith.constant 0 : i32
    %c0_i32_1 = arith.constant 0 : i32
    return %add3A_0, %c0_i32 : i32, i32
  }
}

module attributes {stable_mosaic.version = 14 : i64} {
  func.func @_head_body(%arg0: i32, %arg1: memref<1024x128xf32, #tpu.memory_space<vmem>>, %arg2: memref<1024x128xf32, #tpu.memory_space<vmem>>, %arg3: memref<1024x128xf32, #tpu.memory_space<vmem>>, %arg4: memref<128x128xf32, #tpu.memory_space<vmem>>, %arg5: memref<1x128xf32, #tpu.memory_space<vmem>>, %arg6: memref<128x128xf32, #tpu.memory_space<vmem>>, %arg7: memref<1x128xf32, #tpu.memory_space<vmem>>, %arg8: memref<128x128xf32, #tpu.memory_space<vmem>>, %arg9: memref<1x128xf32, #tpu.memory_space<vmem>>, %arg10: memref<128x64xf32, #tpu.memory_space<vmem>>, %arg11: memref<1x64xf32, #tpu.memory_space<vmem>>, %arg12: memref<1024x64xf32, #tpu.memory_space<vmem>>) attributes {dimension_semantics = [#tpu.dimension_semantics<arbitrary>], iteration_bounds = array<i64: 4>, scalar_prefetch = 0 : i64, scratch_operands = 0 : i64, tpu.core_type = #tpu.core_type<tc>, window_params = [{transform_indices = @transform_0, window_bounds = array<i64: 1024, 128>}, {transform_indices = @transform_1, window_bounds = array<i64: 1024, 128>}, {transform_indices = @transform_2, window_bounds = array<i64: 1024, 128>}, {pipeline_mode = #tpu.pipeline_mode<synchronous>, transform_indices = @transform_3, window_bounds = array<i64: 128, 128>}, {pipeline_mode = #tpu.pipeline_mode<synchronous>, transform_indices = @transform_4, window_bounds = array<i64: 1, 128>}, {pipeline_mode = #tpu.pipeline_mode<synchronous>, transform_indices = @transform_5, window_bounds = array<i64: 128, 128>}, {pipeline_mode = #tpu.pipeline_mode<synchronous>, transform_indices = @transform_6, window_bounds = array<i64: 1, 128>}, {pipeline_mode = #tpu.pipeline_mode<synchronous>, transform_indices = @transform_7, window_bounds = array<i64: 128, 128>}, {pipeline_mode = #tpu.pipeline_mode<synchronous>, transform_indices = @transform_8, window_bounds = array<i64: 1, 128>}, {pipeline_mode = #tpu.pipeline_mode<synchronous>, transform_indices = @transform_9, window_bounds = array<i64: 128, 64>}, {pipeline_mode = #tpu.pipeline_mode<synchronous>, transform_indices = @transform_10, window_bounds = array<i64: 1, 64>}, {transform_indices = @transform_11, window_bounds = array<i64: 1024, 64>}]} {
    %get3A = arith.constant 0 : index
    %get3A_0 = arith.constant 0 : index
    %get3A_1 = vector.load %arg1[%get3A, %get3A_0] : memref<1024x128xf32, #tpu.memory_space<vmem>>, vector<1024x128xf32>
    %get3A_2 = arith.constant 0 : index
    %get3A_3 = arith.constant 0 : index
    %get3A_4 = vector.load %arg2[%get3A_2, %get3A_3] : memref<1024x128xf32, #tpu.memory_space<vmem>>, vector<1024x128xf32>
    %add3A = arith.addf %get3A_1, %get3A_4 : vector<1024x128xf32>
    %get3A_5 = arith.constant 0 : index
    %get3A_6 = arith.constant 0 : index
    %get3A_7 = vector.load %arg3[%get3A_5, %get3A_6] : memref<1024x128xf32, #tpu.memory_space<vmem>>, vector<1024x128xf32>
    %add3A_8 = arith.addf %add3A, %get3A_7 : vector<1024x128xf32>
    %get3A_9 = arith.constant 0 : index
    %get3A_10 = arith.constant 0 : index
    %get3A_11 = vector.load %arg4[%get3A_9, %get3A_10] : memref<128x128xf32, #tpu.memory_space<vmem>>, vector<128x128xf32>
    %dot_general3A = arith.constant dense<0.000000e+00> : vector<1024x128xf32>
    %dot_general3A_12 = tpu.matmul %add3A_8, %get3A_11, %dot_general3A {dimension_numbers = #tpu.dot_dimension_numbers<[1], [0], [0], [1], [0, 0, 1, 1], [], []>, transpose_lhs_hint = false} : vector<1024x128xf32>, vector<128x128xf32>, vector<1024x128xf32> -> vector<1024x128xf32>
    %get3A_13 = arith.constant 0 : index
    %get3A_14 = arith.constant 0 : index
    %get3A_15 = vector.load %arg5[%get3A_13, %get3A_14] : memref<1x128xf32, #tpu.memory_space<vmem>>, vector<1x128xf32>
    %add3A_16 = vector.broadcast %get3A_15 : vector<1x128xf32> to vector<1024x128xf32>
    %add3A_17 = arith.addf %dot_general3A_12, %add3A_16 : vector<1024x128xf32>
    %max3A = arith.constant 0.000000e+00 : f32
    %max3A_18 = vector.broadcast %max3A : f32 to vector<1024x128xf32>
    %max3A_19 = arith.maximumf %add3A_17, %max3A_18 : vector<1024x128xf32>
    %get3A_20 = arith.constant 0 : index
    %get3A_21 = arith.constant 0 : index
    %get3A_22 = vector.load %arg6[%get3A_20, %get3A_21] : memref<128x128xf32, #tpu.memory_space<vmem>>, vector<128x128xf32>
    %dot_general3A_23 = arith.constant dense<0.000000e+00> : vector<1024x128xf32>
    %dot_general3A_24 = tpu.matmul %max3A_19, %get3A_22, %dot_general3A_23 {dimension_numbers = #tpu.dot_dimension_numbers<[1], [0], [0], [1], [0, 0, 1, 1], [], []>, transpose_lhs_hint = false} : vector<1024x128xf32>, vector<128x128xf32>, vector<1024x128xf32> -> vector<1024x128xf32>
    %get3A_25 = arith.constant 0 : index
    %get3A_26 = arith.constant 0 : index
    %get3A_27 = vector.load %arg7[%get3A_25, %get3A_26] : memref<1x128xf32, #tpu.memory_space<vmem>>, vector<1x128xf32>
    %add3A_28 = vector.broadcast %get3A_27 : vector<1x128xf32> to vector<1024x128xf32>
    %add3A_29 = arith.addf %dot_general3A_24, %add3A_28 : vector<1024x128xf32>
    %max3A_30 = arith.constant 0.000000e+00 : f32
    %max3A_31 = vector.broadcast %max3A_30 : f32 to vector<1024x128xf32>
    %max3A_32 = arith.maximumf %add3A_29, %max3A_31 : vector<1024x128xf32>
    %get3A_33 = arith.constant 0 : index
    %get3A_34 = arith.constant 0 : index
    %get3A_35 = vector.load %arg8[%get3A_33, %get3A_34] : memref<128x128xf32, #tpu.memory_space<vmem>>, vector<128x128xf32>
    %dot_general3A_36 = arith.constant dense<0.000000e+00> : vector<1024x128xf32>
    %dot_general3A_37 = tpu.matmul %max3A_32, %get3A_35, %dot_general3A_36 {dimension_numbers = #tpu.dot_dimension_numbers<[1], [0], [0], [1], [0, 0, 1, 1], [], []>, transpose_lhs_hint = false} : vector<1024x128xf32>, vector<128x128xf32>, vector<1024x128xf32> -> vector<1024x128xf32>
    %get3A_38 = arith.constant 0 : index
    %get3A_39 = arith.constant 0 : index
    %get3A_40 = vector.load %arg9[%get3A_38, %get3A_39] : memref<1x128xf32, #tpu.memory_space<vmem>>, vector<1x128xf32>
    %add3A_41 = vector.broadcast %get3A_40 : vector<1x128xf32> to vector<1024x128xf32>
    %add3A_42 = arith.addf %dot_general3A_37, %add3A_41 : vector<1024x128xf32>
    %max3A_43 = arith.constant 0.000000e+00 : f32
    %max3A_44 = vector.broadcast %max3A_43 : f32 to vector<1024x128xf32>
    %max3A_45 = arith.maximumf %add3A_42, %max3A_44 : vector<1024x128xf32>
    %get3A_46 = arith.constant 0 : index
    %get3A_47 = arith.constant 0 : index
    %get3A_48 = vector.load %arg10[%get3A_46, %get3A_47] : memref<128x64xf32, #tpu.memory_space<vmem>>, vector<128x64xf32>
    %dot_general3A_49 = arith.constant dense<0.000000e+00> : vector<1024x64xf32>
    %dot_general3A_50 = tpu.matmul %max3A_45, %get3A_48, %dot_general3A_49 {dimension_numbers = #tpu.dot_dimension_numbers<[1], [0], [0], [1], [0, 0, 1, 1], [], []>, transpose_lhs_hint = false} : vector<1024x128xf32>, vector<128x64xf32>, vector<1024x64xf32> -> vector<1024x64xf32>
    %get3A_51 = arith.constant 0 : index
    %get3A_52 = arith.constant 0 : index
    %get3A_53 = vector.load %arg11[%get3A_51, %get3A_52] : memref<1x64xf32, #tpu.memory_space<vmem>>, vector<1x64xf32>
    %add3A_54 = vector.broadcast %get3A_53 : vector<1x64xf32> to vector<1024x64xf32>
    %add3A_55 = arith.addf %dot_general3A_50, %add3A_54 : vector<1024x64xf32>
    %reduce_max3A = arith.constant dense<0xFF800000> : vector<1024xf32>
    %reduce_max3A_56 = vector.multi_reduction <maximumf>, %add3A_55, %reduce_max3A [1] : vector<1024x64xf32> to vector<1024xf32>
    %broadcast_in_dim3A = vector.shape_cast %reduce_max3A_56 : vector<1024xf32> to vector<1024x1xf32>
    %sub3A = vector.broadcast %broadcast_in_dim3A : vector<1024x1xf32> to vector<1024x64xf32>
    %sub3A_57 = arith.subf %add3A_55, %sub3A : vector<1024x64xf32>
    %exp3A = math.exp %sub3A_57 : vector<1024x64xf32>
    %reduce_sum3A = arith.constant dense<0.000000e+00> : vector<1024xf32>
    %reduce_sum3A_58 = vector.multi_reduction <add>, %exp3A, %reduce_sum3A [1] : vector<1024x64xf32> to vector<1024xf32>
    %broadcast_in_dim3A_59 = vector.shape_cast %reduce_sum3A_58 : vector<1024xf32> to vector<1024x1xf32>
    %sub3A_60 = vector.broadcast %broadcast_in_dim3A : vector<1024x1xf32> to vector<1024x64xf32>
    %sub3A_61 = arith.subf %add3A_55, %sub3A_60 : vector<1024x64xf32>
    %log3A = math.log %broadcast_in_dim3A_59 : vector<1024x1xf32>
    %sub3A_62 = vector.broadcast %log3A : vector<1024x1xf32> to vector<1024x64xf32>
    %sub3A_63 = arith.subf %sub3A_61, %sub3A_62 : vector<1024x64xf32>
    %swap3A = arith.constant 0 : index
    %swap3A_64 = arith.constant 0 : index
    %swap3A_65 = vector.load %arg12[%swap3A, %swap3A_64] : memref<1024x64xf32, #tpu.memory_space<vmem>>, vector<1024x64xf32>
    tpu.vector_store %arg12[%swap3A, %swap3A_64], %sub3A_63 {strides = array<i32>} : memref<1024x64xf32, #tpu.memory_space<vmem>>, vector<1024x64xf32>,
    return
  }
  func.func @transform_0(%arg0: i32) -> (i32, i32) {
    %add3A = arith.constant 0 : i32
    %add3A_0 = arith.addi %arg0, %add3A : i32
    %c0_i32 = arith.constant 0 : i32
    %c0_i32_1 = arith.constant 0 : i32
    return %add3A_0, %c0_i32 : i32, i32
  }
  func.func @transform_1(%arg0: i32) -> (i32, i32) {
    %add3A = arith.constant 4 : i32
    %add3A_0 = arith.addi %arg0, %add3A : i32
    %c0_i32 = arith.constant 0 : i32
    %c0_i32_1 = arith.constant 0 : i32
    return %add3A_0, %c0_i32 : i32, i32
  }
  func.func @transform_2(%arg0: i32) -> (i32, i32) {
    %add3A = arith.constant 0 : i32
    %add3A_0 = arith.addi %arg0, %add3A : i32
    %c0_i32 = arith.constant 0 : i32
    %c0_i32_1 = arith.constant 0 : i32
    return %add3A_0, %c0_i32 : i32, i32
  }
  func.func @transform_3(%arg0: i32) -> (i32, i32) {
    %c0_i32 = arith.constant 0 : i32
    %c0_i32_0 = arith.constant 0 : i32
    %c0_i32_1 = arith.constant 0 : i32
    return %c0_i32, %c0_i32_0 : i32, i32
  }
  func.func @transform_4(%arg0: i32) -> (i32, i32) {
    %c0_i32 = arith.constant 0 : i32
    %c0_i32_0 = arith.constant 0 : i32
    %c0_i32_1 = arith.constant 0 : i32
    return %c0_i32, %c0_i32_0 : i32, i32
  }
  func.func @transform_5(%arg0: i32) -> (i32, i32) {
    %c0_i32 = arith.constant 0 : i32
    %c0_i32_0 = arith.constant 0 : i32
    %c0_i32_1 = arith.constant 0 : i32
    return %c0_i32, %c0_i32_0 : i32, i32
  }
  func.func @transform_6(%arg0: i32) -> (i32, i32) {
    %c0_i32 = arith.constant 0 : i32
    %c0_i32_0 = arith.constant 0 : i32
    %c0_i32_1 = arith.constant 0 : i32
    return %c0_i32, %c0_i32_0 : i32, i32
  }
  func.func @transform_7(%arg0: i32) -> (i32, i32) {
    %c0_i32 = arith.constant 0 : i32
    %c0_i32_0 = arith.constant 0 : i32
    %c0_i32_1 = arith.constant 0 : i32
    return %c0_i32, %c0_i32_0 : i32, i32
  }
  func.func @transform_8(%arg0: i32) -> (i32, i32) {
    %c0_i32 = arith.constant 0 : i32
    %c0_i32_0 = arith.constant 0 : i32
    %c0_i32_1 = arith.constant 0 : i32
    return %c0_i32, %c0_i32_0 : i32, i32
  }
  func.func @transform_9(%arg0: i32) -> (i32, i32) {
    %c0_i32 = arith.constant 0 : i32
    %c0_i32_0 = arith.constant 0 : i32
    %c0_i32_1 = arith.constant 0 : i32
    return %c0_i32, %c0_i32_0 : i32, i32
  }
  func.func @transform_10(%arg0: i32) -> (i32, i32) {
    %c0_i32 = arith.constant 0 : i32
    %c0_i32_0 = arith.constant 0 : i32
    %c0_i32_1 = arith.constant 0 : i32
    return %c0_i32, %c0_i32_0 : i32, i32
  }
  func.func @transform_11(%arg0: i32) -> (i32, i32) {
    %c0_i32 = arith.constant 0 : i32
    %c0_i32_0 = arith.constant 0 : i32
    return %arg0, %c0_i32 : i32, i32
  }
}

</mosaic_0001>

<sc_bundles>
// kernel: kernel.6.cloned.1.call-start
scs
__scs_entry_jumppad:
0x0: {  	(pc) =	sbr.rel $0x88, $3  }
0x1: {  	(tag) =	ssettag $0x0;
	lr =	simm.s32 $0x1  }
0x2: {  	[smem:$0x3F8C] =	sst lr;
	_ =	strace $0xD0000000  }
0x3: {  	_ = 	snop  }
0x4: {  	_ = 	snop  }
0x5: {  	_ = 	snop  }
0x6: {  	_ = 	snop  }
0x7: {  	_ = 	snop  }
__scs_overlays_trampoline_lowered:
0x8: {  	[smem:$0x3F9B] =	sst s0  }
0x9: {  	[smem:$0x3F9C] =	sst s1  }
0xa: {  	[smem:$0x3F9D] =	sst s2  }
0xb: {  	[smem:$0x3F9E] =	sst s3  }
0xc: {  	[smem:$0x3F9F] =	sst s4  }
0xd: {  	[smem:$0x3FA0] =	sst s5  }
0xe: {  	[smem:$0x3FA1] =	sst s6  }
0xf: {  	[smem:$0x3FA2] =	sst s7  }
0x10: {  	[smem:$0x3FA3] =	sst s8  }
0x11: {  	[smem:$0x3FA4] =	sst s9;
	s0 =	simm.s32 @!p0 $0x0  }
0x12: {  	s1 =	sld [smem:$0x3F8A];
	s0 =	simm.s32 @p0 $0x1  }
0x13: {  	[smem:$0x3FA5] =	sst s0;
	s0 =	simm.s32 @!p1 $0x0  }
0x14: {  	s2 =	sld [smem:$0x3F89];
	s0 =	simm.s32 @p1 $0x1  }
0x15: {  	[smem:$0x3FA6] =	sst s0;
	s0 =	simm.s32 @!p2 $0x0  }
0x16: {  	s3 =	sld [smem:$0x3FDB];
	s0 =	simm.s32 @p2 $0x1  }
0x17: {  	s4 =	simm.s32 $0x1BF5;
	[smem:$0x3FA8] =	sst s0  }
0x18: {  	s0 =	sld [smem:$0x3F8B];
	_ =	swait.ge [sflag:s4], $0x0  }
0x19: {  	s7 =	sld [smem:$0x3F8C]  }
0x1a: {  	s8 =	sadd.s32 $0xFFFFE003, lr  }
0x1b: {  	s9 =	sadd.s32 $0xFFFFFEF7, lr;
	s5 =	simm.s32 $0xFFFFFFFF;
	p2 =	slt.u32 s8, $0xFFFFF086  }
0x1c: {  	p1 =	slt.u32 s9, $0xF7A;
	s5 =	simm.s32 @!p2 $0x0  }
0x1d: {  	s5 =	simm.s32 @p1 $0x1;
	p0 =	seq.s32 s7, s2  }
0x1e: {  	s7 =	smul.u32 @!p0 $0xF7A, s2;
	p2 =	seq.s32 @!p0 s5, $0x0  }
0x1f: {  	s9 =	smul.u32 $0xF7A, s1;
	s8 =	simm.s32 @!p0 $0x1BF5;
	p2 =	por !p2, p0  }
0x20: {  	[sflag:s8] =	ssyncset.s32 @!p0 $0xFFFFF086;
	s6 =	sadd.s32 @!p0 s3, s7;
	s7 =	simm.s32 @!p0 $0x108  }
0x21: {  	s3 =	sadd.s32 s3, s9;
	s6 =	sadd.s32 @!p0 $0x88, s6;
	s7 =	simm.s32 @p2 $0x1082  }
0x22: {  	[simem:s7], [sflag:s8] =	dma.local @!p0 [hbm:s6], $0xF7A  }
0x23: {  	s9 =	sor.u32 $0xD0000000, s2;
	s6 =	simm.s32 $0x108;
	_ =	swait.ge @!p0 [sflag:s8], $0x0  }
0x24: {  	s3 =	sadd.s32 $0x88, s3;
	s6 =	simm.s32 @!p1 $0x1082;
	[sflag:s4] =	ssyncset.s32 $0xFFFFF086  }
0x25: {  	[simem:s6], [sflag:s4] =	dma.local [hbm:s3], $0xF7A  }
0x26: {  	[smem:$0x3F8C] =	sst s1;
	(tag) =	ssettag s2;
	_ =	strace s9  }
0x27: {  	s1 =	sld [smem:$0x3F9C]  }
0x28: {  	s2 =	sld [smem:$0x3F9D]  }
0x29: {  	s4 =	sld [smem:$0x3F9F]  }
0x2a: {  	p0 =	seq.s32 s5, $0x0;
	s5 =	sld [smem:$0x3FA0]  }
0x2b: {  	s6 =	sld [smem:$0x3FA1]  }
0x2c: {  	s7 =	sld [smem:$0x3FA2]  }
0x2d: {  	s3 =	simm.s32 $0x108;
	s8 =	sld [smem:$0x3FA3]  }
0x2e: {  	s3 =	simm.s32 @!p0 $0x1082;
	s9 =	sld [smem:$0x3FA4]  }
0x2f: {  	lr =	sadd.s32 s0, s3;
	s0 =	sld [smem:$0x3F9B]  }
0x30: {  	s3 =	sld [smem:$0x3F9E]  }
0x31: {  	[smem:$0x3FA7] =	sst s10  }
0x32: {  	s10 =	sld [smem:$0x3FA5];
	_ =	sdelay $0x3  }
0x33: {  	p0 =	seq.s32 s10, $0x1;
	s10 =	sld [smem:$0x3FA7];
	_ =	sdelay $0x3  }
0x34: {  	[smem:$0x3FA7] =	sst s10  }
0x35: {  	s10 =	sld [smem:$0x3FA6];
	_ =	sdelay $0x3  }
0x36: {  	p1 =	seq.s32 s10, $0x1;
	s10 =	sld [smem:$0x3FA7];
	_ =	sdelay $0x3  }
0x37: {  	[smem:$0x3FA7] =	sst s10  }
0x38: {  	s10 =	sld [smem:$0x3FA8]  }
0x39: {  	_ = 	snop;
	(pc) =	sbr.ind lr, $3  }
0x3a: {  	_ = 	snop  }
0x3b: {  	_ = 	snop  }
0x3c: {  	p2 =	seq.s32 s10, $0x1;
	s10 =	sld [smem:$0x3FA7]  }
0x3d: {  	_ =	shalt  }
0x3e: {  	_ =	shalt  }
0x3f: {  	_ =	shalt  }
0x40: {  	_ =	shalt  }
0x41: {  	_ =	shalt  }
0x42: {  	_ =	shalt  }
0x43: {  	_ =	shalt  }
0x44: {  	_ =	shalt  }
0x45: {  	_ =	shalt  }
0x46: {  	_ =	shalt  }
0x47: {  	_ =	shalt  }
0x48: {  	_ =	shalt  }
0x49: {  	_ =	shalt  }
0x4a: {  	_ =	shalt  }
0x4b: {  	_ =	shalt  }
0x4c: {  	_ =	shalt  }
0x4d: {  	_ =	shalt  }
0x4e: {  	_ =	shalt  }
0x4f: {  	_ =	shalt  }
0x50: {  	_ =	shalt  }
0x51: {  	_ =	shalt  }
0x52: {  	_ =	shalt  }
0x53: {  	_ =	shalt  }
0x54: {  	_ =	shalt  }
0x55: {  	_ =	shalt  }
0x56: {  	_ =	shalt  }
0x57: {  	_ =	shalt  }
0x58: {  	_ =	shalt  }
0x59: {  	_ =	shalt  }
0x5a: {  	_ =	shalt  }
0x5b: {  	_ =	shalt  }
0x5c: {  	_ =	shalt  }
0x5d: {  	_ =	shalt  }
0x5e: {  	_ =	shalt  }
0x5f: {  	_ =	shalt  }
0x60: {  	_ =	shalt  }
0x61: {  	_ =	shalt  }
0x62: {  	_ =	shalt  }
0x63: {  	_ =	shalt  }
0x64: {  	_ =	shalt  }
0x65: {  	_ =	shalt  }
0x66: {  	_ =	shalt  }
0x67: {  	_ =	shalt  }
0x68: {  	_ =	shalt  }
0x69: {  	_ =	shalt  }
0x6a: {  	_ =	shalt  }
0x6b: {  	_ =	shalt  }
0x6c: {  	_ =	shalt  }
0x6d: {  	_ =	shalt  }
0x6e: {  	_ =	shalt  }
0x6f: {  	_ =	shalt  }
0x70: {  	_ =	shalt  }
0x71: {  	_ =	shalt  }
0x72: {  	_ =	shalt  }
0x73: {  	_ =	shalt  }
0x74: {  	_ =	shalt  }
0x75: {  	_ =	shalt  }
0x76: {  	_ =	shalt  }
0x77: {  	_ =	shalt  }
0x78: {  	_ =	shalt  }
0x79: {  	_ =	shalt  }
0x7a: {  	_ =	shalt  }
0x7b: {  	_ =	shalt  }
0x7c: {  	_ =	shalt  }
0x7d: {  	_ =	shalt  }
0x7e: {  	_ =	shalt  }
0x7f: {  	_ =	shalt  }
0x80: {  	_ =	shalt  }
0x81: {  	_ =	shalt  }
0x82: {  	_ =	shalt  }
0x83: {  	_ =	shalt  }
0x84: {  	_ =	shalt  }
0x85: {  	_ =	shalt  }
0x86: {  	_ =	shalt  }
0x87: {  	_ =	shalt  }
.Lfunc_end0:
.L_simem_size_0:
called_computation_lowered:
.L_overlay_start_0:
0x88: {  	s2 =	sld [smem:$0x3FD9]  }
0x89: {  	s3 =	sld [smem:$0x3FFE];
	_ =	sdelay $0x1  }
0x8a: {  	s1 =	srdreg.scid  }
0x8b: {  	s0 =	sand.u32 $0x1, s1  }
0x8c: {  	s17 =	sshll.u32 s0, $0xA;
	s2 =	sadd.s32 s3, s2  }
0x8d: {  	s2 =	sadd.s32 s2, s17  }
0x8e: {  	[smem:$0x3FB3] =	sst s2  }
0x8f: {  	_ = 	snop  }
0x90: {  	s2 =	sld [smem:$0x3FC9]  }
0x91: {  	s18 =	sld [smem:$0x3FC8]  }
0x92: {  	s4 =	sld [smem:$0x3FC7]  }
0x93: {  	s5 =	sld [smem:$0x3FD0];
	(tm) =	ssettm $0x1  }
0x94: {  	s6 =	sld [smem:$0x3FFB];
	_ =	sdelay $0x3  }
0x95: {  	_ =	strace s6  }
0x96: {  	s6 =	sld [smem:$0x3FFC];
	_ =	sdelay $0x3  }
0x97: {  	_ =	strace s6  }
0x98: {  	s6 =	sld [smem:$0x3FFD];
	_ =	sdelay $0x3  }
0x99: {  	_ =	strace s6  }
0x9a: {  	_ =	strace $0x8FFFFFFF  }
0x9b: {  	s19 =	sld [smem:$0x3FDB];
	_ =	sdelay $0x1  }
0x9c: {  	s7 =	simm.s32 $_scs_section_size  }
0x9d: {  	s8 =	simm.s32 $_size__tile_overlayer_lowered;
	s9 =	simm.s32 $_tile_overlayer_lowered  }
0x9e: {  	s22 =	simm.s32 $0x1BFF;
	s21 =	sshll.u32 s9, $0x1;
	s6 =	sadd.s32 s7, s19  }
0x9f: {  	s10 =	simm.s32 $0x0;
	s20 =	sshll.u32 s8, $0x1;
	s8 =	sadd.s32 s21, s6  }
0xa0: {  	[timem:s10], [sflag:s22] =	dma.local [hbm:s8], s20  }
0xa1: {  	_ =	swait.ge [sflag:s22], s20  }
0xa2: {  	s7 =	ssub.s32 $0x0, s20;
	[sflag:s22] =	ssyncset.done $0x0  }
0xa3: {  	[sflag:s22] =	ssyncadd.s32 s7;
	_ =	sdelay $0x1  }
0xa4: {  	s23 =	simm.s32 $0x1B8B  }
0xa5: {  	_ =	swait.ge [sflag:s23], $0x1  }
0xa6: {  	[sflag:s23] =	ssyncset.done $0x0  }
0xa7: {  	s25 =	simm.s32 $0x1B8E;
	s24 =	sld [smem:$0x3FFE];
	[sflag:s23] =	ssyncadd.s32 $0xFFFFFFFF  }
0xa8: {  	s26 =	simm.s32 $execute0_lowered;
	[smem:$0x3FD2] =	sst s25  }
0xa9: {  	s8 =	sshll.u32 s26, $0x1;
	_ =	strace $0x80000046;
	[dreg:$0x1] =	wrdreg $0xFFFFFFFF  }
0xaa: {  	s28 =	simm.s32 $_size_execute0_lowered;
	s6 =	sadd.s32 s6, s8;
	[dreg:$0x0] =	wrdreg $0x0  }
0xab: {  	s8 =	sshll.u32 s28, $0x1;
	[dreg:$0x2] =	wrdreg s6  }
0xac: {  	[dreg:$0x3] =	wrdreg s8  }
0xad: {  	[dreg:$0x4] =	wrdreg $0xC0  }
0xae: {  	_ =	task [dreg:s10], $0x5FFFF  }
0xaf: {  	[dreg:$0x1] =	wrdreg $0xFFFFFFFF  }
0xb0: {  	[dreg:$0x0] =	wrdreg $0x60  }
0xb1: {  	[dreg:$0x2] =	wrdreg s2  }
0xb2: {  	[dreg:$0x3] =	wrdreg s18  }
0xb3: {  	[dreg:$0x4] =	wrdreg s4  }
0xb4: {  	[dreg:$0x5] =	wrdreg s5  }
0xb5: {  	[dreg:$0x6] =	wrdreg s24  }
0xb6: {  	[dreg:$0x7] =	wrdreg $0xC4000  }
0xb7: {  	[dreg:$0x8] =	wrdreg $0x9  }
0xb8: {  	_ =	task.clear_ibuf [dreg:s10], $0x9FFFF;
	_ =	strace $0x90000046  }
0xb9: {  	s29 =	simm.s32 $0x9;
	_ =	strace $0x80000048  }
0xba: {  	_ =	swait.ge [sflag:s29], $0x1  }
0xbb: {  	[sflag:s29] =	ssyncadd.s32 $0xFFFFFFFF  }
0xbc: {  	_ =	strace $0x90000048  }
0xbd: {  	_ =	sfence  }
0xbe: {  	s30 =	sld [smem:$0x0];
	_ =	sdelay $0x2  }
0xbf: {  	s31 =	sshll.u32 s1, $0xD;
	s1 =	sshrl.u32 s1, $0x2  }
0xc0: {  	s3 =	sand.u32 $0x4000, s31;
	s1 =	sadd.s32 s1, s30  }
0xc1: {  	s0 =	sor.u32 s3, s0;
	s1 =	sshll.u32 s1, $0x11  }
0xc2: {  	s0 =	sor.u32 s1, s0  }
0xc3: {  	s0 =	sadd.s32 $0x8F2B, s0  }
0xc4: {  	[sflag:s0] =	ssyncadd.remote.s32 $0x1  }
0xc5: {  	_ =	sfence.sel $0xFFFF  }
0xc6: {  	[dreg:$0x0] =	wrdreg $0xFFFFFFFF;
	(pc) =	sbr.abs _section_cstart, $3  }
0xc7: {  	[dreg:$0x1] =	wrdreg $0xFFFFFFFF  }
0xc8: {  	_ =	task.clear_ibuf [dreg:s10], $0x2FFFF;
	_ =	strace $0x9FFFFFFF  }
0xc9: {  	(tm) =	ssettm $0x7FFFFFFF  }
tec
execute0_lowered:
.L_overlay_start_1:
0x0: {  	(tag) =	ssettag $0x1  }
0x1: {  	s0 =	rddreg [dreg:$0x0]  }
0x2: {  	s2 =	rddreg [dreg:$0x1]  }
0x3: {  	s1 =	rddreg [dreg:$0x2]  }
0x4: {  	s6 =	rddreg [dreg:$0x4]  }
0x5: {  	s3 =	rddreg [dreg:$0x5];
	s5 =	srdreg.scid;
	s4 =	simm.s32 $0x0  }
0x6: {  	s29 =	simm.s32 $0x2;
	s31 =	simm.s32 $0x0;
	s14 =	sand.u32 $0x1, s5  }
0x7: {  	[smem:$0x7FF] =	sst s4;
	s5 =	stileid.u32;
	s17 =	sadd.s32 $0x3E00, s6  }
0x8: {  	s7 =	ssub.s32 $0x2, s14;
	_ =	strace $0x80000047;
	s15 =	sshll.u32 s5, $0x4  }
0x9: {  	s11 =	smul.u32 $0x4E000, s5;
	s21 =	sshll.u32 s5, $0x6;
	s13 =	ssub.s32 $0x9C4, s5  }
0xa: {  	s22 =	ssub.s32 $0x9A4, s5;
	s23 =	ssub.s32 $0x9B4, s5;
	p0 =	sne.s32 s5, $0x0  }
0xb: {  	p1 =	seq.s32 s5, $0xF;
	s8 =	sshrl.u32 s7, $0x1;
	[dreg:$0x7] =	wrdreg s13  }
0xc: {  	s16 =	sadd.s32 s2, s15;
	s18 =	sadd.s32 s1, s15;
	[dreg:$0x8] =	wrdreg s22  }
0xd: {  	s19 =	sor.u32 $0x100, s15;
	s12 =	sor.u32 $0x200, s15;
	[dreg:$0x9] =	wrdreg s23  }
0xe: {  	s30 =	sor.u32 $0x600, s15;
	s23 =	smul.u32 $0x138800, s14;
	[dreg:$0x16] =	wrdreg s16  }
0xf: {  	s6 =	ssub.s32 s7, s8;
	[dreg:$0x17] =	wrdreg s18;
	s16 =	sand.u32 $0x70, s15  }
0x10: {  	s8 =	sadd.s32 s2, s19;
	s9 =	sadd.s32 s1, s19;
	s10 =	sadd.s32 s2, s12  }
0x11: {  	s20 =	sshrl.u32 s11, $0x2;
	s11 =	sadd.s32 s1, s12;
	s18 =	smul.u32 $0x27100, s14  }
0x12: {  	s12 =	sor.u32 $0x1C09, s21;
	s19 =	smul.u32 $0x2780, s5;
	s21 =	sor.u32 $0x700, s15  }
0x13: {  	s7 =	sadd.s32 s20, s3;
	s20 =	sor.u32 $0x800, s15;
	s26 =	sand.u32 $0x780, s21  }
0x14: {  	s21 =	sand.u32 $0x680, s30;
	s30 =	sor.u32 $0x400, s15;
	s24 =	sadd.s32 s19, s18  }
0x15: {  	s25 =	sand.u32 $0x880, s20;
	s19 =	smul.u32 $0x4F000, s5;
	s28 =	sadd.s32 s26, s2  }
0x16: {  	s22 =	sadd.s32 s21, s2;
	s13 =	sadd.s32 s17, s24;
	s20 =	sadd.s32 s25, s2  }
0x17: {  	s18 =	sadd.s32 s25, s1;
	s24 =	sadd.s32 s21, s1;
	s20 =	sadd.s32 s16, s20  }
0x18: {  	s25 =	sor.u32 $0x500, s15;
	s18 =	sadd.s32 s16, s18;
	[dreg:$0xa] =	wrdreg s20  }
0x19: {  	s21 =	sand.u32 $0x580, s25;
	s25 =	sor.u32 $0x300, s15;
	[dreg:$0xb] =	wrdreg s18  }
0x1a: {  	s18 =	sadd.s32 s16, s28;
	s20 =	sadd.s32 s26, s1;
	s26 =	sadd.s32 s21, s2  }
0x1b: {  	s28 =	sadd.s32 s21, s1;
	s21 =	sand.u32 $0x480, s30;
	s30 =	sand.u32 $0x380, s25  }
0x1c: {  	s25 =	simm.s32 $0x9;
	[dreg:$0xc] =	wrdreg s18;
	s20 =	sadd.s32 s16, s20  }
0x1d: {  	s18 =	sshrl.u32 s23, $0x3;
	s23 =	sadd.s32 s21, s2;
	s2 =	sadd.s32 s30, s2  }
0x1e: {  	[dreg:$0xd] =	wrdreg s20;
	s20 =	sadd.s32 s16, s22;
	s17 =	sadd.s32 s17, s18  }
0x1f: {  	s18 =	sadd.s32 s16, s26;
	s22 =	sadd.s32 $0x138000, s3;
	s26 =	sadd.s32 s21, s1  }
0x20: {  	s2 =	sadd.s32 s16, s2;
	s1 =	sadd.s32 s30, s1;
	[dreg:$0xe] =	wrdreg s20  }
0x21: {  	s21 =	sshrl.u32 s7, $0x3;
	s20 =	sadd.s32 s16, s24;
	[dreg:$0x10] =	wrdreg s18  }
0x22: {  	s24 =	sshrl.u32 s19, $0x2;
	s18 =	sadd.s32 s16, s23;
	s15 =	sadd.s32 s16, s26  }
0x23: {  	[dreg:$0x14] =	wrdreg s2;
	s1 =	sadd.s32 s16, s1;
	s22 =	sshrl.u32 @!p0 s22, $0x3  }
0x24: {  	s26 =	simm.s32 $0x1;
	[dreg:$0xf] =	wrdreg s20;
	s20 =	sadd.s32 s16, s28  }
0x25: {  	s28 =	smul.u32 $0x2710, s14;
	s19 =	sadd.s32 s24, s3;
	[dreg:$0x12] =	wrdreg s18  }
0x26: {  	s18 =	sadd.s32 $0x128400, s3;
	s14 =	sadd.s32 $0x25080, s17;
	[dreg:$0x13] =	wrdreg s15  }
0x27: {  	s15 =	smax.u32 s6, $0x1;
	[dreg:$0x15] =	wrdreg s1;
	s17 =	simm.s32 $0x80  }
0x28: {  	[dreg:$0x11] =	wrdreg s20;
	s23 =	sshrl.u32 @p1 s18, $0x3;
	s24 =	sshrl.u32 @!p1 s19, $0x3;
	v0 =	vmov s28  }
.LBB2_1:
0x29: {  	s1 =	rddreg [dreg:$0x16]  }
0x2a: {  	[tilespmem:s4], [sflag:$0x1] =	stream.linear.gather [hbm4b:s1+s4], $0x80, $0x38;
	[tilespmem:$0x1FCC0] =	vst v63  }
0x2b: {  	s16 =	rddreg [dreg:$0x17];
	s2 =	simm.s32 $0x180  }
0x2c: {  	[tilespmem:s2], [sflag:$0x1] =	stream.linear.gather [hbm4b:s16+s4], $0x80, $0x38;
	[tilespmem:$0x1FCC0] =	vst v63  }
0x2d: {  	_ = 	snop  }
0x2e: {  	[tilespmem:s17], [sflag:$0x2] =	stream.linear.gather [hbm4b:s8+s4], $0x80, $0x38;
	[tilespmem:$0x1FCC0] =	vst v63  }
0x2f: {  	s18 =	simm.s32 $0x200  }
0x30: {  	[tilespmem:s18], [sflag:$0x2] =	stream.linear.gather [hbm4b:s9+s4], $0x80, $0x38;
	[tilespmem:$0x1FCC0] =	vst v63  }
0x31: {  	s19 =	simm.s32 $0x100  }
0x32: {  	[tilespmem:s19], [sflag:$0x3] =	stream.linear.gather [hbm4b:s10+s4], $0x80, $0x38;
	[tilespmem:$0x1FCC0] =	vst v63  }
0x33: {  	s20 =	simm.s32 $0x280;
	s1 =	rddreg [dreg:$0x3]  }
0x34: {  	[tilespmem:s20], [sflag:$0x3] =	stream.linear.gather [hbm4b:s11+s4], $0x80, $0x38;
	[tilespmem:$0x1FCC0] =	vst v63  }
0x35: {  	[spmem:s21], [sflag:s12] =	dma.local [hbm:s1], $0x2700  }
0x36: {  	_ =	swait.ge [sflag:s25], $0x2700  }
0x37: {  	[sflag:s25] =	ssyncset.done $0x0  }
0x38: {  	[sflag:s25] =	ssyncadd.s32 $0xFFFFD900  }
0x39: {  	[spmem:s22], [sflag:s12] =	dma.local @!p0 [hbm:s1], $0x180  }
0x3a: {  	s1 =	simm.s32 @!p0 $0x9  }
0x3b: {  	_ =	swait.ge @!p0 [sflag:s1], $0x180  }
0x3c: {  	[sflag:s1] =	ssyncset.done @!p0 $0x0  }
0x3d: {  	[sflag:s1] =	ssyncadd.s32 @!p0 $0xFFFFFE80  }
0x3e: {  	_ =	swait.ge [sflag:s26], $0x80  }
0x3f: {  	[sflag:s26] =	ssyncset.done $0x0  }
0x40: {  	[sflag:s26] =	ssyncadd.s32 $0xFFFFFF80  }
0x41: {  	_ =	swait.ge [sflag:s26], $0x80  }
0x42: {  	[sflag:s26] =	ssyncset.done $0x0  }
0x43: {  	s28 =	simm.s32 $0x400;
	[sflag:s26] =	ssyncadd.s32 $0xFFFFFF80  }
0x44: {  	[tilespmem:s28], [sflag:$0x4] =	stream.indirect.gather [hbm4b:s0+s17], $0x80, s4, s17, $0xb8;
	[tilespmem:$0x1FCC0] =	vst v63  }
0x45: {  	_ =	swait.ge [sflag:s29], $0x80  }
0x46: {  	[sflag:s29] =	ssyncset.done $0x0  }
0x47: {  	[sflag:s29] =	ssyncadd.s32 $0xFFFFFF80  }
0x48: {  	_ =	swait.ge [sflag:s29], $0x80  }
0x49: {  	[sflag:s29] =	ssyncset.done $0x0  }
0x4a: {  	s30 =	simm.s32 $0x4400;
	[sflag:s29] =	ssyncadd.s32 $0xFFFFFF80  }
0x4b: {  	[tilespmem:s30], [sflag:$0x5] =	stream.indirect.gather [hbm4b:s0+s17], $0x80, s17, s17, $0xb8;
	[tilespmem:$0x1FCC0] =	vst v63  }
0x4c: {  	s16 =	simm.s32 $0x0;
	s1 =	simm.s32 $0x0;
	[bflag:$0x0] =	sbarrier.arrive $0xFFFF  }
.LBB2_2:
0x4d: {  	s2 =	rddreg [dreg:$0x7]  }
0x4e: {  	p5 =	sge.u32 s1, s2  }
0x4f: {  	s2 =	simm.s32 @!p5 $0x4  }
0x50: {  	_ =	swait.ge @!p5 [sflag:s2], $0x4000  }
0x51: {  	[sflag:s2] =	ssyncset.done @!p5 $0x0  }
0x52: {  	[sflag:s2] =	ssyncadd.s32 @!p5 $0xFFFFC000  }
0x53: {  	v1 =	vld @!p5 [tilespmem:$0x180]  }
0x54: {  	v2 =	vld @!p5 [tilespmem:$0x190]  }
0x55: {  	v3 =	vld @!p5 [tilespmem:$0x1A0]  }
0x56: {  	v4 =	vld @!p5 [tilespmem:$0x1B0]  }
0x57: {  	v5 =	vld @!p5 [tilespmem:$0x1C0]  }
0x58: {  	v6 =	vld @!p5 [tilespmem:$0x1D0];
	v1 =	vsub.s32 @!p5 v1, v0  }
0x59: {  	v7 =	vld @!p5 [tilespmem:$0x1E0];
	v2 =	vsub.s32 @!p5 v2, v0;
	v1 =	vmin.u32 @!p5 v1, $0x2710  }
0x5a: {  	[tilespmem:$0x300] =	vst @!p5 v1;
	v1 =	vmin.u32 @!p5 v2, $0x2710;
	v2 =	vsub.s32 @!p5 v3, v0;
	v3 =	vld @!p5 [tilespmem:$0x1F0]  }
0x5b: {  	[tilespmem:$0x310] =	vst @!p5 v1;
	v1 =	vmin.u32 @!p5 v2, $0x2710;
	v2 =	vsub.s32 @!p5 v4, v0  }
0x5c: {  	[tilespmem:$0x320] =	vst @!p5 v1;
	v1 =	vmin.u32 @!p5 v2, $0x2710;
	v2 =	vsub.s32 @!p5 v5, v0  }
0x5d: {  	[tilespmem:$0x330] =	vst @!p5 v1;
	v1 =	vmin.u32 @!p5 v2, $0x2710;
	v2 =	vsub.s32 @!p5 v6, v0  }
0x5e: {  	[tilespmem:$0x340] =	vst @!p5 v1;
	v1 =	vmin.u32 @!p5 v2, $0x2710;
	v2 =	vsub.s32 @!p5 v7, v0  }
0x5f: {  	s18 =	sadd.s32 s1, s5;
	[tilespmem:$0x350] =	vst @!p5 v1;
	v1 =	vmin.u32 @!p5 v2, $0x2710;
	v2 =	vsub.s32 @!p5 v3, v0  }
0x60: {  	s20 =	sadd.s32 $0x30, s18;
	[tilespmem:$0x360] =	vst @!p5 v1;
	v1 =	vmin.u32 @!p5 v2, $0x2710  }
0x61: {  	s6 =	simm.s32 @!p5 $0x300;
	s7 =	simm.s32 @!p5 $0x400;
	s2 =	simm.s32 @!p5 $0x80;
	[tilespmem:$0x370] =	vst @!p5 v1  }
0x62: {  	[spmem:s3] =	stream.indirect.scatter.add.f32 @!p5 [tilespmem:s7], [sflag:$0x7], $0x80, s6, s2, $0xb8;
	[tilespmem:$0x1FCC0] =	vst v63  }
0x63: {  	p2 =	sgt.u32 s20, $0x9C3;
	s2 =	rddreg [dreg:$0x14]  }
0x64: {  	s7 =	rddreg [dreg:$0x15];
	s6 =	simm.s32 @!p2 $0x0;
	s2 =	sadd.s32 @!p2 s16, s2  }
0x65: {  	[tilespmem:s6], [sflag:$0x1] =	stream.linear.gather @!p2 [hbm4b:s2+s6], $0x80, $0x38;
	[tilespmem:$0x1FCC0] =	vst v63  }
0x66: {  	p3 =	seq.s32 s16, $0x0;
	s2 =	sadd.s32 @!p2 s16, s7;
	s7 =	simm.s32 @!p2 $0x180  }
0x67: {  	[tilespmem:s7], [sflag:$0x1] =	stream.linear.gather @!p2 [hbm4b:s2+s6], $0x80, $0x38;
	[tilespmem:$0x1FCC0] =	vst v63  }
0x68: {  	s2 =	simm.s32 @!p3 $0x8  }
0x69: {  	_ =	swait.ge @!p3 [sflag:s2], $0x4000  }
0x6a: {  	s28 =	rddreg [dreg:$0x8]  }
0x6b: {  	[sflag:s2] =	ssyncset.done @!p3 $0x0;
	p4 =	sge.u32 s1, s28  }
0x6c: {  	[sflag:s2] =	ssyncadd.s32 @!p3 $0xFFFFC000;
	s2 =	simm.s32 @!p4 $0x3  }
0x6d: {  	_ =	swait.ge @!p4 [sflag:s2], $0x80  }
0x6e: {  	[sflag:s2] =	ssyncset.done @!p4 $0x0  }
0x6f: {  	[sflag:s2] =	ssyncadd.s32 @!p4 $0xFFFFFF80  }
0x70: {  	s20 =	simm.s32 @!p4 $0x80;
	_ =	swait.ge @!p4 [sflag:s2], $0x80  }
0x71: {  	s7 =	simm.s32 @!p4 $0x100;
	[sflag:s2] =	ssyncset.done @!p4 $0x0;
	s30 =	rddreg [dreg:$0x9]  }
0x72: {  	s28 =	simm.s32 @!p4 $0x8400;
	[sflag:s2] =	ssyncadd.s32 @!p4 $0xFFFFFF80;
	p6 =	sge.u32 s1, s30  }
0x73: {  	[tilespmem:s28], [sflag:$0x6] =	stream.indirect.gather @!p4 [hbm4b:s0+s20], $0x80, s7, s20, $0xb8;
	[tilespmem:$0x1FCC0] =	vst v63  }
0x74: {  	s2 =	simm.s32 @!p6 $0x5  }
0x75: {  	_ =	swait.ge @!p6 [sflag:s2], $0x4000  }
0x76: {  	[sflag:s2] =	ssyncset.done @!p6 $0x0  }
0x77: {  	[sflag:s2] =	ssyncadd.s32 @!p6 $0xFFFFC000  }
0x78: {  	v1 =	vld @!p6 [tilespmem:$0x200]  }
0x79: {  	v2 =	vld @!p6 [tilespmem:$0x210]  }
0x7a: {  	v3 =	vld @!p6 [tilespmem:$0x220]  }
0x7b: {  	v4 =	vld @!p6 [tilespmem:$0x230]  }
0x7c: {  	v5 =	vld @!p6 [tilespmem:$0x240]  }
0x7d: {  	v6 =	vld @!p6 [tilespmem:$0x250];
	v1 =	vsub.s32 @!p6 v1, v0  }
0x7e: {  	v7 =	vld @!p6 [tilespmem:$0x260];
	v2 =	vsub.s32 @!p6 v2, v0;
	v1 =	vmin.u32 @!p6 v1, $0x2710  }
0x7f: {  	[tilespmem:$0x380] =	vst @!p6 v1;
	v1 =	vmin.u32 @!p6 v2, $0x2710;
	v2 =	vsub.s32 @!p6 v3, v0;
	v3 =	vld @!p6 [tilespmem:$0x270]  }
0x80: {  	[tilespmem:$0x390] =	vst @!p6 v1;
	v1 =	vmin.u32 @!p6 v2, $0x2710;
	v2 =	vsub.s32 @!p6 v4, v0  }
0x81: {  	[tilespmem:$0x3A0] =	vst @!p6 v1;
	v1 =	vmin.u32 @!p6 v2, $0x2710;
	v2 =	vsub.s32 @!p6 v5, v0  }
0x82: {  	[tilespmem:$0x3B0] =	vst @!p6 v1;
	v1 =	vmin.u32 @!p6 v2, $0x2710;
	v2 =	vsub.s32 @!p6 v6, v0  }
0x83: {  	[tilespmem:$0x3C0] =	vst @!p6 v1;
	v1 =	vmin.u32 @!p6 v2, $0x2710;
	v2 =	vsub.s32 @!p6 v7, v0  }
0x84: {  	[tilespmem:$0x3D0] =	vst @!p6 v1;
	v1 =	vmin.u32 @!p6 v2, $0x2710;
	v2 =	vsub.s32 @!p6 v3, v0  }
0x85: {  	[tilespmem:$0x3E0] =	vst @!p6 v1;
	v1 =	vmin.u32 @!p6 v2, $0x2710  }
0x86: {  	s7 =	simm.s32 @!p6 $0x380;
	s19 =	simm.s32 @!p6 $0x4400;
	s2 =	simm.s32 @!p6 $0x80;
	[tilespmem:$0x3F0] =	vst @!p6 v1  }
0x87: {  	[spmem:s3] =	stream.indirect.scatter.add.f32 @!p6 [tilespmem:s19], [sflag:$0x8], $0x80, s7, s2, $0xb8;
	[tilespmem:$0x1FCC0] =	vst v63  }
0x88: {  	s2 =	rddreg [dreg:$0x12];
	s19 =	sadd.s32 $0x40, s18  }
0x89: {  	s7 =	rddreg [dreg:$0x13];
	p3 =	sgt.u32 s19, $0x9C3  }
0x8a: {  	s2 =	sadd.s32 @!p3 s16, s2;
	s30 =	simm.s32 @!p3 $0x0;
	s19 =	simm.s32 @!p3 $0x80  }
0x8b: {  	[tilespmem:s19], [sflag:$0x2] =	stream.linear.gather @!p3 [hbm4b:s2+s30], $0x80, $0x38;
	[tilespmem:$0x1FCC0] =	vst v63  }
0x8c: {  	s2 =	sadd.s32 @!p3 s16, s7;
	s7 =	simm.s32 @!p3 $0x200  }
0x8d: {  	[tilespmem:s7], [sflag:$0x2] =	stream.linear.gather @!p3 [hbm4b:s2+s30], $0x80, $0x38;
	[tilespmem:$0x1FCC0] =	vst v63  }
0x8e: {  	s2 =	simm.s32 @!p5 $0x7  }
0x8f: {  	_ =	swait.ge @!p5 [sflag:s2], $0x4000  }
0x90: {  	[sflag:s2] =	ssyncset.done @!p5 $0x0  }
0x91: {  	[sflag:s2] =	ssyncadd.s32 @!p5 $0xFFFFC000;
	s2 =	simm.s32 @!p2 $0x1  }
0x92: {  	_ =	swait.ge @!p2 [sflag:s2], $0x80  }
0x93: {  	[sflag:s2] =	ssyncset.done @!p2 $0x0  }
0x94: {  	[sflag:s2] =	ssyncadd.s32 @!p2 $0xFFFFFF80  }
0x95: {  	_ =	swait.ge @!p2 [sflag:s2], $0x80  }
0x96: {  	[sflag:s2] =	ssyncset.done @!p2 $0x0  }
0x97: {  	s30 =	simm.s32 @!p2 $0x80;
	[sflag:s2] =	ssyncadd.s32 @!p2 $0xFFFFFF80;
	s2 =	simm.s32 @!p2 $0x400  }
0x98: {  	[tilespmem:s2], [sflag:$0x4] =	stream.indirect.gather @!p2 [hbm4b:s0+s30], $0x80, s6, s30, $0xb8;
	[tilespmem:$0x1FCC0] =	vst v63  }
0x99: {  	s6 =	simm.s32 @!p4 $0x6  }
0x9a: {  	_ =	swait.ge @!p4 [sflag:s6], $0x4000  }
0x9b: {  	[sflag:s6] =	ssyncset.done @!p4 $0x0  }
0x9c: {  	[sflag:s6] =	ssyncadd.s32 @!p4 $0xFFFFC000  }
0x9d: {  	v1 =	vld @!p4 [tilespmem:$0x280]  }
0x9e: {  	v2 =	vld @!p4 [tilespmem:$0x290]  }
0x9f: {  	v3 =	vld @!p4 [tilespmem:$0x2A0]  }
0xa0: {  	v4 =	vld @!p4 [tilespmem:$0x2B0]  }
0xa1: {  	v5 =	vld @!p4 [tilespmem:$0x2C0]  }
0xa2: {  	v6 =	vld @!p4 [tilespmem:$0x2D0];
	v1 =	vsub.s32 @!p4 v1, v0  }
0xa3: {  	v7 =	vld @!p4 [tilespmem:$0x2E0];
	v2 =	vsub.s32 @!p4 v2, v0;
	v1 =	vmin.u32 @!p4 v1, $0x2710  }
0xa4: {  	[tilespmem:$0x300] =	vst @!p4 v1;
	v1 =	vmin.u32 @!p4 v2, $0x2710;
	v2 =	vsub.s32 @!p4 v3, v0;
	v3 =	vld @!p4 [tilespmem:$0x2F0]  }
0xa5: {  	[tilespmem:$0x310] =	vst @!p4 v1;
	v1 =	vmin.u32 @!p4 v2, $0x2710;
	v2 =	vsub.s32 @!p4 v4, v0  }
0xa6: {  	[tilespmem:$0x320] =	vst @!p4 v1;
	v1 =	vmin.u32 @!p4 v2, $0x2710;
	v2 =	vsub.s32 @!p4 v5, v0  }
0xa7: {  	[tilespmem:$0x330] =	vst @!p4 v1;
	v1 =	vmin.u32 @!p4 v2, $0x2710;
	v2 =	vsub.s32 @!p4 v6, v0  }
0xa8: {  	[tilespmem:$0x340] =	vst @!p4 v1;
	v1 =	vmin.u32 @!p4 v2, $0x2710;
	v2 =	vsub.s32 @!p4 v7, v0  }
0xa9: {  	[tilespmem:$0x350] =	vst @!p4 v1;
	v1 =	vmin.u32 @!p4 v2, $0x2710;
	v2 =	vsub.s32 @!p4 v3, v0  }
0xaa: {  	[tilespmem:$0x360] =	vst @!p4 v1;
	v1 =	vmin.u32 @!p4 v2, $0x2710  }
0xab: {  	s6 =	simm.s32 @!p4 $0x300;
	[tilespmem:$0x370] =	vst @!p4 v1  }
0xac: {  	[spmem:s3] =	stream.indirect.scatter.add.f32 @!p4 [tilespmem:s28], [sflag:$0x7], $0x80, s6, s20, $0xb8;
	[tilespmem:$0x1FCC0] =	vst v63  }
0xad: {  	s6 =	rddreg [dreg:$0x10];
	s28 =	sadd.s32 $0x50, s18  }
0xae: {  	s20 =	rddreg [dreg:$0x11];
	p5 =	sgt.u32 s28, $0x9C3  }
0xaf: {  	s6 =	sadd.s32 @!p5 s16, s6;
	s28 =	simm.s32 @!p5 $0x0;
	s7 =	simm.s32 @!p5 $0x100  }
0xb0: {  	[tilespmem:s7], [sflag:$0x3] =	stream.linear.gather @!p5 [hbm4b:s6+s28], $0x80, $0x38;
	[tilespmem:$0x1FCC0] =	vst v63  }
0xb1: {  	s6 =	sadd.s32 @!p5 s16, s20;
	s20 =	simm.s32 @!p5 $0x280  }
0xb2: {  	[tilespmem:s20], [sflag:$0x3] =	stream.linear.gather @!p5 [hbm4b:s6+s28], $0x80, $0x38;
	[tilespmem:$0x1FCC0] =	vst v63  }
0xb3: {  	s6 =	simm.s32 @!p6 $0x8  }
0xb4: {  	_ =	swait.ge @!p6 [sflag:s6], $0x4000  }
0xb5: {  	[sflag:s6] =	ssyncset.done @!p6 $0x0  }
0xb6: {  	[sflag:s6] =	ssyncadd.s32 @!p6 $0xFFFFC000;
	s6 =	simm.s32 @!p3 $0x2  }
0xb7: {  	_ =	swait.ge @!p3 [sflag:s6], $0x80  }
0xb8: {  	[sflag:s6] =	ssyncset.done @!p3 $0x0  }
0xb9: {  	[sflag:s6] =	ssyncadd.s32 @!p3 $0xFFFFFF80  }
0xba: {  	_ =	swait.ge @!p3 [sflag:s6], $0x80  }
0xbb: {  	[sflag:s6] =	ssyncset.done @!p3 $0x0  }
0xbc: {  	s20 =	simm.s32 @!p2 $0x4;
	[sflag:s6] =	ssyncadd.s32 @!p3 $0xFFFFFF80;
	s6 =	simm.s32 @!p3 $0x4400  }
0xbd: {  	[tilespmem:s6], [sflag:$0x5] =	stream.indirect.gather @!p3 [hbm4b:s0+s19], $0x80, s19, s19, $0xb8;
	[tilespmem:$0x1FCC0] =	vst v63  }
0xbe: {  	_ =	swait.ge @!p2 [sflag:s20], $0x4000  }
0xbf: {  	[sflag:s20] =	ssyncset.done @!p2 $0x0  }
0xc0: {  	[sflag:s20] =	ssyncadd.s32 @!p2 $0xFFFFC000  }
0xc1: {  	v1 =	vld @!p2 [tilespmem:$0x180]  }
0xc2: {  	v2 =	vld @!p2 [tilespmem:$0x190]  }
0xc3: {  	v3 =	vld @!p2 [tilespmem:$0x1A0]  }
0xc4: {  	v4 =	vld @!p2 [tilespmem:$0x1B0]  }
0xc5: {  	v5 =	vld @!p2 [tilespmem:$0x1C0]  }
0xc6: {  	v6 =	vld @!p2 [tilespmem:$0x1D0];
	v1 =	vsub.s32 @!p2 v1, v0  }
0xc7: {  	v7 =	vld @!p2 [tilespmem:$0x1E0];
	v2 =	vsub.s32 @!p2 v2, v0;
	v1 =	vmin.u32 @!p2 v1, $0x2710  }
0xc8: {  	[tilespmem:$0x380] =	vst @!p2 v1;
	v1 =	vmin.u32 @!p2 v2, $0x2710;
	v2 =	vsub.s32 @!p2 v3, v0;
	v3 =	vld @!p2 [tilespmem:$0x1F0]  }
0xc9: {  	[tilespmem:$0x390] =	vst @!p2 v1;
	v1 =	vmin.u32 @!p2 v2, $0x2710;
	v2 =	vsub.s32 @!p2 v4, v0  }
0xca: {  	[tilespmem:$0x3A0] =	vst @!p2 v1;
	v1 =	vmin.u32 @!p2 v2, $0x2710;
	v2 =	vsub.s32 @!p2 v5, v0  }
0xcb: {  	[tilespmem:$0x3B0] =	vst @!p2 v1;
	v1 =	vmin.u32 @!p2 v2, $0x2710;
	v2 =	vsub.s32 @!p2 v6, v0  }
0xcc: {  	[tilespmem:$0x3C0] =	vst @!p2 v1;
	v1 =	vmin.u32 @!p2 v2, $0x2710;
	v2 =	vsub.s32 @!p2 v7, v0  }
0xcd: {  	[tilespmem:$0x3D0] =	vst @!p2 v1;
	v1 =	vmin.u32 @!p2 v2, $0x2710;
	v2 =	vsub.s32 @!p2 v3, v0  }
0xce: {  	[tilespmem:$0x3E0] =	vst @!p2 v1;
	v1 =	vmin.u32 @!p2 v2, $0x2710  }
0xcf: {  	s20 =	simm.s32 @!p2 $0x380;
	[tilespmem:$0x3F0] =	vst @!p2 v1  }
0xd0: {  	[spmem:s3] =	stream.indirect.scatter.add.f32 @!p2 [tilespmem:s2], [sflag:$0x8], $0x80, s20, s30, $0xb8;
	[tilespmem:$0x1FCC0] =	vst v63  }
0xd1: {  	s30 =	sadd.s32 $0x60, s18  }
0xd2: {  	s2 =	rddreg [dreg:$0xe];
	p6 =	sgt.u32 s30, $0x9C3  }
0xd3: {  	s20 =	rddreg [dreg:$0xf];
	s28 =	sadd.s32 @!p6 s16, s2;
	s2 =	simm.s32 @!p6 $0x0  }
0xd4: {  	[tilespmem:s2], [sflag:$0x1] =	stream.linear.gather @!p6 [hbm4b:s28+s2], $0x80, $0x38;
	[tilespmem:$0x1FCC0] =	vst v63  }
0xd5: {  	s20 =	sadd.s32 @!p6 s16, s20;
	s28 =	simm.s32 @!p6 $0x180  }
0xd6: {  	[tilespmem:s28], [sflag:$0x1] =	stream.linear.gather @!p6 [hbm4b:s20+s2], $0x80, $0x38;
	[tilespmem:$0x1FCC0] =	vst v63  }
0xd7: {  	s20 =	simm.s32 @!p4 $0x7  }
0xd8: {  	_ =	swait.ge @!p4 [sflag:s20], $0x4000  }
0xd9: {  	[sflag:s20] =	ssyncset.done @!p4 $0x0  }
0xda: {  	[sflag:s20] =	ssyncadd.s32 @!p4 $0xFFFFC000;
	s20 =	simm.s32 @!p5 $0x3  }
0xdb: {  	_ =	swait.ge @!p5 [sflag:s20], $0x80  }
0xdc: {  	[sflag:s20] =	ssyncset.done @!p5 $0x0  }
0xdd: {  	[sflag:s20] =	ssyncadd.s32 @!p5 $0xFFFFFF80  }
0xde: {  	_ =	swait.ge @!p5 [sflag:s20], $0x80  }
0xdf: {  	[sflag:s20] =	ssyncset.done @!p5 $0x0  }
0xe0: {  	s28 =	simm.s32 @!p5 $0x8400;
	[sflag:s20] =	ssyncadd.s32 @!p5 $0xFFFFFF80;
	s20 =	simm.s32 @!p5 $0x80  }
0xe1: {  	[tilespmem:s28], [sflag:$0x6] =	stream.indirect.gather @!p5 [hbm4b:s0+s20], $0x80, s7, s20, $0xb8;
	[tilespmem:$0x1FCC0] =	vst v63  }
0xe2: {  	s7 =	simm.s32 @!p3 $0x5  }
0xe3: {  	_ =	swait.ge @!p3 [sflag:s7], $0x4000  }
0xe4: {  	[sflag:s7] =	ssyncset.done @!p3 $0x0  }
0xe5: {  	[sflag:s7] =	ssyncadd.s32 @!p3 $0xFFFFC000  }
0xe6: {  	v1 =	vld @!p3 [tilespmem:$0x200]  }
0xe7: {  	v2 =	vld @!p3 [tilespmem:$0x210]  }
0xe8: {  	v3 =	vld @!p3 [tilespmem:$0x220]  }
0xe9: {  	v4 =	vld @!p3 [tilespmem:$0x230]  }
0xea: {  	v5 =	vld @!p3 [tilespmem:$0x240]  }
0xeb: {  	v6 =	vld @!p3 [tilespmem:$0x250];
	v1 =	vsub.s32 @!p3 v1, v0  }
0xec: {  	v7 =	vld @!p3 [tilespmem:$0x260];
	v2 =	vsub.s32 @!p3 v2, v0;
	v1 =	vmin.u32 @!p3 v1, $0x2710  }
0xed: {  	[tilespmem:$0x300] =	vst @!p3 v1;
	v1 =	vmin.u32 @!p3 v2, $0x2710;
	v2 =	vsub.s32 @!p3 v3, v0;
	v3 =	vld @!p3 [tilespmem:$0x270]  }
0xee: {  	[tilespmem:$0x310] =	vst @!p3 v1;
	v1 =	vmin.u32 @!p3 v2, $0x2710;
	v2 =	vsub.s32 @!p3 v4, v0  }
0xef: {  	[tilespmem:$0x320] =	vst @!p3 v1;
	v1 =	vmin.u32 @!p3 v2, $0x2710;
	v2 =	vsub.s32 @!p3 v5, v0  }
0xf0: {  	[tilespmem:$0x330] =	vst @!p3 v1;
	v1 =	vmin.u32 @!p3 v2, $0x2710;
	v2 =	vsub.s32 @!p3 v6, v0  }
0xf1: {  	[tilespmem:$0x340] =	vst @!p3 v1;
	v1 =	vmin.u32 @!p3 v2, $0x2710;
	v2 =	vsub.s32 @!p3 v7, v0  }
0xf2: {  	[tilespmem:$0x350] =	vst @!p3 v1;
	v1 =	vmin.u32 @!p3 v2, $0x2710;
	v2 =	vsub.s32 @!p3 v3, v0  }
0xf3: {  	[tilespmem:$0x360] =	vst @!p3 v1;
	v1 =	vmin.u32 @!p3 v2, $0x2710  }
0xf4: {  	s7 =	simm.s32 @!p3 $0x300;
	[tilespmem:$0x370] =	vst @!p3 v1  }
0xf5: {  	[spmem:s3] =	stream.indirect.scatter.add.f32 @!p3 [tilespmem:s6], [sflag:$0x7], $0x80, s7, s19, $0xb8;
	[tilespmem:$0x1FCC0] =	vst v63  }
0xf6: {  	s6 =	rddreg [dreg:$0xc];
	s19 =	sadd.s32 $0x70, s18  }
0xf7: {  	s7 =	rddreg [dreg:$0xd];
	p4 =	sgt.u32 s19, $0x9C3  }
0xf8: {  	s19 =	sadd.s32 @!p4 s16, s6;
	s30 =	simm.s32 @!p4 $0x0;
	s6 =	simm.s32 @!p4 $0x80  }
0xf9: {  	[tilespmem:s6], [sflag:$0x2] =	stream.linear.gather @!p4 [hbm4b:s19+s30], $0x80, $0x38;
	[tilespmem:$0x1FCC0] =	vst v63  }
0xfa: {  	s7 =	sadd.s32 @!p4 s16, s7;
	s19 =	simm.s32 @!p4 $0x200  }
0xfb: {  	[tilespmem:s19], [sflag:$0x2] =	stream.linear.gather @!p4 [hbm4b:s7+s30], $0x80, $0x38;
	[tilespmem:$0x1FCC0] =	vst v63  }
0xfc: {  	s7 =	simm.s32 @!p2 $0x8  }
0xfd: {  	_ =	swait.ge @!p2 [sflag:s7], $0x4000  }
0xfe: {  	[sflag:s7] =	ssyncset.done @!p2 $0x0  }
0xff: {  	[sflag:s7] =	ssyncadd.s32 @!p2 $0xFFFFC000;
	s7 =	simm.s32 @!p6 $0x1  }
0x100: {  	_ =	swait.ge @!p6 [sflag:s7], $0x80  }
0x101: {  	[sflag:s7] =	ssyncset.done @!p6 $0x0  }
0x102: {  	[sflag:s7] =	ssyncadd.s32 @!p6 $0xFFFFFF80  }
0x103: {  	_ =	swait.ge @!p6 [sflag:s7], $0x80  }
0x104: {  	[sflag:s7] =	ssyncset.done @!p6 $0x0  }
0x105: {  	s19 =	simm.s32 @!p6 $0x400;
	[sflag:s7] =	ssyncadd.s32 @!p6 $0xFFFFFF80;
	s7 =	simm.s32 @!p6 $0x80  }
0x106: {  	[tilespmem:s19], [sflag:$0x4] =	stream.indirect.gather @!p6 [hbm4b:s0+s7], $0x80, s2, s7, $0xb8;
	[tilespmem:$0x1FCC0] =	vst v63  }
0x107: {  	s2 =	simm.s32 @!p5 $0x6  }
0x108: {  	_ =	swait.ge @!p5 [sflag:s2], $0x4000  }
0x109: {  	[sflag:s2] =	ssyncset.done @!p5 $0x0  }
0x10a: {  	[sflag:s2] =	ssyncadd.s32 @!p5 $0xFFFFC000  }
0x10b: {  	v1 =	vld @!p5 [tilespmem:$0x280]  }
0x10c: {  	v2 =	vld @!p5 [tilespmem:$0x290]  }
0x10d: {  	v3 =	vld @!p5 [tilespmem:$0x2A0]  }
0x10e: {  	v4 =	vld @!p5 [tilespmem:$0x2B0]  }
0x10f: {  	v5 =	vld @!p5 [tilespmem:$0x2C0]  }
0x110: {  	v6 =	vld @!p5 [tilespmem:$0x2D0];
	v1 =	vsub.s32 @!p5 v1, v0  }
0x111: {  	v7 =	vld @!p5 [tilespmem:$0x2E0];
	v2 =	vsub.s32 @!p5 v2, v0;
	v1 =	vmin.u32 @!p5 v1, $0x2710  }
0x112: {  	[tilespmem:$0x380] =	vst @!p5 v1;
	v1 =	vmin.u32 @!p5 v2, $0x2710;
	v2 =	vsub.s32 @!p5 v3, v0;
	v3 =	vld @!p5 [tilespmem:$0x2F0]  }
0x113: {  	[tilespmem:$0x390] =	vst @!p5 v1;
	v1 =	vmin.u32 @!p5 v2, $0x2710;
	v2 =	vsub.s32 @!p5 v4, v0  }
0x114: {  	[tilespmem:$0x3A0] =	vst @!p5 v1;
	v1 =	vmin.u32 @!p5 v2, $0x2710;
	v2 =	vsub.s32 @!p5 v5, v0  }
0x115: {  	[tilespmem:$0x3B0] =	vst @!p5 v1;
	v1 =	vmin.u32 @!p5 v2, $0x2710;
	v2 =	vsub.s32 @!p5 v6, v0  }
0x116: {  	[tilespmem:$0x3C0] =	vst @!p5 v1;
	v1 =	vmin.u32 @!p5 v2, $0x2710;
	v2 =	vsub.s32 @!p5 v7, v0  }
0x117: {  	[tilespmem:$0x3D0] =	vst @!p5 v1;
	v1 =	vmin.u32 @!p5 v2, $0x2710;
	v2 =	vsub.s32 @!p5 v3, v0  }
0x118: {  	s30 =	sadd.s32 $0x80, s18;
	[tilespmem:$0x3E0] =	vst @!p5 v1;
	v1 =	vmin.u32 @!p5 v2, $0x2710  }
0x119: {  	p2 =	sgt.u32 s30, $0x9C3;
	s2 =	simm.s32 @!p5 $0x380;
	[tilespmem:$0x3F0] =	vst @!p5 v1  }
0x11a: {  	[spmem:s3] =	stream.indirect.scatter.add.f32 @!p5 [tilespmem:s28], [sflag:$0x8], $0x80, s2, s20, $0xb8;
	[tilespmem:$0x1FCC0] =	vst v63  }
0x11b: {  	s18 =	simm.s32 @!p2 $0x0;
	s2 =	rddreg [dreg:$0xa]  }
0x11c: {  	s19 =	simm.s32 @!p2 $0x100;
	s7 =	rddreg [dreg:$0xb];
	s2 =	sadd.s32 @!p2 s16, s2  }
0x11d: {  	[tilespmem:s19], [sflag:$0x3] =	stream.linear.gather @!p2 [hbm4b:s2+s18], $0x80, $0x38;
	[tilespmem:$0x1FCC0] =	vst v63  }
0x11e: {  	s2 =	sadd.s32 @!p2 s16, s7;
	s7 =	simm.s32 @!p2 $0x280  }
0x11f: {  	[tilespmem:s7], [sflag:$0x3] =	stream.linear.gather @!p2 [hbm4b:s2+s18], $0x80, $0x38;
	[tilespmem:$0x1FCC0] =	vst v63  }
0x120: {  	s2 =	simm.s32 @!p3 $0x7  }
0x121: {  	_ =	swait.ge @!p3 [sflag:s2], $0x4000  }
0x122: {  	[sflag:s2] =	ssyncset.done @!p3 $0x0  }
0x123: {  	[sflag:s2] =	ssyncadd.s32 @!p3 $0xFFFFC000;
	s2 =	simm.s32 @!p4 $0x2  }
0x124: {  	s16 =	sadd.s32 $0x600, s16;
	_ =	swait.ge @!p4 [sflag:s2], $0x80  }
0x125: {  	p2 =	sne.s32 s16, $0xA200;
	[sflag:s2] =	ssyncset.done @!p4 $0x0  }
.Ltmp0:
0x126: {  	[sflag:s2] =	ssyncadd.s32 @!p4 $0xFFFFFF80;
	(pc) =	sbr.rel @p2 .LBB2_2-.Ltmp0, $4  }
0x127: {  	_ =	swait.ge @!p4 [sflag:s2], $0x80  }
0x128: {  	[sflag:s2] =	ssyncset.done @!p4 $0x0  }
0x129: {  	s1 =	sadd.s32 $0x60, s1;
	[sflag:s2] =	ssyncadd.s32 @!p4 $0xFFFFFF80;
	s2 =	simm.s32 @!p4 $0x4400  }
0x12a: {  	[tilespmem:s2], [sflag:$0x5] =	stream.indirect.gather @!p4 [hbm4b:s0+s6], $0x80, s6, s6, $0xb8;
	[tilespmem:$0x1FCC0] =	vst v63  }
0x12b: {  	[bflag:$0x0] =	sbarrier.arrive $0xFFFF;
	s1 =	simm.s32 @p1 $0x9  }
0x12c: {  	[hbm:s14], [sflag:s12] =	dma.local @p1 [spmem:s23], $0x2080  }
0x12d: {  	s31 =	sadd.s32 $0x1, s31;
	_ =	swait.ge @p1 [sflag:s1], $0x2080  }
0x12e: {  	p2 =	sne.s32 s31, s15;
	[sflag:s1] =	ssyncset.done @p1 $0x0  }
.Ltmp1:
0x12f: {  	[sflag:s1] =	ssyncadd.s32 @p1 $0xFFFFDF80;
	s1 =	simm.s32 @!p1 $0x9;
	(pc) =	sbr.rel @p2 .LBB2_1-.Ltmp1, $4  }
0x130: {  	[hbm:s13], [sflag:s12] =	dma.local @!p1 [spmem:s24], $0x2780  }
0x131: {  	_ =	swait.ge @!p1 [sflag:s1], $0x2780  }
0x132: {  	[sflag:s1] =	ssyncset.done @!p1 $0x0  }
0x133: {  	[sflag:s1] =	ssyncadd.s32 @!p1 $0xFFFFD880  }
0x134: {  	_ =	sfence.sel $0x180000  }
0x135: {  	[bflag:$0x0] =	sbarrier.arrive $0xFFFF  }
0x136: {  	_ =	strace $0x90000047  }
0x137: {  	[bflag:$0x2] =	sbarrier.arrive $0xFFFF  }
0x138: {  	s0 =	rddreg [dreg:$0x6]  }
0x139: {  	s0 =	sadd.s32 @!p0 $0x100000, s0  }
0x13a: {  	[sflag:s0] =	ssyncadd.tile.s32 @!p0 $0x1;
	_ =	shalt  }
.Lfunc_end2:
_tile_overlayer_lowered:
.L_overlay_start_2:
0x13b: {  	(tag) =	ssettag $0x2  }
0x13c: {  	s0 =	rddreg [dreg:$0x0];
	s2 =	stileid.u32  }
0x13d: {  	s1 =	rddreg [dreg:$0x1];
	p0 =	sne.s32 s2, $0x0  }
0x13e: {  	s3 =	rddreg [dreg:$0x2];
	[bflag:$0x3] =	sbarrier.arrive $0xFFFF;
	s2 =	simm.s32 @!p0 $0x1C09  }
0x13f: {  	[timem:s3], [sflag:s2] =	dma.local @!p0 [hbm:s0], s1  }
0x140: {  	s0 =	simm.s32 @!p0 $0x9  }
0x141: {  	_ =	swait.ge @!p0 [sflag:s0], s1  }
0x142: {  	s1 =	ssub.s32 @!p0 $0x0, s1;
	[sflag:s0] =	ssyncset.done @!p0 $0x0  }
0x143: {  	[sflag:s0] =	ssyncadd.s32 @!p0 s1  }
0x144: {  	[bflag:$0x3] =	sbarrier.arrive $0xFFFF  }
0x145: {  	_ =	shalt  }

// kernel: kernel.9.cloned.1.call-start
scs
__scs_entry_jumppad:
0x0: {  	(pc) =	sbr.rel $0x88, $3  }
0x1: {  	(tag) =	ssettag $0x0;
	lr =	simm.s32 $0x1  }
0x2: {  	[smem:$0x3F8C] =	sst lr;
	_ =	strace $0xD0000000  }
0x3: {  	_ = 	snop  }
0x4: {  	_ = 	snop  }
0x5: {  	_ = 	snop  }
0x6: {  	_ = 	snop  }
0x7: {  	_ = 	snop  }
__scs_overlays_trampoline_lowered:
0x8: {  	[smem:$0x3F9B] =	sst s0  }
0x9: {  	[smem:$0x3F9C] =	sst s1  }
0xa: {  	[smem:$0x3F9D] =	sst s2  }
0xb: {  	[smem:$0x3F9E] =	sst s3  }
0xc: {  	[smem:$0x3F9F] =	sst s4  }
0xd: {  	[smem:$0x3FA0] =	sst s5  }
0xe: {  	[smem:$0x3FA1] =	sst s6  }
0xf: {  	[smem:$0x3FA2] =	sst s7  }
0x10: {  	[smem:$0x3FA3] =	sst s8  }
0x11: {  	[smem:$0x3FA4] =	sst s9;
	s0 =	simm.s32 @!p0 $0x0  }
0x12: {  	s1 =	sld [smem:$0x3F8A];
	s0 =	simm.s32 @p0 $0x1  }
0x13: {  	[smem:$0x3FA5] =	sst s0;
	s0 =	simm.s32 @!p1 $0x0  }
0x14: {  	s2 =	sld [smem:$0x3F89];
	s0 =	simm.s32 @p1 $0x1  }
0x15: {  	[smem:$0x3FA6] =	sst s0;
	s0 =	simm.s32 @!p2 $0x0  }
0x16: {  	s3 =	sld [smem:$0x3FDB];
	s0 =	simm.s32 @p2 $0x1  }
0x17: {  	s4 =	simm.s32 $0x1BF5;
	[smem:$0x3FA8] =	sst s0  }
0x18: {  	s0 =	sld [smem:$0x3F8B];
	_ =	swait.ge [sflag:s4], $0x0  }
0x19: {  	s7 =	sld [smem:$0x3F8C]  }
0x1a: {  	s8 =	sadd.s32 $0xFFFFE003, lr  }
0x1b: {  	s9 =	sadd.s32 $0xFFFFFEF7, lr;
	s5 =	simm.s32 $0xFFFFFFFF;
	p2 =	slt.u32 s8, $0xFFFFF086  }
0x1c: {  	p1 =	slt.u32 s9, $0xF7A;
	s5 =	simm.s32 @!p2 $0x0  }
0x1d: {  	s5 =	simm.s32 @p1 $0x1;
	p0 =	seq.s32 s7, s2  }
0x1e: {  	s7 =	smul.u32 @!p0 $0xF7A, s2;
	p2 =	seq.s32 @!p0 s5, $0x0  }
0x1f: {  	s9 =	smul.u32 $0xF7A, s1;
	s8 =	simm.s32 @!p0 $0x1BF5;
	p2 =	por !p2, p0  }
0x20: {  	[sflag:s8] =	ssyncset.s32 @!p0 $0xFFFFF086;
	s6 =	sadd.s32 @!p0 s3, s7;
	s7 =	simm.s32 @!p0 $0x108  }
0x21: {  	s3 =	sadd.s32 s3, s9;
	s6 =	sadd.s32 @!p0 $0x88, s6;
	s7 =	simm.s32 @p2 $0x1082  }
0x22: {  	[simem:s7], [sflag:s8] =	dma.local @!p0 [hbm:s6], $0xF7A  }
0x23: {  	s9 =	sor.u32 $0xD0000000, s2;
	s6 =	simm.s32 $0x108;
	_ =	swait.ge @!p0 [sflag:s8], $0x0  }
0x24: {  	s3 =	sadd.s32 $0x88, s3;
	s6 =	simm.s32 @!p1 $0x1082;
	[sflag:s4] =	ssyncset.s32 $0xFFFFF086  }
0x25: {  	[simem:s6], [sflag:s4] =	dma.local [hbm:s3], $0xF7A  }
0x26: {  	[smem:$0x3F8C] =	sst s1;
	(tag) =	ssettag s2;
	_ =	strace s9  }
0x27: {  	s1 =	sld [smem:$0x3F9C]  }
0x28: {  	s2 =	sld [smem:$0x3F9D]  }
0x29: {  	s4 =	sld [smem:$0x3F9F]  }
0x2a: {  	p0 =	seq.s32 s5, $0x0;
	s5 =	sld [smem:$0x3FA0]  }
0x2b: {  	s6 =	sld [smem:$0x3FA1]  }
0x2c: {  	s7 =	sld [smem:$0x3FA2]  }
0x2d: {  	s3 =	simm.s32 $0x108;
	s8 =	sld [smem:$0x3FA3]  }
0x2e: {  	s3 =	simm.s32 @!p0 $0x1082;
	s9 =	sld [smem:$0x3FA4]  }
0x2f: {  	lr =	sadd.s32 s0, s3;
	s0 =	sld [smem:$0x3F9B]  }
0x30: {  	s3 =	sld [smem:$0x3F9E]  }
0x31: {  	[smem:$0x3FA7] =	sst s10  }
0x32: {  	s10 =	sld [smem:$0x3FA5];
	_ =	sdelay $0x3  }
0x33: {  	p0 =	seq.s32 s10, $0x1;
	s10 =	sld [smem:$0x3FA7];
	_ =	sdelay $0x3  }
0x34: {  	[smem:$0x3FA7] =	sst s10  }
0x35: {  	s10 =	sld [smem:$0x3FA6];
	_ =	sdelay $0x3  }
0x36: {  	p1 =	seq.s32 s10, $0x1;
	s10 =	sld [smem:$0x3FA7];
	_ =	sdelay $0x3  }
0x37: {  	[smem:$0x3FA7] =	sst s10  }
0x38: {  	s10 =	sld [smem:$0x3FA8]  }
0x39: {  	_ = 	snop;
	(pc) =	sbr.ind lr, $3  }
0x3a: {  	_ = 	snop  }
0x3b: {  	_ = 	snop  }
0x3c: {  	p2 =	seq.s32 s10, $0x1;
	s10 =	sld [smem:$0x3FA7]  }
0x3d: {  	_ =	shalt  }
0x3e: {  	_ =	shalt  }
0x3f: {  	_ =	shalt  }
0x40: {  	_ =	shalt  }
0x41: {  	_ =	shalt  }
0x42: {  	_ =	shalt  }
0x43: {  	_ =	shalt  }
0x44: {  	_ =	shalt  }
0x45: {  	_ =	shalt  }
0x46: {  	_ =	shalt  }
0x47: {  	_ =	shalt  }
0x48: {  	_ =	shalt  }
0x49: {  	_ =	shalt  }
0x4a: {  	_ =	shalt  }
0x4b: {  	_ =	shalt  }
0x4c: {  	_ =	shalt  }
0x4d: {  	_ =	shalt  }
0x4e: {  	_ =	shalt  }
0x4f: {  	_ =	shalt  }
0x50: {  	_ =	shalt  }
0x51: {  	_ =	shalt  }
0x52: {  	_ =	shalt  }
0x53: {  	_ =	shalt  }
0x54: {  	_ =	shalt  }
0x55: {  	_ =	shalt  }
0x56: {  	_ =	shalt  }
0x57: {  	_ =	shalt  }
0x58: {  	_ =	shalt  }
0x59: {  	_ =	shalt  }
0x5a: {  	_ =	shalt  }
0x5b: {  	_ =	shalt  }
0x5c: {  	_ =	shalt  }
0x5d: {  	_ =	shalt  }
0x5e: {  	_ =	shalt  }
0x5f: {  	_ =	shalt  }
0x60: {  	_ =	shalt  }
0x61: {  	_ =	shalt  }
0x62: {  	_ =	shalt  }
0x63: {  	_ =	shalt  }
0x64: {  	_ =	shalt  }
0x65: {  	_ =	shalt  }
0x66: {  	_ =	shalt  }
0x67: {  	_ =	shalt  }
0x68: {  	_ =	shalt  }
0x69: {  	_ =	shalt  }
0x6a: {  	_ =	shalt  }
0x6b: {  	_ =	shalt  }
0x6c: {  	_ =	shalt  }
0x6d: {  	_ =	shalt  }
0x6e: {  	_ =	shalt  }
0x6f: {  	_ =	shalt  }
0x70: {  	_ =	shalt  }
0x71: {  	_ =	shalt  }
0x72: {  	_ =	shalt  }
0x73: {  	_ =	shalt  }
0x74: {  	_ =	shalt  }
0x75: {  	_ =	shalt  }
0x76: {  	_ =	shalt  }
0x77: {  	_ =	shalt  }
0x78: {  	_ =	shalt  }
0x79: {  	_ =	shalt  }
0x7a: {  	_ =	shalt  }
0x7b: {  	_ =	shalt  }
0x7c: {  	_ =	shalt  }
0x7d: {  	_ =	shalt  }
0x7e: {  	_ =	shalt  }
0x7f: {  	_ =	shalt  }
0x80: {  	_ =	shalt  }
0x81: {  	_ =	shalt  }
0x82: {  	_ =	shalt  }
0x83: {  	_ =	shalt  }
0x84: {  	_ =	shalt  }
0x85: {  	_ =	shalt  }
0x86: {  	_ =	shalt  }
0x87: {  	_ =	shalt  }
.Lfunc_end0:
.L_simem_size_0:
called_computation.1_lowered:
.L_overlay_start_0:
0x88: {  	s2 =	sld [smem:$0x3FD9]  }
0x89: {  	s3 =	sld [smem:$0x3FFE];
	_ =	sdelay $0x1  }
0x8a: {  	s1 =	srdreg.scid  }
0x8b: {  	s0 =	sand.u32 $0x1, s1  }
0x8c: {  	s17 =	sshll.u32 s0, $0xA;
	s2 =	sadd.s32 s3, s2  }
0x8d: {  	s2 =	sadd.s32 s2, s17  }
0x8e: {  	[smem:$0x3FB3] =	sst s2  }
0x8f: {  	_ = 	snop  }
0x90: {  	s2 =	sld [smem:$0x3FC6]  }
0x91: {  	s18 =	sld [smem:$0x3FC5]  }
0x92: {  	s4 =	sld [smem:$0x3FD0];
	(tm) =	ssettm $0x1  }
0x93: {  	s5 =	sld [smem:$0x3FFB];
	_ =	sdelay $0x3  }
0x94: {  	_ =	strace s5  }
0x95: {  	s5 =	sld [smem:$0x3FFC];
	_ =	sdelay $0x3  }
0x96: {  	_ =	strace s5  }
0x97: {  	s5 =	sld [smem:$0x3FFD];
	_ =	sdelay $0x3  }
0x98: {  	_ =	strace s5  }
0x99: {  	_ =	strace $0x8FFFFFFF  }
0x9a: {  	s19 =	sld [smem:$0x3FDB];
	_ =	sdelay $0x1  }
0x9b: {  	s6 =	simm.s32 $_scs_section_size  }
0x9c: {  	s7 =	simm.s32 $_size__tile_overlayer_lowered;
	s8 =	simm.s32 $_tile_overlayer_lowered  }
0x9d: {  	s22 =	simm.s32 $0x1BFF;
	s21 =	sshll.u32 s8, $0x1;
	s5 =	sadd.s32 s6, s19  }
0x9e: {  	s9 =	simm.s32 $0x0;
	s20 =	sshll.u32 s7, $0x1;
	s7 =	sadd.s32 s21, s5  }
0x9f: {  	[timem:s9], [sflag:s22] =	dma.local [hbm:s7], s20  }
0xa0: {  	_ =	swait.ge [sflag:s22], s20  }
0xa1: {  	s6 =	ssub.s32 $0x0, s20;
	[sflag:s22] =	ssyncset.done $0x0  }
0xa2: {  	[sflag:s22] =	ssyncadd.s32 s6;
	_ =	sdelay $0x1  }
0xa3: {  	s23 =	simm.s32 $0x1B8B  }
0xa4: {  	_ =	swait.ge [sflag:s23], $0x1  }
0xa5: {  	[sflag:s23] =	ssyncset.done $0x0  }
0xa6: {  	s25 =	simm.s32 $0x1B8E;
	s24 =	sld [smem:$0x3FFE];
	[sflag:s23] =	ssyncadd.s32 $0xFFFFFFFF  }
0xa7: {  	s26 =	simm.s32 $execute0_lowered;
	[smem:$0x3FD2] =	sst s25  }
0xa8: {  	s7 =	sshll.u32 s26, $0x1;
	_ =	strace $0x80000049;
	[dreg:$0x1] =	wrdreg $0xFFFFFFFF  }
0xa9: {  	s28 =	simm.s32 $_size_execute0_lowered;
	s5 =	sadd.s32 s5, s7;
	[dreg:$0x0] =	wrdreg $0x0  }
0xaa: {  	s7 =	sshll.u32 s28, $0x1;
	[dreg:$0x2] =	wrdreg s5  }
0xab: {  	[dreg:$0x3] =	wrdreg s7  }
0xac: {  	[dreg:$0x4] =	wrdreg $0xC0  }
0xad: {  	_ =	task [dreg:s9], $0x5FFFF  }
0xae: {  	[dreg:$0x1] =	wrdreg $0xFFFFFFFF  }
0xaf: {  	[dreg:$0x0] =	wrdreg $0x60  }
0xb0: {  	[dreg:$0x2] =	wrdreg s24  }
0xb1: {  	[dreg:$0x3] =	wrdreg s2  }
0xb2: {  	[dreg:$0x4] =	wrdreg s18  }
0xb3: {  	[dreg:$0x5] =	wrdreg s4  }
0xb4: {  	[dreg:$0x6] =	wrdreg $0xC4000  }
0xb5: {  	[dreg:$0x7] =	wrdreg $0x9  }
0xb6: {  	_ =	task.clear_ibuf [dreg:s9], $0x8FFFF;
	_ =	strace $0x90000049  }
0xb7: {  	s29 =	simm.s32 $0x9;
	_ =	strace $0x8000004B  }
0xb8: {  	_ =	swait.ge [sflag:s29], $0x1  }
0xb9: {  	[sflag:s29] =	ssyncadd.s32 $0xFFFFFFFF  }
0xba: {  	_ =	strace $0x9000004B  }
0xbb: {  	_ =	sfence  }
0xbc: {  	s30 =	sld [smem:$0x0];
	_ =	sdelay $0x2  }
0xbd: {  	s31 =	sshll.u32 s1, $0xD;
	s1 =	sshrl.u32 s1, $0x2  }
0xbe: {  	s3 =	sand.u32 $0x4000, s31;
	s1 =	sadd.s32 s1, s30  }
0xbf: {  	s0 =	sor.u32 s3, s0;
	s1 =	sshll.u32 s1, $0x11  }
0xc0: {  	s0 =	sor.u32 s1, s0  }
0xc1: {  	s0 =	sadd.s32 $0x8F2B, s0  }
0xc2: {  	[sflag:s0] =	ssyncadd.remote.s32 $0x1  }
0xc3: {  	_ =	sfence.sel $0xFFFF  }
0xc4: {  	[dreg:$0x0] =	wrdreg $0xFFFFFFFF;
	(pc) =	sbr.abs _section_cstart, $3  }
0xc5: {  	[dreg:$0x1] =	wrdreg $0xFFFFFFFF  }
0xc6: {  	_ =	task.clear_ibuf [dreg:s9], $0x2FFFF;
	_ =	strace $0x9FFFFFFF  }
0xc7: {  	(tm) =	ssettm $0x7FFFFFFF  }
tec
execute0_lowered:
.L_overlay_start_1:
0x0: {  	(tag) =	ssettag $0x1  }
0x1: {  	s0 =	rddreg [dreg:$0x0]  }
0x2: {  	s10 =	rddreg [dreg:$0x1]  }
0x3: {  	s11 =	rddreg [dreg:$0x2]  }
0x4: {  	s4 =	rddreg [dreg:$0x4]  }
0x5: {  	s6 =	simm.s32 $0x0;
	s1 =	srdreg.scid;
	s12 =	stileid.u32  }
0x6: {  	s31 =	simm.s32 $0x180;
	[smem:$0x7FF] =	sst s6;
	s1 =	sand.u32 $0x1, s1  }
0x7: {  	s7 =	sadd.s32 $0x3E00, s0;
	s3 =	sshll.u32 s12, $0x7;
	s5 =	sshll.u32 s12, $0xC  }
0x8: {  	s23 =	sshll.u32 s12, $0xF;
	s24 =	sshll.u32 s12, $0x6;
	_ =	strace $0x8000004A  }
0x9: {  	s2 =	sshll.u32 s1, $0xF;
	s8 =	ssub.s32 $0x2, s1;
	s0 =	sadd.s32 s5, s0  }
0xa: {  	s13 =	sand.u32 $0x380, s3;
	s1 =	sshll.u32 s1, $0x10;
	s2 =	sor.u32 s3, s2  }
0xb: {  	s15 =	sshrl.u32 s8, $0x1;
	s0 =	sadd.s32 s1, s0;
	s9 =	sshrl.u32 s2, $0x3  }
0xc: {  	s5 =	ssub.s32 s8, s15;
	s25 =	sor.u32 $0x4000, s2;
	s0 =	sadd.s32 $0x52000, s0  }
0xd: {  	s26 =	sor.u32 $0x3800, s2;
	s16 =	sadd.s32 s10, s9;
	[dreg:$0xe] =	wrdreg s0  }
0xe: {  	s17 =	sadd.s32 s11, s9;
	s18 =	sor.u32 $0x100, s9;
	[dreg:$0x6] =	wrdreg s16  }
0xf: {  	s19 =	sor.u32 $0x200, s9;
	s15 =	smax.u32 s5, $0x1;
	[dreg:$0x7] =	wrdreg s17  }
0x10: {  	s9 =	sor.u32 $0x1C09, s24;
	s8 =	sand.u32 $0xBC00, s26;
	[dreg:$0xf] =	wrdreg s15  }
0x11: {  	s5 =	simm.s32 $0x8;
	s20 =	sadd.s32 s10, s18;
	[dreg:$0xd] =	wrdreg s9  }
0x12: {  	s3 =	sadd.s32 s11, s18;
	s21 =	sadd.s32 s10, s19;
	[dreg:$0x8] =	wrdreg s20  }
0x13: {  	s22 =	sadd.s32 s11, s19;
	s14 =	sor.u32 s13, s8;
	[dreg:$0x9] =	wrdreg s3  }
0x14: {  	s18 =	sor.u32 $0x2800, s2;
	s19 =	sor.u32 $0x3000, s2;
	[dreg:$0xa] =	wrdreg s21  }
0x15: {  	s15 =	simm.s32 $0x4;
	[dreg:$0xb] =	wrdreg s22;
	s3 =	sadd.s32 s23, s4  }
0x16: {  	s1 =	sshrl.u32 s14, $0x3;
	[dreg:$0x14] =	wrdreg s19;
	s20 =	sor.u32 $0x2000, s2  }
0x17: {  	s2 =	sor.u32 $0x1800, s2;
	s22 =	smov.u32 s13;
	s14 =	simm.s32 $0x4400  }
0x18: {  	s19 =	simm.s32 $0x0;
	[dreg:$0xc] =	wrdreg s3;
	s17 =	sadd.s32 s1, s11  }
0x19: {  	s3 =	sand.u32 $0xC400, s25;
	s1 =	sadd.s32 s1, s10;
	[dreg:$0x12] =	wrdreg s17  }
0x1a: {  	s2 =	sand.u32 $0x9C00, s2;
	s3 =	sor.u32 s13, s3;
	[dreg:$0x13] =	wrdreg s1  }
0x1b: {  	s1 =	sand.u32 $0xA400, s20;
	s2 =	sor.u32 s13, s2;
	s20 =	simm.s32 $0x9  }
0x1c: {  	s17 =	simm.s32 $0x300;
	s12 =	sshrl.u32 s3, $0x3;
	s1 =	sor.u32 s13, s1  }
0x1d: {  	s23 =	sshrl.u32 s2, $0x3;
	s3 =	simm.s32 $0x100;
	s2 =	simm.s32 $0x6  }
0x1e: {  	s16 =	sadd.s32 s12, s11;
	s0 =	sadd.s32 s12, s10;
	s21 =	sshrl.u32 s1, $0x3  }
0x1f: {  	s29 =	sadd.s32 s23, s11;
	s30 =	sadd.s32 s23, s10;
	s12 =	simm.s32 $0x400  }
0x20: {  	s23 =	simm.s32 $0x8400;
	s1 =	simm.s32 $0x7;
	[dreg:$0x10] =	wrdreg s16  }
.Ltmp0:
0x21: {  	[dreg:$0x11] =	wrdreg s0;
	s0 =	sand.u32 $0xAC00, s18;
	(pc) =	sbr.rel .LBB2_1-.Ltmp0, $4  }
0x22: {  	s26 =	sadd.s32 s21, s11;
	s28 =	sadd.s32 s21, s10;
	s0 =	sor.u32 s13, s0  }
0x23: {  	s18 =	simm.s32 $0x3;
	s16 =	simm.s32 $0x5;
	s0 =	sshrl.u32 s0, $0x3  }
0x24: {  	s13 =	simm.s32 $0x2;
	s24 =	sadd.s32 s0, s11;
	s25 =	sadd.s32 s0, s10  }
0x25: {  	s0 =	simm.s32 $0x80;
	s11 =	simm.s32 $0x1;
	s10 =	simm.s32 $0x380  }
.LBB2_4:
0x26: {  	_ =	swait.ge [sflag:s1], $0x4000  }
0x27: {  	[sflag:s1] =	ssyncset.done $0x0  }
0x28: {  	[sflag:s1] =	ssyncadd.s32 $0xFFFFC000  }
0x29: {  	_ =	swait.ge [sflag:s5], $0x4000  }
0x2a: {  	[sflag:s5] =	ssyncset.done $0x0  }
0x2b: {  	[sflag:s5] =	ssyncadd.s32 $0xFFFFC000  }
0x2c: {  	[bflag:$0x0] =	sbarrier.arrive $0xFFFF  }
0x2d: {  	s9 =	rddreg [dreg:$0xd]  }
0x2e: {  	s8 =	rddreg [dreg:$0xe]  }
0x2f: {  	s20 =	simm.s32 $0x9;
	s19 =	rddreg [dreg:$0x16]  }
0x30: {  	[hbm:s8], [sflag:s9] =	dma.local [spmem:s19], $0x1000  }
0x31: {  	_ =	swait.ge [sflag:s20], $0x1000  }
0x32: {  	s8 =	rddreg [dreg:$0x15]  }
0x33: {  	s21 =	rddreg [dreg:$0xf];
	s19 =	sadd.s32 $0x1, s8  }
0x34: {  	p0 =	sne.s32 s19, s21  }
.Ltmp1:
0x35: {  	_ = 	snop;
	(pc) =	sbr.rel @!p0 .LBB2_5-.Ltmp1, $3  }
0x36: {  	_ =	sdelay $0x1  }
0x37: {  	[sflag:s20] =	ssyncset.done $0x0  }
0x38: {  	[sflag:s20] =	ssyncadd.s32 $0xFFFFF000  }
.LBB2_1:
0x39: {  	[dreg:$0x15] =	wrdreg s19  }
0x3a: {  	s8 =	rddreg [dreg:$0x6]  }
0x3b: {  	[tilespmem:s6], [sflag:$0x1] =	stream.linear.gather [hbm4b:s8+s6], $0x80, $0x38;
	[tilespmem:$0x14400] =	vst v63  }
0x3c: {  	s19 =	rddreg [dreg:$0x7]  }
0x3d: {  	[tilespmem:s31], [sflag:$0x1] =	stream.linear.gather [hbm4b:s19+s6], $0x80, $0x38;
	[tilespmem:$0x14400] =	vst v63  }
0x3e: {  	s21 =	rddreg [dreg:$0x8]  }
0x3f: {  	[tilespmem:s0], [sflag:$0x2] =	stream.linear.gather [hbm4b:s21+s6], $0x80, $0x38;
	[tilespmem:$0x14400] =	vst v63  }
0x40: {  	s19 =	rddreg [dreg:$0x9];
	s21 =	simm.s32 $0x200  }
0x41: {  	[tilespmem:s21], [sflag:$0x2] =	stream.linear.gather [hbm4b:s19+s6], $0x80, $0x38;
	[tilespmem:$0x14400] =	vst v63  }
0x42: {  	s21 =	rddreg [dreg:$0xa]  }
0x43: {  	[tilespmem:s3], [sflag:$0x3] =	stream.linear.gather [hbm4b:s21+s6], $0x80, $0x38;
	[tilespmem:$0x14400] =	vst v63  }
0x44: {  	s19 =	rddreg [dreg:$0xb];
	s21 =	simm.s32 $0x280  }
0x45: {  	[tilespmem:s21], [sflag:$0x3] =	stream.linear.gather [hbm4b:s19+s6], $0x80, $0x38;
	[tilespmem:$0x14400] =	vst v63  }
0x46: {  	s21 =	rddreg [dreg:$0xc]  }
0x47: {  	s8 =	sshrl.u32 s21, $0x3;
	s21 =	rddreg [dreg:$0x3]  }
0x48: {  	[dreg:$0x16] =	wrdreg s8  }
0x49: {  	[spmem:s8], [sflag:s9] =	dma.local [hbm:s21], $0x1000  }
0x4a: {  	_ =	swait.ge [sflag:s20], $0x1000  }
0x4b: {  	[sflag:s20] =	ssyncset.done $0x0  }
0x4c: {  	[sflag:s20] =	ssyncadd.s32 $0xFFFFF000  }
0x4d: {  	_ =	swait.ge [sflag:s11], $0x80  }
0x4e: {  	[sflag:s11] =	ssyncset.done $0x0  }
0x4f: {  	[sflag:s11] =	ssyncadd.s32 $0xFFFFFF80  }
0x50: {  	_ =	swait.ge [sflag:s11], $0x80  }
0x51: {  	[sflag:s11] =	ssyncset.done $0x0  }
0x52: {  	[sflag:s11] =	ssyncadd.s32 $0xFFFFFF80  }
0x53: {  	[tilespmem:s12], [sflag:$0x4] =	stream.indirect.gather [hbm4b:s7+s0], $0x80, s6, s0, $0xb8;
	[tilespmem:$0x14400] =	vst v63  }
0x54: {  	_ =	swait.ge [sflag:s13], $0x80  }
0x55: {  	[sflag:s13] =	ssyncset.done $0x0  }
0x56: {  	[sflag:s13] =	ssyncadd.s32 $0xFFFFFF80  }
0x57: {  	_ =	swait.ge [sflag:s13], $0x80  }
0x58: {  	[sflag:s13] =	ssyncset.done $0x0  }
0x59: {  	[sflag:s13] =	ssyncadd.s32 $0xFFFFFF80  }
0x5a: {  	[tilespmem:s14], [sflag:$0x5] =	stream.indirect.gather [hbm4b:s7+s0], $0x80, s0, s0, $0xb8;
	[tilespmem:$0x14400] =	vst v63  }
0x5b: {  	[bflag:$0x0] =	sbarrier.arrive $0xFFFF  }
0x5c: {  	s8 =	simm.s32 $0x0;
	s9 =	rddreg [dreg:$0x14]  }
.LBB2_2:
0x5d: {  	_ =	swait.ge [sflag:s15], $0x4000  }
0x5e: {  	[sflag:s15] =	ssyncset.done $0x0  }
0x5f: {  	[sflag:s15] =	ssyncadd.s32 $0xFFFFC000  }
0x60: {  	v0 =	vld [tilespmem:$0x180]  }
0x61: {  	v1 =	vld [tilespmem:$0x190]  }
0x62: {  	v2 =	vld [tilespmem:$0x1A0]  }
0x63: {  	v3 =	vld [tilespmem:$0x1B0]  }
0x64: {  	v4 =	vld [tilespmem:$0x1C0]  }
0x65: {  	v37 =	vld [tilespmem:$0x1D0];
	[tilespmem:$0x300] =	vst v0  }
0x66: {  	v38 =	vld [tilespmem:$0x1E0];
	[tilespmem:$0x310] =	vst v1  }
0x67: {  	v39 =	vld [tilespmem:$0x1F0];
	[tilespmem:$0x320] =	vst v2  }
0x68: {  	[tilespmem:$0x330] =	vst v3  }
0x69: {  	[tilespmem:$0x340] =	vst v4  }
0x6a: {  	[tilespmem:$0x350] =	vst v37  }
0x6b: {  	[tilespmem:$0x360] =	vst v38  }
0x6c: {  	[tilespmem:$0x370] =	vst v39  }
0x6d: {  	[spmem:s4] =	stream.indirect.scatter.add.f32 [tilespmem:s12], [sflag:$0x7], $0x80, s17, s0, $0xb8;
	[tilespmem:$0x14400] =	vst v63  }
0x6e: {  	s19 =	sadd.s32 s8, s30;
	p0 =	seq.s32 s8, $0x0  }
0x6f: {  	[tilespmem:s6], [sflag:$0x1] =	stream.linear.gather [hbm4b:s19+s6], $0x80, $0x38;
	[tilespmem:$0x14400] =	vst v63  }
0x70: {  	s21 =	sadd.s32 s8, s29;
	s19 =	simm.s32 @!p0 $0x8  }
0x71: {  	[tilespmem:s31], [sflag:$0x1] =	stream.linear.gather [hbm4b:s21+s6], $0x80, $0x38;
	[tilespmem:$0x14400] =	vst v63  }
0x72: {  	_ =	swait.ge @!p0 [sflag:s19], $0x4000  }
0x73: {  	[sflag:s19] =	ssyncset.done @!p0 $0x0  }
0x74: {  	[sflag:s19] =	ssyncadd.s32 @!p0 $0xFFFFC000  }
0x75: {  	_ =	swait.ge [sflag:s18], $0x80  }
0x76: {  	[sflag:s18] =	ssyncset.done $0x0  }
0x77: {  	[sflag:s18] =	ssyncadd.s32 $0xFFFFFF80  }
0x78: {  	_ =	swait.ge [sflag:s18], $0x80  }
0x79: {  	[sflag:s18] =	ssyncset.done $0x0  }
0x7a: {  	[sflag:s18] =	ssyncadd.s32 $0xFFFFFF80  }
0x7b: {  	[tilespmem:s23], [sflag:$0x6] =	stream.indirect.gather [hbm4b:s7+s0], $0x80, s3, s0, $0xb8;
	[tilespmem:$0x14400] =	vst v63  }
0x7c: {  	_ =	swait.ge [sflag:s16], $0x4000  }
0x7d: {  	[sflag:s16] =	ssyncset.done $0x0  }
0x7e: {  	[sflag:s16] =	ssyncadd.s32 $0xFFFFC000  }
0x7f: {  	v40 =	vld [tilespmem:$0x200]  }
0x80: {  	v41 =	vld [tilespmem:$0x210]  }
0x81: {  	v42 =	vld [tilespmem:$0x220]  }
0x82: {  	v43 =	vld [tilespmem:$0x230]  }
0x83: {  	v44 =	vld [tilespmem:$0x240]  }
0x84: {  	v45 =	vld [tilespmem:$0x250];
	[tilespmem:$0x380] =	vst v40  }
0x85: {  	v46 =	vld [tilespmem:$0x260];
	[tilespmem:$0x390] =	vst v41  }
0x86: {  	v47 =	vld [tilespmem:$0x270];
	[tilespmem:$0x3A0] =	vst v42  }
0x87: {  	[tilespmem:$0x3B0] =	vst v43  }
0x88: {  	[tilespmem:$0x3C0] =	vst v44  }
0x89: {  	[tilespmem:$0x3D0] =	vst v45  }
0x8a: {  	[tilespmem:$0x3E0] =	vst v46  }
0x8b: {  	p0 =	seq.s32 s8, $0xC00;
	[tilespmem:$0x3F0] =	vst v47  }
0x8c: {  	[spmem:s4] =	stream.indirect.scatter.add.f32 [tilespmem:s14], [sflag:$0x8], $0x80, s10, s0, $0xb8;
	[tilespmem:$0x14400] =	vst v63  }
0x8d: {  	s19 =	sadd.s32 @!p0 s8, s28;
	s20 =	simm.s32 @!p0 $0x0;
	s21 =	simm.s32 @!p0 $0x80  }
0x8e: {  	[tilespmem:s21], [sflag:$0x2] =	stream.linear.gather @!p0 [hbm4b:s19+s20], $0x80, $0x38;
	[tilespmem:$0x14400] =	vst v63  }
0x8f: {  	s19 =	sadd.s32 @!p0 s8, s26;
	s21 =	simm.s32 @!p0 $0x200  }
0x90: {  	[tilespmem:s21], [sflag:$0x2] =	stream.linear.gather @!p0 [hbm4b:s19+s20], $0x80, $0x38;
	[tilespmem:$0x14400] =	vst v63  }
0x91: {  	_ =	swait.ge [sflag:s1], $0x4000  }
0x92: {  	[sflag:s1] =	ssyncset.done $0x0  }
0x93: {  	[sflag:s1] =	ssyncadd.s32 $0xFFFFC000  }
0x94: {  	_ =	swait.ge [sflag:s11], $0x80  }
0x95: {  	[sflag:s11] =	ssyncset.done $0x0  }
0x96: {  	[sflag:s11] =	ssyncadd.s32 $0xFFFFFF80  }
0x97: {  	_ =	swait.ge [sflag:s11], $0x80  }
0x98: {  	[sflag:s11] =	ssyncset.done $0x0  }
0x99: {  	[sflag:s11] =	ssyncadd.s32 $0xFFFFFF80  }
0x9a: {  	[tilespmem:s12], [sflag:$0x4] =	stream.indirect.gather [hbm4b:s7+s0], $0x80, s6, s0, $0xb8;
	[tilespmem:$0x14400] =	vst v63  }
0x9b: {  	_ =	swait.ge [sflag:s2], $0x4000  }
0x9c: {  	[sflag:s2] =	ssyncset.done $0x0  }
0x9d: {  	[sflag:s2] =	ssyncadd.s32 $0xFFFFC000  }
0x9e: {  	v48 =	vld [tilespmem:$0x280]  }
0x9f: {  	v49 =	vld [tilespmem:$0x290]  }
0xa0: {  	v50 =	vld [tilespmem:$0x2A0]  }
0xa1: {  	v51 =	vld [tilespmem:$0x2B0]  }
0xa2: {  	v52 =	vld [tilespmem:$0x2C0]  }
0xa3: {  	v53 =	vld [tilespmem:$0x2D0];
	[tilespmem:$0x300] =	vst v48  }
0xa4: {  	v54 =	vld [tilespmem:$0x2E0];
	[tilespmem:$0x310] =	vst v49  }
0xa5: {  	v55 =	vld [tilespmem:$0x2F0];
	[tilespmem:$0x320] =	vst v50  }
0xa6: {  	[tilespmem:$0x330] =	vst v51  }
0xa7: {  	[tilespmem:$0x340] =	vst v52  }
0xa8: {  	[tilespmem:$0x350] =	vst v53  }
0xa9: {  	[tilespmem:$0x360] =	vst v54  }
0xaa: {  	p1 =	sne.s32 s8, $0xC00;
	[tilespmem:$0x370] =	vst v55  }
0xab: {  	[spmem:s4] =	stream.indirect.scatter.add.f32 [tilespmem:s23], [sflag:$0x7], $0x80, s17, s0, $0xb8;
	[tilespmem:$0x14400] =	vst v63  }
0xac: {  	s19 =	sadd.s32 @p1 s8, s25;
	s20 =	simm.s32 @p1 $0x0;
	s21 =	simm.s32 @p1 $0x100  }
0xad: {  	[tilespmem:s21], [sflag:$0x3] =	stream.linear.gather @p1 [hbm4b:s19+s20], $0x80, $0x38;
	[tilespmem:$0x14400] =	vst v63  }
0xae: {  	s19 =	sadd.s32 @p1 s8, s24;
	s21 =	simm.s32 @p1 $0x280  }
0xaf: {  	[tilespmem:s21], [sflag:$0x3] =	stream.linear.gather @p1 [hbm4b:s19+s20], $0x80, $0x38;
	[tilespmem:$0x14400] =	vst v63  }
0xb0: {  	s19 =	simm.s32 @p1 $0x8  }
0xb1: {  	_ =	swait.ge @p1 [sflag:s19], $0x4000  }
0xb2: {  	[sflag:s19] =	ssyncset.done @p1 $0x0  }
0xb3: {  	[sflag:s19] =	ssyncadd.s32 @p1 $0xFFFFC000;
	s19 =	simm.s32 @p1 $0x2  }
0xb4: {  	_ =	swait.ge @p1 [sflag:s19], $0x80  }
0xb5: {  	[sflag:s19] =	ssyncset.done @p1 $0x0  }
0xb6: {  	[sflag:s19] =	ssyncadd.s32 @p1 $0xFFFFFF80  }
0xb7: {  	_ =	swait.ge @p1 [sflag:s19], $0x80  }
0xb8: {  	[sflag:s19] =	ssyncset.done @p1 $0x0  }
0xb9: {  	s20 =	simm.s32 @p1 $0x4400;
	[sflag:s19] =	ssyncadd.s32 @p1 $0xFFFFFF80;
	s19 =	simm.s32 @p1 $0x80  }
0xba: {  	[tilespmem:s20], [sflag:$0x5] =	stream.indirect.gather @p1 [hbm4b:s7+s19], $0x80, s19, s19, $0xb8;
	[tilespmem:$0x14400] =	vst v63  }
0xbb: {  	s19 =	simm.s32 @!p1 $0x8  }
0xbc: {  	_ =	swait.ge @!p1 [sflag:s19], $0x4000  }
0xbd: {  	[sflag:s19] =	ssyncset.done @!p1 $0x0  }
0xbe: {  	[sflag:s19] =	ssyncadd.s32 @!p1 $0xFFFFC000  }
0xbf: {  	_ =	swait.ge [sflag:s15], $0x4000  }
0xc0: {  	[sflag:s15] =	ssyncset.done $0x0  }
0xc1: {  	[sflag:s15] =	ssyncadd.s32 $0xFFFFC000  }
0xc2: {  	v56 =	vld [tilespmem:$0x180]  }
0xc3: {  	v57 =	vld [tilespmem:$0x190]  }
0xc4: {  	v58 =	vld [tilespmem:$0x1A0]  }
0xc5: {  	v59 =	vld [tilespmem:$0x1B0]  }
0xc6: {  	v60 =	vld [tilespmem:$0x1C0]  }
0xc7: {  	v61 =	vld [tilespmem:$0x1D0];
	[tilespmem:$0x380] =	vst v56  }
0xc8: {  	v62 =	vld [tilespmem:$0x1E0];
	[tilespmem:$0x390] =	vst v57  }
0xc9: {  	v63 =	vld [tilespmem:$0x1F0];
	[tilespmem:$0x3A0] =	vst v58  }
0xca: {  	[tilespmem:$0x3B0] =	vst v59  }
.Ltmp2:
0xcb: {  	[tilespmem:$0x3C0] =	vst v60;
	(pc) =	sbr.rel @p0 .LBB2_4-.Ltmp2, $4  }
0xcc: {  	[tilespmem:$0x3D0] =	vst v61  }
0xcd: {  	[tilespmem:$0x3E0] =	vst v62  }
0xce: {  	[tilespmem:$0x3F0] =	vst v63  }
0xcf: {  	[spmem:s4] =	stream.indirect.scatter.add.f32 [tilespmem:s12], [sflag:$0x8], $0x80, s10, s0, $0xb8;
	[tilespmem:$0x14400] =	vst v63  }
0xd0: {  	s19 =	sand.u32 $0x3F400, s9  }
0xd1: {  	s19 =	sor.u32 s22, s19  }
0xd2: {  	s20 =	rddreg [dreg:$0x1];
	s19 =	sshrl.u32 s19, $0x3  }
0xd3: {  	s21 =	rddreg [dreg:$0x2];
	s20 =	sadd.s32 s20, s19  }
0xd4: {  	[tilespmem:s6], [sflag:$0x1] =	stream.linear.gather [hbm4b:s20+s6], $0x80, $0x38;
	[tilespmem:$0x14400] =	vst v63  }
0xd5: {  	s19 =	sadd.s32 s21, s19  }
0xd6: {  	[tilespmem:s31], [sflag:$0x1] =	stream.linear.gather [hbm4b:s19+s6], $0x80, $0x38;
	[tilespmem:$0x14400] =	vst v63  }
0xd7: {  	_ =	swait.ge [sflag:s1], $0x4000  }
0xd8: {  	[sflag:s1] =	ssyncset.done $0x0  }
0xd9: {  	[sflag:s1] =	ssyncadd.s32 $0xFFFFC000  }
0xda: {  	_ =	swait.ge [sflag:s18], $0x80  }
0xdb: {  	[sflag:s18] =	ssyncset.done $0x0  }
0xdc: {  	[sflag:s18] =	ssyncadd.s32 $0xFFFFFF80  }
0xdd: {  	_ =	swait.ge [sflag:s18], $0x80  }
0xde: {  	[sflag:s18] =	ssyncset.done $0x0  }
0xdf: {  	[sflag:s18] =	ssyncadd.s32 $0xFFFFFF80  }
0xe0: {  	[tilespmem:s23], [sflag:$0x6] =	stream.indirect.gather [hbm4b:s7+s0], $0x80, s3, s0, $0xb8;
	[tilespmem:$0x14400] =	vst v63  }
0xe1: {  	_ =	swait.ge [sflag:s16], $0x4000  }
0xe2: {  	[sflag:s16] =	ssyncset.done $0x0  }
0xe3: {  	[sflag:s16] =	ssyncadd.s32 $0xFFFFC000  }
0xe4: {  	v0 =	vld [tilespmem:$0x200]  }
0xe5: {  	v1 =	vld [tilespmem:$0x210]  }
0xe6: {  	v2 =	vld [tilespmem:$0x220]  }
0xe7: {  	v3 =	vld [tilespmem:$0x230]  }
0xe8: {  	v4 =	vld [tilespmem:$0x240]  }
0xe9: {  	v53 =	vld [tilespmem:$0x250];
	[tilespmem:$0x300] =	vst v0  }
0xea: {  	v54 =	vld [tilespmem:$0x260];
	[tilespmem:$0x310] =	vst v1  }
0xeb: {  	v55 =	vld [tilespmem:$0x270];
	[tilespmem:$0x320] =	vst v2  }
0xec: {  	[tilespmem:$0x330] =	vst v3  }
0xed: {  	[tilespmem:$0x340] =	vst v4  }
0xee: {  	[tilespmem:$0x350] =	vst v53  }
0xef: {  	[tilespmem:$0x360] =	vst v54  }
0xf0: {  	s21 =	rddreg [dreg:$0x13];
	[tilespmem:$0x370] =	vst v55  }
0xf1: {  	[spmem:s4] =	stream.indirect.scatter.add.f32 [tilespmem:s14], [sflag:$0x7], $0x80, s17, s0, $0xb8;
	[tilespmem:$0x14400] =	vst v63  }
0xf2: {  	s20 =	rddreg [dreg:$0x12];
	s19 =	sadd.s32 s8, s21  }
0xf3: {  	[tilespmem:s0], [sflag:$0x2] =	stream.linear.gather [hbm4b:s19+s6], $0x80, $0x38;
	[tilespmem:$0x14400] =	vst v63  }
0xf4: {  	s21 =	simm.s32 $0x200;
	s19 =	sadd.s32 s8, s20  }
0xf5: {  	[tilespmem:s21], [sflag:$0x2] =	stream.linear.gather [hbm4b:s19+s6], $0x80, $0x38;
	[tilespmem:$0x14400] =	vst v63  }
0xf6: {  	_ =	swait.ge [sflag:s5], $0x4000  }
0xf7: {  	[sflag:s5] =	ssyncset.done $0x0  }
0xf8: {  	[sflag:s5] =	ssyncadd.s32 $0xFFFFC000  }
0xf9: {  	_ =	swait.ge [sflag:s11], $0x80  }
0xfa: {  	[sflag:s11] =	ssyncset.done $0x0  }
0xfb: {  	[sflag:s11] =	ssyncadd.s32 $0xFFFFFF80  }
0xfc: {  	_ =	swait.ge [sflag:s11], $0x80  }
0xfd: {  	[sflag:s11] =	ssyncset.done $0x0  }
0xfe: {  	[sflag:s11] =	ssyncadd.s32 $0xFFFFFF80  }
0xff: {  	[tilespmem:s12], [sflag:$0x4] =	stream.indirect.gather [hbm4b:s7+s0], $0x80, s6, s0, $0xb8;
	[tilespmem:$0x14400] =	vst v63  }
0x100: {  	_ =	swait.ge [sflag:s2], $0x4000  }
0x101: {  	[sflag:s2] =	ssyncset.done $0x0  }
0x102: {  	[sflag:s2] =	ssyncadd.s32 $0xFFFFC000  }
0x103: {  	v56 =	vld [tilespmem:$0x280]  }
0x104: {  	v57 =	vld [tilespmem:$0x290]  }
0x105: {  	v58 =	vld [tilespmem:$0x2A0]  }
0x106: {  	v59 =	vld [tilespmem:$0x2B0]  }
0x107: {  	v60 =	vld [tilespmem:$0x2C0]  }
0x108: {  	v61 =	vld [tilespmem:$0x2D0];
	[tilespmem:$0x380] =	vst v56  }
0x109: {  	v62 =	vld [tilespmem:$0x2E0];
	[tilespmem:$0x390] =	vst v57  }
0x10a: {  	v63 =	vld [tilespmem:$0x2F0];
	[tilespmem:$0x3A0] =	vst v58  }
0x10b: {  	[tilespmem:$0x3B0] =	vst v59  }
0x10c: {  	[tilespmem:$0x3C0] =	vst v60  }
0x10d: {  	[tilespmem:$0x3D0] =	vst v61  }
0x10e: {  	[tilespmem:$0x3E0] =	vst v62  }
0x10f: {  	s21 =	rddreg [dreg:$0x11];
	[tilespmem:$0x3F0] =	vst v63  }
0x110: {  	[spmem:s4] =	stream.indirect.scatter.add.f32 [tilespmem:s23], [sflag:$0x8], $0x80, s10, s0, $0xb8;
	[tilespmem:$0x14400] =	vst v63  }
0x111: {  	s20 =	rddreg [dreg:$0x10];
	s19 =	sadd.s32 s8, s21  }
0x112: {  	[tilespmem:s3], [sflag:$0x3] =	stream.linear.gather [hbm4b:s19+s6], $0x80, $0x38;
	[tilespmem:$0x14400] =	vst v63  }
0x113: {  	s21 =	simm.s32 $0x280;
	s19 =	sadd.s32 s8, s20  }
0x114: {  	[tilespmem:s21], [sflag:$0x3] =	stream.linear.gather [hbm4b:s19+s6], $0x80, $0x38;
	[tilespmem:$0x14400] =	vst v63  }
0x115: {  	_ =	swait.ge [sflag:s1], $0x4000  }
0x116: {  	[sflag:s1] =	ssyncset.done $0x0  }
0x117: {  	[sflag:s1] =	ssyncadd.s32 $0xFFFFC000  }
0x118: {  	_ =	swait.ge [sflag:s13], $0x80  }
0x119: {  	[sflag:s13] =	ssyncset.done $0x0  }
.Ltmp3:
0x11a: {  	[sflag:s13] =	ssyncadd.s32 $0xFFFFFF80;
	(pc) =	sbr.rel .LBB2_2-.Ltmp3, $4  }
0x11b: {  	_ =	swait.ge [sflag:s13], $0x80  }
0x11c: {  	[sflag:s13] =	ssyncset.done $0x0  }
0x11d: {  	s9 =	sadd.s32 $0x3000, s9;
	s8 =	sadd.s32 $0x600, s8;
	[sflag:s13] =	ssyncadd.s32 $0xFFFFFF80  }
0x11e: {  	[tilespmem:s14], [sflag:$0x5] =	stream.indirect.gather [hbm4b:s7+s0], $0x80, s0, s0, $0xb8;
	[tilespmem:$0x14400] =	vst v63  }
.LBB2_5:
0x11f: {  	_ =	sfence.sel $0x180000  }
0x120: {  	[bflag:$0x0] =	sbarrier.arrive $0xFFFF  }
0x121: {  	_ =	strace $0x9000004A  }
0x122: {  	s0 =	stileid.u32;
	[bflag:$0x2] =	sbarrier.arrive $0xFFFF  }
0x123: {  	p0 =	sne.s32 s0, $0x0;
	s0 =	rddreg [dreg:$0x5]  }
0x124: {  	s0 =	sadd.s32 @!p0 $0x100000, s0  }
0x125: {  	[sflag:s0] =	ssyncadd.tile.s32 @!p0 $0x1;
	_ =	shalt  }
.Lfunc_end2:
_tile_overlayer_lowered:
.L_overlay_start_2:
0x126: {  	(tag) =	ssettag $0x2  }
0x127: {  	s0 =	rddreg [dreg:$0x0];
	s2 =	stileid.u32  }
0x128: {  	s1 =	rddreg [dreg:$0x1];
	p0 =	sne.s32 s2, $0x0  }
0x129: {  	s3 =	rddreg [dreg:$0x2];
	[bflag:$0x3] =	sbarrier.arrive $0xFFFF;
	s2 =	simm.s32 @!p0 $0x1C09  }
0x12a: {  	[timem:s3], [sflag:s2] =	dma.local @!p0 [hbm:s0], s1  }
0x12b: {  	s0 =	simm.s32 @!p0 $0x9  }
0x12c: {  	_ =	swait.ge @!p0 [sflag:s0], s1  }
0x12d: {  	s1 =	ssub.s32 @!p0 $0x0, s1;
	[sflag:s0] =	ssyncset.done @!p0 $0x0  }
0x12e: {  	[sflag:s0] =	ssyncadd.s32 @!p0 s1  }
0x12f: {  	[bflag:$0x3] =	sbarrier.arrive $0xFFFF  }
0x130: {  	_ =	shalt  }

</sc_bundles>
